<compile_context>
chip_gen: v7x
topology: tpu7x:2x2x1
jax: 0.10.2.dev20260603
libtpu: 0.0.44.dev20260713+nightly
codegen_flags: <defaults>
</compile_context>

<pallas_src>
import functools

import jax
import jax.numpy as jnp
from jax import lax
from jax.experimental import pallas as pl
from jax.experimental.pallas import tpu as pltpu
from jax.experimental.pallas import tpu_sc as plsc

N_VERT = 100000
N_ELEM = 200000
D = 16
NVP = N_VERT // 8

NC = 2
NS = 16
NW = NC * NS

B = 128
NB = 2
C = B * NB
NCHUNK = -(-N_ELEM // C)
TPW = -(-NCHUNK // NW)
LAST_BASE = N_ELEM - C

DUMMY = N_VERT
ROWS_PER_TILE = 6256
N_OUT = ROWS_PER_TILE * NS
ACC_PER_TILE = 6272
N_ACC = ACC_PER_TILE * NS


def _sc_body(v_hbm, e_hbm, f_hbm, out_hbm, eblk, gidx, cidx, fidx, sidx,
             vr, fr, acc, vsem, fsem):
    cid = lax.axis_index("c")
    sid = lax.axis_index("s")
    wid = sid * NC + cid
    lane = lax.iota(jnp.int32, 16)
    zeros16 = jnp.zeros((16,), jnp.int32)
    ones16 = zeros16 + 1
    twos16 = zeros16 + 2
    dm16 = jnp.full((16,), DUMMY, jnp.int32)
    zbuf = fr[0][0]

    def _zero_row(i, _):
        zbuf[i] = jnp.zeros((D,), jnp.float32)
        return 0
    lax.fori_loop(0, B, _zero_row, 0)
    zbase = sid * ACC_PER_TILE

    def _zero_acc(z, _):
        pltpu.sync_copy(zbuf, acc.at[pl.ds(zbase + z * B, B)])
        return 0
    lax.fori_loop(0, ACC_PER_TILE // B, _zero_acc, 0)
    plsc.subcore_barrier()

    def _chunk(t, _):
        chunk = t * NW + wid
        cbase = chunk * C
        base = jnp.minimum(cbase, LAST_BASE)
        shift = cbase - base

        pltpu.sync_copy(e_hbm.at[pl.ds(base, C)], eblk)

        for j in range(NB):
            gj, cj, fj, sj = gidx[j], cidx[j], fidx[j], sidx[j]

            def _bidx(g, _):
                r = j * B + g * 16 + lane
                valid = r >= shift
                i0 = plsc.load_gather(eblk, [r, zeros16])
                i1 = plsc.load_gather(eblk, [r, ones16])
                i2 = plsc.load_gather(eblk, [r, twos16])
                sl = pl.ds(g * 16, 16)
                gj[0][sl] = i0 >> 3
                gj[1][sl] = i1 >> 3
                gj[2][sl] = i2 >> 3
                cj[0][sl] = (i0 & 7) << 1
                cj[1][sl] = (i1 & 7) << 1
                cj[2][sl] = (i2 & 7) << 1
                fj[0][sl] = i0
                fj[1][sl] = i1
                fj[2][sl] = i2
                sj[0][sl] = jnp.where(valid, i0, dm16)
                sj[1][sl] = jnp.where(valid, i1, dm16)
                sj[2][sl] = jnp.where(valid, i2, dm16)
                return 0
            lax.fori_loop(0, B // 16, _bidx, 0)

        descs = []
        for j in range(NB):
            for c in range(3):
                descs.append(pltpu.async_copy(
                    v_hbm.at[gidx[j][c]], vr[j][c], vsem))
        for j in range(NB):
            for c in range(3):
                descs.append(pltpu.async_copy(
                    f_hbm.at[fidx[j][c]], fr[j][c], fsem))
        for d_ in descs:
            d_.wait()

        for j in range(NB):
            v0, v1, v2 = vr[j]
            f0b, f1b, f2b = fr[j]
            c0b, c1b, c2b = cidx[j]

            def _grp(g, _):
                r = g * 16 + lane
                sl = pl.ds(g * 16, 16)
                c0 = c0b[sl]
                c1 = c1b[sl]
                c2 = c2b[sl]
                x0 = plsc.load_gather(v0, [r, c0])
                y0 = plsc.load_gather(v0, [r, c0 + 1])
                x1 = plsc.load_gather(v1, [r, c1])
                y1 = plsc.load_gather(v1, [r, c1 + 1])
                x2 = plsc.load_gather(v2, [r, c2])
                y2 = plsc.load_gather(v2, [r, c2 + 1])
                area2 = (x1 - x0) * (y2 - y0) - (y1 - y0) * (x2 - x0)
                abs2 = jnp.abs(area2)
                inv = 1.0 / abs2
                area = 0.5 * abs2
                g0x = (y2 - y1) * inv
                g0y = (x1 - x2) * inv
                g1x = (y0 - y2) * inv
                g1y = (x2 - x0) * inv
                g2x = (y1 - y0) * inv
                g2y = (x0 - x1) * inv
                a00 = area * (g0x * g0x + g0y * g0y)
                a01 = area * (g0x * g1x + g0y * g1y)
                a02 = area * (g0x * g2x + g0y * g2y)
                a11 = area * (g1x * g1x + g1y * g1y)
                a12 = area * (g1x * g2x + g1y * g2y)
                a22 = area * (g2x * g2x + g2y * g2y)
                for i in range(16):
                    iv = jnp.full((16,), i, jnp.int32)

                    def bc(a):
                        return jnp.take_along_axis(
                            a, iv, axis=0, mode="promise_in_bounds")
                    b00, b01, b02 = bc(a00), bc(a01), bc(a02)
                    b11, b12, b22 = bc(a11), bc(a12), bc(a22)
                    e = g * 16 + i
                    f0 = f0b[e]
                    f1 = f1b[e]
                    f2 = f2b[e]
                    f0b[e] = b00 * f0 + b01 * f1 + b02 * f2
                    f1b[e] = b01 * f0 + b11 * f1 + b12 * f2
                    f2b[e] = b02 * f0 + b12 * f1 + b22 * f2
                return 0
            lax.fori_loop(0, B // 16, _grp, 0)

        for j in range(NB):
            for c in range(3):
                pltpu.sync_copy(fr[j][c], acc.at[sidx[j][c]], add=True)
        return 0

    lax.fori_loop(0, TPW, _chunk, 0)

    plsc.subcore_barrier()
    obase = sid * ROWS_PER_TILE

    def _out_cp(z, _):
        pltpu.sync_copy(acc.at[pl.ds(obase + z * B, B)], zbuf)
        pltpu.sync_copy(zbuf, out_hbm.at[cid, pl.ds(obase + z * B, B)])
        return 0
    lax.fori_loop(0, ROWS_PER_TILE // B, _out_cp, 0)
    orem = ROWS_PER_TILE % B
    if orem:
        ob2 = obase + (ROWS_PER_TILE // B) * B
        pltpu.sync_copy(acc.at[pl.ds(ob2, orem)], zbuf.at[pl.ds(0, orem)])
        pltpu.sync_copy(zbuf.at[pl.ds(0, orem)],
                        out_hbm.at[cid, pl.ds(ob2, orem)])


@functools.partial(
    pl.kernel,
    out_type=jax.ShapeDtypeStruct((2, N_OUT, D), jnp.float32),
    mesh=plsc.VectorSubcoreMesh(core_axis_name="c", subcore_axis_name="s"),
    scratch_types=[
        pltpu.VMEM((C, 3), jnp.int32),
        [[pltpu.VMEM((B,), jnp.int32) for _ in range(3)]
         for _ in range(NB)],
        [[pltpu.VMEM((B,), jnp.int32) for _ in range(3)]
         for _ in range(NB)],
        [[pltpu.VMEM((B,), jnp.int32) for _ in range(3)]
         for _ in range(NB)],
        [[pltpu.VMEM((B,), jnp.int32) for _ in range(3)]
         for _ in range(NB)],
        [[pltpu.VMEM((B, D), jnp.float32) for _ in range(3)]
         for _ in range(NB)],
        [[pltpu.VMEM((B, D), jnp.float32) for _ in range(3)]
         for _ in range(NB)],
        pltpu.VMEM_SHARED((N_ACC, D), jnp.float32),
        pltpu.SemaphoreType.DMA,
        pltpu.SemaphoreType.DMA,
    ],
    compiler_params=pltpu.CompilerParams(
        needs_layout_passes=False, use_tc_tiling_on_sc=False),
)
def _sc_laplacian(v_hbm, e_hbm, f_hbm, out_hbm, *scratch):
    _sc_body(v_hbm, e_hbm, f_hbm, out_hbm, *scratch)


def _add_body(a_ref, b_ref, o_ref):
    o_ref[...] = a_ref[0] + b_ref[0]


_BLK = 4000


def kernel(vertices, elements, field):
    e = elements.astype(jnp.int32)
    v_packed = vertices.reshape(NVP, 16)
    partials = _sc_laplacian(v_packed, e, field)

    out = pl.pallas_call(
        _add_body,
        grid=(N_VERT // _BLK,),
        in_specs=[pl.BlockSpec((1, _BLK, D), lambda i: (0, i, 0)),
                  pl.BlockSpec((1, _BLK, D), lambda i: (1, i, 0))],
        out_specs=pl.BlockSpec((_BLK, D), lambda i: (i, 0)),
        out_shape=jax.ShapeDtypeStruct((N_VERT, D), jnp.float32),
    )(partials, partials)
    return out

# --- scband reference (transcript-rebuilt; emitter-appended) ---
"""Pipeline reference for scband-laplacian-operator-33303176413246 (READ-ONLY COPY).

The authoritative reference and input builder live on the scoring server;
editing this copy changes nothing except your own understanding.
"""

import jax, jax.numpy as jnp
import numpy as np

N_VERT = 100000
N_ELEM = 200000
D_FIELD = 16


def setup_inputs(seed: int = 0) -> dict:
    key = jax.random.key(seed)
    k1, k2, k3 = jax.random.split(key, 3)
    vertices = jax.random.uniform(k1, (N_VERT, 2), dtype=jnp.float32)
    elements = jax.random.randint(k2, (N_ELEM, 3), 0, N_VERT).astype(jnp.int64)
    field = jax.random.normal(k3, (N_VERT, D_FIELD), dtype=jnp.float32)
    return {"vertices": vertices, "elements": elements, "field": field}


def _local_laplacian_tri2d(vertices, elements):
    # Vectorized version of _laplacian_triangle_2d over all elements.
    v0 = vertices[elements[:, 0]]
    v1 = vertices[elements[:, 1]]
    v2 = vertices[elements[:, 2]]
    area = 0.5 * jnp.abs((v1[:, 0] - v0[:, 0]) * (v2[:, 1] - v0[:, 1])
                         - (v1[:, 1] - v0[:, 1]) * (v2[:, 0] - v0[:, 0]))
    g0 = jnp.stack([v2[:, 1] - v1[:, 1], v1[:, 0] - v2[:, 0]], axis=1)
    g1 = jnp.stack([v0[:, 1] - v2[:, 1], v2[:, 0] - v0[:, 0]], axis=1)
    g2 = jnp.stack([v1[:, 1] - v0[:, 1], v0[:, 0] - v1[:, 0]], axis=1)
    grad_phi = jnp.stack([g0, g1, g2], axis=1) / (2.0 * area)[:, None, None]
    local = area[:, None, None] * jnp.einsum('mid,mjd->mij', grad_phi, grad_phi)
    return local


def reference(vertices, elements, field):
    # Assemble sparse Laplacian in COO form (row, col, val) exactly like
    # _build_operator: for i in 3, for j in 3 -> (elem[i], elem[j], local[i, j]).
    m = elements.shape[0]
    local = _local_laplacian_tri2d(vertices, elements)  # [M, 3, 3]
    rows = jnp.broadcast_to(elements[:, :, None], (m, 3, 3)).reshape(-1)
    cols = jnp.broadcast_to(elements[:, None, :], (m, 3, 3)).reshape(-1)
    vals = local.reshape(-1)
    # Dirichlet BC branch in the original is a no-op (pass), so nothing to do.
    # Forward: sparse matvec L @ field for each column, equivalent to the
    # per-column torch.sparse.mm loop.
    field_float = field.astype(jnp.float32)
    gathered = field_float[cols] * vals[:, None]  # [9M, D]
    out = jnp.zeros_like(field_float).at[rows].add(gathered)  # scatter-add by row
    return out

if __name__ == "__main__":
    import jax
    _d = setup_inputs()
    print(jax.jit(kernel)(*tuple(_d.values())))

</pallas_src>

<mosaic_0001>
#map = affine_map<(d0, d1) -> (0, 0)>
#map1 = affine_map<(d0, d1) -> (0, 0, 0)>
module attributes {stable_mosaic.version = 14 : i64} {
  func.func @_sc_laplacian(%arg0: i32, %arg1: i32, %arg2: memref<12500x16xf32, #tpu.memory_space<hbm>>, %arg3: memref<200000x3xi32, #tpu.memory_space<hbm>>, %arg4: memref<100000x16xf32, #tpu.memory_space<hbm>>, %arg5: memref<2x100096x16xf32, #tpu.memory_space<hbm>>, %arg6: memref<256x3xi32, #tpu.memory_space<vmem>>, %arg7: memref<128xi32, #tpu.memory_space<vmem>>, %arg8: memref<128xi32, #tpu.memory_space<vmem>>, %arg9: memref<128xi32, #tpu.memory_space<vmem>>, %arg10: memref<128xi32, #tpu.memory_space<vmem>>, %arg11: memref<128xi32, #tpu.memory_space<vmem>>, %arg12: memref<128xi32, #tpu.memory_space<vmem>>, %arg13: memref<128xi32, #tpu.memory_space<vmem>>, %arg14: memref<128xi32, #tpu.memory_space<vmem>>, %arg15: memref<128xi32, #tpu.memory_space<vmem>>, %arg16: memref<128xi32, #tpu.memory_space<vmem>>, %arg17: memref<128xi32, #tpu.memory_space<vmem>>, %arg18: memref<128xi32, #tpu.memory_space<vmem>>, %arg19: memref<128xi32, #tpu.memory_space<vmem>>, %arg20: memref<128xi32, #tpu.memory_space<vmem>>, %arg21: memref<128xi32, #tpu.memory_space<vmem>>, %arg22: memref<128xi32, #tpu.memory_space<vmem>>, %arg23: memref<128xi32, #tpu.memory_space<vmem>>, %arg24: memref<128xi32, #tpu.memory_space<vmem>>, %arg25: memref<128xi32, #tpu.memory_space<vmem>>, %arg26: memref<128xi32, #tpu.memory_space<vmem>>, %arg27: memref<128xi32, #tpu.memory_space<vmem>>, %arg28: memref<128xi32, #tpu.memory_space<vmem>>, %arg29: memref<128xi32, #tpu.memory_space<vmem>>, %arg30: memref<128xi32, #tpu.memory_space<vmem>>, %arg31: memref<128x16xf32, #tpu.memory_space<vmem>>, %arg32: memref<128x16xf32, #tpu.memory_space<vmem>>, %arg33: memref<128x16xf32, #tpu.memory_space<vmem>>, %arg34: memref<128x16xf32, #tpu.memory_space<vmem>>, %arg35: memref<128x16xf32, #tpu.memory_space<vmem>>, %arg36: memref<128x16xf32, #tpu.memory_space<vmem>>, %arg37: memref<128x16xf32, #tpu.memory_space<vmem>>, %arg38: memref<128x16xf32, #tpu.memory_space<vmem>>, %arg39: memref<128x16xf32, #tpu.memory_space<vmem>>, %arg40: memref<128x16xf32, #tpu.memory_space<vmem>>, %arg41: memref<128x16xf32, #tpu.memory_space<vmem>>, %arg42: memref<128x16xf32, #tpu.memory_space<vmem>>, %arg43: memref<100352x16xf32, #tpu.memory_space<vmem_shared>>, %arg44: memref<!tpu.dma_semaphore, #tpu.memory_space<semaphore_mem>>, %arg45: memref<!tpu.dma_semaphore, #tpu.memory_space<semaphore_mem>>) attributes {dimension_semantics = [#tpu.dimension_semantics<core_parallel>, #tpu.dimension_semantics<subcore_parallel>], iteration_bounds = array<i64: 2, 16>, scalar_prefetch = 0 : i64, scratch_operands = 40 : i64, tpu.core_type = #tpu.core_type<sc_vector_subcore>, window_params = [{transform_indices = #map}, {transform_indices = #map}, {transform_indices = #map}, {transform_indices = #map1}]} {
    %mul3A = arith.constant 2 : i32
    %mul3A_0 = arith.muli %arg1, %mul3A : i32
    %add3A = arith.addi %mul3A_0, %arg0 : i32
    %iota3A = tpu.iota {dimensions = array<i32: 0>} : vector<16xi32>
    %broadcast_in_dim3A = arith.constant 0 : i32
    %broadcast_in_dim3A_1 = vector.broadcast %broadcast_in_dim3A : i32 to vector<16xi32>
    %add3A_2 = arith.constant 1 : i32
    %add3A_3 = vector.broadcast %add3A_2 : i32 to vector<16xi32>
    %add3A_4 = arith.addi %broadcast_in_dim3A_1, %add3A_3 : vector<16xi32>
    %add3A_5 = arith.constant 2 : i32
    %add3A_6 = vector.broadcast %add3A_5 : i32 to vector<16xi32>
    %add3A_7 = arith.addi %broadcast_in_dim3A_1, %add3A_6 : vector<16xi32>
    %broadcast_in_dim3A_8 = arith.constant 100000 : i32
    %broadcast_in_dim3A_9 = vector.broadcast %broadcast_in_dim3A_8 : i32 to vector<16xi32>
    %scan3A = arith.constant 0 : i32
    %scan3A_10 = arith.constant 0 : i32
    %scan3A_11 = arith.constant 128 : i32
    %scan3A_12 = arith.addi %scan3A_10, %scan3A_11 : i32
    %scan3A_13 = arith.constant 1 : i32
    %scan3A_14 = scf.for %scan3A_44 = %scan3A_10 to %scan3A_12 step %scan3A_13 iter_args(%scan3A_45 = %scan3A) -> (i32)  : i32 {
      %broadcast_in_dim3A_46 = arith.constant 0.000000e+00 : f32
      %broadcast_in_dim3A_47 = vector.broadcast %broadcast_in_dim3A_46 : f32 to vector<16xf32>
      %swap3A = arith.index_cast %scan3A_44 : i32 to index
      %swap3A_48 = arith.constant 0 : index
      %swap3A_49 = tpu.vector_load %arg37[%swap3A, %swap3A_48] {strides = array<i32>} : memref<128x16xf32, #tpu.memory_space<vmem>>, vector<16xf32>,
      tpu.vector_store %arg37[%swap3A, %swap3A_48], %broadcast_in_dim3A_47 {strides = array<i32>} : memref<128x16xf32, #tpu.memory_space<vmem>>, vector<16xf32>,
      %scan3A_50 = arith.constant 0 : i32
      scf.yield %scan3A_50 : i32
    }
    %scan3A_15 = arith.constant 128 : i32
    %mul3A_16 = arith.constant 6272 : i32
    %mul3A_17 = arith.muli %arg1, %mul3A_16 : i32
    %scan3A_18 = arith.constant 0 : i32
    %scan3A_19 = arith.constant 0 : i32
    %scan3A_20 = arith.constant 49 : i32
    %scan3A_21 = arith.addi %scan3A_19, %scan3A_20 : i32
    %scan3A_22 = arith.constant 1 : i32
    %scan3A_23 = scf.for %scan3A_44 = %scan3A_19 to %scan3A_21 step %scan3A_22 iter_args(%scan3A_45 = %scan3A_18) -> (i32)  : i32 {
      %mul3A_46 = arith.constant 128 : i32
      %mul3A_47 = arith.muli %scan3A_44, %mul3A_46 : i32
      %add3A_48 = arith.addi %mul3A_17, %mul3A_47 : i32
      "tpu.region"() ({
        %run_scoped3A = tpu.sem_alloc : memref<!tpu.dma_semaphore, #tpu.memory_space<semaphore_mem>>
        %dma_start3A = arith.constant 0 : i32
        %dma_start3A_50 = tpu.memref_slice %arg43[%add3A_48, %dma_start3A] : memref<100352x16xf32, #tpu.memory_space<vmem_shared>> -> memref<128x16xf32, #tpu.memory_space<vmem_shared>>
        %dma_start3A_51 = arith.constant 0 : i32
        %dma_start3A_52 = tpu.memref_slice %arg43[%add3A_48, %dma_start3A_51] : memref<100352x16xf32, #tpu.memory_space<vmem_shared>> -> memref<128x16xf32, #tpu.memory_space<vmem_shared>>
        tpu.enqueue_dma source(%arg37 : memref<128x16xf32, #tpu.memory_space<vmem>>) target(%dma_start3A_52 : memref<128x16xf32, #tpu.memory_space<vmem_shared>>) target_semaphore(%run_scoped3A : memref<!tpu.dma_semaphore, #tpu.memory_space<semaphore_mem>>)
        %dma_wait3A = arith.constant 0 : i32
        %dma_wait3A_53 = tpu.memref_slice %arg43[%add3A_48, %dma_wait3A] : memref<100352x16xf32, #tpu.memory_space<vmem_shared>> -> memref<128x16xf32, #tpu.memory_space<vmem_shared>>
        %dma_wait3A_54 = arith.constant 0 : i32
        %dma_wait3A_55 = tpu.memref_slice %arg43[%add3A_48, %dma_wait3A_54] : memref<100352x16xf32, #tpu.memory_space<vmem_shared>> -> memref<128x16xf32, #tpu.memory_space<vmem_shared>>
        tpu.wait_dma2 semaphore(%run_scoped3A : memref<!tpu.dma_semaphore, #tpu.memory_space<semaphore_mem>>) src(%arg37 : memref<128x16xf32, #tpu.memory_space<vmem>>) dst(%dma_wait3A_55 : memref<128x16xf32, #tpu.memory_space<vmem_shared>>)
        tpu.yield
      }) : () -> ()
      %scan3A_49 = arith.constant 0 : i32
      scf.yield %scan3A_49 : i32
    }
    %scan3A_24 = arith.constant 49 : i32
    %barrier3A = arith.constant 0 : index
    tpu.barrier barrier_id(%barrier3A)
    %scan3A_25 = arith.constant 0 : i32
    %scan3A_26 = arith.constant 0 : i32
    %scan3A_27 = arith.constant 25 : i32
    %scan3A_28 = arith.addi %scan3A_26, %scan3A_27 : i32
    %scan3A_29 = arith.constant 1 : i32
    %scan3A_30 = scf.for %scan3A_44 = %scan3A_26 to %scan3A_28 step %scan3A_29 iter_args(%scan3A_45 = %scan3A_25) -> (i32)  : i32 {
      %mul3A_46 = arith.constant 32 : i32
      %mul3A_47 = arith.muli %scan3A_44, %mul3A_46 : i32
      %add3A_48 = arith.addi %mul3A_47, %add3A : i32
      %mul3A_49 = arith.constant 256 : i32
      %mul3A_50 = arith.muli %add3A_48, %mul3A_49 : i32
      %min3A = arith.constant 199744 : i32
      %min3A_51 = arith.minsi %mul3A_50, %min3A : i32
      %sub3A = arith.subi %mul3A_50, %min3A_51 : i32
      "tpu.region"() ({
        %run_scoped3A = tpu.sem_alloc : memref<!tpu.dma_semaphore, #tpu.memory_space<semaphore_mem>>
        %dma_start3A_151 = arith.constant 0 : i32
        %dma_start3A_152 = tpu.memref_slice %arg3[%min3A_51, %dma_start3A_151] : memref<200000x3xi32, #tpu.memory_space<hbm>> -> memref<256x3xi32, #tpu.memory_space<hbm>>
        %dma_start3A_153 = arith.constant 0 : i32
        %dma_start3A_154 = tpu.memref_slice %arg3[%min3A_51, %dma_start3A_153] : memref<200000x3xi32, #tpu.memory_space<hbm>> -> memref<256x3xi32, #tpu.memory_space<hbm>>
        tpu.enqueue_dma source(%dma_start3A_154 : memref<256x3xi32, #tpu.memory_space<hbm>>) target(%arg6 : memref<256x3xi32, #tpu.memory_space<vmem>>) target_semaphore(%run_scoped3A : memref<!tpu.dma_semaphore, #tpu.memory_space<semaphore_mem>>)
        %dma_wait3A_155 = arith.constant 0 : i32
        %dma_wait3A_156 = tpu.memref_slice %arg3[%min3A_51, %dma_wait3A_155] : memref<200000x3xi32, #tpu.memory_space<hbm>> -> memref<256x3xi32, #tpu.memory_space<hbm>>
        %dma_wait3A_157 = arith.constant 0 : i32
        %dma_wait3A_158 = tpu.memref_slice %arg3[%min3A_51, %dma_wait3A_157] : memref<200000x3xi32, #tpu.memory_space<hbm>> -> memref<256x3xi32, #tpu.memory_space<hbm>>
        tpu.wait_dma2 semaphore(%run_scoped3A : memref<!tpu.dma_semaphore, #tpu.memory_space<semaphore_mem>>) src(%dma_wait3A_158 : memref<256x3xi32, #tpu.memory_space<hbm>>) dst(%arg6 : memref<256x3xi32, #tpu.memory_space<vmem>>)
        tpu.yield
      }) : () -> ()
      %scan3A_52 = arith.constant 0 : i32
      %scan3A_53 = arith.constant 0 : i32
      %scan3A_54 = arith.constant 8 : i32
      %scan3A_55 = arith.addi %scan3A_53, %scan3A_54 : i32
      %scan3A_56 = arith.constant 1 : i32
      %scan3A_57 = scf.for %scan3A_151 = %scan3A_53 to %scan3A_55 step %scan3A_56 iter_args(%scan3A_152 = %scan3A_52) -> (i32)  : i32 {
        %mul3A_153 = arith.constant 16 : i32
        %mul3A_154 = arith.muli %scan3A_151, %mul3A_153 : i32
        %add3A_155 = arith.constant 0 : i32
        %add3A_156 = arith.addi %add3A_155, %mul3A_154 : i32
        %add3A_157 = vector.broadcast %add3A_156 : i32 to vector<16xi32>
        %add3A_158 = arith.addi %add3A_157, %iota3A : vector<16xi32>
        %ge3A = vector.broadcast %sub3A : i32 to vector<16xi32>
        %ge3A_159 = arith.cmpi sge, %add3A_158, %ge3A : vector<16xi32>
        %gather3A = tpu.vector_load_idx %arg6[%add3A_158, %broadcast_in_dim3A_1] : memref<256x3xi32, #tpu.memory_space<vmem>>[vector<16xi32>, vector<16xi32>], vector<16xi32>,
        %gather3A_160 = tpu.vector_load_idx %arg6[%add3A_158, %add3A_4] : memref<256x3xi32, #tpu.memory_space<vmem>>[vector<16xi32>, vector<16xi32>], vector<16xi32>,
        %gather3A_161 = tpu.vector_load_idx %arg6[%add3A_158, %add3A_7] : memref<256x3xi32, #tpu.memory_space<vmem>>[vector<16xi32>, vector<16xi32>], vector<16xi32>,
        %mul3A_162 = arith.constant 16 : i32
        %mul3A_163 = arith.muli %scan3A_151, %mul3A_162 : i32
        %shift_right_arithmetic3A = arith.constant 3 : i32
        %shift_right_arithmetic3A_164 = vector.broadcast %shift_right_arithmetic3A : i32 to vector<16xi32>
        %shift_right_arithmetic3A_165 = arith.shrsi %gather3A, %shift_right_arithmetic3A_164 : vector<16xi32>
        %swap3A = arith.index_cast %mul3A_163 : i32 to index
        %swap3A_166 = tpu.vector_load %arg7[%swap3A] {strides = array<i32>} : memref<128xi32, #tpu.memory_space<vmem>>, vector<16xi32>,
        tpu.vector_store %arg7[%swap3A], %shift_right_arithmetic3A_165 {strides = array<i32>} : memref<128xi32, #tpu.memory_space<vmem>>, vector<16xi32>,
        %shift_right_arithmetic3A_167 = arith.constant 3 : i32
        %shift_right_arithmetic3A_168 = vector.broadcast %shift_right_arithmetic3A_167 : i32 to vector<16xi32>
        %shift_right_arithmetic3A_169 = arith.shrsi %gather3A_160, %shift_right_arithmetic3A_168 : vector<16xi32>
        %swap3A_170 = arith.index_cast %mul3A_163 : i32 to index
        %swap3A_171 = tpu.vector_load %arg8[%swap3A_170] {strides = array<i32>} : memref<128xi32, #tpu.memory_space<vmem>>, vector<16xi32>,
        tpu.vector_store %arg8[%swap3A_170], %shift_right_arithmetic3A_169 {strides = array<i32>} : memref<128xi32, #tpu.memory_space<vmem>>, vector<16xi32>,
        %shift_right_arithmetic3A_172 = arith.constant 3 : i32
        %shift_right_arithmetic3A_173 = vector.broadcast %shift_right_arithmetic3A_172 : i32 to vector<16xi32>
        %shift_right_arithmetic3A_174 = arith.shrsi %gather3A_161, %shift_right_arithmetic3A_173 : vector<16xi32>
        %swap3A_175 = arith.index_cast %mul3A_163 : i32 to index
        %swap3A_176 = tpu.vector_load %arg9[%swap3A_175] {strides = array<i32>} : memref<128xi32, #tpu.memory_space<vmem>>, vector<16xi32>,
        tpu.vector_store %arg9[%swap3A_175], %shift_right_arithmetic3A_174 {strides = array<i32>} : memref<128xi32, #tpu.memory_space<vmem>>, vector<16xi32>,
        %and3A = arith.constant 7 : i32
        %and3A_177 = vector.broadcast %and3A : i32 to vector<16xi32>
        %and3A_178 = arith.andi %gather3A, %and3A_177 : vector<16xi32>
        %shift_left3A = arith.constant 1 : i32
        %shift_left3A_179 = vector.broadcast %shift_left3A : i32 to vector<16xi32>
        %shift_left3A_180 = arith.shli %and3A_178, %shift_left3A_179 : vector<16xi32>
        %swap3A_181 = arith.index_cast %mul3A_163 : i32 to index
        %swap3A_182 = tpu.vector_load %arg13[%swap3A_181] {strides = array<i32>} : memref<128xi32, #tpu.memory_space<vmem>>, vector<16xi32>,
        tpu.vector_store %arg13[%swap3A_181], %shift_left3A_180 {strides = array<i32>} : memref<128xi32, #tpu.memory_space<vmem>>, vector<16xi32>,
        %and3A_183 = arith.constant 7 : i32
        %and3A_184 = vector.broadcast %and3A_183 : i32 to vector<16xi32>
        %and3A_185 = arith.andi %gather3A_160, %and3A_184 : vector<16xi32>
        %shift_left3A_186 = arith.constant 1 : i32
        %shift_left3A_187 = vector.broadcast %shift_left3A_186 : i32 to vector<16xi32>
        %shift_left3A_188 = arith.shli %and3A_185, %shift_left3A_187 : vector<16xi32>
        %swap3A_189 = arith.index_cast %mul3A_163 : i32 to index
        %swap3A_190 = tpu.vector_load %arg14[%swap3A_189] {strides = array<i32>} : memref<128xi32, #tpu.memory_space<vmem>>, vector<16xi32>,
        tpu.vector_store %arg14[%swap3A_189], %shift_left3A_188 {strides = array<i32>} : memref<128xi32, #tpu.memory_space<vmem>>, vector<16xi32>,
        %and3A_191 = arith.constant 7 : i32
        %and3A_192 = vector.broadcast %and3A_191 : i32 to vector<16xi32>
        %and3A_193 = arith.andi %gather3A_161, %and3A_192 : vector<16xi32>
        %shift_left3A_194 = arith.constant 1 : i32
        %shift_left3A_195 = vector.broadcast %shift_left3A_194 : i32 to vector<16xi32>
        %shift_left3A_196 = arith.shli %and3A_193, %shift_left3A_195 : vector<16xi32>
        %swap3A_197 = arith.index_cast %mul3A_163 : i32 to index
        %swap3A_198 = tpu.vector_load %arg15[%swap3A_197] {strides = array<i32>} : memref<128xi32, #tpu.memory_space<vmem>>, vector<16xi32>,
        tpu.vector_store %arg15[%swap3A_197], %shift_left3A_196 {strides = array<i32>} : memref<128xi32, #tpu.memory_space<vmem>>, vector<16xi32>,
        %swap3A_199 = arith.index_cast %mul3A_163 : i32 to index
        %swap3A_200 = tpu.vector_load %arg19[%swap3A_199] {strides = array<i32>} : memref<128xi32, #tpu.memory_space<vmem>>, vector<16xi32>,
        tpu.vector_store %arg19[%swap3A_199], %gather3A {strides = array<i32>} : memref<128xi32, #tpu.memory_space<vmem>>, vector<16xi32>,
        %swap3A_201 = arith.index_cast %mul3A_163 : i32 to index
        %swap3A_202 = tpu.vector_load %arg20[%swap3A_201] {strides = array<i32>} : memref<128xi32, #tpu.memory_space<vmem>>, vector<16xi32>,
        tpu.vector_store %arg20[%swap3A_201], %gather3A_160 {strides = array<i32>} : memref<128xi32, #tpu.memory_space<vmem>>, vector<16xi32>,
        %swap3A_203 = arith.index_cast %mul3A_163 : i32 to index
        %swap3A_204 = tpu.vector_load %arg21[%swap3A_203] {strides = array<i32>} : memref<128xi32, #tpu.memory_space<vmem>>, vector<16xi32>,
        tpu.vector_store %arg21[%swap3A_203], %gather3A_161 {strides = array<i32>} : memref<128xi32, #tpu.memory_space<vmem>>, vector<16xi32>,
        %select_n3A = arith.select %ge3A_159, %gather3A, %broadcast_in_dim3A_9 : vector<16xi1>, vector<16xi32>
        %swap3A_205 = arith.index_cast %mul3A_163 : i32 to index
        %swap3A_206 = tpu.vector_load %arg25[%swap3A_205] {strides = array<i32>} : memref<128xi32, #tpu.memory_space<vmem>>, vector<16xi32>,
        tpu.vector_store %arg25[%swap3A_205], %select_n3A {strides = array<i32>} : memref<128xi32, #tpu.memory_space<vmem>>, vector<16xi32>,
        %select_n3A_207 = arith.select %ge3A_159, %gather3A_160, %broadcast_in_dim3A_9 : vector<16xi1>, vector<16xi32>
        %swap3A_208 = arith.index_cast %mul3A_163 : i32 to index
        %swap3A_209 = tpu.vector_load %arg26[%swap3A_208] {strides = array<i32>} : memref<128xi32, #tpu.memory_space<vmem>>, vector<16xi32>,
        tpu.vector_store %arg26[%swap3A_208], %select_n3A_207 {strides = array<i32>} : memref<128xi32, #tpu.memory_space<vmem>>, vector<16xi32>,
        %select_n3A_210 = arith.select %ge3A_159, %gather3A_161, %broadcast_in_dim3A_9 : vector<16xi1>, vector<16xi32>
        %swap3A_211 = arith.index_cast %mul3A_163 : i32 to index
        %swap3A_212 = tpu.vector_load %arg27[%swap3A_211] {strides = array<i32>} : memref<128xi32, #tpu.memory_space<vmem>>, vector<16xi32>,
        tpu.vector_store %arg27[%swap3A_211], %select_n3A_210 {strides = array<i32>} : memref<128xi32, #tpu.memory_space<vmem>>, vector<16xi32>,
        %scan3A_213 = arith.constant 0 : i32
        scf.yield %scan3A_213 : i32
      }
      %scan3A_58 = arith.constant 8 : i32
      %scan3A_59 = arith.constant 0 : i32
      %scan3A_60 = arith.constant 0 : i32
      %scan3A_61 = arith.constant 8 : i32
      %scan3A_62 = arith.addi %scan3A_60, %scan3A_61 : i32
      %scan3A_63 = arith.constant 1 : i32
      %scan3A_64 = scf.for %scan3A_151 = %scan3A_60 to %scan3A_62 step %scan3A_63 iter_args(%scan3A_152 = %scan3A_59) -> (i32)  : i32 {
        %mul3A_153 = arith.constant 16 : i32
        %mul3A_154 = arith.muli %scan3A_151, %mul3A_153 : i32
        %add3A_155 = arith.constant 128 : i32
        %add3A_156 = arith.addi %add3A_155, %mul3A_154 : i32
        %add3A_157 = vector.broadcast %add3A_156 : i32 to vector<16xi32>
        %add3A_158 = arith.addi %add3A_157, %iota3A : vector<16xi32>
        %ge3A = vector.broadcast %sub3A : i32 to vector<16xi32>
        %ge3A_159 = arith.cmpi sge, %add3A_158, %ge3A : vector<16xi32>
        %gather3A = tpu.vector_load_idx %arg6[%add3A_158, %broadcast_in_dim3A_1] : memref<256x3xi32, #tpu.memory_space<vmem>>[vector<16xi32>, vector<16xi32>], vector<16xi32>,
        %gather3A_160 = tpu.vector_load_idx %arg6[%add3A_158, %add3A_4] : memref<256x3xi32, #tpu.memory_space<vmem>>[vector<16xi32>, vector<16xi32>], vector<16xi32>,
        %gather3A_161 = tpu.vector_load_idx %arg6[%add3A_158, %add3A_7] : memref<256x3xi32, #tpu.memory_space<vmem>>[vector<16xi32>, vector<16xi32>], vector<16xi32>,
        %mul3A_162 = arith.constant 16 : i32
        %mul3A_163 = arith.muli %scan3A_151, %mul3A_162 : i32
        %shift_right_arithmetic3A = arith.constant 3 : i32
        %shift_right_arithmetic3A_164 = vector.broadcast %shift_right_arithmetic3A : i32 to vector<16xi32>
        %shift_right_arithmetic3A_165 = arith.shrsi %gather3A, %shift_right_arithmetic3A_164 : vector<16xi32>
        %swap3A = arith.index_cast %mul3A_163 : i32 to index
        %swap3A_166 = tpu.vector_load %arg10[%swap3A] {strides = array<i32>} : memref<128xi32, #tpu.memory_space<vmem>>, vector<16xi32>,
        tpu.vector_store %arg10[%swap3A], %shift_right_arithmetic3A_165 {strides = array<i32>} : memref<128xi32, #tpu.memory_space<vmem>>, vector<16xi32>,
        %shift_right_arithmetic3A_167 = arith.constant 3 : i32
        %shift_right_arithmetic3A_168 = vector.broadcast %shift_right_arithmetic3A_167 : i32 to vector<16xi32>
        %shift_right_arithmetic3A_169 = arith.shrsi %gather3A_160, %shift_right_arithmetic3A_168 : vector<16xi32>
        %swap3A_170 = arith.index_cast %mul3A_163 : i32 to index
        %swap3A_171 = tpu.vector_load %arg11[%swap3A_170] {strides = array<i32>} : memref<128xi32, #tpu.memory_space<vmem>>, vector<16xi32>,
        tpu.vector_store %arg11[%swap3A_170], %shift_right_arithmetic3A_169 {strides = array<i32>} : memref<128xi32, #tpu.memory_space<vmem>>, vector<16xi32>,
        %shift_right_arithmetic3A_172 = arith.constant 3 : i32
        %shift_right_arithmetic3A_173 = vector.broadcast %shift_right_arithmetic3A_172 : i32 to vector<16xi32>
        %shift_right_arithmetic3A_174 = arith.shrsi %gather3A_161, %shift_right_arithmetic3A_173 : vector<16xi32>
        %swap3A_175 = arith.index_cast %mul3A_163 : i32 to index
        %swap3A_176 = tpu.vector_load %arg12[%swap3A_175] {strides = array<i32>} : memref<128xi32, #tpu.memory_space<vmem>>, vector<16xi32>,
        tpu.vector_store %arg12[%swap3A_175], %shift_right_arithmetic3A_174 {strides = array<i32>} : memref<128xi32, #tpu.memory_space<vmem>>, vector<16xi32>,
        %and3A = arith.constant 7 : i32
        %and3A_177 = vector.broadcast %and3A : i32 to vector<16xi32>
        %and3A_178 = arith.andi %gather3A, %and3A_177 : vector<16xi32>
        %shift_left3A = arith.constant 1 : i32
        %shift_left3A_179 = vector.broadcast %shift_left3A : i32 to vector<16xi32>
        %shift_left3A_180 = arith.shli %and3A_178, %shift_left3A_179 : vector<16xi32>
        %swap3A_181 = arith.index_cast %mul3A_163 : i32 to index
        %swap3A_182 = tpu.vector_load %arg16[%swap3A_181] {strides = array<i32>} : memref<128xi32, #tpu.memory_space<vmem>>, vector<16xi32>,
        tpu.vector_store %arg16[%swap3A_181], %shift_left3A_180 {strides = array<i32>} : memref<128xi32, #tpu.memory_space<vmem>>, vector<16xi32>,
        %and3A_183 = arith.constant 7 : i32
        %and3A_184 = vector.broadcast %and3A_183 : i32 to vector<16xi32>
        %and3A_185 = arith.andi %gather3A_160, %and3A_184 : vector<16xi32>
        %shift_left3A_186 = arith.constant 1 : i32
        %shift_left3A_187 = vector.broadcast %shift_left3A_186 : i32 to vector<16xi32>
        %shift_left3A_188 = arith.shli %and3A_185, %shift_left3A_187 : vector<16xi32>
        %swap3A_189 = arith.index_cast %mul3A_163 : i32 to index
        %swap3A_190 = tpu.vector_load %arg17[%swap3A_189] {strides = array<i32>} : memref<128xi32, #tpu.memory_space<vmem>>, vector<16xi32>,
        tpu.vector_store %arg17[%swap3A_189], %shift_left3A_188 {strides = array<i32>} : memref<128xi32, #tpu.memory_space<vmem>>, vector<16xi32>,
        %and3A_191 = arith.constant 7 : i32
        %and3A_192 = vector.broadcast %and3A_191 : i32 to vector<16xi32>
        %and3A_193 = arith.andi %gather3A_161, %and3A_192 : vector<16xi32>
        %shift_left3A_194 = arith.constant 1 : i32
        %shift_left3A_195 = vector.broadcast %shift_left3A_194 : i32 to vector<16xi32>
        %shift_left3A_196 = arith.shli %and3A_193, %shift_left3A_195 : vector<16xi32>
        %swap3A_197 = arith.index_cast %mul3A_163 : i32 to index
        %swap3A_198 = tpu.vector_load %arg18[%swap3A_197] {strides = array<i32>} : memref<128xi32, #tpu.memory_space<vmem>>, vector<16xi32>,
        tpu.vector_store %arg18[%swap3A_197], %shift_left3A_196 {strides = array<i32>} : memref<128xi32, #tpu.memory_space<vmem>>, vector<16xi32>,
        %swap3A_199 = arith.index_cast %mul3A_163 : i32 to index
        %swap3A_200 = tpu.vector_load %arg22[%swap3A_199] {strides = array<i32>} : memref<128xi32, #tpu.memory_space<vmem>>, vector<16xi32>,
        tpu.vector_store %arg22[%swap3A_199], %gather3A {strides = array<i32>} : memref<128xi32, #tpu.memory_space<vmem>>, vector<16xi32>,
        %swap3A_201 = arith.index_cast %mul3A_163 : i32 to index
        %swap3A_202 = tpu.vector_load %arg23[%swap3A_201] {strides = array<i32>} : memref<128xi32, #tpu.memory_space<vmem>>, vector<16xi32>,
        tpu.vector_store %arg23[%swap3A_201], %gather3A_160 {strides = array<i32>} : memref<128xi32, #tpu.memory_space<vmem>>, vector<16xi32>,
        %swap3A_203 = arith.index_cast %mul3A_163 : i32 to index
        %swap3A_204 = tpu.vector_load %arg24[%swap3A_203] {strides = array<i32>} : memref<128xi32, #tpu.memory_space<vmem>>, vector<16xi32>,
        tpu.vector_store %arg24[%swap3A_203], %gather3A_161 {strides = array<i32>} : memref<128xi32, #tpu.memory_space<vmem>>, vector<16xi32>,
        %select_n3A = arith.select %ge3A_159, %gather3A, %broadcast_in_dim3A_9 : vector<16xi1>, vector<16xi32>
        %swap3A_205 = arith.index_cast %mul3A_163 : i32 to index
        %swap3A_206 = tpu.vector_load %arg28[%swap3A_205] {strides = array<i32>} : memref<128xi32, #tpu.memory_space<vmem>>, vector<16xi32>,
        tpu.vector_store %arg28[%swap3A_205], %select_n3A {strides = array<i32>} : memref<128xi32, #tpu.memory_space<vmem>>, vector<16xi32>,
        %select_n3A_207 = arith.select %ge3A_159, %gather3A_160, %broadcast_in_dim3A_9 : vector<16xi1>, vector<16xi32>
        %swap3A_208 = arith.index_cast %mul3A_163 : i32 to index
        %swap3A_209 = tpu.vector_load %arg29[%swap3A_208] {strides = array<i32>} : memref<128xi32, #tpu.memory_space<vmem>>, vector<16xi32>,
        tpu.vector_store %arg29[%swap3A_208], %select_n3A_207 {strides = array<i32>} : memref<128xi32, #tpu.memory_space<vmem>>, vector<16xi32>,
        %select_n3A_210 = arith.select %ge3A_159, %gather3A_161, %broadcast_in_dim3A_9 : vector<16xi1>, vector<16xi32>
        %swap3A_211 = arith.index_cast %mul3A_163 : i32 to index
        %swap3A_212 = tpu.vector_load %arg30[%swap3A_211] {strides = array<i32>} : memref<128xi32, #tpu.memory_space<vmem>>, vector<16xi32>,
        tpu.vector_store %arg30[%swap3A_211], %select_n3A_210 {strides = array<i32>} : memref<128xi32, #tpu.memory_space<vmem>>, vector<16xi32>,
        %scan3A_213 = arith.constant 0 : i32
        scf.yield %scan3A_213 : i32
      }
      %scan3A_65 = arith.constant 8 : i32
      %dma_start3A = arith.constant 0 : i32
      %dma_start3A_66 = arith.constant 0 : i32
      %dma_start3A_67 = tpu.memref_slice %arg2[%dma_start3A, %dma_start3A_66] : memref<12500x16xf32, #tpu.memory_space<hbm>> -> memref<12500x16xf32, #tpu.memory_space<hbm>>
      tpu.enqueue_indirect_dma source(%dma_start3A_67 : memref<12500x16xf32, #tpu.memory_space<hbm>>) target(%arg31 : memref<128x16xf32, #tpu.memory_space<vmem>>) offsets(%arg7 : memref<128xi32, #tpu.memory_space<vmem>>) semaphore(%arg44 : memref<!tpu.dma_semaphore, #tpu.memory_space<semaphore_mem>>)
      %dma_start3A_68 = arith.constant 0 : i32
      %dma_start3A_69 = arith.constant 0 : i32
      %dma_start3A_70 = tpu.memref_slice %arg2[%dma_start3A_68, %dma_start3A_69] : memref<12500x16xf32, #tpu.memory_space<hbm>> -> memref<12500x16xf32, #tpu.memory_space<hbm>>
      tpu.enqueue_indirect_dma source(%dma_start3A_70 : memref<12500x16xf32, #tpu.memory_space<hbm>>) target(%arg32 : memref<128x16xf32, #tpu.memory_space<vmem>>) offsets(%arg8 : memref<128xi32, #tpu.memory_space<vmem>>) semaphore(%arg44 : memref<!tpu.dma_semaphore, #tpu.memory_space<semaphore_mem>>)
      %dma_start3A_71 = arith.constant 0 : i32
      %dma_start3A_72 = arith.constant 0 : i32
      %dma_start3A_73 = tpu.memref_slice %arg2[%dma_start3A_71, %dma_start3A_72] : memref<12500x16xf32, #tpu.memory_space<hbm>> -> memref<12500x16xf32, #tpu.memory_space<hbm>>
      tpu.enqueue_indirect_dma source(%dma_start3A_73 : memref<12500x16xf32, #tpu.memory_space<hbm>>) target(%arg33 : memref<128x16xf32, #tpu.memory_space<vmem>>) offsets(%arg9 : memref<128xi32, #tpu.memory_space<vmem>>) semaphore(%arg44 : memref<!tpu.dma_semaphore, #tpu.memory_space<semaphore_mem>>)
      %dma_start3A_74 = arith.constant 0 : i32
      %dma_start3A_75 = arith.constant 0 : i32
      %dma_start3A_76 = tpu.memref_slice %arg2[%dma_start3A_74, %dma_start3A_75] : memref<12500x16xf32, #tpu.memory_space<hbm>> -> memref<12500x16xf32, #tpu.memory_space<hbm>>
      tpu.enqueue_indirect_dma source(%dma_start3A_76 : memref<12500x16xf32, #tpu.memory_space<hbm>>) target(%arg34 : memref<128x16xf32, #tpu.memory_space<vmem>>) offsets(%arg10 : memref<128xi32, #tpu.memory_space<vmem>>) semaphore(%arg44 : memref<!tpu.dma_semaphore, #tpu.memory_space<semaphore_mem>>)
      %dma_start3A_77 = arith.constant 0 : i32
      %dma_start3A_78 = arith.constant 0 : i32
      %dma_start3A_79 = tpu.memref_slice %arg2[%dma_start3A_77, %dma_start3A_78] : memref<12500x16xf32, #tpu.memory_space<hbm>> -> memref<12500x16xf32, #tpu.memory_space<hbm>>
      tpu.enqueue_indirect_dma source(%dma_start3A_79 : memref<12500x16xf32, #tpu.memory_space<hbm>>) target(%arg35 : memref<128x16xf32, #tpu.memory_space<vmem>>) offsets(%arg11 : memref<128xi32, #tpu.memory_space<vmem>>) semaphore(%arg44 : memref<!tpu.dma_semaphore, #tpu.memory_space<semaphore_mem>>)
      %dma_start3A_80 = arith.constant 0 : i32
      %dma_start3A_81 = arith.constant 0 : i32
      %dma_start3A_82 = tpu.memref_slice %arg2[%dma_start3A_80, %dma_start3A_81] : memref<12500x16xf32, #tpu.memory_space<hbm>> -> memref<12500x16xf32, #tpu.memory_space<hbm>>
      tpu.enqueue_indirect_dma source(%dma_start3A_82 : memref<12500x16xf32, #tpu.memory_space<hbm>>) target(%arg36 : memref<128x16xf32, #tpu.memory_space<vmem>>) offsets(%arg12 : memref<128xi32, #tpu.memory_space<vmem>>) semaphore(%arg44 : memref<!tpu.dma_semaphore, #tpu.memory_space<semaphore_mem>>)
      %dma_start3A_83 = arith.constant 0 : i32
      %dma_start3A_84 = arith.constant 0 : i32
      %dma_start3A_85 = tpu.memref_slice %arg4[%dma_start3A_83, %dma_start3A_84] : memref<100000x16xf32, #tpu.memory_space<hbm>> -> memref<100000x16xf32, #tpu.memory_space<hbm>>
      tpu.enqueue_indirect_dma source(%dma_start3A_85 : memref<100000x16xf32, #tpu.memory_space<hbm>>) target(%arg37 : memref<128x16xf32, #tpu.memory_space<vmem>>) offsets(%arg19 : memref<128xi32, #tpu.memory_space<vmem>>) semaphore(%arg45 : memref<!tpu.dma_semaphore, #tpu.memory_space<semaphore_mem>>)
      %dma_start3A_86 = arith.constant 0 : i32
      %dma_start3A_87 = arith.constant 0 : i32
      %dma_start3A_88 = tpu.memref_slice %arg4[%dma_start3A_86, %dma_start3A_87] : memref<100000x16xf32, #tpu.memory_space<hbm>> -> memref<100000x16xf32, #tpu.memory_space<hbm>>
      tpu.enqueue_indirect_dma source(%dma_start3A_88 : memref<100000x16xf32, #tpu.memory_space<hbm>>) target(%arg38 : memref<128x16xf32, #tpu.memory_space<vmem>>) offsets(%arg20 : memref<128xi32, #tpu.memory_space<vmem>>) semaphore(%arg45 : memref<!tpu.dma_semaphore, #tpu.memory_space<semaphore_mem>>)
      %dma_start3A_89 = arith.constant 0 : i32
      %dma_start3A_90 = arith.constant 0 : i32
      %dma_start3A_91 = tpu.memref_slice %arg4[%dma_start3A_89, %dma_start3A_90] : memref<100000x16xf32, #tpu.memory_space<hbm>> -> memref<100000x16xf32, #tpu.memory_space<hbm>>
      tpu.enqueue_indirect_dma source(%dma_start3A_91 : memref<100000x16xf32, #tpu.memory_space<hbm>>) target(%arg39 : memref<128x16xf32, #tpu.memory_space<vmem>>) offsets(%arg21 : memref<128xi32, #tpu.memory_space<vmem>>) semaphore(%arg45 : memref<!tpu.dma_semaphore, #tpu.memory_space<semaphore_mem>>)
      %dma_start3A_92 = arith.constant 0 : i32
      %dma_start3A_93 = arith.constant 0 : i32
      %dma_start3A_94 = tpu.memref_slice %arg4[%dma_start3A_92, %dma_start3A_93] : memref<100000x16xf32, #tpu.memory_space<hbm>> -> memref<100000x16xf32, #tpu.memory_space<hbm>>
      tpu.enqueue_indirect_dma source(%dma_start3A_94 : memref<100000x16xf32, #tpu.memory_space<hbm>>) target(%arg40 : memref<128x16xf32, #tpu.memory_space<vmem>>) offsets(%arg22 : memref<128xi32, #tpu.memory_space<vmem>>) semaphore(%arg45 : memref<!tpu.dma_semaphore, #tpu.memory_space<semaphore_mem>>)
      %dma_start3A_95 = arith.constant 0 : i32
      %dma_start3A_96 = arith.constant 0 : i32
      %dma_start3A_97 = tpu.memref_slice %arg4[%dma_start3A_95, %dma_start3A_96] : memref<100000x16xf32, #tpu.memory_space<hbm>> -> memref<100000x16xf32, #tpu.memory_space<hbm>>
      tpu.enqueue_indirect_dma source(%dma_start3A_97 : memref<100000x16xf32, #tpu.memory_space<hbm>>) target(%arg41 : memref<128x16xf32, #tpu.memory_space<vmem>>) offsets(%arg23 : memref<128xi32, #tpu.memory_space<vmem>>) semaphore(%arg45 : memref<!tpu.dma_semaphore, #tpu.memory_space<semaphore_mem>>)
      %dma_start3A_98 = arith.constant 0 : i32
      %dma_start3A_99 = arith.constant 0 : i32
      %dma_start3A_100 = tpu.memref_slice %arg4[%dma_start3A_98, %dma_start3A_99] : memref<100000x16xf32, #tpu.memory_space<hbm>> -> memref<100000x16xf32, #tpu.memory_space<hbm>>
      tpu.enqueue_indirect_dma source(%dma_start3A_100 : memref<100000x16xf32, #tpu.memory_space<hbm>>) target(%arg42 : memref<128x16xf32, #tpu.memory_space<vmem>>) offsets(%arg24 : memref<128xi32, #tpu.memory_space<vmem>>) semaphore(%arg45 : memref<!tpu.dma_semaphore, #tpu.memory_space<semaphore_mem>>)
      %dma_wait3A = arith.constant 0 : i32
      %dma_wait3A_101 = arith.constant 0 : i32
      %dma_wait3A_102 = tpu.memref_slice %arg2[%dma_wait3A, %dma_wait3A_101] : memref<12500x16xf32, #tpu.memory_space<hbm>> -> memref<12500x16xf32, #tpu.memory_space<hbm>>
      tpu.wait_indirect_dma semaphore(%arg44 : memref<!tpu.dma_semaphore, #tpu.memory_space<semaphore_mem>>) src(%dma_wait3A_102 : memref<12500x16xf32, #tpu.memory_space<hbm>>) dst(%arg31 : memref<128x16xf32, #tpu.memory_space<vmem>>)
      %dma_wait3A_103 = arith.constant 0 : i32
      %dma_wait3A_104 = arith.constant 0 : i32
      %dma_wait3A_105 = tpu.memref_slice %arg2[%dma_wait3A_103, %dma_wait3A_104] : memref<12500x16xf32, #tpu.memory_space<hbm>> -> memref<12500x16xf32, #tpu.memory_space<hbm>>
      tpu.wait_indirect_dma semaphore(%arg44 : memref<!tpu.dma_semaphore, #tpu.memory_space<semaphore_mem>>) src(%dma_wait3A_105 : memref<12500x16xf32, #tpu.memory_space<hbm>>) dst(%arg32 : memref<128x16xf32, #tpu.memory_space<vmem>>)
      %dma_wait3A_106 = arith.constant 0 : i32
      %dma_wait3A_107 = arith.constant 0 : i32
      %dma_wait3A_108 = tpu.memref_slice %arg2[%dma_wait3A_106, %dma_wait3A_107] : memref<12500x16xf32, #tpu.memory_space<hbm>> -> memref<12500x16xf32, #tpu.memory_space<hbm>>
      tpu.wait_indirect_dma semaphore(%arg44 : memref<!tpu.dma_semaphore, #tpu.memory_space<semaphore_mem>>) src(%dma_wait3A_108 : memref<12500x16xf32, #tpu.memory_space<hbm>>) dst(%arg33 : memref<128x16xf32, #tpu.memory_space<vmem>>)
      %dma_wait3A_109 = arith.constant 0 : i32
      %dma_wait3A_110 = arith.constant 0 : i32
      %dma_wait3A_111 = tpu.memref_slice %arg2[%dma_wait3A_109, %dma_wait3A_110] : memref<12500x16xf32, #tpu.memory_space<hbm>> -> memref<12500x16xf32, #tpu.memory_space<hbm>>
      tpu.wait_indirect_dma semaphore(%arg44 : memref<!tpu.dma_semaphore, #tpu.memory_space<semaphore_mem>>) src(%dma_wait3A_111 : memref<12500x16xf32, #tpu.memory_space<hbm>>) dst(%arg34 : memref<128x16xf32, #tpu.memory_space<vmem>>)
      %dma_wait3A_112 = arith.constant 0 : i32
      %dma_wait3A_113 = arith.constant 0 : i32
      %dma_wait3A_114 = tpu.memref_slice %arg2[%dma_wait3A_112, %dma_wait3A_113] : memref<12500x16xf32, #tpu.memory_space<hbm>> -> memref<12500x16xf32, #tpu.memory_space<hbm>>
      tpu.wait_indirect_dma semaphore(%arg44 : memref<!tpu.dma_semaphore, #tpu.memory_space<semaphore_mem>>) src(%dma_wait3A_114 : memref<12500x16xf32, #tpu.memory_space<hbm>>) dst(%arg35 : memref<128x16xf32, #tpu.memory_space<vmem>>)
      %dma_wait3A_115 = arith.constant 0 : i32
      %dma_wait3A_116 = arith.constant 0 : i32
      %dma_wait3A_117 = tpu.memref_slice %arg2[%dma_wait3A_115, %dma_wait3A_116] : memref<12500x16xf32, #tpu.memory_space<hbm>> -> memref<12500x16xf32, #tpu.memory_space<hbm>>
      tpu.wait_indirect_dma semaphore(%arg44 : memref<!tpu.dma_semaphore, #tpu.memory_space<semaphore_mem>>) src(%dma_wait3A_117 : memref<12500x16xf32, #tpu.memory_space<hbm>>) dst(%arg36 : memref<128x16xf32, #tpu.memory_space<vmem>>)
      %dma_wait3A_118 = arith.constant 0 : i32
      %dma_wait3A_119 = arith.constant 0 : i32
      %dma_wait3A_120 = tpu.memref_slice %arg4[%dma_wait3A_118, %dma_wait3A_119] : memref<100000x16xf32, #tpu.memory_space<hbm>> -> memref<100000x16xf32, #tpu.memory_space<hbm>>
      tpu.wait_indirect_dma semaphore(%arg45 : memref<!tpu.dma_semaphore, #tpu.memory_space<semaphore_mem>>) src(%dma_wait3A_120 : memref<100000x16xf32, #tpu.memory_space<hbm>>) dst(%arg37 : memref<128x16xf32, #tpu.memory_space<vmem>>)
      %dma_wait3A_121 = arith.constant 0 : i32
      %dma_wait3A_122 = arith.constant 0 : i32
      %dma_wait3A_123 = tpu.memref_slice %arg4[%dma_wait3A_121, %dma_wait3A_122] : memref<100000x16xf32, #tpu.memory_space<hbm>> -> memref<100000x16xf32, #tpu.memory_space<hbm>>
      tpu.wait_indirect_dma semaphore(%arg45 : memref<!tpu.dma_semaphore, #tpu.memory_space<semaphore_mem>>) src(%dma_wait3A_123 : memref<100000x16xf32, #tpu.memory_space<hbm>>) dst(%arg38 : memref<128x16xf32, #tpu.memory_space<vmem>>)
      %dma_wait3A_124 = arith.constant 0 : i32
      %dma_wait3A_125 = arith.constant 0 : i32
      %dma_wait3A_126 = tpu.memref_slice %arg4[%dma_wait3A_124, %dma_wait3A_125] : memref<100000x16xf32, #tpu.memory_space<hbm>> -> memref<100000x16xf32, #tpu.memory_space<hbm>>
      tpu.wait_indirect_dma semaphore(%arg45 : memref<!tpu.dma_semaphore, #tpu.memory_space<semaphore_mem>>) src(%dma_wait3A_126 : memref<100000x16xf32, #tpu.memory_space<hbm>>) dst(%arg39 : memref<128x16xf32, #tpu.memory_space<vmem>>)
      %dma_wait3A_127 = arith.constant 0 : i32
      %dma_wait3A_128 = arith.constant 0 : i32
      %dma_wait3A_129 = tpu.memref_slice %arg4[%dma_wait3A_127, %dma_wait3A_128] : memref<100000x16xf32, #tpu.memory_space<hbm>> -> memref<100000x16xf32, #tpu.memory_space<hbm>>
      tpu.wait_indirect_dma semaphore(%arg45 : memref<!tpu.dma_semaphore, #tpu.memory_space<semaphore_mem>>) src(%dma_wait3A_129 : memref<100000x16xf32, #tpu.memory_space<hbm>>) dst(%arg40 : memref<128x16xf32, #tpu.memory_space<vmem>>)
      %dma_wait3A_130 = arith.constant 0 : i32
      %dma_wait3A_131 = arith.constant 0 : i32
      %dma_wait3A_132 = tpu.memref_slice %arg4[%dma_wait3A_130, %dma_wait3A_131] : memref<100000x16xf32, #tpu.memory_space<hbm>> -> memref<100000x16xf32, #tpu.memory_space<hbm>>
      tpu.wait_indirect_dma semaphore(%arg45 : memref<!tpu.dma_semaphore, #tpu.memory_space<semaphore_mem>>) src(%dma_wait3A_132 : memref<100000x16xf32, #tpu.memory_space<hbm>>) dst(%arg41 : memref<128x16xf32, #tpu.memory_space<vmem>>)
      %dma_wait3A_133 = arith.constant 0 : i32
      %dma_wait3A_134 = arith.constant 0 : i32
      %dma_wait3A_135 = tpu.memref_slice %arg4[%dma_wait3A_133, %dma_wait3A_134] : memref<100000x16xf32, #tpu.memory_space<hbm>> -> memref<100000x16xf32, #tpu.memory_space<hbm>>
      tpu.wait_indirect_dma semaphore(%arg45 : memref<!tpu.dma_semaphore, #tpu.memory_space<semaphore_mem>>) src(%dma_wait3A_135 : memref<100000x16xf32, #tpu.memory_space<hbm>>) dst(%arg42 : memref<128x16xf32, #tpu.memory_space<vmem>>)
      %scan3A_136 = arith.constant 0 : i32
      %scan3A_137 = arith.constant 0 : i32
      %scan3A_138 = arith.constant 8 : i32
      %scan3A_139 = arith.addi %scan3A_137, %scan3A_138 : i32
      %scan3A_140 = arith.constant 1 : i32
      %scan3A_141 = scf.for %scan3A_151 = %scan3A_137 to %scan3A_139 step %scan3A_140 iter_args(%scan3A_152 = %scan3A_136) -> (i32)  : i32 {
        %mul3A_153 = arith.constant 16 : i32
        %mul3A_154 = arith.muli %scan3A_151, %mul3A_153 : i32
        %add3A_155 = vector.broadcast %mul3A_154 : i32 to vector<16xi32>
        %add3A_156 = arith.addi %add3A_155, %iota3A : vector<16xi32>
        %mul3A_157 = arith.constant 16 : i32
        %mul3A_158 = arith.muli %scan3A_151, %mul3A_157 : i32
        %get3A = arith.index_cast %mul3A_158 : i32 to index
        %get3A_159 = tpu.vector_load %arg13[%get3A] {strides = array<i32>} : memref<128xi32, #tpu.memory_space<vmem>>, vector<16xi32>,
        %get3A_160 = arith.index_cast %mul3A_158 : i32 to index
        %get3A_161 = tpu.vector_load %arg14[%get3A_160] {strides = array<i32>} : memref<128xi32, #tpu.memory_space<vmem>>, vector<16xi32>,
        %get3A_162 = arith.index_cast %mul3A_158 : i32 to index
        %get3A_163 = tpu.vector_load %arg15[%get3A_162] {strides = array<i32>} : memref<128xi32, #tpu.memory_space<vmem>>, vector<16xi32>,
        %gather3A = tpu.vector_load_idx %arg31[%add3A_156, %get3A_159] : memref<128x16xf32, #tpu.memory_space<vmem>>[vector<16xi32>, vector<16xi32>], vector<16xf32>,
        %add3A_164 = arith.constant 1 : i32
        %add3A_165 = vector.broadcast %add3A_164 : i32 to vector<16xi32>
        %add3A_166 = arith.addi %get3A_159, %add3A_165 : vector<16xi32>
        %gather3A_167 = tpu.vector_load_idx %arg31[%add3A_156, %add3A_166] : memref<128x16xf32, #tpu.memory_space<vmem>>[vector<16xi32>, vector<16xi32>], vector<16xf32>,
        %gather3A_168 = tpu.vector_load_idx %arg32[%add3A_156, %get3A_161] : memref<128x16xf32, #tpu.memory_space<vmem>>[vector<16xi32>, vector<16xi32>], vector<16xf32>,
        %add3A_169 = arith.constant 1 : i32
        %add3A_170 = vector.broadcast %add3A_169 : i32 to vector<16xi32>
        %add3A_171 = arith.addi %get3A_161, %add3A_170 : vector<16xi32>
        %gather3A_172 = tpu.vector_load_idx %arg32[%add3A_156, %add3A_171] : memref<128x16xf32, #tpu.memory_space<vmem>>[vector<16xi32>, vector<16xi32>], vector<16xf32>,
        %gather3A_173 = tpu.vector_load_idx %arg33[%add3A_156, %get3A_163] : memref<128x16xf32, #tpu.memory_space<vmem>>[vector<16xi32>, vector<16xi32>], vector<16xf32>,
        %add3A_174 = arith.constant 1 : i32
        %add3A_175 = vector.broadcast %add3A_174 : i32 to vector<16xi32>
        %add3A_176 = arith.addi %get3A_163, %add3A_175 : vector<16xi32>
        %gather3A_177 = tpu.vector_load_idx %arg33[%add3A_156, %add3A_176] : memref<128x16xf32, #tpu.memory_space<vmem>>[vector<16xi32>, vector<16xi32>], vector<16xf32>,
        %sub3A_178 = arith.subf %gather3A_168, %gather3A : vector<16xf32>
        %sub3A_179 = arith.subf %gather3A_177, %gather3A_167 : vector<16xf32>
        %mul3A_180 = arith.mulf %sub3A_178, %sub3A_179 : vector<16xf32>
        %sub3A_181 = arith.subf %gather3A_172, %gather3A_167 : vector<16xf32>
        %sub3A_182 = arith.subf %gather3A_173, %gather3A : vector<16xf32>
        %mul3A_183 = arith.mulf %sub3A_181, %sub3A_182 : vector<16xf32>
        %sub3A_184 = arith.subf %mul3A_180, %mul3A_183 : vector<16xf32>
        %abs3A = math.absf %sub3A_184 : vector<16xf32>
        %div3A = arith.constant 1.000000e+00 : f32
        %div3A_185 = vector.broadcast %div3A : f32 to vector<16xf32>
        %div3A_186 = arith.divf %div3A_185, %abs3A : vector<16xf32>
        %mul3A_187 = arith.constant 5.000000e-01 : f32
        %mul3A_188 = vector.broadcast %mul3A_187 : f32 to vector<16xf32>
        %mul3A_189 = arith.mulf %mul3A_188, %abs3A : vector<16xf32>
        %sub3A_190 = arith.subf %gather3A_177, %gather3A_172 : vector<16xf32>
        %mul3A_191 = arith.mulf %sub3A_190, %div3A_186 : vector<16xf32>
        %sub3A_192 = arith.subf %gather3A_168, %gather3A_173 : vector<16xf32>
        %mul3A_193 = arith.mulf %sub3A_192, %div3A_186 : vector<16xf32>
        %sub3A_194 = arith.subf %gather3A_167, %gather3A_177 : vector<16xf32>
        %mul3A_195 = arith.mulf %sub3A_194, %div3A_186 : vector<16xf32>
        %sub3A_196 = arith.subf %gather3A_173, %gather3A : vector<16xf32>
        %mul3A_197 = arith.mulf %sub3A_196, %div3A_186 : vector<16xf32>
        %sub3A_198 = arith.subf %gather3A_172, %gather3A_167 : vector<16xf32>
        %mul3A_199 = arith.mulf %sub3A_198, %div3A_186 : vector<16xf32>
        %sub3A_200 = arith.subf %gather3A, %gather3A_168 : vector<16xf32>
        %mul3A_201 = arith.mulf %sub3A_200, %div3A_186 : vector<16xf32>
        %mul3A_202 = arith.mulf %mul3A_191, %mul3A_191 : vector<16xf32>
        %mul3A_203 = arith.mulf %mul3A_193, %mul3A_193 : vector<16xf32>
        %add3A_204 = arith.addf %mul3A_202, %mul3A_203 : vector<16xf32>
        %mul3A_205 = arith.mulf %mul3A_189, %add3A_204 : vector<16xf32>
        %mul3A_206 = arith.mulf %mul3A_191, %mul3A_195 : vector<16xf32>
        %mul3A_207 = arith.mulf %mul3A_193, %mul3A_197 : vector<16xf32>
        %add3A_208 = arith.addf %mul3A_206, %mul3A_207 : vector<16xf32>
        %mul3A_209 = arith.mulf %mul3A_189, %add3A_208 : vector<16xf32>
        %mul3A_210 = arith.mulf %mul3A_191, %mul3A_199 : vector<16xf32>
        %mul3A_211 = arith.mulf %mul3A_193, %mul3A_201 : vector<16xf32>
        %add3A_212 = arith.addf %mul3A_210, %mul3A_211 : vector<16xf32>
        %mul3A_213 = arith.mulf %mul3A_189, %add3A_212 : vector<16xf32>
        %mul3A_214 = arith.mulf %mul3A_195, %mul3A_195 : vector<16xf32>
        %mul3A_215 = arith.mulf %mul3A_197, %mul3A_197 : vector<16xf32>
        %add3A_216 = arith.addf %mul3A_214, %mul3A_215 : vector<16xf32>
        %mul3A_217 = arith.mulf %mul3A_189, %add3A_216 : vector<16xf32>
        %mul3A_218 = arith.mulf %mul3A_195, %mul3A_199 : vector<16xf32>
        %mul3A_219 = arith.mulf %mul3A_197, %mul3A_201 : vector<16xf32>
        %add3A_220 = arith.addf %mul3A_218, %mul3A_219 : vector<16xf32>
        %mul3A_221 = arith.mulf %mul3A_189, %add3A_220 : vector<16xf32>
        %mul3A_222 = arith.mulf %mul3A_199, %mul3A_199 : vector<16xf32>
        %mul3A_223 = arith.mulf %mul3A_201, %mul3A_201 : vector<16xf32>
        %add3A_224 = arith.addf %mul3A_222, %mul3A_223 : vector<16xf32>
        %mul3A_225 = arith.mulf %mul3A_189, %add3A_224 : vector<16xf32>
        %broadcast_in_dim3A_226 = arith.constant 0 : i32
        %broadcast_in_dim3A_227 = vector.broadcast %broadcast_in_dim3A_226 : i32 to vector<16xi32>
        %reshape3A = vector.shape_cast %broadcast_in_dim3A_227 : vector<16xi32> to vector<16x1xi32>
        %gather3A_228 = vector.shape_cast %reshape3A : vector<16x1xi32> to vector<16xi32>
        %gather3A_229 = tpu.dynamic_gather %mul3A_205[%gather3A_228] in [0] : vector<16xf32>, vector<16xi32> -> vector<16xf32>
        %reshape3A_230 = vector.shape_cast %broadcast_in_dim3A_227 : vector<16xi32> to vector<16x1xi32>
        %gather3A_231 = vector.shape_cast %reshape3A_230 : vector<16x1xi32> to vector<16xi32>
        %gather3A_232 = tpu.dynamic_gather %mul3A_209[%gather3A_231] in [0] : vector<16xf32>, vector<16xi32> -> vector<16xf32>
        %reshape3A_233 = vector.shape_cast %broadcast_in_dim3A_227 : vector<16xi32> to vector<16x1xi32>
        %gather3A_234 = vector.shape_cast %reshape3A_233 : vector<16x1xi32> to vector<16xi32>
        %gather3A_235 = tpu.dynamic_gather %mul3A_213[%gather3A_234] in [0] : vector<16xf32>, vector<16xi32> -> vector<16xf32>
        %reshape3A_236 = vector.shape_cast %broadcast_in_dim3A_227 : vector<16xi32> to vector<16x1xi32>
        %gather3A_237 = vector.shape_cast %reshape3A_236 : vector<16x1xi32> to vector<16xi32>
        %gather3A_238 = tpu.dynamic_gather %mul3A_217[%gather3A_237] in [0] : vector<16xf32>, vector<16xi32> -> vector<16xf32>
        %reshape3A_239 = vector.shape_cast %broadcast_in_dim3A_227 : vector<16xi32> to vector<16x1xi32>
        %gather3A_240 = vector.shape_cast %reshape3A_239 : vector<16x1xi32> to vector<16xi32>
        %gather3A_241 = tpu.dynamic_gather %mul3A_221[%gather3A_240] in [0] : vector<16xf32>, vector<16xi32> -> vector<16xf32>
        %reshape3A_242 = vector.shape_cast %broadcast_in_dim3A_227 : vector<16xi32> to vector<16x1xi32>
        %gather3A_243 = vector.shape_cast %reshape3A_242 : vector<16x1xi32> to vector<16xi32>
        %gather3A_244 = tpu.dynamic_gather %mul3A_225[%gather3A_243] in [0] : vector<16xf32>, vector<16xi32> -> vector<16xf32>
        %mul3A_245 = arith.constant 16 : i32
        %mul3A_246 = arith.muli %scan3A_151, %mul3A_245 : i32
        %add3A_247 = arith.constant 0 : i32
        %add3A_248 = arith.addi %mul3A_246, %add3A_247 : i32
        %get3A_249 = arith.index_cast %add3A_248 : i32 to index
        %get3A_250 = arith.constant 0 : index
        %get3A_251 = tpu.vector_load %arg37[%get3A_249, %get3A_250] {strides = array<i32>} : memref<128x16xf32, #tpu.memory_space<vmem>>, vector<16xf32>,
        %get3A_252 = arith.index_cast %add3A_248 : i32 to index
        %get3A_253 = arith.constant 0 : index
        %get3A_254 = tpu.vector_load %arg38[%get3A_252, %get3A_253] {strides = array<i32>} : memref<128x16xf32, #tpu.memory_space<vmem>>, vector<16xf32>,
        %get3A_255 = arith.index_cast %add3A_248 : i32 to index
        %get3A_256 = arith.constant 0 : index
        %get3A_257 = tpu.vector_load %arg39[%get3A_255, %get3A_256] {strides = array<i32>} : memref<128x16xf32, #tpu.memory_space<vmem>>, vector<16xf32>,
        %mul3A_258 = arith.mulf %gather3A_229, %get3A_251 : vector<16xf32>
        %mul3A_259 = arith.mulf %gather3A_232, %get3A_254 : vector<16xf32>
        %add3A_260 = arith.addf %mul3A_258, %mul3A_259 : vector<16xf32>
        %mul3A_261 = arith.mulf %gather3A_235, %get3A_257 : vector<16xf32>
        %add3A_262 = arith.addf %add3A_260, %mul3A_261 : vector<16xf32>
        %swap3A = arith.index_cast %add3A_248 : i32 to index
        %swap3A_263 = arith.constant 0 : index
        %swap3A_264 = tpu.vector_load %arg37[%swap3A, %swap3A_263] {strides = array<i32>} : memref<128x16xf32, #tpu.memory_space<vmem>>, vector<16xf32>,
        tpu.vector_store %arg37[%swap3A, %swap3A_263], %add3A_262 {strides = array<i32>} : memref<128x16xf32, #tpu.memory_space<vmem>>, vector<16xf32>,
        %mul3A_265 = arith.mulf %gather3A_232, %get3A_251 : vector<16xf32>
        %mul3A_266 = arith.mulf %gather3A_238, %get3A_254 : vector<16xf32>
        %add3A_267 = arith.addf %mul3A_265, %mul3A_266 : vector<16xf32>
        %mul3A_268 = arith.mulf %gather3A_241, %get3A_257 : vector<16xf32>
        %add3A_269 = arith.addf %add3A_267, %mul3A_268 : vector<16xf32>
        %swap3A_270 = arith.index_cast %add3A_248 : i32 to index
        %swap3A_271 = arith.constant 0 : index
        %swap3A_272 = tpu.vector_load %arg38[%swap3A_270, %swap3A_271] {strides = array<i32>} : memref<128x16xf32, #tpu.memory_space<vmem>>, vector<16xf32>,
        tpu.vector_store %arg38[%swap3A_270, %swap3A_271], %add3A_269 {strides = array<i32>} : memref<128x16xf32, #tpu.memory_space<vmem>>, vector<16xf32>,
        %mul3A_273 = arith.mulf %gather3A_235, %get3A_251 : vector<16xf32>
        %mul3A_274 = arith.mulf %gather3A_241, %get3A_254 : vector<16xf32>
        %add3A_275 = arith.addf %mul3A_273, %mul3A_274 : vector<16xf32>
        %mul3A_276 = arith.mulf %gather3A_244, %get3A_257 : vector<16xf32>
        %add3A_277 = arith.addf %add3A_275, %mul3A_276 : vector<16xf32>
        %swap3A_278 = arith.index_cast %add3A_248 : i32 to index
        %swap3A_279 = arith.constant 0 : index
        %swap3A_280 = tpu.vector_load %arg39[%swap3A_278, %swap3A_279] {strides = array<i32>} : memref<128x16xf32, #tpu.memory_space<vmem>>, vector<16xf32>,
        tpu.vector_store %arg39[%swap3A_278, %swap3A_279], %add3A_277 {strides = array<i32>} : memref<128x16xf32, #tpu.memory_space<vmem>>, vector<16xf32>,
        %broadcast_in_dim3A_281 = arith.constant 1 : i32
        %broadcast_in_dim3A_282 = vector.broadcast %broadcast_in_dim3A_281 : i32 to vector<16xi32>
        %reshape3A_283 = vector.shape_cast %broadcast_in_dim3A_282 : vector<16xi32> to vector<16x1xi32>
        %gather3A_284 = vector.shape_cast %reshape3A_283 : vector<16x1xi32> to vector<16xi32>
        %gather3A_285 = tpu.dynamic_gather %mul3A_205[%gather3A_284] in [0] : vector<16xf32>, vector<16xi32> -> vector<16xf32>
        %reshape3A_286 = vector.shape_cast %broadcast_in_dim3A_282 : vector<16xi32> to vector<16x1xi32>
        %gather3A_287 = vector.shape_cast %reshape3A_286 : vector<16x1xi32> to vector<16xi32>
        %gather3A_288 = tpu.dynamic_gather %mul3A_209[%gather3A_287] in [0] : vector<16xf32>, vector<16xi32> -> vector<16xf32>
        %reshape3A_289 = vector.shape_cast %broadcast_in_dim3A_282 : vector<16xi32> to vector<16x1xi32>
        %gather3A_290 = vector.shape_cast %reshape3A_289 : vector<16x1xi32> to vector<16xi32>
        %gather3A_291 = tpu.dynamic_gather %mul3A_213[%gather3A_290] in [0] : vector<16xf32>, vector<16xi32> -> vector<16xf32>
        %reshape3A_292 = vector.shape_cast %broadcast_in_dim3A_282 : vector<16xi32> to vector<16x1xi32>
        %gather3A_293 = vector.shape_cast %reshape3A_292 : vector<16x1xi32> to vector<16xi32>
        %gather3A_294 = tpu.dynamic_gather %mul3A_217[%gather3A_293] in [0] : vector<16xf32>, vector<16xi32> -> vector<16xf32>
        %reshape3A_295 = vector.shape_cast %broadcast_in_dim3A_282 : vector<16xi32> to vector<16x1xi32>
        %gather3A_296 = vector.shape_cast %reshape3A_295 : vector<16x1xi32> to vector<16xi32>
        %gather3A_297 = tpu.dynamic_gather %mul3A_221[%gather3A_296] in [0] : vector<16xf32>, vector<16xi32> -> vector<16xf32>
        %reshape3A_298 = vector.shape_cast %broadcast_in_dim3A_282 : vector<16xi32> to vector<16x1xi32>
        %gather3A_299 = vector.shape_cast %reshape3A_298 : vector<16x1xi32> to vector<16xi32>
        %gather3A_300 = tpu.dynamic_gather %mul3A_225[%gather3A_299] in [0] : vector<16xf32>, vector<16xi32> -> vector<16xf32>
        %mul3A_301 = arith.constant 16 : i32
        %mul3A_302 = arith.muli %scan3A_151, %mul3A_301 : i32
        %add3A_303 = arith.constant 1 : i32
        %add3A_304 = arith.addi %mul3A_302, %add3A_303 : i32
        %get3A_305 = arith.index_cast %add3A_304 : i32 to index
        %get3A_306 = arith.constant 0 : index
        %get3A_307 = tpu.vector_load %arg37[%get3A_305, %get3A_306] {strides = array<i32>} : memref<128x16xf32, #tpu.memory_space<vmem>>, vector<16xf32>,
        %get3A_308 = arith.index_cast %add3A_304 : i32 to index
        %get3A_309 = arith.constant 0 : index
        %get3A_310 = tpu.vector_load %arg38[%get3A_308, %get3A_309] {strides = array<i32>} : memref<128x16xf32, #tpu.memory_space<vmem>>, vector<16xf32>,
        %get3A_311 = arith.index_cast %add3A_304 : i32 to index
        %get3A_312 = arith.constant 0 : index
        %get3A_313 = tpu.vector_load %arg39[%get3A_311, %get3A_312] {strides = array<i32>} : memref<128x16xf32, #tpu.memory_space<vmem>>, vector<16xf32>,
        %mul3A_314 = arith.mulf %gather3A_285, %get3A_307 : vector<16xf32>
        %mul3A_315 = arith.mulf %gather3A_288, %get3A_310 : vector<16xf32>
        %add3A_316 = arith.addf %mul3A_314, %mul3A_315 : vector<16xf32>
        %mul3A_317 = arith.mulf %gather3A_291, %get3A_313 : vector<16xf32>
        %add3A_318 = arith.addf %add3A_316, %mul3A_317 : vector<16xf32>
        %swap3A_319 = arith.index_cast %add3A_304 : i32 to index
        %swap3A_320 = arith.constant 0 : index
        %swap3A_321 = tpu.vector_load %arg37[%swap3A_319, %swap3A_320] {strides = array<i32>} : memref<128x16xf32, #tpu.memory_space<vmem>>, vector<16xf32>,
        tpu.vector_store %arg37[%swap3A_319, %swap3A_320], %add3A_318 {strides = array<i32>} : memref<128x16xf32, #tpu.memory_space<vmem>>, vector<16xf32>,
        %mul3A_322 = arith.mulf %gather3A_288, %get3A_307 : vector<16xf32>
        %mul3A_323 = arith.mulf %gather3A_294, %get3A_310 : vector<16xf32>
        %add3A_324 = arith.addf %mul3A_322, %mul3A_323 : vector<16xf32>
        %mul3A_325 = arith.mulf %gather3A_297, %get3A_313 : vector<16xf32>
        %add3A_326 = arith.addf %add3A_324, %mul3A_325 : vector<16xf32>
        %swap3A_327 = arith.index_cast %add3A_304 : i32 to index
        %swap3A_328 = arith.constant 0 : index
        %swap3A_329 = tpu.vector_load %arg38[%swap3A_327, %swap3A_328] {strides = array<i32>} : memref<128x16xf32, #tpu.memory_space<vmem>>, vector<16xf32>,
        tpu.vector_store %arg38[%swap3A_327, %swap3A_328], %add3A_326 {strides = array<i32>} : memref<128x16xf32, #tpu.memory_space<vmem>>, vector<16xf32>,
        %mul3A_330 = arith.mulf %gather3A_291, %get3A_307 : vector<16xf32>
        %mul3A_331 = arith.mulf %gather3A_297, %get3A_310 : vector<16xf32>
        %add3A_332 = arith.addf %mul3A_330, %mul3A_331 : vector<16xf32>
        %mul3A_333 = arith.mulf %gather3A_300, %get3A_313 : vector<16xf32>
        %add3A_334 = arith.addf %add3A_332, %mul3A_333 : vector<16xf32>
        %swap3A_335 = arith.index_cast %add3A_304 : i32 to index
        %swap3A_336 = arith.constant 0 : index
        %swap3A_337 = tpu.vector_load %arg39[%swap3A_335, %swap3A_336] {strides = array<i32>} : memref<128x16xf32, #tpu.memory_space<vmem>>, vector<16xf32>,
        tpu.vector_store %arg39[%swap3A_335, %swap3A_336], %add3A_334 {strides = array<i32>} : memref<128x16xf32, #tpu.memory_space<vmem>>, vector<16xf32>,
        %broadcast_in_dim3A_338 = arith.constant 2 : i32
        %broadcast_in_dim3A_339 = vector.broadcast %broadcast_in_dim3A_338 : i32 to vector<16xi32>
        %reshape3A_340 = vector.shape_cast %broadcast_in_dim3A_339 : vector<16xi32> to vector<16x1xi32>
        %gather3A_341 = vector.shape_cast %reshape3A_340 : vector<16x1xi32> to vector<16xi32>
        %gather3A_342 = tpu.dynamic_gather %mul3A_205[%gather3A_341] in [0] : vector<16xf32>, vector<16xi32> -> vector<16xf32>
        %reshape3A_343 = vector.shape_cast %broadcast_in_dim3A_339 : vector<16xi32> to vector<16x1xi32>
        %gather3A_344 = vector.shape_cast %reshape3A_343 : vector<16x1xi32> to vector<16xi32>
        %gather3A_345 = tpu.dynamic_gather %mul3A_209[%gather3A_344] in [0] : vector<16xf32>, vector<16xi32> -> vector<16xf32>
        %reshape3A_346 = vector.shape_cast %broadcast_in_dim3A_339 : vector<16xi32> to vector<16x1xi32>
        %gather3A_347 = vector.shape_cast %reshape3A_346 : vector<16x1xi32> to vector<16xi32>
        %gather3A_348 = tpu.dynamic_gather %mul3A_213[%gather3A_347] in [0] : vector<16xf32>, vector<16xi32> -> vector<16xf32>
        %reshape3A_349 = vector.shape_cast %broadcast_in_dim3A_339 : vector<16xi32> to vector<16x1xi32>
        %gather3A_350 = vector.shape_cast %reshape3A_349 : vector<16x1xi32> to vector<16xi32>
        %gather3A_351 = tpu.dynamic_gather %mul3A_217[%gather3A_350] in [0] : vector<16xf32>, vector<16xi32> -> vector<16xf32>
        %reshape3A_352 = vector.shape_cast %broadcast_in_dim3A_339 : vector<16xi32> to vector<16x1xi32>
        %gather3A_353 = vector.shape_cast %reshape3A_352 : vector<16x1xi32> to vector<16xi32>
        %gather3A_354 = tpu.dynamic_gather %mul3A_221[%gather3A_353] in [0] : vector<16xf32>, vector<16xi32> -> vector<16xf32>
        %reshape3A_355 = vector.shape_cast %broadcast_in_dim3A_339 : vector<16xi32> to vector<16x1xi32>
        %gather3A_356 = vector.shape_cast %reshape3A_355 : vector<16x1xi32> to vector<16xi32>
        %gather3A_357 = tpu.dynamic_gather %mul3A_225[%gather3A_356] in [0] : vector<16xf32>, vector<16xi32> -> vector<16xf32>
        %mul3A_358 = arith.constant 16 : i32
        %mul3A_359 = arith.muli %scan3A_151, %mul3A_358 : i32
        %add3A_360 = arith.constant 2 : i32
        %add3A_361 = arith.addi %mul3A_359, %add3A_360 : i32
        %get3A_362 = arith.index_cast %add3A_361 : i32 to index
        %get3A_363 = arith.constant 0 : index
        %get3A_364 = tpu.vector_load %arg37[%get3A_362, %get3A_363] {strides = array<i32>} : memref<128x16xf32, #tpu.memory_space<vmem>>, vector<16xf32>,
        %get3A_365 = arith.index_cast %add3A_361 : i32 to index
        %get3A_366 = arith.constant 0 : index
        %get3A_367 = tpu.vector_load %arg38[%get3A_365, %get3A_366] {strides = array<i32>} : memref<128x16xf32, #tpu.memory_space<vmem>>, vector<16xf32>,
        %get3A_368 = arith.index_cast %add3A_361 : i32 to index
        %get3A_369 = arith.constant 0 : index
        %get3A_370 = tpu.vector_load %arg39[%get3A_368, %get3A_369] {strides = array<i32>} : memref<128x16xf32, #tpu.memory_space<vmem>>, vector<16xf32>,
        %mul3A_371 = arith.mulf %gather3A_342, %get3A_364 : vector<16xf32>
        %mul3A_372 = arith.mulf %gather3A_345, %get3A_367 : vector<16xf32>
        %add3A_373 = arith.addf %mul3A_371, %mul3A_372 : vector<16xf32>
        %mul3A_374 = arith.mulf %gather3A_348, %get3A_370 : vector<16xf32>
        %add3A_375 = arith.addf %add3A_373, %mul3A_374 : vector<16xf32>
        %swap3A_376 = arith.index_cast %add3A_361 : i32 to index
        %swap3A_377 = arith.constant 0 : index
        %swap3A_378 = tpu.vector_load %arg37[%swap3A_376, %swap3A_377] {strides = array<i32>} : memref<128x16xf32, #tpu.memory_space<vmem>>, vector<16xf32>,
        tpu.vector_store %arg37[%swap3A_376, %swap3A_377], %add3A_375 {strides = array<i32>} : memref<128x16xf32, #tpu.memory_space<vmem>>, vector<16xf32>,
        %mul3A_379 = arith.mulf %gather3A_345, %get3A_364 : vector<16xf32>
        %mul3A_380 = arith.mulf %gather3A_351, %get3A_367 : vector<16xf32>
        %add3A_381 = arith.addf %mul3A_379, %mul3A_380 : vector<16xf32>
        %mul3A_382 = arith.mulf %gather3A_354, %get3A_370 : vector<16xf32>
        %add3A_383 = arith.addf %add3A_381, %mul3A_382 : vector<16xf32>
        %swap3A_384 = arith.index_cast %add3A_361 : i32 to index
        %swap3A_385 = arith.constant 0 : index
        %swap3A_386 = tpu.vector_load %arg38[%swap3A_384, %swap3A_385] {strides = array<i32>} : memref<128x16xf32, #tpu.memory_space<vmem>>, vector<16xf32>,
        tpu.vector_store %arg38[%swap3A_384, %swap3A_385], %add3A_383 {strides = array<i32>} : memref<128x16xf32, #tpu.memory_space<vmem>>, vector<16xf32>,
        %mul3A_387 = arith.mulf %gather3A_348, %get3A_364 : vector<16xf32>
        %mul3A_388 = arith.mulf %gather3A_354, %get3A_367 : vector<16xf32>
        %add3A_389 = arith.addf %mul3A_387, %mul3A_388 : vector<16xf32>
        %mul3A_390 = arith.mulf %gather3A_357, %get3A_370 : vector<16xf32>
        %add3A_391 = arith.addf %add3A_389, %mul3A_390 : vector<16xf32>
        %swap3A_392 = arith.index_cast %add3A_361 : i32 to index
        %swap3A_393 = arith.constant 0 : index
        %swap3A_394 = tpu.vector_load %arg39[%swap3A_392, %swap3A_393] {strides = array<i32>} : memref<128x16xf32, #tpu.memory_space<vmem>>, vector<16xf32>,
        tpu.vector_store %arg39[%swap3A_392, %swap3A_393], %add3A_391 {strides = array<i32>} : memref<128x16xf32, #tpu.memory_space<vmem>>, vector<16xf32>,
        %broadcast_in_dim3A_395 = arith.constant 3 : i32
        %broadcast_in_dim3A_396 = vector.broadcast %broadcast_in_dim3A_395 : i32 to vector<16xi32>
        %reshape3A_397 = vector.shape_cast %broadcast_in_dim3A_396 : vector<16xi32> to vector<16x1xi32>
        %gather3A_398 = vector.shape_cast %reshape3A_397 : vector<16x1xi32> to vector<16xi32>
        %gather3A_399 = tpu.dynamic_gather %mul3A_205[%gather3A_398] in [0] : vector<16xf32>, vector<16xi32> -> vector<16xf32>
        %reshape3A_400 = vector.shape_cast %broadcast_in_dim3A_396 : vector<16xi32> to vector<16x1xi32>
        %gather3A_401 = vector.shape_cast %reshape3A_400 : vector<16x1xi32> to vector<16xi32>
        %gather3A_402 = tpu.dynamic_gather %mul3A_209[%gather3A_401] in [0] : vector<16xf32>, vector<16xi32> -> vector<16xf32>
        %reshape3A_403 = vector.shape_cast %broadcast_in_dim3A_396 : vector<16xi32> to vector<16x1xi32>
        %gather3A_404 = vector.shape_cast %reshape3A_403 : vector<16x1xi32> to vector<16xi32>
        %gather3A_405 = tpu.dynamic_gather %mul3A_213[%gather3A_404] in [0] : vector<16xf32>, vector<16xi32> -> vector<16xf32>
        %reshape3A_406 = vector.shape_cast %broadcast_in_dim3A_396 : vector<16xi32> to vector<16x1xi32>
        %gather3A_407 = vector.shape_cast %reshape3A_406 : vector<16x1xi32> to vector<16xi32>
        %gather3A_408 = tpu.dynamic_gather %mul3A_217[%gather3A_407] in [0] : vector<16xf32>, vector<16xi32> -> vector<16xf32>
        %reshape3A_409 = vector.shape_cast %broadcast_in_dim3A_396 : vector<16xi32> to vector<16x1xi32>
        %gather3A_410 = vector.shape_cast %reshape3A_409 : vector<16x1xi32> to vector<16xi32>
        %gather3A_411 = tpu.dynamic_gather %mul3A_221[%gather3A_410] in [0] : vector<16xf32>, vector<16xi32> -> vector<16xf32>
        %reshape3A_412 = vector.shape_cast %broadcast_in_dim3A_396 : vector<16xi32> to vector<16x1xi32>
        %gather3A_413 = vector.shape_cast %reshape3A_412 : vector<16x1xi32> to vector<16xi32>
        %gather3A_414 = tpu.dynamic_gather %mul3A_225[%gather3A_413] in [0] : vector<16xf32>, vector<16xi32> -> vector<16xf32>
        %mul3A_415 = arith.constant 16 : i32
        %mul3A_416 = arith.muli %scan3A_151, %mul3A_415 : i32
        %add3A_417 = arith.constant 3 : i32
        %add3A_418 = arith.addi %mul3A_416, %add3A_417 : i32
        %get3A_419 = arith.index_cast %add3A_418 : i32 to index
        %get3A_420 = arith.constant 0 : index
        %get3A_421 = tpu.vector_load %arg37[%get3A_419, %get3A_420] {strides = array<i32>} : memref<128x16xf32, #tpu.memory_space<vmem>>, vector<16xf32>,
        %get3A_422 = arith.index_cast %add3A_418 : i32 to index
        %get3A_423 = arith.constant 0 : index
        %get3A_424 = tpu.vector_load %arg38[%get3A_422, %get3A_423] {strides = array<i32>} : memref<128x16xf32, #tpu.memory_space<vmem>>, vector<16xf32>,
        %get3A_425 = arith.index_cast %add3A_418 : i32 to index
        %get3A_426 = arith.constant 0 : index
        %get3A_427 = tpu.vector_load %arg39[%get3A_425, %get3A_426] {strides = array<i32>} : memref<128x16xf32, #tpu.memory_space<vmem>>, vector<16xf32>,
        %mul3A_428 = arith.mulf %gather3A_399, %get3A_421 : vector<16xf32>
        %mul3A_429 = arith.mulf %gather3A_402, %get3A_424 : vector<16xf32>
        %add3A_430 = arith.addf %mul3A_428, %mul3A_429 : vector<16xf32>
        %mul3A_431 = arith.mulf %gather3A_405, %get3A_427 : vector<16xf32>
        %add3A_432 = arith.addf %add3A_430, %mul3A_431 : vector<16xf32>
        %swap3A_433 = arith.index_cast %add3A_418 : i32 to index
        %swap3A_434 = arith.constant 0 : index
        %swap3A_435 = tpu.vector_load %arg37[%swap3A_433, %swap3A_434] {strides = array<i32>} : memref<128x16xf32, #tpu.memory_space<vmem>>, vector<16xf32>,
        tpu.vector_store %arg37[%swap3A_433, %swap3A_434], %add3A_432 {strides = array<i32>} : memref<128x16xf32, #tpu.memory_space<vmem>>, vector<16xf32>,
        %mul3A_436 = arith.mulf %gather3A_402, %get3A_421 : vector<16xf32>
        %mul3A_437 = arith.mulf %gather3A_408, %get3A_424 : vector<16xf32>
        %add3A_438 = arith.addf %mul3A_436, %mul3A_437 : vector<16xf32>
        %mul3A_439 = arith.mulf %gather3A_411, %get3A_427 : vector<16xf32>
        %add3A_440 = arith.addf %add3A_438, %mul3A_439 : vector<16xf32>
        %swap3A_441 = arith.index_cast %add3A_418 : i32 to index
        %swap3A_442 = arith.constant 0 : index
        %swap3A_443 = tpu.vector_load %arg38[%swap3A_441, %swap3A_442] {strides = array<i32>} : memref<128x16xf32, #tpu.memory_space<vmem>>, vector<16xf32>,
        tpu.vector_store %arg38[%swap3A_441, %swap3A_442], %add3A_440 {strides = array<i32>} : memref<128x16xf32, #tpu.memory_space<vmem>>, vector<16xf32>,
        %mul3A_444 = arith.mulf %gather3A_405, %get3A_421 : vector<16xf32>
        %mul3A_445 = arith.mulf %gather3A_411, %get3A_424 : vector<16xf32>
        %add3A_446 = arith.addf %mul3A_444, %mul3A_445 : vector<16xf32>
        %mul3A_447 = arith.mulf %gather3A_414, %get3A_427 : vector<16xf32>
        %add3A_448 = arith.addf %add3A_446, %mul3A_447 : vector<16xf32>
        %swap3A_449 = arith.index_cast %add3A_418 : i32 to index
        %swap3A_450 = arith.constant 0 : index
        %swap3A_451 = tpu.vector_load %arg39[%swap3A_449, %swap3A_450] {strides = array<i32>} : memref<128x16xf32, #tpu.memory_space<vmem>>, vector<16xf32>,
        tpu.vector_store %arg39[%swap3A_449, %swap3A_450], %add3A_448 {strides = array<i32>} : memref<128x16xf32, #tpu.memory_space<vmem>>, vector<16xf32>,
        %broadcast_in_dim3A_452 = arith.constant 4 : i32
        %broadcast_in_dim3A_453 = vector.broadcast %broadcast_in_dim3A_452 : i32 to vector<16xi32>
        %reshape3A_454 = vector.shape_cast %broadcast_in_dim3A_453 : vector<16xi32> to vector<16x1xi32>
        %gather3A_455 = vector.shape_cast %reshape3A_454 : vector<16x1xi32> to vector<16xi32>
        %gather3A_456 = tpu.dynamic_gather %mul3A_205[%gather3A_455] in [0] : vector<16xf32>, vector<16xi32> -> vector<16xf32>
        %reshape3A_457 = vector.shape_cast %broadcast_in_dim3A_453 : vector<16xi32> to vector<16x1xi32>
        %gather3A_458 = vector.shape_cast %reshape3A_457 : vector<16x1xi32> to vector<16xi32>
        %gather3A_459 = tpu.dynamic_gather %mul3A_209[%gather3A_458] in [0] : vector<16xf32>, vector<16xi32> -> vector<16xf32>
        %reshape3A_460 = vector.shape_cast %broadcast_in_dim3A_453 : vector<16xi32> to vector<16x1xi32>
        %gather3A_461 = vector.shape_cast %reshape3A_460 : vector<16x1xi32> to vector<16xi32>
        %gather3A_462 = tpu.dynamic_gather %mul3A_213[%gather3A_461] in [0] : vector<16xf32>, vector<16xi32> -> vector<16xf32>
        %reshape3A_463 = vector.shape_cast %broadcast_in_dim3A_453 : vector<16xi32> to vector<16x1xi32>
        %gather3A_464 = vector.shape_cast %reshape3A_463 : vector<16x1xi32> to vector<16xi32>
        %gather3A_465 = tpu.dynamic_gather %mul3A_217[%gather3A_464] in [0] : vector<16xf32>, vector<16xi32> -> vector<16xf32>
        %reshape3A_466 = vector.shape_cast %broadcast_in_dim3A_453 : vector<16xi32> to vector<16x1xi32>
        %gather3A_467 = vector.shape_cast %reshape3A_466 : vector<16x1xi32> to vector<16xi32>
        %gather3A_468 = tpu.dynamic_gather %mul3A_221[%gather3A_467] in [0] : vector<16xf32>, vector<16xi32> -> vector<16xf32>
        %reshape3A_469 = vector.shape_cast %broadcast_in_dim3A_453 : vector<16xi32> to vector<16x1xi32>
        %gather3A_470 = vector.shape_cast %reshape3A_469 : vector<16x1xi32> to vector<16xi32>
        %gather3A_471 = tpu.dynamic_gather %mul3A_225[%gather3A_470] in [0] : vector<16xf32>, vector<16xi32> -> vector<16xf32>
        %mul3A_472 = arith.constant 16 : i32
        %mul3A_473 = arith.muli %scan3A_151, %mul3A_472 : i32
        %add3A_474 = arith.constant 4 : i32
        %add3A_475 = arith.addi %mul3A_473, %add3A_474 : i32
        %get3A_476 = arith.index_cast %add3A_475 : i32 to index
        %get3A_477 = arith.constant 0 : index
        %get3A_478 = tpu.vector_load %arg37[%get3A_476, %get3A_477] {strides = array<i32>} : memref<128x16xf32, #tpu.memory_space<vmem>>, vector<16xf32>,
        %get3A_479 = arith.index_cast %add3A_475 : i32 to index
        %get3A_480 = arith.constant 0 : index
        %get3A_481 = tpu.vector_load %arg38[%get3A_479, %get3A_480] {strides = array<i32>} : memref<128x16xf32, #tpu.memory_space<vmem>>, vector<16xf32>,
        %get3A_482 = arith.index_cast %add3A_475 : i32 to index
        %get3A_483 = arith.constant 0 : index
        %get3A_484 = tpu.vector_load %arg39[%get3A_482, %get3A_483] {strides = array<i32>} : memref<128x16xf32, #tpu.memory_space<vmem>>, vector<16xf32>,
        %mul3A_485 = arith.mulf %gather3A_456, %get3A_478 : vector<16xf32>
        %mul3A_486 = arith.mulf %gather3A_459, %get3A_481 : vector<16xf32>
        %add3A_487 = arith.addf %mul3A_485, %mul3A_486 : vector<16xf32>
        %mul3A_488 = arith.mulf %gather3A_462, %get3A_484 : vector<16xf32>
        %add3A_489 = arith.addf %add3A_487, %mul3A_488 : vector<16xf32>
        %swap3A_490 = arith.index_cast %add3A_475 : i32 to index
        %swap3A_491 = arith.constant 0 : index
        %swap3A_492 = tpu.vector_load %arg37[%swap3A_490, %swap3A_491] {strides = array<i32>} : memref<128x16xf32, #tpu.memory_space<vmem>>, vector<16xf32>,
        tpu.vector_store %arg37[%swap3A_490, %swap3A_491], %add3A_489 {strides = array<i32>} : memref<128x16xf32, #tpu.memory_space<vmem>>, vector<16xf32>,
        %mul3A_493 = arith.mulf %gather3A_459, %get3A_478 : vector<16xf32>
        %mul3A_494 = arith.mulf %gather3A_465, %get3A_481 : vector<16xf32>
        %add3A_495 = arith.addf %mul3A_493, %mul3A_494 : vector<16xf32>
        %mul3A_496 = arith.mulf %gather3A_468, %get3A_484 : vector<16xf32>
        %add3A_497 = arith.addf %add3A_495, %mul3A_496 : vector<16xf32>
        %swap3A_498 = arith.index_cast %add3A_475 : i32 to index
        %swap3A_499 = arith.constant 0 : index
        %swap3A_500 = tpu.vector_load %arg38[%swap3A_498, %swap3A_499] {strides = array<i32>} : memref<128x16xf32, #tpu.memory_space<vmem>>, vector<16xf32>,
        tpu.vector_store %arg38[%swap3A_498, %swap3A_499], %add3A_497 {strides = array<i32>} : memref<128x16xf32, #tpu.memory_space<vmem>>, vector<16xf32>,
        %mul3A_501 = arith.mulf %gather3A_462, %get3A_478 : vector<16xf32>
        %mul3A_502 = arith.mulf %gather3A_468, %get3A_481 : vector<16xf32>
        %add3A_503 = arith.addf %mul3A_501, %mul3A_502 : vector<16xf32>
        %mul3A_504 = arith.mulf %gather3A_471, %get3A_484 : vector<16xf32>
        %add3A_505 = arith.addf %add3A_503, %mul3A_504 : vector<16xf32>
        %swap3A_506 = arith.index_cast %add3A_475 : i32 to index
        %swap3A_507 = arith.constant 0 : index
        %swap3A_508 = tpu.vector_load %arg39[%swap3A_506, %swap3A_507] {strides = array<i32>} : memref<128x16xf32, #tpu.memory_space<vmem>>, vector<16xf32>,
        tpu.vector_store %arg39[%swap3A_506, %swap3A_507], %add3A_505 {strides = array<i32>} : memref<128x16xf32, #tpu.memory_space<vmem>>, vector<16xf32>,
        %broadcast_in_dim3A_509 = arith.constant 5 : i32
        %broadcast_in_dim3A_510 = vector.broadcast %broadcast_in_dim3A_509 : i32 to vector<16xi32>
        %reshape3A_511 = vector.shape_cast %broadcast_in_dim3A_510 : vector<16xi32> to vector<16x1xi32>
        %gather3A_512 = vector.shape_cast %reshape3A_511 : vector<16x1xi32> to vector<16xi32>
        %gather3A_513 = tpu.dynamic_gather %mul3A_205[%gather3A_512] in [0] : vector<16xf32>, vector<16xi32> -> vector<16xf32>
        %reshape3A_514 = vector.shape_cast %broadcast_in_dim3A_510 : vector<16xi32> to vector<16x1xi32>
        %gather3A_515 = vector.shape_cast %reshape3A_514 : vector<16x1xi32> to vector<16xi32>
        %gather3A_516 = tpu.dynamic_gather %mul3A_209[%gather3A_515] in [0] : vector<16xf32>, vector<16xi32> -> vector<16xf32>
        %reshape3A_517 = vector.shape_cast %broadcast_in_dim3A_510 : vector<16xi32> to vector<16x1xi32>
        %gather3A_518 = vector.shape_cast %reshape3A_517 : vector<16x1xi32> to vector<16xi32>
        %gather3A_519 = tpu.dynamic_gather %mul3A_213[%gather3A_518] in [0] : vector<16xf32>, vector<16xi32> -> vector<16xf32>
        %reshape3A_520 = vector.shape_cast %broadcast_in_dim3A_510 : vector<16xi32> to vector<16x1xi32>
        %gather3A_521 = vector.shape_cast %reshape3A_520 : vector<16x1xi32> to vector<16xi32>
        %gather3A_522 = tpu.dynamic_gather %mul3A_217[%gather3A_521] in [0] : vector<16xf32>, vector<16xi32> -> vector<16xf32>
        %reshape3A_523 = vector.shape_cast %broadcast_in_dim3A_510 : vector<16xi32> to vector<16x1xi32>
        %gather3A_524 = vector.shape_cast %reshape3A_523 : vector<16x1xi32> to vector<16xi32>
        %gather3A_525 = tpu.dynamic_gather %mul3A_221[%gather3A_524] in [0] : vector<16xf32>, vector<16xi32> -> vector<16xf32>
        %reshape3A_526 = vector.shape_cast %broadcast_in_dim3A_510 : vector<16xi32> to vector<16x1xi32>
        %gather3A_527 = vector.shape_cast %reshape3A_526 : vector<16x1xi32> to vector<16xi32>
        %gather3A_528 = tpu.dynamic_gather %mul3A_225[%gather3A_527] in [0] : vector<16xf32>, vector<16xi32> -> vector<16xf32>
        %mul3A_529 = arith.constant 16 : i32
        %mul3A_530 = arith.muli %scan3A_151, %mul3A_529 : i32
        %add3A_531 = arith.constant 5 : i32
        %add3A_532 = arith.addi %mul3A_530, %add3A_531 : i32
        %get3A_533 = arith.index_cast %add3A_532 : i32 to index
        %get3A_534 = arith.constant 0 : index
        %get3A_535 = tpu.vector_load %arg37[%get3A_533, %get3A_534] {strides = array<i32>} : memref<128x16xf32, #tpu.memory_space<vmem>>, vector<16xf32>,
        %get3A_536 = arith.index_cast %add3A_532 : i32 to index
        %get3A_537 = arith.constant 0 : index
        %get3A_538 = tpu.vector_load %arg38[%get3A_536, %get3A_537] {strides = array<i32>} : memref<128x16xf32, #tpu.memory_space<vmem>>, vector<16xf32>,
        %get3A_539 = arith.index_cast %add3A_532 : i32 to index
        %get3A_540 = arith.constant 0 : index
        %get3A_541 = tpu.vector_load %arg39[%get3A_539, %get3A_540] {strides = array<i32>} : memref<128x16xf32, #tpu.memory_space<vmem>>, vector<16xf32>,
        %mul3A_542 = arith.mulf %gather3A_513, %get3A_535 : vector<16xf32>
        %mul3A_543 = arith.mulf %gather3A_516, %get3A_538 : vector<16xf32>
        %add3A_544 = arith.addf %mul3A_542, %mul3A_543 : vector<16xf32>
        %mul3A_545 = arith.mulf %gather3A_519, %get3A_541 : vector<16xf32>
        %add3A_546 = arith.addf %add3A_544, %mul3A_545 : vector<16xf32>
        %swap3A_547 = arith.index_cast %add3A_532 : i32 to index
        %swap3A_548 = arith.constant 0 : index
        %swap3A_549 = tpu.vector_load %arg37[%swap3A_547, %swap3A_548] {strides = array<i32>} : memref<128x16xf32, #tpu.memory_space<vmem>>, vector<16xf32>,
        tpu.vector_store %arg37[%swap3A_547, %swap3A_548], %add3A_546 {strides = array<i32>} : memref<128x16xf32, #tpu.memory_space<vmem>>, vector<16xf32>,
        %mul3A_550 = arith.mulf %gather3A_516, %get3A_535 : vector<16xf32>
        %mul3A_551 = arith.mulf %gather3A_522, %get3A_538 : vector<16xf32>
        %add3A_552 = arith.addf %mul3A_550, %mul3A_551 : vector<16xf32>
        %mul3A_553 = arith.mulf %gather3A_525, %get3A_541 : vector<16xf32>
        %add3A_554 = arith.addf %add3A_552, %mul3A_553 : vector<16xf32>
        %swap3A_555 = arith.index_cast %add3A_532 : i32 to index
        %swap3A_556 = arith.constant 0 : index
        %swap3A_557 = tpu.vector_load %arg38[%swap3A_555, %swap3A_556] {strides = array<i32>} : memref<128x16xf32, #tpu.memory_space<vmem>>, vector<16xf32>,
        tpu.vector_store %arg38[%swap3A_555, %swap3A_556], %add3A_554 {strides = array<i32>} : memref<128x16xf32, #tpu.memory_space<vmem>>, vector<16xf32>,
        %mul3A_558 = arith.mulf %gather3A_519, %get3A_535 : vector<16xf32>
        %mul3A_559 = arith.mulf %gather3A_525, %get3A_538 : vector<16xf32>
        %add3A_560 = arith.addf %mul3A_558, %mul3A_559 : vector<16xf32>
        %mul3A_561 = arith.mulf %gather3A_528, %get3A_541 : vector<16xf32>
        %add3A_562 = arith.addf %add3A_560, %mul3A_561 : vector<16xf32>
        %swap3A_563 = arith.index_cast %add3A_532 : i32 to index
        %swap3A_564 = arith.constant 0 : index
        %swap3A_565 = tpu.vector_load %arg39[%swap3A_563, %swap3A_564] {strides = array<i32>} : memref<128x16xf32, #tpu.memory_space<vmem>>, vector<16xf32>,
        tpu.vector_store %arg39[%swap3A_563, %swap3A_564], %add3A_562 {strides = array<i32>} : memref<128x16xf32, #tpu.memory_space<vmem>>, vector<16xf32>,
        %broadcast_in_dim3A_566 = arith.constant 6 : i32
        %broadcast_in_dim3A_567 = vector.broadcast %broadcast_in_dim3A_566 : i32 to vector<16xi32>
        %reshape3A_568 = vector.shape_cast %broadcast_in_dim3A_567 : vector<16xi32> to vector<16x1xi32>
        %gather3A_569 = vector.shape_cast %reshape3A_568 : vector<16x1xi32> to vector<16xi32>
        %gather3A_570 = tpu.dynamic_gather %mul3A_205[%gather3A_569] in [0] : vector<16xf32>, vector<16xi32> -> vector<16xf32>
        %reshape3A_571 = vector.shape_cast %broadcast_in_dim3A_567 : vector<16xi32> to vector<16x1xi32>
        %gather3A_572 = vector.shape_cast %reshape3A_571 : vector<16x1xi32> to vector<16xi32>
        %gather3A_573 = tpu.dynamic_gather %mul3A_209[%gather3A_572] in [0] : vector<16xf32>, vector<16xi32> -> vector<16xf32>
        %reshape3A_574 = vector.shape_cast %broadcast_in_dim3A_567 : vector<16xi32> to vector<16x1xi32>
        %gather3A_575 = vector.shape_cast %reshape3A_574 : vector<16x1xi32> to vector<16xi32>
        %gather3A_576 = tpu.dynamic_gather %mul3A_213[%gather3A_575] in [0] : vector<16xf32>, vector<16xi32> -> vector<16xf32>
        %reshape3A_577 = vector.shape_cast %broadcast_in_dim3A_567 : vector<16xi32> to vector<16x1xi32>
        %gather3A_578 = vector.shape_cast %reshape3A_577 : vector<16x1xi32> to vector<16xi32>
        %gather3A_579 = tpu.dynamic_gather %mul3A_217[%gather3A_578] in [0] : vector<16xf32>, vector<16xi32> -> vector<16xf32>
        %reshape3A_580 = vector.shape_cast %broadcast_in_dim3A_567 : vector<16xi32> to vector<16x1xi32>
        %gather3A_581 = vector.shape_cast %reshape3A_580 : vector<16x1xi32> to vector<16xi32>
        %gather3A_582 = tpu.dynamic_gather %mul3A_221[%gather3A_581] in [0] : vector<16xf32>, vector<16xi32> -> vector<16xf32>
        %reshape3A_583 = vector.shape_cast %broadcast_in_dim3A_567 : vector<16xi32> to vector<16x1xi32>
        %gather3A_584 = vector.shape_cast %reshape3A_583 : vector<16x1xi32> to vector<16xi32>
        %gather3A_585 = tpu.dynamic_gather %mul3A_225[%gather3A_584] in [0] : vector<16xf32>, vector<16xi32> -> vector<16xf32>
        %mul3A_586 = arith.constant 16 : i32
        %mul3A_587 = arith.muli %scan3A_151, %mul3A_586 : i32
        %add3A_588 = arith.constant 6 : i32
        %add3A_589 = arith.addi %mul3A_587, %add3A_588 : i32
        %get3A_590 = arith.index_cast %add3A_589 : i32 to index
        %get3A_591 = arith.constant 0 : index
        %get3A_592 = tpu.vector_load %arg37[%get3A_590, %get3A_591] {strides = array<i32>} : memref<128x16xf32, #tpu.memory_space<vmem>>, vector<16xf32>,
        %get3A_593 = arith.index_cast %add3A_589 : i32 to index
        %get3A_594 = arith.constant 0 : index
        %get3A_595 = tpu.vector_load %arg38[%get3A_593, %get3A_594] {strides = array<i32>} : memref<128x16xf32, #tpu.memory_space<vmem>>, vector<16xf32>,
        %get3A_596 = arith.index_cast %add3A_589 : i32 to index
        %get3A_597 = arith.constant 0 : index
        %get3A_598 = tpu.vector_load %arg39[%get3A_596, %get3A_597] {strides = array<i32>} : memref<128x16xf32, #tpu.memory_space<vmem>>, vector<16xf32>,
        %mul3A_599 = arith.mulf %gather3A_570, %get3A_592 : vector<16xf32>
        %mul3A_600 = arith.mulf %gather3A_573, %get3A_595 : vector<16xf32>
        %add3A_601 = arith.addf %mul3A_599, %mul3A_600 : vector<16xf32>
        %mul3A_602 = arith.mulf %gather3A_576, %get3A_598 : vector<16xf32>
        %add3A_603 = arith.addf %add3A_601, %mul3A_602 : vector<16xf32>
        %swap3A_604 = arith.index_cast %add3A_589 : i32 to index
        %swap3A_605 = arith.constant 0 : index
        %swap3A_606 = tpu.vector_load %arg37[%swap3A_604, %swap3A_605] {strides = array<i32>} : memref<128x16xf32, #tpu.memory_space<vmem>>, vector<16xf32>,
        tpu.vector_store %arg37[%swap3A_604, %swap3A_605], %add3A_603 {strides = array<i32>} : memref<128x16xf32, #tpu.memory_space<vmem>>, vector<16xf32>,
        %mul3A_607 = arith.mulf %gather3A_573, %get3A_592 : vector<16xf32>
        %mul3A_608 = arith.mulf %gather3A_579, %get3A_595 : vector<16xf32>
        %add3A_609 = arith.addf %mul3A_607, %mul3A_608 : vector<16xf32>
        %mul3A_610 = arith.mulf %gather3A_582, %get3A_598 : vector<16xf32>
        %add3A_611 = arith.addf %add3A_609, %mul3A_610 : vector<16xf32>
        %swap3A_612 = arith.index_cast %add3A_589 : i32 to index
        %swap3A_613 = arith.constant 0 : index
        %swap3A_614 = tpu.vector_load %arg38[%swap3A_612, %swap3A_613] {strides = array<i32>} : memref<128x16xf32, #tpu.memory_space<vmem>>, vector<16xf32>,
        tpu.vector_store %arg38[%swap3A_612, %swap3A_613], %add3A_611 {strides = array<i32>} : memref<128x16xf32, #tpu.memory_space<vmem>>, vector<16xf32>,
        %mul3A_615 = arith.mulf %gather3A_576, %get3A_592 : vector<16xf32>
        %mul3A_616 = arith.mulf %gather3A_582, %get3A_595 : vector<16xf32>
        %add3A_617 = arith.addf %mul3A_615, %mul3A_616 : vector<16xf32>
        %mul3A_618 = arith.mulf %gather3A_585, %get3A_598 : vector<16xf32>
        %add3A_619 = arith.addf %add3A_617, %mul3A_618 : vector<16xf32>
        %swap3A_620 = arith.index_cast %add3A_589 : i32 to index
        %swap3A_621 = arith.constant 0 : index
        %swap3A_622 = tpu.vector_load %arg39[%swap3A_620, %swap3A_621] {strides = array<i32>} : memref<128x16xf32, #tpu.memory_space<vmem>>, vector<16xf32>,
        tpu.vector_store %arg39[%swap3A_620, %swap3A_621], %add3A_619 {strides = array<i32>} : memref<128x16xf32, #tpu.memory_space<vmem>>, vector<16xf32>,
        %broadcast_in_dim3A_623 = arith.constant 7 : i32
        %broadcast_in_dim3A_624 = vector.broadcast %broadcast_in_dim3A_623 : i32 to vector<16xi32>
        %reshape3A_625 = vector.shape_cast %broadcast_in_dim3A_624 : vector<16xi32> to vector<16x1xi32>
        %gather3A_626 = vector.shape_cast %reshape3A_625 : vector<16x1xi32> to vector<16xi32>
        %gather3A_627 = tpu.dynamic_gather %mul3A_205[%gather3A_626] in [0] : vector<16xf32>, vector<16xi32> -> vector<16xf32>
        %reshape3A_628 = vector.shape_cast %broadcast_in_dim3A_624 : vector<16xi32> to vector<16x1xi32>
        %gather3A_629 = vector.shape_cast %reshape3A_628 : vector<16x1xi32> to vector<16xi32>
        %gather3A_630 = tpu.dynamic_gather %mul3A_209[%gather3A_629] in [0] : vector<16xf32>, vector<16xi32> -> vector<16xf32>
        %reshape3A_631 = vector.shape_cast %broadcast_in_dim3A_624 : vector<16xi32> to vector<16x1xi32>
        %gather3A_632 = vector.shape_cast %reshape3A_631 : vector<16x1xi32> to vector<16xi32>
        %gather3A_633 = tpu.dynamic_gather %mul3A_213[%gather3A_632] in [0] : vector<16xf32>, vector<16xi32> -> vector<16xf32>
        %reshape3A_634 = vector.shape_cast %broadcast_in_dim3A_624 : vector<16xi32> to vector<16x1xi32>
        %gather3A_635 = vector.shape_cast %reshape3A_634 : vector<16x1xi32> to vector<16xi32>
        %gather3A_636 = tpu.dynamic_gather %mul3A_217[%gather3A_635] in [0] : vector<16xf32>, vector<16xi32> -> vector<16xf32>
        %reshape3A_637 = vector.shape_cast %broadcast_in_dim3A_624 : vector<16xi32> to vector<16x1xi32>
        %gather3A_638 = vector.shape_cast %reshape3A_637 : vector<16x1xi32> to vector<16xi32>
        %gather3A_639 = tpu.dynamic_gather %mul3A_221[%gather3A_638] in [0] : vector<16xf32>, vector<16xi32> -> vector<16xf32>
        %reshape3A_640 = vector.shape_cast %broadcast_in_dim3A_624 : vector<16xi32> to vector<16x1xi32>
        %gather3A_641 = vector.shape_cast %reshape3A_640 : vector<16x1xi32> to vector<16xi32>
        %gather3A_642 = tpu.dynamic_gather %mul3A_225[%gather3A_641] in [0] : vector<16xf32>, vector<16xi32> -> vector<16xf32>
        %mul3A_643 = arith.constant 16 : i32
        %mul3A_644 = arith.muli %scan3A_151, %mul3A_643 : i32
        %add3A_645 = arith.constant 7 : i32
        %add3A_646 = arith.addi %mul3A_644, %add3A_645 : i32
        %get3A_647 = arith.index_cast %add3A_646 : i32 to index
        %get3A_648 = arith.constant 0 : index
        %get3A_649 = tpu.vector_load %arg37[%get3A_647, %get3A_648] {strides = array<i32>} : memref<128x16xf32, #tpu.memory_space<vmem>>, vector<16xf32>,
        %get3A_650 = arith.index_cast %add3A_646 : i32 to index
        %get3A_651 = arith.constant 0 : index
        %get3A_652 = tpu.vector_load %arg38[%get3A_650, %get3A_651] {strides = array<i32>} : memref<128x16xf32, #tpu.memory_space<vmem>>, vector<16xf32>,
        %get3A_653 = arith.index_cast %add3A_646 : i32 to index
        %get3A_654 = arith.constant 0 : index
        %get3A_655 = tpu.vector_load %arg39[%get3A_653, %get3A_654] {strides = array<i32>} : memref<128x16xf32, #tpu.memory_space<vmem>>, vector<16xf32>,
        %mul3A_656 = arith.mulf %gather3A_627, %get3A_649 : vector<16xf32>
        %mul3A_657 = arith.mulf %gather3A_630, %get3A_652 : vector<16xf32>
        %add3A_658 = arith.addf %mul3A_656, %mul3A_657 : vector<16xf32>
        %mul3A_659 = arith.mulf %gather3A_633, %get3A_655 : vector<16xf32>
        %add3A_660 = arith.addf %add3A_658, %mul3A_659 : vector<16xf32>
        %swap3A_661 = arith.index_cast %add3A_646 : i32 to index
        %swap3A_662 = arith.constant 0 : index
        %swap3A_663 = tpu.vector_load %arg37[%swap3A_661, %swap3A_662] {strides = array<i32>} : memref<128x16xf32, #tpu.memory_space<vmem>>, vector<16xf32>,
        tpu.vector_store %arg37[%swap3A_661, %swap3A_662], %add3A_660 {strides = array<i32>} : memref<128x16xf32, #tpu.memory_space<vmem>>, vector<16xf32>,
        %mul3A_664 = arith.mulf %gather3A_630, %get3A_649 : vector<16xf32>
        %mul3A_665 = arith.mulf %gather3A_636, %get3A_652 : vector<16xf32>
        %add3A_666 = arith.addf %mul3A_664, %mul3A_665 : vector<16xf32>
        %mul3A_667 = arith.mulf %gather3A_639, %get3A_655 : vector<16xf32>
        %add3A_668 = arith.addf %add3A_666, %mul3A_667 : vector<16xf32>
        %swap3A_669 = arith.index_cast %add3A_646 : i32 to index
        %swap3A_670 = arith.constant 0 : index
        %swap3A_671 = tpu.vector_load %arg38[%swap3A_669, %swap3A_670] {strides = array<i32>} : memref<128x16xf32, #tpu.memory_space<vmem>>, vector<16xf32>,
        tpu.vector_store %arg38[%swap3A_669, %swap3A_670], %add3A_668 {strides = array<i32>} : memref<128x16xf32, #tpu.memory_space<vmem>>, vector<16xf32>,
        %mul3A_672 = arith.mulf %gather3A_633, %get3A_649 : vector<16xf32>
        %mul3A_673 = arith.mulf %gather3A_639, %get3A_652 : vector<16xf32>
        %add3A_674 = arith.addf %mul3A_672, %mul3A_673 : vector<16xf32>
        %mul3A_675 = arith.mulf %gather3A_642, %get3A_655 : vector<16xf32>
        %add3A_676 = arith.addf %add3A_674, %mul3A_675 : vector<16xf32>
        %swap3A_677 = arith.index_cast %add3A_646 : i32 to index
        %swap3A_678 = arith.constant 0 : index
        %swap3A_679 = tpu.vector_load %arg39[%swap3A_677, %swap3A_678] {strides = array<i32>} : memref<128x16xf32, #tpu.memory_space<vmem>>, vector<16xf32>,
        tpu.vector_store %arg39[%swap3A_677, %swap3A_678], %add3A_676 {strides = array<i32>} : memref<128x16xf32, #tpu.memory_space<vmem>>, vector<16xf32>,
        %broadcast_in_dim3A_680 = arith.constant 8 : i32
        %broadcast_in_dim3A_681 = vector.broadcast %broadcast_in_dim3A_680 : i32 to vector<16xi32>
        %reshape3A_682 = vector.shape_cast %broadcast_in_dim3A_681 : vector<16xi32> to vector<16x1xi32>
        %gather3A_683 = vector.shape_cast %reshape3A_682 : vector<16x1xi32> to vector<16xi32>
        %gather3A_684 = tpu.dynamic_gather %mul3A_205[%gather3A_683] in [0] : vector<16xf32>, vector<16xi32> -> vector<16xf32>
        %reshape3A_685 = vector.shape_cast %broadcast_in_dim3A_681 : vector<16xi32> to vector<16x1xi32>
        %gather3A_686 = vector.shape_cast %reshape3A_685 : vector<16x1xi32> to vector<16xi32>
        %gather3A_687 = tpu.dynamic_gather %mul3A_209[%gather3A_686] in [0] : vector<16xf32>, vector<16xi32> -> vector<16xf32>
        %reshape3A_688 = vector.shape_cast %broadcast_in_dim3A_681 : vector<16xi32> to vector<16x1xi32>
        %gather3A_689 = vector.shape_cast %reshape3A_688 : vector<16x1xi32> to vector<16xi32>
        %gather3A_690 = tpu.dynamic_gather %mul3A_213[%gather3A_689] in [0] : vector<16xf32>, vector<16xi32> -> vector<16xf32>
        %reshape3A_691 = vector.shape_cast %broadcast_in_dim3A_681 : vector<16xi32> to vector<16x1xi32>
        %gather3A_692 = vector.shape_cast %reshape3A_691 : vector<16x1xi32> to vector<16xi32>
        %gather3A_693 = tpu.dynamic_gather %mul3A_217[%gather3A_692] in [0] : vector<16xf32>, vector<16xi32> -> vector<16xf32>
        %reshape3A_694 = vector.shape_cast %broadcast_in_dim3A_681 : vector<16xi32> to vector<16x1xi32>
        %gather3A_695 = vector.shape_cast %reshape3A_694 : vector<16x1xi32> to vector<16xi32>
        %gather3A_696 = tpu.dynamic_gather %mul3A_221[%gather3A_695] in [0] : vector<16xf32>, vector<16xi32> -> vector<16xf32>
        %reshape3A_697 = vector.shape_cast %broadcast_in_dim3A_681 : vector<16xi32> to vector<16x1xi32>
        %gather3A_698 = vector.shape_cast %reshape3A_697 : vector<16x1xi32> to vector<16xi32>
        %gather3A_699 = tpu.dynamic_gather %mul3A_225[%gather3A_698] in [0] : vector<16xf32>, vector<16xi32> -> vector<16xf32>
        %mul3A_700 = arith.constant 16 : i32
        %mul3A_701 = arith.muli %scan3A_151, %mul3A_700 : i32
        %add3A_702 = arith.constant 8 : i32
        %add3A_703 = arith.addi %mul3A_701, %add3A_702 : i32
        %get3A_704 = arith.index_cast %add3A_703 : i32 to index
        %get3A_705 = arith.constant 0 : index
        %get3A_706 = tpu.vector_load %arg37[%get3A_704, %get3A_705] {strides = array<i32>} : memref<128x16xf32, #tpu.memory_space<vmem>>, vector<16xf32>,
        %get3A_707 = arith.index_cast %add3A_703 : i32 to index
        %get3A_708 = arith.constant 0 : index
        %get3A_709 = tpu.vector_load %arg38[%get3A_707, %get3A_708] {strides = array<i32>} : memref<128x16xf32, #tpu.memory_space<vmem>>, vector<16xf32>,
        %get3A_710 = arith.index_cast %add3A_703 : i32 to index
        %get3A_711 = arith.constant 0 : index
        %get3A_712 = tpu.vector_load %arg39[%get3A_710, %get3A_711] {strides = array<i32>} : memref<128x16xf32, #tpu.memory_space<vmem>>, vector<16xf32>,
        %mul3A_713 = arith.mulf %gather3A_684, %get3A_706 : vector<16xf32>
        %mul3A_714 = arith.mulf %gather3A_687, %get3A_709 : vector<16xf32>
        %add3A_715 = arith.addf %mul3A_713, %mul3A_714 : vector<16xf32>
        %mul3A_716 = arith.mulf %gather3A_690, %get3A_712 : vector<16xf32>
        %add3A_717 = arith.addf %add3A_715, %mul3A_716 : vector<16xf32>
        %swap3A_718 = arith.index_cast %add3A_703 : i32 to index
        %swap3A_719 = arith.constant 0 : index
        %swap3A_720 = tpu.vector_load %arg37[%swap3A_718, %swap3A_719] {strides = array<i32>} : memref<128x16xf32, #tpu.memory_space<vmem>>, vector<16xf32>,
        tpu.vector_store %arg37[%swap3A_718, %swap3A_719], %add3A_717 {strides = array<i32>} : memref<128x16xf32, #tpu.memory_space<vmem>>, vector<16xf32>,
        %mul3A_721 = arith.mulf %gather3A_687, %get3A_706 : vector<16xf32>
        %mul3A_722 = arith.mulf %gather3A_693, %get3A_709 : vector<16xf32>
        %add3A_723 = arith.addf %mul3A_721, %mul3A_722 : vector<16xf32>
        %mul3A_724 = arith.mulf %gather3A_696, %get3A_712 : vector<16xf32>
        %add3A_725 = arith.addf %add3A_723, %mul3A_724 : vector<16xf32>
        %swap3A_726 = arith.index_cast %add3A_703 : i32 to index
        %swap3A_727 = arith.constant 0 : index
        %swap3A_728 = tpu.vector_load %arg38[%swap3A_726, %swap3A_727] {strides = array<i32>} : memref<128x16xf32, #tpu.memory_space<vmem>>, vector<16xf32>,
        tpu.vector_store %arg38[%swap3A_726, %swap3A_727], %add3A_725 {strides = array<i32>} : memref<128x16xf32, #tpu.memory_space<vmem>>, vector<16xf32>,
        %mul3A_729 = arith.mulf %gather3A_690, %get3A_706 : vector<16xf32>
        %mul3A_730 = arith.mulf %gather3A_696, %get3A_709 : vector<16xf32>
        %add3A_731 = arith.addf %mul3A_729, %mul3A_730 : vector<16xf32>
        %mul3A_732 = arith.mulf %gather3A_699, %get3A_712 : vector<16xf32>
        %add3A_733 = arith.addf %add3A_731, %mul3A_732 : vector<16xf32>
        %swap3A_734 = arith.index_cast %add3A_703 : i32 to index
        %swap3A_735 = arith.constant 0 : index
        %swap3A_736 = tpu.vector_load %arg39[%swap3A_734, %swap3A_735] {strides = array<i32>} : memref<128x16xf32, #tpu.memory_space<vmem>>, vector<16xf32>,
        tpu.vector_store %arg39[%swap3A_734, %swap3A_735], %add3A_733 {strides = array<i32>} : memref<128x16xf32, #tpu.memory_space<vmem>>, vector<16xf32>,
        %broadcast_in_dim3A_737 = arith.constant 9 : i32
        %broadcast_in_dim3A_738 = vector.broadcast %broadcast_in_dim3A_737 : i32 to vector<16xi32>
        %reshape3A_739 = vector.shape_cast %broadcast_in_dim3A_738 : vector<16xi32> to vector<16x1xi32>
        %gather3A_740 = vector.shape_cast %reshape3A_739 : vector<16x1xi32> to vector<16xi32>
        %gather3A_741 = tpu.dynamic_gather %mul3A_205[%gather3A_740] in [0] : vector<16xf32>, vector<16xi32> -> vector<16xf32>
        %reshape3A_742 = vector.shape_cast %broadcast_in_dim3A_738 : vector<16xi32> to vector<16x1xi32>
        %gather3A_743 = vector.shape_cast %reshape3A_742 : vector<16x1xi32> to vector<16xi32>
        %gather3A_744 = tpu.dynamic_gather %mul3A_209[%gather3A_743] in [0] : vector<16xf32>, vector<16xi32> -> vector<16xf32>
        %reshape3A_745 = vector.shape_cast %broadcast_in_dim3A_738 : vector<16xi32> to vector<16x1xi32>
        %gather3A_746 = vector.shape_cast %reshape3A_745 : vector<16x1xi32> to vector<16xi32>
        %gather3A_747 = tpu.dynamic_gather %mul3A_213[%gather3A_746] in [0] : vector<16xf32>, vector<16xi32> -> vector<16xf32>
        %reshape3A_748 = vector.shape_cast %broadcast_in_dim3A_738 : vector<16xi32> to vector<16x1xi32>
        %gather3A_749 = vector.shape_cast %reshape3A_748 : vector<16x1xi32> to vector<16xi32>
        %gather3A_750 = tpu.dynamic_gather %mul3A_217[%gather3A_749] in [0] : vector<16xf32>, vector<16xi32> -> vector<16xf32>
        %reshape3A_751 = vector.shape_cast %broadcast_in_dim3A_738 : vector<16xi32> to vector<16x1xi32>
        %gather3A_752 = vector.shape_cast %reshape3A_751 : vector<16x1xi32> to vector<16xi32>
        %gather3A_753 = tpu.dynamic_gather %mul3A_221[%gather3A_752] in [0] : vector<16xf32>, vector<16xi32> -> vector<16xf32>
        %reshape3A_754 = vector.shape_cast %broadcast_in_dim3A_738 : vector<16xi32> to vector<16x1xi32>
        %gather3A_755 = vector.shape_cast %reshape3A_754 : vector<16x1xi32> to vector<16xi32>
        %gather3A_756 = tpu.dynamic_gather %mul3A_225[%gather3A_755] in [0] : vector<16xf32>, vector<16xi32> -> vector<16xf32>
        %mul3A_757 = arith.constant 16 : i32
        %mul3A_758 = arith.muli %scan3A_151, %mul3A_757 : i32
        %add3A_759 = arith.constant 9 : i32
        %add3A_760 = arith.addi %mul3A_758, %add3A_759 : i32
        %get3A_761 = arith.index_cast %add3A_760 : i32 to index
        %get3A_762 = arith.constant 0 : index
        %get3A_763 = tpu.vector_load %arg37[%get3A_761, %get3A_762] {strides = array<i32>} : memref<128x16xf32, #tpu.memory_space<vmem>>, vector<16xf32>,
        %get3A_764 = arith.index_cast %add3A_760 : i32 to index
        %get3A_765 = arith.constant 0 : index
        %get3A_766 = tpu.vector_load %arg38[%get3A_764, %get3A_765] {strides = array<i32>} : memref<128x16xf32, #tpu.memory_space<vmem>>, vector<16xf32>,
        %get3A_767 = arith.index_cast %add3A_760 : i32 to index
        %get3A_768 = arith.constant 0 : index
        %get3A_769 = tpu.vector_load %arg39[%get3A_767, %get3A_768] {strides = array<i32>} : memref<128x16xf32, #tpu.memory_space<vmem>>, vector<16xf32>,
        %mul3A_770 = arith.mulf %gather3A_741, %get3A_763 : vector<16xf32>
        %mul3A_771 = arith.mulf %gather3A_744, %get3A_766 : vector<16xf32>
        %add3A_772 = arith.addf %mul3A_770, %mul3A_771 : vector<16xf32>
        %mul3A_773 = arith.mulf %gather3A_747, %get3A_769 : vector<16xf32>
        %add3A_774 = arith.addf %add3A_772, %mul3A_773 : vector<16xf32>
        %swap3A_775 = arith.index_cast %add3A_760 : i32 to index
        %swap3A_776 = arith.constant 0 : index
        %swap3A_777 = tpu.vector_load %arg37[%swap3A_775, %swap3A_776] {strides = array<i32>} : memref<128x16xf32, #tpu.memory_space<vmem>>, vector<16xf32>,
        tpu.vector_store %arg37[%swap3A_775, %swap3A_776], %add3A_774 {strides = array<i32>} : memref<128x16xf32, #tpu.memory_space<vmem>>, vector<16xf32>,
        %mul3A_778 = arith.mulf %gather3A_744, %get3A_763 : vector<16xf32>
        %mul3A_779 = arith.mulf %gather3A_750, %get3A_766 : vector<16xf32>
        %add3A_780 = arith.addf %mul3A_778, %mul3A_779 : vector<16xf32>
        %mul3A_781 = arith.mulf %gather3A_753, %get3A_769 : vector<16xf32>
        %add3A_782 = arith.addf %add3A_780, %mul3A_781 : vector<16xf32>
        %swap3A_783 = arith.index_cast %add3A_760 : i32 to index
        %swap3A_784 = arith.constant 0 : index
        %swap3A_785 = tpu.vector_load %arg38[%swap3A_783, %swap3A_784] {strides = array<i32>} : memref<128x16xf32, #tpu.memory_space<vmem>>, vector<16xf32>,
        tpu.vector_store %arg38[%swap3A_783, %swap3A_784], %add3A_782 {strides = array<i32>} : memref<128x16xf32, #tpu.memory_space<vmem>>, vector<16xf32>,
        %mul3A_786 = arith.mulf %gather3A_747, %get3A_763 : vector<16xf32>
        %mul3A_787 = arith.mulf %gather3A_753, %get3A_766 : vector<16xf32>
        %add3A_788 = arith.addf %mul3A_786, %mul3A_787 : vector<16xf32>
        %mul3A_789 = arith.mulf %gather3A_756, %get3A_769 : vector<16xf32>
        %add3A_790 = arith.addf %add3A_788, %mul3A_789 : vector<16xf32>
        %swap3A_791 = arith.index_cast %add3A_760 : i32 to index
        %swap3A_792 = arith.constant 0 : index
        %swap3A_793 = tpu.vector_load %arg39[%swap3A_791, %swap3A_792] {strides = array<i32>} : memref<128x16xf32, #tpu.memory_space<vmem>>, vector<16xf32>,
        tpu.vector_store %arg39[%swap3A_791, %swap3A_792], %add3A_790 {strides = array<i32>} : memref<128x16xf32, #tpu.memory_space<vmem>>, vector<16xf32>,
        %broadcast_in_dim3A_794 = arith.constant 10 : i32
        %broadcast_in_dim3A_795 = vector.broadcast %broadcast_in_dim3A_794 : i32 to vector<16xi32>
        %reshape3A_796 = vector.shape_cast %broadcast_in_dim3A_795 : vector<16xi32> to vector<16x1xi32>
        %gather3A_797 = vector.shape_cast %reshape3A_796 : vector<16x1xi32> to vector<16xi32>
        %gather3A_798 = tpu.dynamic_gather %mul3A_205[%gather3A_797] in [0] : vector<16xf32>, vector<16xi32> -> vector<16xf32>
        %reshape3A_799 = vector.shape_cast %broadcast_in_dim3A_795 : vector<16xi32> to vector<16x1xi32>
        %gather3A_800 = vector.shape_cast %reshape3A_799 : vector<16x1xi32> to vector<16xi32>
        %gather3A_801 = tpu.dynamic_gather %mul3A_209[%gather3A_800] in [0] : vector<16xf32>, vector<16xi32> -> vector<16xf32>
        %reshape3A_802 = vector.shape_cast %broadcast_in_dim3A_795 : vector<16xi32> to vector<16x1xi32>
        %gather3A_803 = vector.shape_cast %reshape3A_802 : vector<16x1xi32> to vector<16xi32>
        %gather3A_804 = tpu.dynamic_gather %mul3A_213[%gather3A_803] in [0] : vector<16xf32>, vector<16xi32> -> vector<16xf32>
        %reshape3A_805 = vector.shape_cast %broadcast_in_dim3A_795 : vector<16xi32> to vector<16x1xi32>
        %gather3A_806 = vector.shape_cast %reshape3A_805 : vector<16x1xi32> to vector<16xi32>
        %gather3A_807 = tpu.dynamic_gather %mul3A_217[%gather3A_806] in [0] : vector<16xf32>, vector<16xi32> -> vector<16xf32>
        %reshape3A_808 = vector.shape_cast %broadcast_in_dim3A_795 : vector<16xi32> to vector<16x1xi32>
        %gather3A_809 = vector.shape_cast %reshape3A_808 : vector<16x1xi32> to vector<16xi32>
        %gather3A_810 = tpu.dynamic_gather %mul3A_221[%gather3A_809] in [0] : vector<16xf32>, vector<16xi32> -> vector<16xf32>
        %reshape3A_811 = vector.shape_cast %broadcast_in_dim3A_795 : vector<16xi32> to vector<16x1xi32>
        %gather3A_812 = vector.shape_cast %reshape3A_811 : vector<16x1xi32> to vector<16xi32>
        %gather3A_813 = tpu.dynamic_gather %mul3A_225[%gather3A_812] in [0] : vector<16xf32>, vector<16xi32> -> vector<16xf32>
        %mul3A_814 = arith.constant 16 : i32
        %mul3A_815 = arith.muli %scan3A_151, %mul3A_814 : i32
        %add3A_816 = arith.constant 10 : i32
        %add3A_817 = arith.addi %mul3A_815, %add3A_816 : i32
        %get3A_818 = arith.index_cast %add3A_817 : i32 to index
        %get3A_819 = arith.constant 0 : index
        %get3A_820 = tpu.vector_load %arg37[%get3A_818, %get3A_819] {strides = array<i32>} : memref<128x16xf32, #tpu.memory_space<vmem>>, vector<16xf32>,
        %get3A_821 = arith.index_cast %add3A_817 : i32 to index
        %get3A_822 = arith.constant 0 : index
        %get3A_823 = tpu.vector_load %arg38[%get3A_821, %get3A_822] {strides = array<i32>} : memref<128x16xf32, #tpu.memory_space<vmem>>, vector<16xf32>,
        %get3A_824 = arith.index_cast %add3A_817 : i32 to index
        %get3A_825 = arith.constant 0 : index
        %get3A_826 = tpu.vector_load %arg39[%get3A_824, %get3A_825] {strides = array<i32>} : memref<128x16xf32, #tpu.memory_space<vmem>>, vector<16xf32>,
        %mul3A_827 = arith.mulf %gather3A_798, %get3A_820 : vector<16xf32>
        %mul3A_828 = arith.mulf %gather3A_801, %get3A_823 : vector<16xf32>
        %add3A_829 = arith.addf %mul3A_827, %mul3A_828 : vector<16xf32>
        %mul3A_830 = arith.mulf %gather3A_804, %get3A_826 : vector<16xf32>
        %add3A_831 = arith.addf %add3A_829, %mul3A_830 : vector<16xf32>
        %swap3A_832 = arith.index_cast %add3A_817 : i32 to index
        %swap3A_833 = arith.constant 0 : index
        %swap3A_834 = tpu.vector_load %arg37[%swap3A_832, %swap3A_833] {strides = array<i32>} : memref<128x16xf32, #tpu.memory_space<vmem>>, vector<16xf32>,
        tpu.vector_store %arg37[%swap3A_832, %swap3A_833], %add3A_831 {strides = array<i32>} : memref<128x16xf32, #tpu.memory_space<vmem>>, vector<16xf32>,
        %mul3A_835 = arith.mulf %gather3A_801, %get3A_820 : vector<16xf32>
        %mul3A_836 = arith.mulf %gather3A_807, %get3A_823 : vector<16xf32>
        %add3A_837 = arith.addf %mul3A_835, %mul3A_836 : vector<16xf32>
        %mul3A_838 = arith.mulf %gather3A_810, %get3A_826 : vector<16xf32>
        %add3A_839 = arith.addf %add3A_837, %mul3A_838 : vector<16xf32>
        %swap3A_840 = arith.index_cast %add3A_817 : i32 to index
        %swap3A_841 = arith.constant 0 : index
        %swap3A_842 = tpu.vector_load %arg38[%swap3A_840, %swap3A_841] {strides = array<i32>} : memref<128x16xf32, #tpu.memory_space<vmem>>, vector<16xf32>,
        tpu.vector_store %arg38[%swap3A_840, %swap3A_841], %add3A_839 {strides = array<i32>} : memref<128x16xf32, #tpu.memory_space<vmem>>, vector<16xf32>,
        %mul3A_843 = arith.mulf %gather3A_804, %get3A_820 : vector<16xf32>
        %mul3A_844 = arith.mulf %gather3A_810, %get3A_823 : vector<16xf32>
        %add3A_845 = arith.addf %mul3A_843, %mul3A_844 : vector<16xf32>
        %mul3A_846 = arith.mulf %gather3A_813, %get3A_826 : vector<16xf32>
        %add3A_847 = arith.addf %add3A_845, %mul3A_846 : vector<16xf32>
        %swap3A_848 = arith.index_cast %add3A_817 : i32 to index
        %swap3A_849 = arith.constant 0 : index
        %swap3A_850 = tpu.vector_load %arg39[%swap3A_848, %swap3A_849] {strides = array<i32>} : memref<128x16xf32, #tpu.memory_space<vmem>>, vector<16xf32>,
        tpu.vector_store %arg39[%swap3A_848, %swap3A_849], %add3A_847 {strides = array<i32>} : memref<128x16xf32, #tpu.memory_space<vmem>>, vector<16xf32>,
        %broadcast_in_dim3A_851 = arith.constant 11 : i32
        %broadcast_in_dim3A_852 = vector.broadcast %broadcast_in_dim3A_851 : i32 to vector<16xi32>
        %reshape3A_853 = vector.shape_cast %broadcast_in_dim3A_852 : vector<16xi32> to vector<16x1xi32>
        %gather3A_854 = vector.shape_cast %reshape3A_853 : vector<16x1xi32> to vector<16xi32>
        %gather3A_855 = tpu.dynamic_gather %mul3A_205[%gather3A_854] in [0] : vector<16xf32>, vector<16xi32> -> vector<16xf32>
        %reshape3A_856 = vector.shape_cast %broadcast_in_dim3A_852 : vector<16xi32> to vector<16x1xi32>
        %gather3A_857 = vector.shape_cast %reshape3A_856 : vector<16x1xi32> to vector<16xi32>
        %gather3A_858 = tpu.dynamic_gather %mul3A_209[%gather3A_857] in [0] : vector<16xf32>, vector<16xi32> -> vector<16xf32>
        %reshape3A_859 = vector.shape_cast %broadcast_in_dim3A_852 : vector<16xi32> to vector<16x1xi32>
        %gather3A_860 = vector.shape_cast %reshape3A_859 : vector<16x1xi32> to vector<16xi32>
        %gather3A_861 = tpu.dynamic_gather %mul3A_213[%gather3A_860] in [0] : vector<16xf32>, vector<16xi32> -> vector<16xf32>
        %reshape3A_862 = vector.shape_cast %broadcast_in_dim3A_852 : vector<16xi32> to vector<16x1xi32>
        %gather3A_863 = vector.shape_cast %reshape3A_862 : vector<16x1xi32> to vector<16xi32>
        %gather3A_864 = tpu.dynamic_gather %mul3A_217[%gather3A_863] in [0] : vector<16xf32>, vector<16xi32> -> vector<16xf32>
        %reshape3A_865 = vector.shape_cast %broadcast_in_dim3A_852 : vector<16xi32> to vector<16x1xi32>
        %gather3A_866 = vector.shape_cast %reshape3A_865 : vector<16x1xi32> to vector<16xi32>
        %gather3A_867 = tpu.dynamic_gather %mul3A_221[%gather3A_866] in [0] : vector<16xf32>, vector<16xi32> -> vector<16xf32>
        %reshape3A_868 = vector.shape_cast %broadcast_in_dim3A_852 : vector<16xi32> to vector<16x1xi32>
        %gather3A_869 = vector.shape_cast %reshape3A_868 : vector<16x1xi32> to vector<16xi32>
        %gather3A_870 = tpu.dynamic_gather %mul3A_225[%gather3A_869] in [0] : vector<16xf32>, vector<16xi32> -> vector<16xf32>
        %mul3A_871 = arith.constant 16 : i32
        %mul3A_872 = arith.muli %scan3A_151, %mul3A_871 : i32
        %add3A_873 = arith.constant 11 : i32
        %add3A_874 = arith.addi %mul3A_872, %add3A_873 : i32
        %get3A_875 = arith.index_cast %add3A_874 : i32 to index
        %get3A_876 = arith.constant 0 : index
        %get3A_877 = tpu.vector_load %arg37[%get3A_875, %get3A_876] {strides = array<i32>} : memref<128x16xf32, #tpu.memory_space<vmem>>, vector<16xf32>,
        %get3A_878 = arith.index_cast %add3A_874 : i32 to index
        %get3A_879 = arith.constant 0 : index
        %get3A_880 = tpu.vector_load %arg38[%get3A_878, %get3A_879] {strides = array<i32>} : memref<128x16xf32, #tpu.memory_space<vmem>>, vector<16xf32>,
        %get3A_881 = arith.index_cast %add3A_874 : i32 to index
        %get3A_882 = arith.constant 0 : index
        %get3A_883 = tpu.vector_load %arg39[%get3A_881, %get3A_882] {strides = array<i32>} : memref<128x16xf32, #tpu.memory_space<vmem>>, vector<16xf32>,
        %mul3A_884 = arith.mulf %gather3A_855, %get3A_877 : vector<16xf32>
        %mul3A_885 = arith.mulf %gather3A_858, %get3A_880 : vector<16xf32>
        %add3A_886 = arith.addf %mul3A_884, %mul3A_885 : vector<16xf32>
        %mul3A_887 = arith.mulf %gather3A_861, %get3A_883 : vector<16xf32>
        %add3A_888 = arith.addf %add3A_886, %mul3A_887 : vector<16xf32>
        %swap3A_889 = arith.index_cast %add3A_874 : i32 to index
        %swap3A_890 = arith.constant 0 : index
        %swap3A_891 = tpu.vector_load %arg37[%swap3A_889, %swap3A_890] {strides = array<i32>} : memref<128x16xf32, #tpu.memory_space<vmem>>, vector<16xf32>,
        tpu.vector_store %arg37[%swap3A_889, %swap3A_890], %add3A_888 {strides = array<i32>} : memref<128x16xf32, #tpu.memory_space<vmem>>, vector<16xf32>,
        %mul3A_892 = arith.mulf %gather3A_858, %get3A_877 : vector<16xf32>
        %mul3A_893 = arith.mulf %gather3A_864, %get3A_880 : vector<16xf32>
        %add3A_894 = arith.addf %mul3A_892, %mul3A_893 : vector<16xf32>
        %mul3A_895 = arith.mulf %gather3A_867, %get3A_883 : vector<16xf32>
        %add3A_896 = arith.addf %add3A_894, %mul3A_895 : vector<16xf32>
        %swap3A_897 = arith.index_cast %add3A_874 : i32 to index
        %swap3A_898 = arith.constant 0 : index
        %swap3A_899 = tpu.vector_load %arg38[%swap3A_897, %swap3A_898] {strides = array<i32>} : memref<128x16xf32, #tpu.memory_space<vmem>>, vector<16xf32>,
        tpu.vector_store %arg38[%swap3A_897, %swap3A_898], %add3A_896 {strides = array<i32>} : memref<128x16xf32, #tpu.memory_space<vmem>>, vector<16xf32>,
        %mul3A_900 = arith.mulf %gather3A_861, %get3A_877 : vector<16xf32>
        %mul3A_901 = arith.mulf %gather3A_867, %get3A_880 : vector<16xf32>
        %add3A_902 = arith.addf %mul3A_900, %mul3A_901 : vector<16xf32>
        %mul3A_903 = arith.mulf %gather3A_870, %get3A_883 : vector<16xf32>
        %add3A_904 = arith.addf %add3A_902, %mul3A_903 : vector<16xf32>
        %swap3A_905 = arith.index_cast %add3A_874 : i32 to index
        %swap3A_906 = arith.constant 0 : index
        %swap3A_907 = tpu.vector_load %arg39[%swap3A_905, %swap3A_906] {strides = array<i32>} : memref<128x16xf32, #tpu.memory_space<vmem>>, vector<16xf32>,
        tpu.vector_store %arg39[%swap3A_905, %swap3A_906], %add3A_904 {strides = array<i32>} : memref<128x16xf32, #tpu.memory_space<vmem>>, vector<16xf32>,
        %broadcast_in_dim3A_908 = arith.constant 12 : i32
        %broadcast_in_dim3A_909 = vector.broadcast %broadcast_in_dim3A_908 : i32 to vector<16xi32>
        %reshape3A_910 = vector.shape_cast %broadcast_in_dim3A_909 : vector<16xi32> to vector<16x1xi32>
        %gather3A_911 = vector.shape_cast %reshape3A_910 : vector<16x1xi32> to vector<16xi32>
        %gather3A_912 = tpu.dynamic_gather %mul3A_205[%gather3A_911] in [0] : vector<16xf32>, vector<16xi32> -> vector<16xf32>
        %reshape3A_913 = vector.shape_cast %broadcast_in_dim3A_909 : vector<16xi32> to vector<16x1xi32>
        %gather3A_914 = vector.shape_cast %reshape3A_913 : vector<16x1xi32> to vector<16xi32>
        %gather3A_915 = tpu.dynamic_gather %mul3A_209[%gather3A_914] in [0] : vector<16xf32>, vector<16xi32> -> vector<16xf32>
        %reshape3A_916 = vector.shape_cast %broadcast_in_dim3A_909 : vector<16xi32> to vector<16x1xi32>
        %gather3A_917 = vector.shape_cast %reshape3A_916 : vector<16x1xi32> to vector<16xi32>
        %gather3A_918 = tpu.dynamic_gather %mul3A_213[%gather3A_917] in [0] : vector<16xf32>, vector<16xi32> -> vector<16xf32>
        %reshape3A_919 = vector.shape_cast %broadcast_in_dim3A_909 : vector<16xi32> to vector<16x1xi32>
        %gather3A_920 = vector.shape_cast %reshape3A_919 : vector<16x1xi32> to vector<16xi32>
        %gather3A_921 = tpu.dynamic_gather %mul3A_217[%gather3A_920] in [0] : vector<16xf32>, vector<16xi32> -> vector<16xf32>
        %reshape3A_922 = vector.shape_cast %broadcast_in_dim3A_909 : vector<16xi32> to vector<16x1xi32>
        %gather3A_923 = vector.shape_cast %reshape3A_922 : vector<16x1xi32> to vector<16xi32>
        %gather3A_924 = tpu.dynamic_gather %mul3A_221[%gather3A_923] in [0] : vector<16xf32>, vector<16xi32> -> vector<16xf32>
        %reshape3A_925 = vector.shape_cast %broadcast_in_dim3A_909 : vector<16xi32> to vector<16x1xi32>
        %gather3A_926 = vector.shape_cast %reshape3A_925 : vector<16x1xi32> to vector<16xi32>
        %gather3A_927 = tpu.dynamic_gather %mul3A_225[%gather3A_926] in [0] : vector<16xf32>, vector<16xi32> -> vector<16xf32>
        %mul3A_928 = arith.constant 16 : i32
        %mul3A_929 = arith.muli %scan3A_151, %mul3A_928 : i32
        %add3A_930 = arith.constant 12 : i32
        %add3A_931 = arith.addi %mul3A_929, %add3A_930 : i32
        %get3A_932 = arith.index_cast %add3A_931 : i32 to index
        %get3A_933 = arith.constant 0 : index
        %get3A_934 = tpu.vector_load %arg37[%get3A_932, %get3A_933] {strides = array<i32>} : memref<128x16xf32, #tpu.memory_space<vmem>>, vector<16xf32>,
        %get3A_935 = arith.index_cast %add3A_931 : i32 to index
        %get3A_936 = arith.constant 0 : index
        %get3A_937 = tpu.vector_load %arg38[%get3A_935, %get3A_936] {strides = array<i32>} : memref<128x16xf32, #tpu.memory_space<vmem>>, vector<16xf32>,
        %get3A_938 = arith.index_cast %add3A_931 : i32 to index
        %get3A_939 = arith.constant 0 : index
        %get3A_940 = tpu.vector_load %arg39[%get3A_938, %get3A_939] {strides = array<i32>} : memref<128x16xf32, #tpu.memory_space<vmem>>, vector<16xf32>,
        %mul3A_941 = arith.mulf %gather3A_912, %get3A_934 : vector<16xf32>
        %mul3A_942 = arith.mulf %gather3A_915, %get3A_937 : vector<16xf32>
        %add3A_943 = arith.addf %mul3A_941, %mul3A_942 : vector<16xf32>
        %mul3A_944 = arith.mulf %gather3A_918, %get3A_940 : vector<16xf32>
        %add3A_945 = arith.addf %add3A_943, %mul3A_944 : vector<16xf32>
        %swap3A_946 = arith.index_cast %add3A_931 : i32 to index
        %swap3A_947 = arith.constant 0 : index
        %swap3A_948 = tpu.vector_load %arg37[%swap3A_946, %swap3A_947] {strides = array<i32>} : memref<128x16xf32, #tpu.memory_space<vmem>>, vector<16xf32>,
        tpu.vector_store %arg37[%swap3A_946, %swap3A_947], %add3A_945 {strides = array<i32>} : memref<128x16xf32, #tpu.memory_space<vmem>>, vector<16xf32>,
        %mul3A_949 = arith.mulf %gather3A_915, %get3A_934 : vector<16xf32>
        %mul3A_950 = arith.mulf %gather3A_921, %get3A_937 : vector<16xf32>
        %add3A_951 = arith.addf %mul3A_949, %mul3A_950 : vector<16xf32>
        %mul3A_952 = arith.mulf %gather3A_924, %get3A_940 : vector<16xf32>
        %add3A_953 = arith.addf %add3A_951, %mul3A_952 : vector<16xf32>
        %swap3A_954 = arith.index_cast %add3A_931 : i32 to index
        %swap3A_955 = arith.constant 0 : index
        %swap3A_956 = tpu.vector_load %arg38[%swap3A_954, %swap3A_955] {strides = array<i32>} : memref<128x16xf32, #tpu.memory_space<vmem>>, vector<16xf32>,
        tpu.vector_store %arg38[%swap3A_954, %swap3A_955], %add3A_953 {strides = array<i32>} : memref<128x16xf32, #tpu.memory_space<vmem>>, vector<16xf32>,
        %mul3A_957 = arith.mulf %gather3A_918, %get3A_934 : vector<16xf32>
        %mul3A_958 = arith.mulf %gather3A_924, %get3A_937 : vector<16xf32>
        %add3A_959 = arith.addf %mul3A_957, %mul3A_958 : vector<16xf32>
        %mul3A_960 = arith.mulf %gather3A_927, %get3A_940 : vector<16xf32>
        %add3A_961 = arith.addf %add3A_959, %mul3A_960 : vector<16xf32>
        %swap3A_962 = arith.index_cast %add3A_931 : i32 to index
        %swap3A_963 = arith.constant 0 : index
        %swap3A_964 = tpu.vector_load %arg39[%swap3A_962, %swap3A_963] {strides = array<i32>} : memref<128x16xf32, #tpu.memory_space<vmem>>, vector<16xf32>,
        tpu.vector_store %arg39[%swap3A_962, %swap3A_963], %add3A_961 {strides = array<i32>} : memref<128x16xf32, #tpu.memory_space<vmem>>, vector<16xf32>,
        %broadcast_in_dim3A_965 = arith.constant 13 : i32
        %broadcast_in_dim3A_966 = vector.broadcast %broadcast_in_dim3A_965 : i32 to vector<16xi32>
        %reshape3A_967 = vector.shape_cast %broadcast_in_dim3A_966 : vector<16xi32> to vector<16x1xi32>
        %gather3A_968 = vector.shape_cast %reshape3A_967 : vector<16x1xi32> to vector<16xi32>
        %gather3A_969 = tpu.dynamic_gather %mul3A_205[%gather3A_968] in [0] : vector<16xf32>, vector<16xi32> -> vector<16xf32>
        %reshape3A_970 = vector.shape_cast %broadcast_in_dim3A_966 : vector<16xi32> to vector<16x1xi32>
        %gather3A_971 = vector.shape_cast %reshape3A_970 : vector<16x1xi32> to vector<16xi32>
        %gather3A_972 = tpu.dynamic_gather %mul3A_209[%gather3A_971] in [0] : vector<16xf32>, vector<16xi32> -> vector<16xf32>
        %reshape3A_973 = vector.shape_cast %broadcast_in_dim3A_966 : vector<16xi32> to vector<16x1xi32>
        %gather3A_974 = vector.shape_cast %reshape3A_973 : vector<16x1xi32> to vector<16xi32>
        %gather3A_975 = tpu.dynamic_gather %mul3A_213[%gather3A_974] in [0] : vector<16xf32>, vector<16xi32> -> vector<16xf32>
        %reshape3A_976 = vector.shape_cast %broadcast_in_dim3A_966 : vector<16xi32> to vector<16x1xi32>
        %gather3A_977 = vector.shape_cast %reshape3A_976 : vector<16x1xi32> to vector<16xi32>
        %gather3A_978 = tpu.dynamic_gather %mul3A_217[%gather3A_977] in [0] : vector<16xf32>, vector<16xi32> -> vector<16xf32>
        %reshape3A_979 = vector.shape_cast %broadcast_in_dim3A_966 : vector<16xi32> to vector<16x1xi32>
        %gather3A_980 = vector.shape_cast %reshape3A_979 : vector<16x1xi32> to vector<16xi32>
        %gather3A_981 = tpu.dynamic_gather %mul3A_221[%gather3A_980] in [0] : vector<16xf32>, vector<16xi32> -> vector<16xf32>
        %reshape3A_982 = vector.shape_cast %broadcast_in_dim3A_966 : vector<16xi32> to vector<16x1xi32>
        %gather3A_983 = vector.shape_cast %reshape3A_982 : vector<16x1xi32> to vector<16xi32>
        %gather3A_984 = tpu.dynamic_gather %mul3A_225[%gather3A_983] in [0] : vector<16xf32>, vector<16xi32> -> vector<16xf32>
        %mul3A_985 = arith.constant 16 : i32
        %mul3A_986 = arith.muli %scan3A_151, %mul3A_985 : i32
        %add3A_987 = arith.constant 13 : i32
        %add3A_988 = arith.addi %mul3A_986, %add3A_987 : i32
        %get3A_989 = arith.index_cast %add3A_988 : i32 to index
        %get3A_990 = arith.constant 0 : index
        %get3A_991 = tpu.vector_load %arg37[%get3A_989, %get3A_990] {strides = array<i32>} : memref<128x16xf32, #tpu.memory_space<vmem>>, vector<16xf32>,
        %get3A_992 = arith.index_cast %add3A_988 : i32 to index
        %get3A_993 = arith.constant 0 : index
        %get3A_994 = tpu.vector_load %arg38[%get3A_992, %get3A_993] {strides = array<i32>} : memref<128x16xf32, #tpu.memory_space<vmem>>, vector<16xf32>,
        %get3A_995 = arith.index_cast %add3A_988 : i32 to index
        %get3A_996 = arith.constant 0 : index
        %get3A_997 = tpu.vector_load %arg39[%get3A_995, %get3A_996] {strides = array<i32>} : memref<128x16xf32, #tpu.memory_space<vmem>>, vector<16xf32>,
        %mul3A_998 = arith.mulf %gather3A_969, %get3A_991 : vector<16xf32>
        %mul3A_999 = arith.mulf %gather3A_972, %get3A_994 : vector<16xf32>
        %add3A_1000 = arith.addf %mul3A_998, %mul3A_999 : vector<16xf32>
        %mul3A_1001 = arith.mulf %gather3A_975, %get3A_997 : vector<16xf32>
        %add3A_1002 = arith.addf %add3A_1000, %mul3A_1001 : vector<16xf32>
        %swap3A_1003 = arith.index_cast %add3A_988 : i32 to index
        %swap3A_1004 = arith.constant 0 : index
        %swap3A_1005 = tpu.vector_load %arg37[%swap3A_1003, %swap3A_1004] {strides = array<i32>} : memref<128x16xf32, #tpu.memory_space<vmem>>, vector<16xf32>,
        tpu.vector_store %arg37[%swap3A_1003, %swap3A_1004], %add3A_1002 {strides = array<i32>} : memref<128x16xf32, #tpu.memory_space<vmem>>, vector<16xf32>,
        %mul3A_1006 = arith.mulf %gather3A_972, %get3A_991 : vector<16xf32>
        %mul3A_1007 = arith.mulf %gather3A_978, %get3A_994 : vector<16xf32>
        %add3A_1008 = arith.addf %mul3A_1006, %mul3A_1007 : vector<16xf32>
        %mul3A_1009 = arith.mulf %gather3A_981, %get3A_997 : vector<16xf32>
        %add3A_1010 = arith.addf %add3A_1008, %mul3A_1009 : vector<16xf32>
        %swap3A_1011 = arith.index_cast %add3A_988 : i32 to index
        %swap3A_1012 = arith.constant 0 : index
        %swap3A_1013 = tpu.vector_load %arg38[%swap3A_1011, %swap3A_1012] {strides = array<i32>} : memref<128x16xf32, #tpu.memory_space<vmem>>, vector<16xf32>,
        tpu.vector_store %arg38[%swap3A_1011, %swap3A_1012], %add3A_1010 {strides = array<i32>} : memref<128x16xf32, #tpu.memory_space<vmem>>, vector<16xf32>,
        %mul3A_1014 = arith.mulf %gather3A_975, %get3A_991 : vector<16xf32>
        %mul3A_1015 = arith.mulf %gather3A_981, %get3A_994 : vector<16xf32>
        %add3A_1016 = arith.addf %mul3A_1014, %mul3A_1015 : vector<16xf32>
        %mul3A_1017 = arith.mulf %gather3A_984, %get3A_997 : vector<16xf32>
        %add3A_1018 = arith.addf %add3A_1016, %mul3A_1017 : vector<16xf32>
        %swap3A_1019 = arith.index_cast %add3A_988 : i32 to index
        %swap3A_1020 = arith.constant 0 : index
        %swap3A_1021 = tpu.vector_load %arg39[%swap3A_1019, %swap3A_1020] {strides = array<i32>} : memref<128x16xf32, #tpu.memory_space<vmem>>, vector<16xf32>,
        tpu.vector_store %arg39[%swap3A_1019, %swap3A_1020], %add3A_1018 {strides = array<i32>} : memref<128x16xf32, #tpu.memory_space<vmem>>, vector<16xf32>,
        %broadcast_in_dim3A_1022 = arith.constant 14 : i32
        %broadcast_in_dim3A_1023 = vector.broadcast %broadcast_in_dim3A_1022 : i32 to vector<16xi32>
        %reshape3A_1024 = vector.shape_cast %broadcast_in_dim3A_1023 : vector<16xi32> to vector<16x1xi32>
        %gather3A_1025 = vector.shape_cast %reshape3A_1024 : vector<16x1xi32> to vector<16xi32>
        %gather3A_1026 = tpu.dynamic_gather %mul3A_205[%gather3A_1025] in [0] : vector<16xf32>, vector<16xi32> -> vector<16xf32>
        %reshape3A_1027 = vector.shape_cast %broadcast_in_dim3A_1023 : vector<16xi32> to vector<16x1xi32>
        %gather3A_1028 = vector.shape_cast %reshape3A_1027 : vector<16x1xi32> to vector<16xi32>
        %gather3A_1029 = tpu.dynamic_gather %mul3A_209[%gather3A_1028] in [0] : vector<16xf32>, vector<16xi32> -> vector<16xf32>
        %reshape3A_1030 = vector.shape_cast %broadcast_in_dim3A_1023 : vector<16xi32> to vector<16x1xi32>
        %gather3A_1031 = vector.shape_cast %reshape3A_1030 : vector<16x1xi32> to vector<16xi32>
        %gather3A_1032 = tpu.dynamic_gather %mul3A_213[%gather3A_1031] in [0] : vector<16xf32>, vector<16xi32> -> vector<16xf32>
        %reshape3A_1033 = vector.shape_cast %broadcast_in_dim3A_1023 : vector<16xi32> to vector<16x1xi32>
        %gather3A_1034 = vector.shape_cast %reshape3A_1033 : vector<16x1xi32> to vector<16xi32>
        %gather3A_1035 = tpu.dynamic_gather %mul3A_217[%gather3A_1034] in [0] : vector<16xf32>, vector<16xi32> -> vector<16xf32>
        %reshape3A_1036 = vector.shape_cast %broadcast_in_dim3A_1023 : vector<16xi32> to vector<16x1xi32>
        %gather3A_1037 = vector.shape_cast %reshape3A_1036 : vector<16x1xi32> to vector<16xi32>
        %gather3A_1038 = tpu.dynamic_gather %mul3A_221[%gather3A_1037] in [0] : vector<16xf32>, vector<16xi32> -> vector<16xf32>
        %reshape3A_1039 = vector.shape_cast %broadcast_in_dim3A_1023 : vector<16xi32> to vector<16x1xi32>
        %gather3A_1040 = vector.shape_cast %reshape3A_1039 : vector<16x1xi32> to vector<16xi32>
        %gather3A_1041 = tpu.dynamic_gather %mul3A_225[%gather3A_1040] in [0] : vector<16xf32>, vector<16xi32> -> vector<16xf32>
        %mul3A_1042 = arith.constant 16 : i32
        %mul3A_1043 = arith.muli %scan3A_151, %mul3A_1042 : i32
        %add3A_1044 = arith.constant 14 : i32
        %add3A_1045 = arith.addi %mul3A_1043, %add3A_1044 : i32
        %get3A_1046 = arith.index_cast %add3A_1045 : i32 to index
        %get3A_1047 = arith.constant 0 : index
        %get3A_1048 = tpu.vector_load %arg37[%get3A_1046, %get3A_1047] {strides = array<i32>} : memref<128x16xf32, #tpu.memory_space<vmem>>, vector<16xf32>,
        %get3A_1049 = arith.index_cast %add3A_1045 : i32 to index
        %get3A_1050 = arith.constant 0 : index
        %get3A_1051 = tpu.vector_load %arg38[%get3A_1049, %get3A_1050] {strides = array<i32>} : memref<128x16xf32, #tpu.memory_space<vmem>>, vector<16xf32>,
        %get3A_1052 = arith.index_cast %add3A_1045 : i32 to index
        %get3A_1053 = arith.constant 0 : index
        %get3A_1054 = tpu.vector_load %arg39[%get3A_1052, %get3A_1053] {strides = array<i32>} : memref<128x16xf32, #tpu.memory_space<vmem>>, vector<16xf32>,
        %mul3A_1055 = arith.mulf %gather3A_1026, %get3A_1048 : vector<16xf32>
        %mul3A_1056 = arith.mulf %gather3A_1029, %get3A_1051 : vector<16xf32>
        %add3A_1057 = arith.addf %mul3A_1055, %mul3A_1056 : vector<16xf32>
        %mul3A_1058 = arith.mulf %gather3A_1032, %get3A_1054 : vector<16xf32>
        %add3A_1059 = arith.addf %add3A_1057, %mul3A_1058 : vector<16xf32>
        %swap3A_1060 = arith.index_cast %add3A_1045 : i32 to index
        %swap3A_1061 = arith.constant 0 : index
        %swap3A_1062 = tpu.vector_load %arg37[%swap3A_1060, %swap3A_1061] {strides = array<i32>} : memref<128x16xf32, #tpu.memory_space<vmem>>, vector<16xf32>,
        tpu.vector_store %arg37[%swap3A_1060, %swap3A_1061], %add3A_1059 {strides = array<i32>} : memref<128x16xf32, #tpu.memory_space<vmem>>, vector<16xf32>,
        %mul3A_1063 = arith.mulf %gather3A_1029, %get3A_1048 : vector<16xf32>
        %mul3A_1064 = arith.mulf %gather3A_1035, %get3A_1051 : vector<16xf32>
        %add3A_1065 = arith.addf %mul3A_1063, %mul3A_1064 : vector<16xf32>
        %mul3A_1066 = arith.mulf %gather3A_1038, %get3A_1054 : vector<16xf32>
        %add3A_1067 = arith.addf %add3A_1065, %mul3A_1066 : vector<16xf32>
        %swap3A_1068 = arith.index_cast %add3A_1045 : i32 to index
        %swap3A_1069 = arith.constant 0 : index
        %swap3A_1070 = tpu.vector_load %arg38[%swap3A_1068, %swap3A_1069] {strides = array<i32>} : memref<128x16xf32, #tpu.memory_space<vmem>>, vector<16xf32>,
        tpu.vector_store %arg38[%swap3A_1068, %swap3A_1069], %add3A_1067 {strides = array<i32>} : memref<128x16xf32, #tpu.memory_space<vmem>>, vector<16xf32>,
        %mul3A_1071 = arith.mulf %gather3A_1032, %get3A_1048 : vector<16xf32>
        %mul3A_1072 = arith.mulf %gather3A_1038, %get3A_1051 : vector<16xf32>
        %add3A_1073 = arith.addf %mul3A_1071, %mul3A_1072 : vector<16xf32>
        %mul3A_1074 = arith.mulf %gather3A_1041, %get3A_1054 : vector<16xf32>
        %add3A_1075 = arith.addf %add3A_1073, %mul3A_1074 : vector<16xf32>
        %swap3A_1076 = arith.index_cast %add3A_1045 : i32 to index
        %swap3A_1077 = arith.constant 0 : index
        %swap3A_1078 = tpu.vector_load %arg39[%swap3A_1076, %swap3A_1077] {strides = array<i32>} : memref<128x16xf32, #tpu.memory_space<vmem>>, vector<16xf32>,
        tpu.vector_store %arg39[%swap3A_1076, %swap3A_1077], %add3A_1075 {strides = array<i32>} : memref<128x16xf32, #tpu.memory_space<vmem>>, vector<16xf32>,
        %broadcast_in_dim3A_1079 = arith.constant 15 : i32
        %broadcast_in_dim3A_1080 = vector.broadcast %broadcast_in_dim3A_1079 : i32 to vector<16xi32>
        %reshape3A_1081 = vector.shape_cast %broadcast_in_dim3A_1080 : vector<16xi32> to vector<16x1xi32>
        %gather3A_1082 = vector.shape_cast %reshape3A_1081 : vector<16x1xi32> to vector<16xi32>
        %gather3A_1083 = tpu.dynamic_gather %mul3A_205[%gather3A_1082] in [0] : vector<16xf32>, vector<16xi32> -> vector<16xf32>
        %reshape3A_1084 = vector.shape_cast %broadcast_in_dim3A_1080 : vector<16xi32> to vector<16x1xi32>
        %gather3A_1085 = vector.shape_cast %reshape3A_1084 : vector<16x1xi32> to vector<16xi32>
        %gather3A_1086 = tpu.dynamic_gather %mul3A_209[%gather3A_1085] in [0] : vector<16xf32>, vector<16xi32> -> vector<16xf32>
        %reshape3A_1087 = vector.shape_cast %broadcast_in_dim3A_1080 : vector<16xi32> to vector<16x1xi32>
        %gather3A_1088 = vector.shape_cast %reshape3A_1087 : vector<16x1xi32> to vector<16xi32>
        %gather3A_1089 = tpu.dynamic_gather %mul3A_213[%gather3A_1088] in [0] : vector<16xf32>, vector<16xi32> -> vector<16xf32>
        %reshape3A_1090 = vector.shape_cast %broadcast_in_dim3A_1080 : vector<16xi32> to vector<16x1xi32>
        %gather3A_1091 = vector.shape_cast %reshape3A_1090 : vector<16x1xi32> to vector<16xi32>
        %gather3A_1092 = tpu.dynamic_gather %mul3A_217[%gather3A_1091] in [0] : vector<16xf32>, vector<16xi32> -> vector<16xf32>
        %reshape3A_1093 = vector.shape_cast %broadcast_in_dim3A_1080 : vector<16xi32> to vector<16x1xi32>
        %gather3A_1094 = vector.shape_cast %reshape3A_1093 : vector<16x1xi32> to vector<16xi32>
        %gather3A_1095 = tpu.dynamic_gather %mul3A_221[%gather3A_1094] in [0] : vector<16xf32>, vector<16xi32> -> vector<16xf32>
        %reshape3A_1096 = vector.shape_cast %broadcast_in_dim3A_1080 : vector<16xi32> to vector<16x1xi32>
        %gather3A_1097 = vector.shape_cast %reshape3A_1096 : vector<16x1xi32> to vector<16xi32>
        %gather3A_1098 = tpu.dynamic_gather %mul3A_225[%gather3A_1097] in [0] : vector<16xf32>, vector<16xi32> -> vector<16xf32>
        %mul3A_1099 = arith.constant 16 : i32
        %mul3A_1100 = arith.muli %scan3A_151, %mul3A_1099 : i32
        %add3A_1101 = arith.constant 15 : i32
        %add3A_1102 = arith.addi %mul3A_1100, %add3A_1101 : i32
        %get3A_1103 = arith.index_cast %add3A_1102 : i32 to index
        %get3A_1104 = arith.constant 0 : index
        %get3A_1105 = tpu.vector_load %arg37[%get3A_1103, %get3A_1104] {strides = array<i32>} : memref<128x16xf32, #tpu.memory_space<vmem>>, vector<16xf32>,
        %get3A_1106 = arith.index_cast %add3A_1102 : i32 to index
        %get3A_1107 = arith.constant 0 : index
        %get3A_1108 = tpu.vector_load %arg38[%get3A_1106, %get3A_1107] {strides = array<i32>} : memref<128x16xf32, #tpu.memory_space<vmem>>, vector<16xf32>,
        %get3A_1109 = arith.index_cast %add3A_1102 : i32 to index
        %get3A_1110 = arith.constant 0 : index
        %get3A_1111 = tpu.vector_load %arg39[%get3A_1109, %get3A_1110] {strides = array<i32>} : memref<128x16xf32, #tpu.memory_space<vmem>>, vector<16xf32>,
        %mul3A_1112 = arith.mulf %gather3A_1083, %get3A_1105 : vector<16xf32>
        %mul3A_1113 = arith.mulf %gather3A_1086, %get3A_1108 : vector<16xf32>
        %add3A_1114 = arith.addf %mul3A_1112, %mul3A_1113 : vector<16xf32>
        %mul3A_1115 = arith.mulf %gather3A_1089, %get3A_1111 : vector<16xf32>
        %add3A_1116 = arith.addf %add3A_1114, %mul3A_1115 : vector<16xf32>
        %swap3A_1117 = arith.index_cast %add3A_1102 : i32 to index
        %swap3A_1118 = arith.constant 0 : index
        %swap3A_1119 = tpu.vector_load %arg37[%swap3A_1117, %swap3A_1118] {strides = array<i32>} : memref<128x16xf32, #tpu.memory_space<vmem>>, vector<16xf32>,
        tpu.vector_store %arg37[%swap3A_1117, %swap3A_1118], %add3A_1116 {strides = array<i32>} : memref<128x16xf32, #tpu.memory_space<vmem>>, vector<16xf32>,
        %mul3A_1120 = arith.mulf %gather3A_1086, %get3A_1105 : vector<16xf32>
        %mul3A_1121 = arith.mulf %gather3A_1092, %get3A_1108 : vector<16xf32>
        %add3A_1122 = arith.addf %mul3A_1120, %mul3A_1121 : vector<16xf32>
        %mul3A_1123 = arith.mulf %gather3A_1095, %get3A_1111 : vector<16xf32>
        %add3A_1124 = arith.addf %add3A_1122, %mul3A_1123 : vector<16xf32>
        %swap3A_1125 = arith.index_cast %add3A_1102 : i32 to index
        %swap3A_1126 = arith.constant 0 : index
        %swap3A_1127 = tpu.vector_load %arg38[%swap3A_1125, %swap3A_1126] {strides = array<i32>} : memref<128x16xf32, #tpu.memory_space<vmem>>, vector<16xf32>,
        tpu.vector_store %arg38[%swap3A_1125, %swap3A_1126], %add3A_1124 {strides = array<i32>} : memref<128x16xf32, #tpu.memory_space<vmem>>, vector<16xf32>,
        %mul3A_1128 = arith.mulf %gather3A_1089, %get3A_1105 : vector<16xf32>
        %mul3A_1129 = arith.mulf %gather3A_1095, %get3A_1108 : vector<16xf32>
        %add3A_1130 = arith.addf %mul3A_1128, %mul3A_1129 : vector<16xf32>
        %mul3A_1131 = arith.mulf %gather3A_1098, %get3A_1111 : vector<16xf32>
        %add3A_1132 = arith.addf %add3A_1130, %mul3A_1131 : vector<16xf32>
        %swap3A_1133 = arith.index_cast %add3A_1102 : i32 to index
        %swap3A_1134 = arith.constant 0 : index
        %swap3A_1135 = tpu.vector_load %arg39[%swap3A_1133, %swap3A_1134] {strides = array<i32>} : memref<128x16xf32, #tpu.memory_space<vmem>>, vector<16xf32>,
        tpu.vector_store %arg39[%swap3A_1133, %swap3A_1134], %add3A_1132 {strides = array<i32>} : memref<128x16xf32, #tpu.memory_space<vmem>>, vector<16xf32>,
        %scan3A_1136 = arith.constant 0 : i32
        scf.yield %scan3A_1136 : i32
      }
      %scan3A_142 = arith.constant 8 : i32
      %scan3A_143 = arith.constant 0 : i32
      %scan3A_144 = arith.constant 0 : i32
      %scan3A_145 = arith.constant 8 : i32
      %scan3A_146 = arith.addi %scan3A_144, %scan3A_145 : i32
      %scan3A_147 = arith.constant 1 : i32
      %scan3A_148 = scf.for %scan3A_151 = %scan3A_144 to %scan3A_146 step %scan3A_147 iter_args(%scan3A_152 = %scan3A_143) -> (i32)  : i32 {
        %mul3A_153 = arith.constant 16 : i32
        %mul3A_154 = arith.muli %scan3A_151, %mul3A_153 : i32
        %add3A_155 = vector.broadcast %mul3A_154 : i32 to vector<16xi32>
        %add3A_156 = arith.addi %add3A_155, %iota3A : vector<16xi32>
        %mul3A_157 = arith.constant 16 : i32
        %mul3A_158 = arith.muli %scan3A_151, %mul3A_157 : i32
        %get3A = arith.index_cast %mul3A_158 : i32 to index
        %get3A_159 = tpu.vector_load %arg16[%get3A] {strides = array<i32>} : memref<128xi32, #tpu.memory_space<vmem>>, vector<16xi32>,
        %get3A_160 = arith.index_cast %mul3A_158 : i32 to index
        %get3A_161 = tpu.vector_load %arg17[%get3A_160] {strides = array<i32>} : memref<128xi32, #tpu.memory_space<vmem>>, vector<16xi32>,
        %get3A_162 = arith.index_cast %mul3A_158 : i32 to index
        %get3A_163 = tpu.vector_load %arg18[%get3A_162] {strides = array<i32>} : memref<128xi32, #tpu.memory_space<vmem>>, vector<16xi32>,
        %gather3A = tpu.vector_load_idx %arg34[%add3A_156, %get3A_159] : memref<128x16xf32, #tpu.memory_space<vmem>>[vector<16xi32>, vector<16xi32>], vector<16xf32>,
        %add3A_164 = arith.constant 1 : i32
        %add3A_165 = vector.broadcast %add3A_164 : i32 to vector<16xi32>
        %add3A_166 = arith.addi %get3A_159, %add3A_165 : vector<16xi32>
        %gather3A_167 = tpu.vector_load_idx %arg34[%add3A_156, %add3A_166] : memref<128x16xf32, #tpu.memory_space<vmem>>[vector<16xi32>, vector<16xi32>], vector<16xf32>,
        %gather3A_168 = tpu.vector_load_idx %arg35[%add3A_156, %get3A_161] : memref<128x16xf32, #tpu.memory_space<vmem>>[vector<16xi32>, vector<16xi32>], vector<16xf32>,
        %add3A_169 = arith.constant 1 : i32
        %add3A_170 = vector.broadcast %add3A_169 : i32 to vector<16xi32>
        %add3A_171 = arith.addi %get3A_161, %add3A_170 : vector<16xi32>
        %gather3A_172 = tpu.vector_load_idx %arg35[%add3A_156, %add3A_171] : memref<128x16xf32, #tpu.memory_space<vmem>>[vector<16xi32>, vector<16xi32>], vector<16xf32>,
        %gather3A_173 = tpu.vector_load_idx %arg36[%add3A_156, %get3A_163] : memref<128x16xf32, #tpu.memory_space<vmem>>[vector<16xi32>, vector<16xi32>], vector<16xf32>,
        %add3A_174 = arith.constant 1 : i32
        %add3A_175 = vector.broadcast %add3A_174 : i32 to vector<16xi32>
        %add3A_176 = arith.addi %get3A_163, %add3A_175 : vector<16xi32>
        %gather3A_177 = tpu.vector_load_idx %arg36[%add3A_156, %add3A_176] : memref<128x16xf32, #tpu.memory_space<vmem>>[vector<16xi32>, vector<16xi32>], vector<16xf32>,
        %sub3A_178 = arith.subf %gather3A_168, %gather3A : vector<16xf32>
        %sub3A_179 = arith.subf %gather3A_177, %gather3A_167 : vector<16xf32>
        %mul3A_180 = arith.mulf %sub3A_178, %sub3A_179 : vector<16xf32>
        %sub3A_181 = arith.subf %gather3A_172, %gather3A_167 : vector<16xf32>
        %sub3A_182 = arith.subf %gather3A_173, %gather3A : vector<16xf32>
        %mul3A_183 = arith.mulf %sub3A_181, %sub3A_182 : vector<16xf32>
        %sub3A_184 = arith.subf %mul3A_180, %mul3A_183 : vector<16xf32>
        %abs3A = math.absf %sub3A_184 : vector<16xf32>
        %div3A = arith.constant 1.000000e+00 : f32
        %div3A_185 = vector.broadcast %div3A : f32 to vector<16xf32>
        %div3A_186 = arith.divf %div3A_185, %abs3A : vector<16xf32>
        %mul3A_187 = arith.constant 5.000000e-01 : f32
        %mul3A_188 = vector.broadcast %mul3A_187 : f32 to vector<16xf32>
        %mul3A_189 = arith.mulf %mul3A_188, %abs3A : vector<16xf32>
        %sub3A_190 = arith.subf %gather3A_177, %gather3A_172 : vector<16xf32>
        %mul3A_191 = arith.mulf %sub3A_190, %div3A_186 : vector<16xf32>
        %sub3A_192 = arith.subf %gather3A_168, %gather3A_173 : vector<16xf32>
        %mul3A_193 = arith.mulf %sub3A_192, %div3A_186 : vector<16xf32>
        %sub3A_194 = arith.subf %gather3A_167, %gather3A_177 : vector<16xf32>
        %mul3A_195 = arith.mulf %sub3A_194, %div3A_186 : vector<16xf32>
        %sub3A_196 = arith.subf %gather3A_173, %gather3A : vector<16xf32>
        %mul3A_197 = arith.mulf %sub3A_196, %div3A_186 : vector<16xf32>
        %sub3A_198 = arith.subf %gather3A_172, %gather3A_167 : vector<16xf32>
        %mul3A_199 = arith.mulf %sub3A_198, %div3A_186 : vector<16xf32>
        %sub3A_200 = arith.subf %gather3A, %gather3A_168 : vector<16xf32>
        %mul3A_201 = arith.mulf %sub3A_200, %div3A_186 : vector<16xf32>
        %mul3A_202 = arith.mulf %mul3A_191, %mul3A_191 : vector<16xf32>
        %mul3A_203 = arith.mulf %mul3A_193, %mul3A_193 : vector<16xf32>
        %add3A_204 = arith.addf %mul3A_202, %mul3A_203 : vector<16xf32>
        %mul3A_205 = arith.mulf %mul3A_189, %add3A_204 : vector<16xf32>
        %mul3A_206 = arith.mulf %mul3A_191, %mul3A_195 : vector<16xf32>
        %mul3A_207 = arith.mulf %mul3A_193, %mul3A_197 : vector<16xf32>
        %add3A_208 = arith.addf %mul3A_206, %mul3A_207 : vector<16xf32>
        %mul3A_209 = arith.mulf %mul3A_189, %add3A_208 : vector<16xf32>
        %mul3A_210 = arith.mulf %mul3A_191, %mul3A_199 : vector<16xf32>
        %mul3A_211 = arith.mulf %mul3A_193, %mul3A_201 : vector<16xf32>
        %add3A_212 = arith.addf %mul3A_210, %mul3A_211 : vector<16xf32>
        %mul3A_213 = arith.mulf %mul3A_189, %add3A_212 : vector<16xf32>
        %mul3A_214 = arith.mulf %mul3A_195, %mul3A_195 : vector<16xf32>
        %mul3A_215 = arith.mulf %mul3A_197, %mul3A_197 : vector<16xf32>
        %add3A_216 = arith.addf %mul3A_214, %mul3A_215 : vector<16xf32>
        %mul3A_217 = arith.mulf %mul3A_189, %add3A_216 : vector<16xf32>
        %mul3A_218 = arith.mulf %mul3A_195, %mul3A_199 : vector<16xf32>
        %mul3A_219 = arith.mulf %mul3A_197, %mul3A_201 : vector<16xf32>
        %add3A_220 = arith.addf %mul3A_218, %mul3A_219 : vector<16xf32>
        %mul3A_221 = arith.mulf %mul3A_189, %add3A_220 : vector<16xf32>
        %mul3A_222 = arith.mulf %mul3A_199, %mul3A_199 : vector<16xf32>
        %mul3A_223 = arith.mulf %mul3A_201, %mul3A_201 : vector<16xf32>
        %add3A_224 = arith.addf %mul3A_222, %mul3A_223 : vector<16xf32>
        %mul3A_225 = arith.mulf %mul3A_189, %add3A_224 : vector<16xf32>
        %broadcast_in_dim3A_226 = arith.constant 0 : i32
        %broadcast_in_dim3A_227 = vector.broadcast %broadcast_in_dim3A_226 : i32 to vector<16xi32>
        %reshape3A = vector.shape_cast %broadcast_in_dim3A_227 : vector<16xi32> to vector<16x1xi32>
        %gather3A_228 = vector.shape_cast %reshape3A : vector<16x1xi32> to vector<16xi32>
        %gather3A_229 = tpu.dynamic_gather %mul3A_205[%gather3A_228] in [0] : vector<16xf32>, vector<16xi32> -> vector<16xf32>
        %reshape3A_230 = vector.shape_cast %broadcast_in_dim3A_227 : vector<16xi32> to vector<16x1xi32>
        %gather3A_231 = vector.shape_cast %reshape3A_230 : vector<16x1xi32> to vector<16xi32>
        %gather3A_232 = tpu.dynamic_gather %mul3A_209[%gather3A_231] in [0] : vector<16xf32>, vector<16xi32> -> vector<16xf32>
        %reshape3A_233 = vector.shape_cast %broadcast_in_dim3A_227 : vector<16xi32> to vector<16x1xi32>
        %gather3A_234 = vector.shape_cast %reshape3A_233 : vector<16x1xi32> to vector<16xi32>
        %gather3A_235 = tpu.dynamic_gather %mul3A_213[%gather3A_234] in [0] : vector<16xf32>, vector<16xi32> -> vector<16xf32>
        %reshape3A_236 = vector.shape_cast %broadcast_in_dim3A_227 : vector<16xi32> to vector<16x1xi32>
        %gather3A_237 = vector.shape_cast %reshape3A_236 : vector<16x1xi32> to vector<16xi32>
        %gather3A_238 = tpu.dynamic_gather %mul3A_217[%gather3A_237] in [0] : vector<16xf32>, vector<16xi32> -> vector<16xf32>
        %reshape3A_239 = vector.shape_cast %broadcast_in_dim3A_227 : vector<16xi32> to vector<16x1xi32>
        %gather3A_240 = vector.shape_cast %reshape3A_239 : vector<16x1xi32> to vector<16xi32>
        %gather3A_241 = tpu.dynamic_gather %mul3A_221[%gather3A_240] in [0] : vector<16xf32>, vector<16xi32> -> vector<16xf32>
        %reshape3A_242 = vector.shape_cast %broadcast_in_dim3A_227 : vector<16xi32> to vector<16x1xi32>
        %gather3A_243 = vector.shape_cast %reshape3A_242 : vector<16x1xi32> to vector<16xi32>
        %gather3A_244 = tpu.dynamic_gather %mul3A_225[%gather3A_243] in [0] : vector<16xf32>, vector<16xi32> -> vector<16xf32>
        %mul3A_245 = arith.constant 16 : i32
        %mul3A_246 = arith.muli %scan3A_151, %mul3A_245 : i32
        %add3A_247 = arith.constant 0 : i32
        %add3A_248 = arith.addi %mul3A_246, %add3A_247 : i32
        %get3A_249 = arith.index_cast %add3A_248 : i32 to index
        %get3A_250 = arith.constant 0 : index
        %get3A_251 = tpu.vector_load %arg40[%get3A_249, %get3A_250] {strides = array<i32>} : memref<128x16xf32, #tpu.memory_space<vmem>>, vector<16xf32>,
        %get3A_252 = arith.index_cast %add3A_248 : i32 to index
        %get3A_253 = arith.constant 0 : index
        %get3A_254 = tpu.vector_load %arg41[%get3A_252, %get3A_253] {strides = array<i32>} : memref<128x16xf32, #tpu.memory_space<vmem>>, vector<16xf32>,
        %get3A_255 = arith.index_cast %add3A_248 : i32 to index
        %get3A_256 = arith.constant 0 : index
        %get3A_257 = tpu.vector_load %arg42[%get3A_255, %get3A_256] {strides = array<i32>} : memref<128x16xf32, #tpu.memory_space<vmem>>, vector<16xf32>,
        %mul3A_258 = arith.mulf %gather3A_229, %get3A_251 : vector<16xf32>
        %mul3A_259 = arith.mulf %gather3A_232, %get3A_254 : vector<16xf32>
        %add3A_260 = arith.addf %mul3A_258, %mul3A_259 : vector<16xf32>
        %mul3A_261 = arith.mulf %gather3A_235, %get3A_257 : vector<16xf32>
        %add3A_262 = arith.addf %add3A_260, %mul3A_261 : vector<16xf32>
        %swap3A = arith.index_cast %add3A_248 : i32 to index
        %swap3A_263 = arith.constant 0 : index
        %swap3A_264 = tpu.vector_load %arg40[%swap3A, %swap3A_263] {strides = array<i32>} : memref<128x16xf32, #tpu.memory_space<vmem>>, vector<16xf32>,
        tpu.vector_store %arg40[%swap3A, %swap3A_263], %add3A_262 {strides = array<i32>} : memref<128x16xf32, #tpu.memory_space<vmem>>, vector<16xf32>,
        %mul3A_265 = arith.mulf %gather3A_232, %get3A_251 : vector<16xf32>
        %mul3A_266 = arith.mulf %gather3A_238, %get3A_254 : vector<16xf32>
        %add3A_267 = arith.addf %mul3A_265, %mul3A_266 : vector<16xf32>
        %mul3A_268 = arith.mulf %gather3A_241, %get3A_257 : vector<16xf32>
        %add3A_269 = arith.addf %add3A_267, %mul3A_268 : vector<16xf32>
        %swap3A_270 = arith.index_cast %add3A_248 : i32 to index
        %swap3A_271 = arith.constant 0 : index
        %swap3A_272 = tpu.vector_load %arg41[%swap3A_270, %swap3A_271] {strides = array<i32>} : memref<128x16xf32, #tpu.memory_space<vmem>>, vector<16xf32>,
        tpu.vector_store %arg41[%swap3A_270, %swap3A_271], %add3A_269 {strides = array<i32>} : memref<128x16xf32, #tpu.memory_space<vmem>>, vector<16xf32>,
        %mul3A_273 = arith.mulf %gather3A_235, %get3A_251 : vector<16xf32>
        %mul3A_274 = arith.mulf %gather3A_241, %get3A_254 : vector<16xf32>
        %add3A_275 = arith.addf %mul3A_273, %mul3A_274 : vector<16xf32>
        %mul3A_276 = arith.mulf %gather3A_244, %get3A_257 : vector<16xf32>
        %add3A_277 = arith.addf %add3A_275, %mul3A_276 : vector<16xf32>
        %swap3A_278 = arith.index_cast %add3A_248 : i32 to index
        %swap3A_279 = arith.constant 0 : index
        %swap3A_280 = tpu.vector_load %arg42[%swap3A_278, %swap3A_279] {strides = array<i32>} : memref<128x16xf32, #tpu.memory_space<vmem>>, vector<16xf32>,
        tpu.vector_store %arg42[%swap3A_278, %swap3A_279], %add3A_277 {strides = array<i32>} : memref<128x16xf32, #tpu.memory_space<vmem>>, vector<16xf32>,
        %broadcast_in_dim3A_281 = arith.constant 1 : i32
        %broadcast_in_dim3A_282 = vector.broadcast %broadcast_in_dim3A_281 : i32 to vector<16xi32>
        %reshape3A_283 = vector.shape_cast %broadcast_in_dim3A_282 : vector<16xi32> to vector<16x1xi32>
        %gather3A_284 = vector.shape_cast %reshape3A_283 : vector<16x1xi32> to vector<16xi32>
        %gather3A_285 = tpu.dynamic_gather %mul3A_205[%gather3A_284] in [0] : vector<16xf32>, vector<16xi32> -> vector<16xf32>
        %reshape3A_286 = vector.shape_cast %broadcast_in_dim3A_282 : vector<16xi32> to vector<16x1xi32>
        %gather3A_287 = vector.shape_cast %reshape3A_286 : vector<16x1xi32> to vector<16xi32>
        %gather3A_288 = tpu.dynamic_gather %mul3A_209[%gather3A_287] in [0] : vector<16xf32>, vector<16xi32> -> vector<16xf32>
        %reshape3A_289 = vector.shape_cast %broadcast_in_dim3A_282 : vector<16xi32> to vector<16x1xi32>
        %gather3A_290 = vector.shape_cast %reshape3A_289 : vector<16x1xi32> to vector<16xi32>
        %gather3A_291 = tpu.dynamic_gather %mul3A_213[%gather3A_290] in [0] : vector<16xf32>, vector<16xi32> -> vector<16xf32>
        %reshape3A_292 = vector.shape_cast %broadcast_in_dim3A_282 : vector<16xi32> to vector<16x1xi32>
        %gather3A_293 = vector.shape_cast %reshape3A_292 : vector<16x1xi32> to vector<16xi32>
        %gather3A_294 = tpu.dynamic_gather %mul3A_217[%gather3A_293] in [0] : vector<16xf32>, vector<16xi32> -> vector<16xf32>
        %reshape3A_295 = vector.shape_cast %broadcast_in_dim3A_282 : vector<16xi32> to vector<16x1xi32>
        %gather3A_296 = vector.shape_cast %reshape3A_295 : vector<16x1xi32> to vector<16xi32>
        %gather3A_297 = tpu.dynamic_gather %mul3A_221[%gather3A_296] in [0] : vector<16xf32>, vector<16xi32> -> vector<16xf32>
        %reshape3A_298 = vector.shape_cast %broadcast_in_dim3A_282 : vector<16xi32> to vector<16x1xi32>
        %gather3A_299 = vector.shape_cast %reshape3A_298 : vector<16x1xi32> to vector<16xi32>
        %gather3A_300 = tpu.dynamic_gather %mul3A_225[%gather3A_299] in [0] : vector<16xf32>, vector<16xi32> -> vector<16xf32>
        %mul3A_301 = arith.constant 16 : i32
        %mul3A_302 = arith.muli %scan3A_151, %mul3A_301 : i32
        %add3A_303 = arith.constant 1 : i32
        %add3A_304 = arith.addi %mul3A_302, %add3A_303 : i32
        %get3A_305 = arith.index_cast %add3A_304 : i32 to index
        %get3A_306 = arith.constant 0 : index
        %get3A_307 = tpu.vector_load %arg40[%get3A_305, %get3A_306] {strides = array<i32>} : memref<128x16xf32, #tpu.memory_space<vmem>>, vector<16xf32>,
        %get3A_308 = arith.index_cast %add3A_304 : i32 to index
        %get3A_309 = arith.constant 0 : index
        %get3A_310 = tpu.vector_load %arg41[%get3A_308, %get3A_309] {strides = array<i32>} : memref<128x16xf32, #tpu.memory_space<vmem>>, vector<16xf32>,
        %get3A_311 = arith.index_cast %add3A_304 : i32 to index
        %get3A_312 = arith.constant 0 : index
        %get3A_313 = tpu.vector_load %arg42[%get3A_311, %get3A_312] {strides = array<i32>} : memref<128x16xf32, #tpu.memory_space<vmem>>, vector<16xf32>,
        %mul3A_314 = arith.mulf %gather3A_285, %get3A_307 : vector<16xf32>
        %mul3A_315 = arith.mulf %gather3A_288, %get3A_310 : vector<16xf32>
        %add3A_316 = arith.addf %mul3A_314, %mul3A_315 : vector<16xf32>
        %mul3A_317 = arith.mulf %gather3A_291, %get3A_313 : vector<16xf32>
        %add3A_318 = arith.addf %add3A_316, %mul3A_317 : vector<16xf32>
        %swap3A_319 = arith.index_cast %add3A_304 : i32 to index
        %swap3A_320 = arith.constant 0 : index
        %swap3A_321 = tpu.vector_load %arg40[%swap3A_319, %swap3A_320] {strides = array<i32>} : memref<128x16xf32, #tpu.memory_space<vmem>>, vector<16xf32>,
        tpu.vector_store %arg40[%swap3A_319, %swap3A_320], %add3A_318 {strides = array<i32>} : memref<128x16xf32, #tpu.memory_space<vmem>>, vector<16xf32>,
        %mul3A_322 = arith.mulf %gather3A_288, %get3A_307 : vector<16xf32>
        %mul3A_323 = arith.mulf %gather3A_294, %get3A_310 : vector<16xf32>
        %add3A_324 = arith.addf %mul3A_322, %mul3A_323 : vector<16xf32>
        %mul3A_325 = arith.mulf %gather3A_297, %get3A_313 : vector<16xf32>
        %add3A_326 = arith.addf %add3A_324, %mul3A_325 : vector<16xf32>
        %swap3A_327 = arith.index_cast %add3A_304 : i32 to index
        %swap3A_328 = arith.constant 0 : index
        %swap3A_329 = tpu.vector_load %arg41[%swap3A_327, %swap3A_328] {strides = array<i32>} : memref<128x16xf32, #tpu.memory_space<vmem>>, vector<16xf32>,
        tpu.vector_store %arg41[%swap3A_327, %swap3A_328], %add3A_326 {strides = array<i32>} : memref<128x16xf32, #tpu.memory_space<vmem>>, vector<16xf32>,
        %mul3A_330 = arith.mulf %gather3A_291, %get3A_307 : vector<16xf32>
        %mul3A_331 = arith.mulf %gather3A_297, %get3A_310 : vector<16xf32>
        %add3A_332 = arith.addf %mul3A_330, %mul3A_331 : vector<16xf32>
        %mul3A_333 = arith.mulf %gather3A_300, %get3A_313 : vector<16xf32>
        %add3A_334 = arith.addf %add3A_332, %mul3A_333 : vector<16xf32>
        %swap3A_335 = arith.index_cast %add3A_304 : i32 to index
        %swap3A_336 = arith.constant 0 : index
        %swap3A_337 = tpu.vector_load %arg42[%swap3A_335, %swap3A_336] {strides = array<i32>} : memref<128x16xf32, #tpu.memory_space<vmem>>, vector<16xf32>,
        tpu.vector_store %arg42[%swap3A_335, %swap3A_336], %add3A_334 {strides = array<i32>} : memref<128x16xf32, #tpu.memory_space<vmem>>, vector<16xf32>,
        %broadcast_in_dim3A_338 = arith.constant 2 : i32
        %broadcast_in_dim3A_339 = vector.broadcast %broadcast_in_dim3A_338 : i32 to vector<16xi32>
        %reshape3A_340 = vector.shape_cast %broadcast_in_dim3A_339 : vector<16xi32> to vector<16x1xi32>
        %gather3A_341 = vector.shape_cast %reshape3A_340 : vector<16x1xi32> to vector<16xi32>
        %gather3A_342 = tpu.dynamic_gather %mul3A_205[%gather3A_341] in [0] : vector<16xf32>, vector<16xi32> -> vector<16xf32>
        %reshape3A_343 = vector.shape_cast %broadcast_in_dim3A_339 : vector<16xi32> to vector<16x1xi32>
        %gather3A_344 = vector.shape_cast %reshape3A_343 : vector<16x1xi32> to vector<16xi32>
        %gather3A_345 = tpu.dynamic_gather %mul3A_209[%gather3A_344] in [0] : vector<16xf32>, vector<16xi32> -> vector<16xf32>
        %reshape3A_346 = vector.shape_cast %broadcast_in_dim3A_339 : vector<16xi32> to vector<16x1xi32>
        %gather3A_347 = vector.shape_cast %reshape3A_346 : vector<16x1xi32> to vector<16xi32>
        %gather3A_348 = tpu.dynamic_gather %mul3A_213[%gather3A_347] in [0] : vector<16xf32>, vector<16xi32> -> vector<16xf32>
        %reshape3A_349 = vector.shape_cast %broadcast_in_dim3A_339 : vector<16xi32> to vector<16x1xi32>
        %gather3A_350 = vector.shape_cast %reshape3A_349 : vector<16x1xi32> to vector<16xi32>
        %gather3A_351 = tpu.dynamic_gather %mul3A_217[%gather3A_350] in [0] : vector<16xf32>, vector<16xi32> -> vector<16xf32>
        %reshape3A_352 = vector.shape_cast %broadcast_in_dim3A_339 : vector<16xi32> to vector<16x1xi32>
        %gather3A_353 = vector.shape_cast %reshape3A_352 : vector<16x1xi32> to vector<16xi32>
        %gather3A_354 = tpu.dynamic_gather %mul3A_221[%gather3A_353] in [0] : vector<16xf32>, vector<16xi32> -> vector<16xf32>
        %reshape3A_355 = vector.shape_cast %broadcast_in_dim3A_339 : vector<16xi32> to vector<16x1xi32>
        %gather3A_356 = vector.shape_cast %reshape3A_355 : vector<16x1xi32> to vector<16xi32>
        %gather3A_357 = tpu.dynamic_gather %mul3A_225[%gather3A_356] in [0] : vector<16xf32>, vector<16xi32> -> vector<16xf32>
        %mul3A_358 = arith.constant 16 : i32
        %mul3A_359 = arith.muli %scan3A_151, %mul3A_358 : i32
        %add3A_360 = arith.constant 2 : i32
        %add3A_361 = arith.addi %mul3A_359, %add3A_360 : i32
        %get3A_362 = arith.index_cast %add3A_361 : i32 to index
        %get3A_363 = arith.constant 0 : index
        %get3A_364 = tpu.vector_load %arg40[%get3A_362, %get3A_363] {strides = array<i32>} : memref<128x16xf32, #tpu.memory_space<vmem>>, vector<16xf32>,
        %get3A_365 = arith.index_cast %add3A_361 : i32 to index
        %get3A_366 = arith.constant 0 : index
        %get3A_367 = tpu.vector_load %arg41[%get3A_365, %get3A_366] {strides = array<i32>} : memref<128x16xf32, #tpu.memory_space<vmem>>, vector<16xf32>,
        %get3A_368 = arith.index_cast %add3A_361 : i32 to index
        %get3A_369 = arith.constant 0 : index
        %get3A_370 = tpu.vector_load %arg42[%get3A_368, %get3A_369] {strides = array<i32>} : memref<128x16xf32, #tpu.memory_space<vmem>>, vector<16xf32>,
        %mul3A_371 = arith.mulf %gather3A_342, %get3A_364 : vector<16xf32>
        %mul3A_372 = arith.mulf %gather3A_345, %get3A_367 : vector<16xf32>
        %add3A_373 = arith.addf %mul3A_371, %mul3A_372 : vector<16xf32>
        %mul3A_374 = arith.mulf %gather3A_348, %get3A_370 : vector<16xf32>
        %add3A_375 = arith.addf %add3A_373, %mul3A_374 : vector<16xf32>
        %swap3A_376 = arith.index_cast %add3A_361 : i32 to index
        %swap3A_377 = arith.constant 0 : index
        %swap3A_378 = tpu.vector_load %arg40[%swap3A_376, %swap3A_377] {strides = array<i32>} : memref<128x16xf32, #tpu.memory_space<vmem>>, vector<16xf32>,
        tpu.vector_store %arg40[%swap3A_376, %swap3A_377], %add3A_375 {strides = array<i32>} : memref<128x16xf32, #tpu.memory_space<vmem>>, vector<16xf32>,
        %mul3A_379 = arith.mulf %gather3A_345, %get3A_364 : vector<16xf32>
        %mul3A_380 = arith.mulf %gather3A_351, %get3A_367 : vector<16xf32>
        %add3A_381 = arith.addf %mul3A_379, %mul3A_380 : vector<16xf32>
        %mul3A_382 = arith.mulf %gather3A_354, %get3A_370 : vector<16xf32>
        %add3A_383 = arith.addf %add3A_381, %mul3A_382 : vector<16xf32>
        %swap3A_384 = arith.index_cast %add3A_361 : i32 to index
        %swap3A_385 = arith.constant 0 : index
        %swap3A_386 = tpu.vector_load %arg41[%swap3A_384, %swap3A_385] {strides = array<i32>} : memref<128x16xf32, #tpu.memory_space<vmem>>, vector<16xf32>,
        tpu.vector_store %arg41[%swap3A_384, %swap3A_385], %add3A_383 {strides = array<i32>} : memref<128x16xf32, #tpu.memory_space<vmem>>, vector<16xf32>,
        %mul3A_387 = arith.mulf %gather3A_348, %get3A_364 : vector<16xf32>
        %mul3A_388 = arith.mulf %gather3A_354, %get3A_367 : vector<16xf32>
        %add3A_389 = arith.addf %mul3A_387, %mul3A_388 : vector<16xf32>
        %mul3A_390 = arith.mulf %gather3A_357, %get3A_370 : vector<16xf32>
        %add3A_391 = arith.addf %add3A_389, %mul3A_390 : vector<16xf32>
        %swap3A_392 = arith.index_cast %add3A_361 : i32 to index
        %swap3A_393 = arith.constant 0 : index
        %swap3A_394 = tpu.vector_load %arg42[%swap3A_392, %swap3A_393] {strides = array<i32>} : memref<128x16xf32, #tpu.memory_space<vmem>>, vector<16xf32>,
        tpu.vector_store %arg42[%swap3A_392, %swap3A_393], %add3A_391 {strides = array<i32>} : memref<128x16xf32, #tpu.memory_space<vmem>>, vector<16xf32>,
        %broadcast_in_dim3A_395 = arith.constant 3 : i32
        %broadcast_in_dim3A_396 = vector.broadcast %broadcast_in_dim3A_395 : i32 to vector<16xi32>
        %reshape3A_397 = vector.shape_cast %broadcast_in_dim3A_396 : vector<16xi32> to vector<16x1xi32>
        %gather3A_398 = vector.shape_cast %reshape3A_397 : vector<16x1xi32> to vector<16xi32>
        %gather3A_399 = tpu.dynamic_gather %mul3A_205[%gather3A_398] in [0] : vector<16xf32>, vector<16xi32> -> vector<16xf32>
        %reshape3A_400 = vector.shape_cast %broadcast_in_dim3A_396 : vector<16xi32> to vector<16x1xi32>
        %gather3A_401 = vector.shape_cast %reshape3A_400 : vector<16x1xi32> to vector<16xi32>
        %gather3A_402 = tpu.dynamic_gather %mul3A_209[%gather3A_401] in [0] : vector<16xf32>, vector<16xi32> -> vector<16xf32>
        %reshape3A_403 = vector.shape_cast %broadcast_in_dim3A_396 : vector<16xi32> to vector<16x1xi32>
        %gather3A_404 = vector.shape_cast %reshape3A_403 : vector<16x1xi32> to vector<16xi32>
        %gather3A_405 = tpu.dynamic_gather %mul3A_213[%gather3A_404] in [0] : vector<16xf32>, vector<16xi32> -> vector<16xf32>
        %reshape3A_406 = vector.shape_cast %broadcast_in_dim3A_396 : vector<16xi32> to vector<16x1xi32>
        %gather3A_407 = vector.shape_cast %reshape3A_406 : vector<16x1xi32> to vector<16xi32>
        %gather3A_408 = tpu.dynamic_gather %mul3A_217[%gather3A_407] in [0] : vector<16xf32>, vector<16xi32> -> vector<16xf32>
        %reshape3A_409 = vector.shape_cast %broadcast_in_dim3A_396 : vector<16xi32> to vector<16x1xi32>
        %gather3A_410 = vector.shape_cast %reshape3A_409 : vector<16x1xi32> to vector<16xi32>
        %gather3A_411 = tpu.dynamic_gather %mul3A_221[%gather3A_410] in [0] : vector<16xf32>, vector<16xi32> -> vector<16xf32>
        %reshape3A_412 = vector.shape_cast %broadcast_in_dim3A_396 : vector<16xi32> to vector<16x1xi32>
        %gather3A_413 = vector.shape_cast %reshape3A_412 : vector<16x1xi32> to vector<16xi32>
        %gather3A_414 = tpu.dynamic_gather %mul3A_225[%gather3A_413] in [0] : vector<16xf32>, vector<16xi32> -> vector<16xf32>
        %mul3A_415 = arith.constant 16 : i32
        %mul3A_416 = arith.muli %scan3A_151, %mul3A_415 : i32
        %add3A_417 = arith.constant 3 : i32
        %add3A_418 = arith.addi %mul3A_416, %add3A_417 : i32
        %get3A_419 = arith.index_cast %add3A_418 : i32 to index
        %get3A_420 = arith.constant 0 : index
        %get3A_421 = tpu.vector_load %arg40[%get3A_419, %get3A_420] {strides = array<i32>} : memref<128x16xf32, #tpu.memory_space<vmem>>, vector<16xf32>,
        %get3A_422 = arith.index_cast %add3A_418 : i32 to index
        %get3A_423 = arith.constant 0 : index
        %get3A_424 = tpu.vector_load %arg41[%get3A_422, %get3A_423] {strides = array<i32>} : memref<128x16xf32, #tpu.memory_space<vmem>>, vector<16xf32>,
        %get3A_425 = arith.index_cast %add3A_418 : i32 to index
        %get3A_426 = arith.constant 0 : index
        %get3A_427 = tpu.vector_load %arg42[%get3A_425, %get3A_426] {strides = array<i32>} : memref<128x16xf32, #tpu.memory_space<vmem>>, vector<16xf32>,
        %mul3A_428 = arith.mulf %gather3A_399, %get3A_421 : vector<16xf32>
        %mul3A_429 = arith.mulf %gather3A_402, %get3A_424 : vector<16xf32>
        %add3A_430 = arith.addf %mul3A_428, %mul3A_429 : vector<16xf32>
        %mul3A_431 = arith.mulf %gather3A_405, %get3A_427 : vector<16xf32>
        %add3A_432 = arith.addf %add3A_430, %mul3A_431 : vector<16xf32>
        %swap3A_433 = arith.index_cast %add3A_418 : i32 to index
        %swap3A_434 = arith.constant 0 : index
        %swap3A_435 = tpu.vector_load %arg40[%swap3A_433, %swap3A_434] {strides = array<i32>} : memref<128x16xf32, #tpu.memory_space<vmem>>, vector<16xf32>,
        tpu.vector_store %arg40[%swap3A_433, %swap3A_434], %add3A_432 {strides = array<i32>} : memref<128x16xf32, #tpu.memory_space<vmem>>, vector<16xf32>,
        %mul3A_436 = arith.mulf %gather3A_402, %get3A_421 : vector<16xf32>
        %mul3A_437 = arith.mulf %gather3A_408, %get3A_424 : vector<16xf32>
        %add3A_438 = arith.addf %mul3A_436, %mul3A_437 : vector<16xf32>
        %mul3A_439 = arith.mulf %gather3A_411, %get3A_427 : vector<16xf32>
        %add3A_440 = arith.addf %add3A_438, %mul3A_439 : vector<16xf32>
        %swap3A_441 = arith.index_cast %add3A_418 : i32 to index
        %swap3A_442 = arith.constant 0 : index
        %swap3A_443 = tpu.vector_load %arg41[%swap3A_441, %swap3A_442] {strides = array<i32>} : memref<128x16xf32, #tpu.memory_space<vmem>>, vector<16xf32>,
        tpu.vector_store %arg41[%swap3A_441, %swap3A_442], %add3A_440 {strides = array<i32>} : memref<128x16xf32, #tpu.memory_space<vmem>>, vector<16xf32>,
        %mul3A_444 = arith.mulf %gather3A_405, %get3A_421 : vector<16xf32>
        %mul3A_445 = arith.mulf %gather3A_411, %get3A_424 : vector<16xf32>
        %add3A_446 = arith.addf %mul3A_444, %mul3A_445 : vector<16xf32>
        %mul3A_447 = arith.mulf %gather3A_414, %get3A_427 : vector<16xf32>
        %add3A_448 = arith.addf %add3A_446, %mul3A_447 : vector<16xf32>
        %swap3A_449 = arith.index_cast %add3A_418 : i32 to index
        %swap3A_450 = arith.constant 0 : index
        %swap3A_451 = tpu.vector_load %arg42[%swap3A_449, %swap3A_450] {strides = array<i32>} : memref<128x16xf32, #tpu.memory_space<vmem>>, vector<16xf32>,
        tpu.vector_store %arg42[%swap3A_449, %swap3A_450], %add3A_448 {strides = array<i32>} : memref<128x16xf32, #tpu.memory_space<vmem>>, vector<16xf32>,
        %broadcast_in_dim3A_452 = arith.constant 4 : i32
        %broadcast_in_dim3A_453 = vector.broadcast %broadcast_in_dim3A_452 : i32 to vector<16xi32>
        %reshape3A_454 = vector.shape_cast %broadcast_in_dim3A_453 : vector<16xi32> to vector<16x1xi32>
        %gather3A_455 = vector.shape_cast %reshape3A_454 : vector<16x1xi32> to vector<16xi32>
        %gather3A_456 = tpu.dynamic_gather %mul3A_205[%gather3A_455] in [0] : vector<16xf32>, vector<16xi32> -> vector<16xf32>
        %reshape3A_457 = vector.shape_cast %broadcast_in_dim3A_453 : vector<16xi32> to vector<16x1xi32>
        %gather3A_458 = vector.shape_cast %reshape3A_457 : vector<16x1xi32> to vector<16xi32>
        %gather3A_459 = tpu.dynamic_gather %mul3A_209[%gather3A_458] in [0] : vector<16xf32>, vector<16xi32> -> vector<16xf32>
        %reshape3A_460 = vector.shape_cast %broadcast_in_dim3A_453 : vector<16xi32> to vector<16x1xi32>
        %gather3A_461 = vector.shape_cast %reshape3A_460 : vector<16x1xi32> to vector<16xi32>
        %gather3A_462 = tpu.dynamic_gather %mul3A_213[%gather3A_461] in [0] : vector<16xf32>, vector<16xi32> -> vector<16xf32>
        %reshape3A_463 = vector.shape_cast %broadcast_in_dim3A_453 : vector<16xi32> to vector<16x1xi32>
        %gather3A_464 = vector.shape_cast %reshape3A_463 : vector<16x1xi32> to vector<16xi32>
        %gather3A_465 = tpu.dynamic_gather %mul3A_217[%gather3A_464] in [0] : vector<16xf32>, vector<16xi32> -> vector<16xf32>
        %reshape3A_466 = vector.shape_cast %broadcast_in_dim3A_453 : vector<16xi32> to vector<16x1xi32>
        %gather3A_467 = vector.shape_cast %reshape3A_466 : vector<16x1xi32> to vector<16xi32>
        %gather3A_468 = tpu.dynamic_gather %mul3A_221[%gather3A_467] in [0] : vector<16xf32>, vector<16xi32> -> vector<16xf32>
        %reshape3A_469 = vector.shape_cast %broadcast_in_dim3A_453 : vector<16xi32> to vector<16x1xi32>
        %gather3A_470 = vector.shape_cast %reshape3A_469 : vector<16x1xi32> to vector<16xi32>
        %gather3A_471 = tpu.dynamic_gather %mul3A_225[%gather3A_470] in [0] : vector<16xf32>, vector<16xi32> -> vector<16xf32>
        %mul3A_472 = arith.constant 16 : i32
        %mul3A_473 = arith.muli %scan3A_151, %mul3A_472 : i32
        %add3A_474 = arith.constant 4 : i32
        %add3A_475 = arith.addi %mul3A_473, %add3A_474 : i32
        %get3A_476 = arith.index_cast %add3A_475 : i32 to index
        %get3A_477 = arith.constant 0 : index
        %get3A_478 = tpu.vector_load %arg40[%get3A_476, %get3A_477] {strides = array<i32>} : memref<128x16xf32, #tpu.memory_space<vmem>>, vector<16xf32>,
        %get3A_479 = arith.index_cast %add3A_475 : i32 to index
        %get3A_480 = arith.constant 0 : index
        %get3A_481 = tpu.vector_load %arg41[%get3A_479, %get3A_480] {strides = array<i32>} : memref<128x16xf32, #tpu.memory_space<vmem>>, vector<16xf32>,
        %get3A_482 = arith.index_cast %add3A_475 : i32 to index
        %get3A_483 = arith.constant 0 : index
        %get3A_484 = tpu.vector_load %arg42[%get3A_482, %get3A_483] {strides = array<i32>} : memref<128x16xf32, #tpu.memory_space<vmem>>, vector<16xf32>,
        %mul3A_485 = arith.mulf %gather3A_456, %get3A_478 : vector<16xf32>
        %mul3A_486 = arith.mulf %gather3A_459, %get3A_481 : vector<16xf32>
        %add3A_487 = arith.addf %mul3A_485, %mul3A_486 : vector<16xf32>
        %mul3A_488 = arith.mulf %gather3A_462, %get3A_484 : vector<16xf32>
        %add3A_489 = arith.addf %add3A_487, %mul3A_488 : vector<16xf32>
        %swap3A_490 = arith.index_cast %add3A_475 : i32 to index
        %swap3A_491 = arith.constant 0 : index
        %swap3A_492 = tpu.vector_load %arg40[%swap3A_490, %swap3A_491] {strides = array<i32>} : memref<128x16xf32, #tpu.memory_space<vmem>>, vector<16xf32>,
        tpu.vector_store %arg40[%swap3A_490, %swap3A_491], %add3A_489 {strides = array<i32>} : memref<128x16xf32, #tpu.memory_space<vmem>>, vector<16xf32>,
        %mul3A_493 = arith.mulf %gather3A_459, %get3A_478 : vector<16xf32>
        %mul3A_494 = arith.mulf %gather3A_465, %get3A_481 : vector<16xf32>
        %add3A_495 = arith.addf %mul3A_493, %mul3A_494 : vector<16xf32>
        %mul3A_496 = arith.mulf %gather3A_468, %get3A_484 : vector<16xf32>
        %add3A_497 = arith.addf %add3A_495, %mul3A_496 : vector<16xf32>
        %swap3A_498 = arith.index_cast %add3A_475 : i32 to index
        %swap3A_499 = arith.constant 0 : index
        %swap3A_500 = tpu.vector_load %arg41[%swap3A_498, %swap3A_499] {strides = array<i32>} : memref<128x16xf32, #tpu.memory_space<vmem>>, vector<16xf32>,
        tpu.vector_store %arg41[%swap3A_498, %swap3A_499], %add3A_497 {strides = array<i32>} : memref<128x16xf32, #tpu.memory_space<vmem>>, vector<16xf32>,
        %mul3A_501 = arith.mulf %gather3A_462, %get3A_478 : vector<16xf32>
        %mul3A_502 = arith.mulf %gather3A_468, %get3A_481 : vector<16xf32>
        %add3A_503 = arith.addf %mul3A_501, %mul3A_502 : vector<16xf32>
        %mul3A_504 = arith.mulf %gather3A_471, %get3A_484 : vector<16xf32>
        %add3A_505 = arith.addf %add3A_503, %mul3A_504 : vector<16xf32>
        %swap3A_506 = arith.index_cast %add3A_475 : i32 to index
        %swap3A_507 = arith.constant 0 : index
        %swap3A_508 = tpu.vector_load %arg42[%swap3A_506, %swap3A_507] {strides = array<i32>} : memref<128x16xf32, #tpu.memory_space<vmem>>, vector<16xf32>,
        tpu.vector_store %arg42[%swap3A_506, %swap3A_507], %add3A_505 {strides = array<i32>} : memref<128x16xf32, #tpu.memory_space<vmem>>, vector<16xf32>,
        %broadcast_in_dim3A_509 = arith.constant 5 : i32
        %broadcast_in_dim3A_510 = vector.broadcast %broadcast_in_dim3A_509 : i32 to vector<16xi32>
        %reshape3A_511 = vector.shape_cast %broadcast_in_dim3A_510 : vector<16xi32> to vector<16x1xi32>
        %gather3A_512 = vector.shape_cast %reshape3A_511 : vector<16x1xi32> to vector<16xi32>
        %gather3A_513 = tpu.dynamic_gather %mul3A_205[%gather3A_512] in [0] : vector<16xf32>, vector<16xi32> -> vector<16xf32>
        %reshape3A_514 = vector.shape_cast %broadcast_in_dim3A_510 : vector<16xi32> to vector<16x1xi32>
        %gather3A_515 = vector.shape_cast %reshape3A_514 : vector<16x1xi32> to vector<16xi32>
        %gather3A_516 = tpu.dynamic_gather %mul3A_209[%gather3A_515] in [0] : vector<16xf32>, vector<16xi32> -> vector<16xf32>
        %reshape3A_517 = vector.shape_cast %broadcast_in_dim3A_510 : vector<16xi32> to vector<16x1xi32>
        %gather3A_518 = vector.shape_cast %reshape3A_517 : vector<16x1xi32> to vector<16xi32>
        %gather3A_519 = tpu.dynamic_gather %mul3A_213[%gather3A_518] in [0] : vector<16xf32>, vector<16xi32> -> vector<16xf32>
        %reshape3A_520 = vector.shape_cast %broadcast_in_dim3A_510 : vector<16xi32> to vector<16x1xi32>
        %gather3A_521 = vector.shape_cast %reshape3A_520 : vector<16x1xi32> to vector<16xi32>
        %gather3A_522 = tpu.dynamic_gather %mul3A_217[%gather3A_521] in [0] : vector<16xf32>, vector<16xi32> -> vector<16xf32>
        %reshape3A_523 = vector.shape_cast %broadcast_in_dim3A_510 : vector<16xi32> to vector<16x1xi32>
        %gather3A_524 = vector.shape_cast %reshape3A_523 : vector<16x1xi32> to vector<16xi32>
        %gather3A_525 = tpu.dynamic_gather %mul3A_221[%gather3A_524] in [0] : vector<16xf32>, vector<16xi32> -> vector<16xf32>
        %reshape3A_526 = vector.shape_cast %broadcast_in_dim3A_510 : vector<16xi32> to vector<16x1xi32>
        %gather3A_527 = vector.shape_cast %reshape3A_526 : vector<16x1xi32> to vector<16xi32>
        %gather3A_528 = tpu.dynamic_gather %mul3A_225[%gather3A_527] in [0] : vector<16xf32>, vector<16xi32> -> vector<16xf32>
        %mul3A_529 = arith.constant 16 : i32
        %mul3A_530 = arith.muli %scan3A_151, %mul3A_529 : i32
        %add3A_531 = arith.constant 5 : i32
        %add3A_532 = arith.addi %mul3A_530, %add3A_531 : i32
        %get3A_533 = arith.index_cast %add3A_532 : i32 to index
        %get3A_534 = arith.constant 0 : index
        %get3A_535 = tpu.vector_load %arg40[%get3A_533, %get3A_534] {strides = array<i32>} : memref<128x16xf32, #tpu.memory_space<vmem>>, vector<16xf32>,
        %get3A_536 = arith.index_cast %add3A_532 : i32 to index
        %get3A_537 = arith.constant 0 : index
        %get3A_538 = tpu.vector_load %arg41[%get3A_536, %get3A_537] {strides = array<i32>} : memref<128x16xf32, #tpu.memory_space<vmem>>, vector<16xf32>,
        %get3A_539 = arith.index_cast %add3A_532 : i32 to index
        %get3A_540 = arith.constant 0 : index
        %get3A_541 = tpu.vector_load %arg42[%get3A_539, %get3A_540] {strides = array<i32>} : memref<128x16xf32, #tpu.memory_space<vmem>>, vector<16xf32>,
        %mul3A_542 = arith.mulf %gather3A_513, %get3A_535 : vector<16xf32>
        %mul3A_543 = arith.mulf %gather3A_516, %get3A_538 : vector<16xf32>
        %add3A_544 = arith.addf %mul3A_542, %mul3A_543 : vector<16xf32>
        %mul3A_545 = arith.mulf %gather3A_519, %get3A_541 : vector<16xf32>
        %add3A_546 = arith.addf %add3A_544, %mul3A_545 : vector<16xf32>
        %swap3A_547 = arith.index_cast %add3A_532 : i32 to index
        %swap3A_548 = arith.constant 0 : index
        %swap3A_549 = tpu.vector_load %arg40[%swap3A_547, %swap3A_548] {strides = array<i32>} : memref<128x16xf32, #tpu.memory_space<vmem>>, vector<16xf32>,
        tpu.vector_store %arg40[%swap3A_547, %swap3A_548], %add3A_546 {strides = array<i32>} : memref<128x16xf32, #tpu.memory_space<vmem>>, vector<16xf32>,
        %mul3A_550 = arith.mulf %gather3A_516, %get3A_535 : vector<16xf32>
        %mul3A_551 = arith.mulf %gather3A_522, %get3A_538 : vector<16xf32>
        %add3A_552 = arith.addf %mul3A_550, %mul3A_551 : vector<16xf32>
        %mul3A_553 = arith.mulf %gather3A_525, %get3A_541 : vector<16xf32>
        %add3A_554 = arith.addf %add3A_552, %mul3A_553 : vector<16xf32>
        %swap3A_555 = arith.index_cast %add3A_532 : i32 to index
        %swap3A_556 = arith.constant 0 : index
        %swap3A_557 = tpu.vector_load %arg41[%swap3A_555, %swap3A_556] {strides = array<i32>} : memref<128x16xf32, #tpu.memory_space<vmem>>, vector<16xf32>,
        tpu.vector_store %arg41[%swap3A_555, %swap3A_556], %add3A_554 {strides = array<i32>} : memref<128x16xf32, #tpu.memory_space<vmem>>, vector<16xf32>,
        %mul3A_558 = arith.mulf %gather3A_519, %get3A_535 : vector<16xf32>
        %mul3A_559 = arith.mulf %gather3A_525, %get3A_538 : vector<16xf32>
        %add3A_560 = arith.addf %mul3A_558, %mul3A_559 : vector<16xf32>
        %mul3A_561 = arith.mulf %gather3A_528, %get3A_541 : vector<16xf32>
        %add3A_562 = arith.addf %add3A_560, %mul3A_561 : vector<16xf32>
        %swap3A_563 = arith.index_cast %add3A_532 : i32 to index
        %swap3A_564 = arith.constant 0 : index
        %swap3A_565 = tpu.vector_load %arg42[%swap3A_563, %swap3A_564] {strides = array<i32>} : memref<128x16xf32, #tpu.memory_space<vmem>>, vector<16xf32>,
        tpu.vector_store %arg42[%swap3A_563, %swap3A_564], %add3A_562 {strides = array<i32>} : memref<128x16xf32, #tpu.memory_space<vmem>>, vector<16xf32>,
        %broadcast_in_dim3A_566 = arith.constant 6 : i32
        %broadcast_in_dim3A_567 = vector.broadcast %broadcast_in_dim3A_566 : i32 to vector<16xi32>
        %reshape3A_568 = vector.shape_cast %broadcast_in_dim3A_567 : vector<16xi32> to vector<16x1xi32>
        %gather3A_569 = vector.shape_cast %reshape3A_568 : vector<16x1xi32> to vector<16xi32>
        %gather3A_570 = tpu.dynamic_gather %mul3A_205[%gather3A_569] in [0] : vector<16xf32>, vector<16xi32> -> vector<16xf32>
        %reshape3A_571 = vector.shape_cast %broadcast_in_dim3A_567 : vector<16xi32> to vector<16x1xi32>
        %gather3A_572 = vector.shape_cast %reshape3A_571 : vector<16x1xi32> to vector<16xi32>
        %gather3A_573 = tpu.dynamic_gather %mul3A_209[%gather3A_572] in [0] : vector<16xf32>, vector<16xi32> -> vector<16xf32>
        %reshape3A_574 = vector.shape_cast %broadcast_in_dim3A_567 : vector<16xi32> to vector<16x1xi32>
        %gather3A_575 = vector.shape_cast %reshape3A_574 : vector<16x1xi32> to vector<16xi32>
        %gather3A_576 = tpu.dynamic_gather %mul3A_213[%gather3A_575] in [0] : vector<16xf32>, vector<16xi32> -> vector<16xf32>
        %reshape3A_577 = vector.shape_cast %broadcast_in_dim3A_567 : vector<16xi32> to vector<16x1xi32>
        %gather3A_578 = vector.shape_cast %reshape3A_577 : vector<16x1xi32> to vector<16xi32>
        %gather3A_579 = tpu.dynamic_gather %mul3A_217[%gather3A_578] in [0] : vector<16xf32>, vector<16xi32> -> vector<16xf32>
        %reshape3A_580 = vector.shape_cast %broadcast_in_dim3A_567 : vector<16xi32> to vector<16x1xi32>
        %gather3A_581 = vector.shape_cast %reshape3A_580 : vector<16x1xi32> to vector<16xi32>
        %gather3A_582 = tpu.dynamic_gather %mul3A_221[%gather3A_581] in [0] : vector<16xf32>, vector<16xi32> -> vector<16xf32>
        %reshape3A_583 = vector.shape_cast %broadcast_in_dim3A_567 : vector<16xi32> to vector<16x1xi32>
        %gather3A_584 = vector.shape_cast %reshape3A_583 : vector<16x1xi32> to vector<16xi32>
        %gather3A_585 = tpu.dynamic_gather %mul3A_225[%gather3A_584] in [0] : vector<16xf32>, vector<16xi32> -> vector<16xf32>
        %mul3A_586 = arith.constant 16 : i32
        %mul3A_587 = arith.muli %scan3A_151, %mul3A_586 : i32
        %add3A_588 = arith.constant 6 : i32
        %add3A_589 = arith.addi %mul3A_587, %add3A_588 : i32
        %get3A_590 = arith.index_cast %add3A_589 : i32 to index
        %get3A_591 = arith.constant 0 : index
        %get3A_592 = tpu.vector_load %arg40[%get3A_590, %get3A_591] {strides = array<i32>} : memref<128x16xf32, #tpu.memory_space<vmem>>, vector<16xf32>,
        %get3A_593 = arith.index_cast %add3A_589 : i32 to index
        %get3A_594 = arith.constant 0 : index
        %get3A_595 = tpu.vector_load %arg41[%get3A_593, %get3A_594] {strides = array<i32>} : memref<128x16xf32, #tpu.memory_space<vmem>>, vector<16xf32>,
        %get3A_596 = arith.index_cast %add3A_589 : i32 to index
        %get3A_597 = arith.constant 0 : index
        %get3A_598 = tpu.vector_load %arg42[%get3A_596, %get3A_597] {strides = array<i32>} : memref<128x16xf32, #tpu.memory_space<vmem>>, vector<16xf32>,
        %mul3A_599 = arith.mulf %gather3A_570, %get3A_592 : vector<16xf32>
        %mul3A_600 = arith.mulf %gather3A_573, %get3A_595 : vector<16xf32>
        %add3A_601 = arith.addf %mul3A_599, %mul3A_600 : vector<16xf32>
        %mul3A_602 = arith.mulf %gather3A_576, %get3A_598 : vector<16xf32>
        %add3A_603 = arith.addf %add3A_601, %mul3A_602 : vector<16xf32>
        %swap3A_604 = arith.index_cast %add3A_589 : i32 to index
        %swap3A_605 = arith.constant 0 : index
        %swap3A_606 = tpu.vector_load %arg40[%swap3A_604, %swap3A_605] {strides = array<i32>} : memref<128x16xf32, #tpu.memory_space<vmem>>, vector<16xf32>,
        tpu.vector_store %arg40[%swap3A_604, %swap3A_605], %add3A_603 {strides = array<i32>} : memref<128x16xf32, #tpu.memory_space<vmem>>, vector<16xf32>,
        %mul3A_607 = arith.mulf %gather3A_573, %get3A_592 : vector<16xf32>
        %mul3A_608 = arith.mulf %gather3A_579, %get3A_595 : vector<16xf32>
        %add3A_609 = arith.addf %mul3A_607, %mul3A_608 : vector<16xf32>
        %mul3A_610 = arith.mulf %gather3A_582, %get3A_598 : vector<16xf32>
        %add3A_611 = arith.addf %add3A_609, %mul3A_610 : vector<16xf32>
        %swap3A_612 = arith.index_cast %add3A_589 : i32 to index
        %swap3A_613 = arith.constant 0 : index
        %swap3A_614 = tpu.vector_load %arg41[%swap3A_612, %swap3A_613] {strides = array<i32>} : memref<128x16xf32, #tpu.memory_space<vmem>>, vector<16xf32>,
        tpu.vector_store %arg41[%swap3A_612, %swap3A_613], %add3A_611 {strides = array<i32>} : memref<128x16xf32, #tpu.memory_space<vmem>>, vector<16xf32>,
        %mul3A_615 = arith.mulf %gather3A_576, %get3A_592 : vector<16xf32>
        %mul3A_616 = arith.mulf %gather3A_582, %get3A_595 : vector<16xf32>
        %add3A_617 = arith.addf %mul3A_615, %mul3A_616 : vector<16xf32>
        %mul3A_618 = arith.mulf %gather3A_585, %get3A_598 : vector<16xf32>
        %add3A_619 = arith.addf %add3A_617, %mul3A_618 : vector<16xf32>
        %swap3A_620 = arith.index_cast %add3A_589 : i32 to index
        %swap3A_621 = arith.constant 0 : index
        %swap3A_622 = tpu.vector_load %arg42[%swap3A_620, %swap3A_621] {strides = array<i32>} : memref<128x16xf32, #tpu.memory_space<vmem>>, vector<16xf32>,
        tpu.vector_store %arg42[%swap3A_620, %swap3A_621], %add3A_619 {strides = array<i32>} : memref<128x16xf32, #tpu.memory_space<vmem>>, vector<16xf32>,
        %broadcast_in_dim3A_623 = arith.constant 7 : i32
        %broadcast_in_dim3A_624 = vector.broadcast %broadcast_in_dim3A_623 : i32 to vector<16xi32>
        %reshape3A_625 = vector.shape_cast %broadcast_in_dim3A_624 : vector<16xi32> to vector<16x1xi32>
        %gather3A_626 = vector.shape_cast %reshape3A_625 : vector<16x1xi32> to vector<16xi32>
        %gather3A_627 = tpu.dynamic_gather %mul3A_205[%gather3A_626] in [0] : vector<16xf32>, vector<16xi32> -> vector<16xf32>
        %reshape3A_628 = vector.shape_cast %broadcast_in_dim3A_624 : vector<16xi32> to vector<16x1xi32>
        %gather3A_629 = vector.shape_cast %reshape3A_628 : vector<16x1xi32> to vector<16xi32>
        %gather3A_630 = tpu.dynamic_gather %mul3A_209[%gather3A_629] in [0] : vector<16xf32>, vector<16xi32> -> vector<16xf32>
        %reshape3A_631 = vector.shape_cast %broadcast_in_dim3A_624 : vector<16xi32> to vector<16x1xi32>
        %gather3A_632 = vector.shape_cast %reshape3A_631 : vector<16x1xi32> to vector<16xi32>
        %gather3A_633 = tpu.dynamic_gather %mul3A_213[%gather3A_632] in [0] : vector<16xf32>, vector<16xi32> -> vector<16xf32>
        %reshape3A_634 = vector.shape_cast %broadcast_in_dim3A_624 : vector<16xi32> to vector<16x1xi32>
        %gather3A_635 = vector.shape_cast %reshape3A_634 : vector<16x1xi32> to vector<16xi32>
        %gather3A_636 = tpu.dynamic_gather %mul3A_217[%gather3A_635] in [0] : vector<16xf32>, vector<16xi32> -> vector<16xf32>
        %reshape3A_637 = vector.shape_cast %broadcast_in_dim3A_624 : vector<16xi32> to vector<16x1xi32>
        %gather3A_638 = vector.shape_cast %reshape3A_637 : vector<16x1xi32> to vector<16xi32>
        %gather3A_639 = tpu.dynamic_gather %mul3A_221[%gather3A_638] in [0] : vector<16xf32>, vector<16xi32> -> vector<16xf32>
        %reshape3A_640 = vector.shape_cast %broadcast_in_dim3A_624 : vector<16xi32> to vector<16x1xi32>
        %gather3A_641 = vector.shape_cast %reshape3A_640 : vector<16x1xi32> to vector<16xi32>
        %gather3A_642 = tpu.dynamic_gather %mul3A_225[%gather3A_641] in [0] : vector<16xf32>, vector<16xi32> -> vector<16xf32>
        %mul3A_643 = arith.constant 16 : i32
        %mul3A_644 = arith.muli %scan3A_151, %mul3A_643 : i32
        %add3A_645 = arith.constant 7 : i32
        %add3A_646 = arith.addi %mul3A_644, %add3A_645 : i32
        %get3A_647 = arith.index_cast %add3A_646 : i32 to index
        %get3A_648 = arith.constant 0 : index
        %get3A_649 = tpu.vector_load %arg40[%get3A_647, %get3A_648] {strides = array<i32>} : memref<128x16xf32, #tpu.memory_space<vmem>>, vector<16xf32>,
        %get3A_650 = arith.index_cast %add3A_646 : i32 to index
        %get3A_651 = arith.constant 0 : index
        %get3A_652 = tpu.vector_load %arg41[%get3A_650, %get3A_651] {strides = array<i32>} : memref<128x16xf32, #tpu.memory_space<vmem>>, vector<16xf32>,
        %get3A_653 = arith.index_cast %add3A_646 : i32 to index
        %get3A_654 = arith.constant 0 : index
        %get3A_655 = tpu.vector_load %arg42[%get3A_653, %get3A_654] {strides = array<i32>} : memref<128x16xf32, #tpu.memory_space<vmem>>, vector<16xf32>,
        %mul3A_656 = arith.mulf %gather3A_627, %get3A_649 : vector<16xf32>
        %mul3A_657 = arith.mulf %gather3A_630, %get3A_652 : vector<16xf32>
        %add3A_658 = arith.addf %mul3A_656, %mul3A_657 : vector<16xf32>
        %mul3A_659 = arith.mulf %gather3A_633, %get3A_655 : vector<16xf32>
        %add3A_660 = arith.addf %add3A_658, %mul3A_659 : vector<16xf32>
        %swap3A_661 = arith.index_cast %add3A_646 : i32 to index
        %swap3A_662 = arith.constant 0 : index
        %swap3A_663 = tpu.vector_load %arg40[%swap3A_661, %swap3A_662] {strides = array<i32>} : memref<128x16xf32, #tpu.memory_space<vmem>>, vector<16xf32>,
        tpu.vector_store %arg40[%swap3A_661, %swap3A_662], %add3A_660 {strides = array<i32>} : memref<128x16xf32, #tpu.memory_space<vmem>>, vector<16xf32>,
        %mul3A_664 = arith.mulf %gather3A_630, %get3A_649 : vector<16xf32>
        %mul3A_665 = arith.mulf %gather3A_636, %get3A_652 : vector<16xf32>
        %add3A_666 = arith.addf %mul3A_664, %mul3A_665 : vector<16xf32>
        %mul3A_667 = arith.mulf %gather3A_639, %get3A_655 : vector<16xf32>
        %add3A_668 = arith.addf %add3A_666, %mul3A_667 : vector<16xf32>
        %swap3A_669 = arith.index_cast %add3A_646 : i32 to index
        %swap3A_670 = arith.constant 0 : index
        %swap3A_671 = tpu.vector_load %arg41[%swap3A_669, %swap3A_670] {strides = array<i32>} : memref<128x16xf32, #tpu.memory_space<vmem>>, vector<16xf32>,
        tpu.vector_store %arg41[%swap3A_669, %swap3A_670], %add3A_668 {strides = array<i32>} : memref<128x16xf32, #tpu.memory_space<vmem>>, vector<16xf32>,
        %mul3A_672 = arith.mulf %gather3A_633, %get3A_649 : vector<16xf32>
        %mul3A_673 = arith.mulf %gather3A_639, %get3A_652 : vector<16xf32>
        %add3A_674 = arith.addf %mul3A_672, %mul3A_673 : vector<16xf32>
        %mul3A_675 = arith.mulf %gather3A_642, %get3A_655 : vector<16xf32>
        %add3A_676 = arith.addf %add3A_674, %mul3A_675 : vector<16xf32>
        %swap3A_677 = arith.index_cast %add3A_646 : i32 to index
        %swap3A_678 = arith.constant 0 : index
        %swap3A_679 = tpu.vector_load %arg42[%swap3A_677, %swap3A_678] {strides = array<i32>} : memref<128x16xf32, #tpu.memory_space<vmem>>, vector<16xf32>,
        tpu.vector_store %arg42[%swap3A_677, %swap3A_678], %add3A_676 {strides = array<i32>} : memref<128x16xf32, #tpu.memory_space<vmem>>, vector<16xf32>,
        %broadcast_in_dim3A_680 = arith.constant 8 : i32
        %broadcast_in_dim3A_681 = vector.broadcast %broadcast_in_dim3A_680 : i32 to vector<16xi32>
        %reshape3A_682 = vector.shape_cast %broadcast_in_dim3A_681 : vector<16xi32> to vector<16x1xi32>
        %gather3A_683 = vector.shape_cast %reshape3A_682 : vector<16x1xi32> to vector<16xi32>
        %gather3A_684 = tpu.dynamic_gather %mul3A_205[%gather3A_683] in [0] : vector<16xf32>, vector<16xi32> -> vector<16xf32>
        %reshape3A_685 = vector.shape_cast %broadcast_in_dim3A_681 : vector<16xi32> to vector<16x1xi32>
        %gather3A_686 = vector.shape_cast %reshape3A_685 : vector<16x1xi32> to vector<16xi32>
        %gather3A_687 = tpu.dynamic_gather %mul3A_209[%gather3A_686] in [0] : vector<16xf32>, vector<16xi32> -> vector<16xf32>
        %reshape3A_688 = vector.shape_cast %broadcast_in_dim3A_681 : vector<16xi32> to vector<16x1xi32>
        %gather3A_689 = vector.shape_cast %reshape3A_688 : vector<16x1xi32> to vector<16xi32>
        %gather3A_690 = tpu.dynamic_gather %mul3A_213[%gather3A_689] in [0] : vector<16xf32>, vector<16xi32> -> vector<16xf32>
        %reshape3A_691 = vector.shape_cast %broadcast_in_dim3A_681 : vector<16xi32> to vector<16x1xi32>
        %gather3A_692 = vector.shape_cast %reshape3A_691 : vector<16x1xi32> to vector<16xi32>
        %gather3A_693 = tpu.dynamic_gather %mul3A_217[%gather3A_692] in [0] : vector<16xf32>, vector<16xi32> -> vector<16xf32>
        %reshape3A_694 = vector.shape_cast %broadcast_in_dim3A_681 : vector<16xi32> to vector<16x1xi32>
        %gather3A_695 = vector.shape_cast %reshape3A_694 : vector<16x1xi32> to vector<16xi32>
        %gather3A_696 = tpu.dynamic_gather %mul3A_221[%gather3A_695] in [0] : vector<16xf32>, vector<16xi32> -> vector<16xf32>
        %reshape3A_697 = vector.shape_cast %broadcast_in_dim3A_681 : vector<16xi32> to vector<16x1xi32>
        %gather3A_698 = vector.shape_cast %reshape3A_697 : vector<16x1xi32> to vector<16xi32>
        %gather3A_699 = tpu.dynamic_gather %mul3A_225[%gather3A_698] in [0] : vector<16xf32>, vector<16xi32> -> vector<16xf32>
        %mul3A_700 = arith.constant 16 : i32
        %mul3A_701 = arith.muli %scan3A_151, %mul3A_700 : i32
        %add3A_702 = arith.constant 8 : i32
        %add3A_703 = arith.addi %mul3A_701, %add3A_702 : i32
        %get3A_704 = arith.index_cast %add3A_703 : i32 to index
        %get3A_705 = arith.constant 0 : index
        %get3A_706 = tpu.vector_load %arg40[%get3A_704, %get3A_705] {strides = array<i32>} : memref<128x16xf32, #tpu.memory_space<vmem>>, vector<16xf32>,
        %get3A_707 = arith.index_cast %add3A_703 : i32 to index
        %get3A_708 = arith.constant 0 : index
        %get3A_709 = tpu.vector_load %arg41[%get3A_707, %get3A_708] {strides = array<i32>} : memref<128x16xf32, #tpu.memory_space<vmem>>, vector<16xf32>,
        %get3A_710 = arith.index_cast %add3A_703 : i32 to index
        %get3A_711 = arith.constant 0 : index
        %get3A_712 = tpu.vector_load %arg42[%get3A_710, %get3A_711] {strides = array<i32>} : memref<128x16xf32, #tpu.memory_space<vmem>>, vector<16xf32>,
        %mul3A_713 = arith.mulf %gather3A_684, %get3A_706 : vector<16xf32>
        %mul3A_714 = arith.mulf %gather3A_687, %get3A_709 : vector<16xf32>
        %add3A_715 = arith.addf %mul3A_713, %mul3A_714 : vector<16xf32>
        %mul3A_716 = arith.mulf %gather3A_690, %get3A_712 : vector<16xf32>
        %add3A_717 = arith.addf %add3A_715, %mul3A_716 : vector<16xf32>
        %swap3A_718 = arith.index_cast %add3A_703 : i32 to index
        %swap3A_719 = arith.constant 0 : index
        %swap3A_720 = tpu.vector_load %arg40[%swap3A_718, %swap3A_719] {strides = array<i32>} : memref<128x16xf32, #tpu.memory_space<vmem>>, vector<16xf32>,
        tpu.vector_store %arg40[%swap3A_718, %swap3A_719], %add3A_717 {strides = array<i32>} : memref<128x16xf32, #tpu.memory_space<vmem>>, vector<16xf32>,
        %mul3A_721 = arith.mulf %gather3A_687, %get3A_706 : vector<16xf32>
        %mul3A_722 = arith.mulf %gather3A_693, %get3A_709 : vector<16xf32>
        %add3A_723 = arith.addf %mul3A_721, %mul3A_722 : vector<16xf32>
        %mul3A_724 = arith.mulf %gather3A_696, %get3A_712 : vector<16xf32>
        %add3A_725 = arith.addf %add3A_723, %mul3A_724 : vector<16xf32>
        %swap3A_726 = arith.index_cast %add3A_703 : i32 to index
        %swap3A_727 = arith.constant 0 : index
        %swap3A_728 = tpu.vector_load %arg41[%swap3A_726, %swap3A_727] {strides = array<i32>} : memref<128x16xf32, #tpu.memory_space<vmem>>, vector<16xf32>,
        tpu.vector_store %arg41[%swap3A_726, %swap3A_727], %add3A_725 {strides = array<i32>} : memref<128x16xf32, #tpu.memory_space<vmem>>, vector<16xf32>,
        %mul3A_729 = arith.mulf %gather3A_690, %get3A_706 : vector<16xf32>
        %mul3A_730 = arith.mulf %gather3A_696, %get3A_709 : vector<16xf32>
        %add3A_731 = arith.addf %mul3A_729, %mul3A_730 : vector<16xf32>
        %mul3A_732 = arith.mulf %gather3A_699, %get3A_712 : vector<16xf32>
        %add3A_733 = arith.addf %add3A_731, %mul3A_732 : vector<16xf32>
        %swap3A_734 = arith.index_cast %add3A_703 : i32 to index
        %swap3A_735 = arith.constant 0 : index
        %swap3A_736 = tpu.vector_load %arg42[%swap3A_734, %swap3A_735] {strides = array<i32>} : memref<128x16xf32, #tpu.memory_space<vmem>>, vector<16xf32>,
        tpu.vector_store %arg42[%swap3A_734, %swap3A_735], %add3A_733 {strides = array<i32>} : memref<128x16xf32, #tpu.memory_space<vmem>>, vector<16xf32>,
        %broadcast_in_dim3A_737 = arith.constant 9 : i32
        %broadcast_in_dim3A_738 = vector.broadcast %broadcast_in_dim3A_737 : i32 to vector<16xi32>
        %reshape3A_739 = vector.shape_cast %broadcast_in_dim3A_738 : vector<16xi32> to vector<16x1xi32>
        %gather3A_740 = vector.shape_cast %reshape3A_739 : vector<16x1xi32> to vector<16xi32>
        %gather3A_741 = tpu.dynamic_gather %mul3A_205[%gather3A_740] in [0] : vector<16xf32>, vector<16xi32> -> vector<16xf32>
        %reshape3A_742 = vector.shape_cast %broadcast_in_dim3A_738 : vector<16xi32> to vector<16x1xi32>
        %gather3A_743 = vector.shape_cast %reshape3A_742 : vector<16x1xi32> to vector<16xi32>
        %gather3A_744 = tpu.dynamic_gather %mul3A_209[%gather3A_743] in [0] : vector<16xf32>, vector<16xi32> -> vector<16xf32>
        %reshape3A_745 = vector.shape_cast %broadcast_in_dim3A_738 : vector<16xi32> to vector<16x1xi32>
        %gather3A_746 = vector.shape_cast %reshape3A_745 : vector<16x1xi32> to vector<16xi32>
        %gather3A_747 = tpu.dynamic_gather %mul3A_213[%gather3A_746] in [0] : vector<16xf32>, vector<16xi32> -> vector<16xf32>
        %reshape3A_748 = vector.shape_cast %broadcast_in_dim3A_738 : vector<16xi32> to vector<16x1xi32>
        %gather3A_749 = vector.shape_cast %reshape3A_748 : vector<16x1xi32> to vector<16xi32>
        %gather3A_750 = tpu.dynamic_gather %mul3A_217[%gather3A_749] in [0] : vector<16xf32>, vector<16xi32> -> vector<16xf32>
        %reshape3A_751 = vector.shape_cast %broadcast_in_dim3A_738 : vector<16xi32> to vector<16x1xi32>
        %gather3A_752 = vector.shape_cast %reshape3A_751 : vector<16x1xi32> to vector<16xi32>
        %gather3A_753 = tpu.dynamic_gather %mul3A_221[%gather3A_752] in [0] : vector<16xf32>, vector<16xi32> -> vector<16xf32>
        %reshape3A_754 = vector.shape_cast %broadcast_in_dim3A_738 : vector<16xi32> to vector<16x1xi32>
        %gather3A_755 = vector.shape_cast %reshape3A_754 : vector<16x1xi32> to vector<16xi32>
        %gather3A_756 = tpu.dynamic_gather %mul3A_225[%gather3A_755] in [0] : vector<16xf32>, vector<16xi32> -> vector<16xf32>
        %mul3A_757 = arith.constant 16 : i32
        %mul3A_758 = arith.muli %scan3A_151, %mul3A_757 : i32
        %add3A_759 = arith.constant 9 : i32
        %add3A_760 = arith.addi %mul3A_758, %add3A_759 : i32
        %get3A_761 = arith.index_cast %add3A_760 : i32 to index
        %get3A_762 = arith.constant 0 : index
        %get3A_763 = tpu.vector_load %arg40[%get3A_761, %get3A_762] {strides = array<i32>} : memref<128x16xf32, #tpu.memory_space<vmem>>, vector<16xf32>,
        %get3A_764 = arith.index_cast %add3A_760 : i32 to index
        %get3A_765 = arith.constant 0 : index
        %get3A_766 = tpu.vector_load %arg41[%get3A_764, %get3A_765] {strides = array<i32>} : memref<128x16xf32, #tpu.memory_space<vmem>>, vector<16xf32>,
        %get3A_767 = arith.index_cast %add3A_760 : i32 to index
        %get3A_768 = arith.constant 0 : index
        %get3A_769 = tpu.vector_load %arg42[%get3A_767, %get3A_768] {strides = array<i32>} : memref<128x16xf32, #tpu.memory_space<vmem>>, vector<16xf32>,
        %mul3A_770 = arith.mulf %gather3A_741, %get3A_763 : vector<16xf32>
        %mul3A_771 = arith.mulf %gather3A_744, %get3A_766 : vector<16xf32>
        %add3A_772 = arith.addf %mul3A_770, %mul3A_771 : vector<16xf32>
        %mul3A_773 = arith.mulf %gather3A_747, %get3A_769 : vector<16xf32>
        %add3A_774 = arith.addf %add3A_772, %mul3A_773 : vector<16xf32>
        %swap3A_775 = arith.index_cast %add3A_760 : i32 to index
        %swap3A_776 = arith.constant 0 : index
        %swap3A_777 = tpu.vector_load %arg40[%swap3A_775, %swap3A_776] {strides = array<i32>} : memref<128x16xf32, #tpu.memory_space<vmem>>, vector<16xf32>,
        tpu.vector_store %arg40[%swap3A_775, %swap3A_776], %add3A_774 {strides = array<i32>} : memref<128x16xf32, #tpu.memory_space<vmem>>, vector<16xf32>,
        %mul3A_778 = arith.mulf %gather3A_744, %get3A_763 : vector<16xf32>
        %mul3A_779 = arith.mulf %gather3A_750, %get3A_766 : vector<16xf32>
        %add3A_780 = arith.addf %mul3A_778, %mul3A_779 : vector<16xf32>
        %mul3A_781 = arith.mulf %gather3A_753, %get3A_769 : vector<16xf32>
        %add3A_782 = arith.addf %add3A_780, %mul3A_781 : vector<16xf32>
        %swap3A_783 = arith.index_cast %add3A_760 : i32 to index
        %swap3A_784 = arith.constant 0 : index
        %swap3A_785 = tpu.vector_load %arg41[%swap3A_783, %swap3A_784] {strides = array<i32>} : memref<128x16xf32, #tpu.memory_space<vmem>>, vector<16xf32>,
        tpu.vector_store %arg41[%swap3A_783, %swap3A_784], %add3A_782 {strides = array<i32>} : memref<128x16xf32, #tpu.memory_space<vmem>>, vector<16xf32>,
        %mul3A_786 = arith.mulf %gather3A_747, %get3A_763 : vector<16xf32>
        %mul3A_787 = arith.mulf %gather3A_753, %get3A_766 : vector<16xf32>
        %add3A_788 = arith.addf %mul3A_786, %mul3A_787 : vector<16xf32>
        %mul3A_789 = arith.mulf %gather3A_756, %get3A_769 : vector<16xf32>
        %add3A_790 = arith.addf %add3A_788, %mul3A_789 : vector<16xf32>
        %swap3A_791 = arith.index_cast %add3A_760 : i32 to index
        %swap3A_792 = arith.constant 0 : index
        %swap3A_793 = tpu.vector_load %arg42[%swap3A_791, %swap3A_792] {strides = array<i32>} : memref<128x16xf32, #tpu.memory_space<vmem>>, vector<16xf32>,
        tpu.vector_store %arg42[%swap3A_791, %swap3A_792], %add3A_790 {strides = array<i32>} : memref<128x16xf32, #tpu.memory_space<vmem>>, vector<16xf32>,
        %broadcast_in_dim3A_794 = arith.constant 10 : i32
        %broadcast_in_dim3A_795 = vector.broadcast %broadcast_in_dim3A_794 : i32 to vector<16xi32>
        %reshape3A_796 = vector.shape_cast %broadcast_in_dim3A_795 : vector<16xi32> to vector<16x1xi32>
        %gather3A_797 = vector.shape_cast %reshape3A_796 : vector<16x1xi32> to vector<16xi32>
        %gather3A_798 = tpu.dynamic_gather %mul3A_205[%gather3A_797] in [0] : vector<16xf32>, vector<16xi32> -> vector<16xf32>
        %reshape3A_799 = vector.shape_cast %broadcast_in_dim3A_795 : vector<16xi32> to vector<16x1xi32>
        %gather3A_800 = vector.shape_cast %reshape3A_799 : vector<16x1xi32> to vector<16xi32>
        %gather3A_801 = tpu.dynamic_gather %mul3A_209[%gather3A_800] in [0] : vector<16xf32>, vector<16xi32> -> vector<16xf32>
        %reshape3A_802 = vector.shape_cast %broadcast_in_dim3A_795 : vector<16xi32> to vector<16x1xi32>
        %gather3A_803 = vector.shape_cast %reshape3A_802 : vector<16x1xi32> to vector<16xi32>
        %gather3A_804 = tpu.dynamic_gather %mul3A_213[%gather3A_803] in [0] : vector<16xf32>, vector<16xi32> -> vector<16xf32>
        %reshape3A_805 = vector.shape_cast %broadcast_in_dim3A_795 : vector<16xi32> to vector<16x1xi32>
        %gather3A_806 = vector.shape_cast %reshape3A_805 : vector<16x1xi32> to vector<16xi32>
        %gather3A_807 = tpu.dynamic_gather %mul3A_217[%gather3A_806] in [0] : vector<16xf32>, vector<16xi32> -> vector<16xf32>
        %reshape3A_808 = vector.shape_cast %broadcast_in_dim3A_795 : vector<16xi32> to vector<16x1xi32>
        %gather3A_809 = vector.shape_cast %reshape3A_808 : vector<16x1xi32> to vector<16xi32>
        %gather3A_810 = tpu.dynamic_gather %mul3A_221[%gather3A_809] in [0] : vector<16xf32>, vector<16xi32> -> vector<16xf32>
        %reshape3A_811 = vector.shape_cast %broadcast_in_dim3A_795 : vector<16xi32> to vector<16x1xi32>
        %gather3A_812 = vector.shape_cast %reshape3A_811 : vector<16x1xi32> to vector<16xi32>
        %gather3A_813 = tpu.dynamic_gather %mul3A_225[%gather3A_812] in [0] : vector<16xf32>, vector<16xi32> -> vector<16xf32>
        %mul3A_814 = arith.constant 16 : i32
        %mul3A_815 = arith.muli %scan3A_151, %mul3A_814 : i32
        %add3A_816 = arith.constant 10 : i32
        %add3A_817 = arith.addi %mul3A_815, %add3A_816 : i32
        %get3A_818 = arith.index_cast %add3A_817 : i32 to index
        %get3A_819 = arith.constant 0 : index
        %get3A_820 = tpu.vector_load %arg40[%get3A_818, %get3A_819] {strides = array<i32>} : memref<128x16xf32, #tpu.memory_space<vmem>>, vector<16xf32>,
        %get3A_821 = arith.index_cast %add3A_817 : i32 to index
        %get3A_822 = arith.constant 0 : index
        %get3A_823 = tpu.vector_load %arg41[%get3A_821, %get3A_822] {strides = array<i32>} : memref<128x16xf32, #tpu.memory_space<vmem>>, vector<16xf32>,
        %get3A_824 = arith.index_cast %add3A_817 : i32 to index
        %get3A_825 = arith.constant 0 : index
        %get3A_826 = tpu.vector_load %arg42[%get3A_824, %get3A_825] {strides = array<i32>} : memref<128x16xf32, #tpu.memory_space<vmem>>, vector<16xf32>,
        %mul3A_827 = arith.mulf %gather3A_798, %get3A_820 : vector<16xf32>
        %mul3A_828 = arith.mulf %gather3A_801, %get3A_823 : vector<16xf32>
        %add3A_829 = arith.addf %mul3A_827, %mul3A_828 : vector<16xf32>
        %mul3A_830 = arith.mulf %gather3A_804, %get3A_826 : vector<16xf32>
        %add3A_831 = arith.addf %add3A_829, %mul3A_830 : vector<16xf32>
        %swap3A_832 = arith.index_cast %add3A_817 : i32 to index
        %swap3A_833 = arith.constant 0 : index
        %swap3A_834 = tpu.vector_load %arg40[%swap3A_832, %swap3A_833] {strides = array<i32>} : memref<128x16xf32, #tpu.memory_space<vmem>>, vector<16xf32>,
        tpu.vector_store %arg40[%swap3A_832, %swap3A_833], %add3A_831 {strides = array<i32>} : memref<128x16xf32, #tpu.memory_space<vmem>>, vector<16xf32>,
        %mul3A_835 = arith.mulf %gather3A_801, %get3A_820 : vector<16xf32>
        %mul3A_836 = arith.mulf %gather3A_807, %get3A_823 : vector<16xf32>
        %add3A_837 = arith.addf %mul3A_835, %mul3A_836 : vector<16xf32>
        %mul3A_838 = arith.mulf %gather3A_810, %get3A_826 : vector<16xf32>
        %add3A_839 = arith.addf %add3A_837, %mul3A_838 : vector<16xf32>
        %swap3A_840 = arith.index_cast %add3A_817 : i32 to index
        %swap3A_841 = arith.constant 0 : index
        %swap3A_842 = tpu.vector_load %arg41[%swap3A_840, %swap3A_841] {strides = array<i32>} : memref<128x16xf32, #tpu.memory_space<vmem>>, vector<16xf32>,
        tpu.vector_store %arg41[%swap3A_840, %swap3A_841], %add3A_839 {strides = array<i32>} : memref<128x16xf32, #tpu.memory_space<vmem>>, vector<16xf32>,
        %mul3A_843 = arith.mulf %gather3A_804, %get3A_820 : vector<16xf32>
        %mul3A_844 = arith.mulf %gather3A_810, %get3A_823 : vector<16xf32>
        %add3A_845 = arith.addf %mul3A_843, %mul3A_844 : vector<16xf32>
        %mul3A_846 = arith.mulf %gather3A_813, %get3A_826 : vector<16xf32>
        %add3A_847 = arith.addf %add3A_845, %mul3A_846 : vector<16xf32>
        %swap3A_848 = arith.index_cast %add3A_817 : i32 to index
        %swap3A_849 = arith.constant 0 : index
        %swap3A_850 = tpu.vector_load %arg42[%swap3A_848, %swap3A_849] {strides = array<i32>} : memref<128x16xf32, #tpu.memory_space<vmem>>, vector<16xf32>,
        tpu.vector_store %arg42[%swap3A_848, %swap3A_849], %add3A_847 {strides = array<i32>} : memref<128x16xf32, #tpu.memory_space<vmem>>, vector<16xf32>,
        %broadcast_in_dim3A_851 = arith.constant 11 : i32
        %broadcast_in_dim3A_852 = vector.broadcast %broadcast_in_dim3A_851 : i32 to vector<16xi32>
        %reshape3A_853 = vector.shape_cast %broadcast_in_dim3A_852 : vector<16xi32> to vector<16x1xi32>
        %gather3A_854 = vector.shape_cast %reshape3A_853 : vector<16x1xi32> to vector<16xi32>
        %gather3A_855 = tpu.dynamic_gather %mul3A_205[%gather3A_854] in [0] : vector<16xf32>, vector<16xi32> -> vector<16xf32>
        %reshape3A_856 = vector.shape_cast %broadcast_in_dim3A_852 : vector<16xi32> to vector<16x1xi32>
        %gather3A_857 = vector.shape_cast %reshape3A_856 : vector<16x1xi32> to vector<16xi32>
        %gather3A_858 = tpu.dynamic_gather %mul3A_209[%gather3A_857] in [0] : vector<16xf32>, vector<16xi32> -> vector<16xf32>
        %reshape3A_859 = vector.shape_cast %broadcast_in_dim3A_852 : vector<16xi32> to vector<16x1xi32>
        %gather3A_860 = vector.shape_cast %reshape3A_859 : vector<16x1xi32> to vector<16xi32>
        %gather3A_861 = tpu.dynamic_gather %mul3A_213[%gather3A_860] in [0] : vector<16xf32>, vector<16xi32> -> vector<16xf32>
        %reshape3A_862 = vector.shape_cast %broadcast_in_dim3A_852 : vector<16xi32> to vector<16x1xi32>
        %gather3A_863 = vector.shape_cast %reshape3A_862 : vector<16x1xi32> to vector<16xi32>
        %gather3A_864 = tpu.dynamic_gather %mul3A_217[%gather3A_863] in [0] : vector<16xf32>, vector<16xi32> -> vector<16xf32>
        %reshape3A_865 = vector.shape_cast %broadcast_in_dim3A_852 : vector<16xi32> to vector<16x1xi32>
        %gather3A_866 = vector.shape_cast %reshape3A_865 : vector<16x1xi32> to vector<16xi32>
        %gather3A_867 = tpu.dynamic_gather %mul3A_221[%gather3A_866] in [0] : vector<16xf32>, vector<16xi32> -> vector<16xf32>
        %reshape3A_868 = vector.shape_cast %broadcast_in_dim3A_852 : vector<16xi32> to vector<16x1xi32>
        %gather3A_869 = vector.shape_cast %reshape3A_868 : vector<16x1xi32> to vector<16xi32>
        %gather3A_870 = tpu.dynamic_gather %mul3A_225[%gather3A_869] in [0] : vector<16xf32>, vector<16xi32> -> vector<16xf32>
        %mul3A_871 = arith.constant 16 : i32
        %mul3A_872 = arith.muli %scan3A_151, %mul3A_871 : i32
        %add3A_873 = arith.constant 11 : i32
        %add3A_874 = arith.addi %mul3A_872, %add3A_873 : i32
        %get3A_875 = arith.index_cast %add3A_874 : i32 to index
        %get3A_876 = arith.constant 0 : index
        %get3A_877 = tpu.vector_load %arg40[%get3A_875, %get3A_876] {strides = array<i32>} : memref<128x16xf32, #tpu.memory_space<vmem>>, vector<16xf32>,
        %get3A_878 = arith.index_cast %add3A_874 : i32 to index
        %get3A_879 = arith.constant 0 : index
        %get3A_880 = tpu.vector_load %arg41[%get3A_878, %get3A_879] {strides = array<i32>} : memref<128x16xf32, #tpu.memory_space<vmem>>, vector<16xf32>,
        %get3A_881 = arith.index_cast %add3A_874 : i32 to index
        %get3A_882 = arith.constant 0 : index
        %get3A_883 = tpu.vector_load %arg42[%get3A_881, %get3A_882] {strides = array<i32>} : memref<128x16xf32, #tpu.memory_space<vmem>>, vector<16xf32>,
        %mul3A_884 = arith.mulf %gather3A_855, %get3A_877 : vector<16xf32>
        %mul3A_885 = arith.mulf %gather3A_858, %get3A_880 : vector<16xf32>
        %add3A_886 = arith.addf %mul3A_884, %mul3A_885 : vector<16xf32>
        %mul3A_887 = arith.mulf %gather3A_861, %get3A_883 : vector<16xf32>
        %add3A_888 = arith.addf %add3A_886, %mul3A_887 : vector<16xf32>
        %swap3A_889 = arith.index_cast %add3A_874 : i32 to index
        %swap3A_890 = arith.constant 0 : index
        %swap3A_891 = tpu.vector_load %arg40[%swap3A_889, %swap3A_890] {strides = array<i32>} : memref<128x16xf32, #tpu.memory_space<vmem>>, vector<16xf32>,
        tpu.vector_store %arg40[%swap3A_889, %swap3A_890], %add3A_888 {strides = array<i32>} : memref<128x16xf32, #tpu.memory_space<vmem>>, vector<16xf32>,
        %mul3A_892 = arith.mulf %gather3A_858, %get3A_877 : vector<16xf32>
        %mul3A_893 = arith.mulf %gather3A_864, %get3A_880 : vector<16xf32>
        %add3A_894 = arith.addf %mul3A_892, %mul3A_893 : vector<16xf32>
        %mul3A_895 = arith.mulf %gather3A_867, %get3A_883 : vector<16xf32>
        %add3A_896 = arith.addf %add3A_894, %mul3A_895 : vector<16xf32>
        %swap3A_897 = arith.index_cast %add3A_874 : i32 to index
        %swap3A_898 = arith.constant 0 : index
        %swap3A_899 = tpu.vector_load %arg41[%swap3A_897, %swap3A_898] {strides = array<i32>} : memref<128x16xf32, #tpu.memory_space<vmem>>, vector<16xf32>,
        tpu.vector_store %arg41[%swap3A_897, %swap3A_898], %add3A_896 {strides = array<i32>} : memref<128x16xf32, #tpu.memory_space<vmem>>, vector<16xf32>,
        %mul3A_900 = arith.mulf %gather3A_861, %get3A_877 : vector<16xf32>
        %mul3A_901 = arith.mulf %gather3A_867, %get3A_880 : vector<16xf32>
        %add3A_902 = arith.addf %mul3A_900, %mul3A_901 : vector<16xf32>
        %mul3A_903 = arith.mulf %gather3A_870, %get3A_883 : vector<16xf32>
        %add3A_904 = arith.addf %add3A_902, %mul3A_903 : vector<16xf32>
        %swap3A_905 = arith.index_cast %add3A_874 : i32 to index
        %swap3A_906 = arith.constant 0 : index
        %swap3A_907 = tpu.vector_load %arg42[%swap3A_905, %swap3A_906] {strides = array<i32>} : memref<128x16xf32, #tpu.memory_space<vmem>>, vector<16xf32>,
        tpu.vector_store %arg42[%swap3A_905, %swap3A_906], %add3A_904 {strides = array<i32>} : memref<128x16xf32, #tpu.memory_space<vmem>>, vector<16xf32>,
        %broadcast_in_dim3A_908 = arith.constant 12 : i32
        %broadcast_in_dim3A_909 = vector.broadcast %broadcast_in_dim3A_908 : i32 to vector<16xi32>
        %reshape3A_910 = vector.shape_cast %broadcast_in_dim3A_909 : vector<16xi32> to vector<16x1xi32>
        %gather3A_911 = vector.shape_cast %reshape3A_910 : vector<16x1xi32> to vector<16xi32>
        %gather3A_912 = tpu.dynamic_gather %mul3A_205[%gather3A_911] in [0] : vector<16xf32>, vector<16xi32> -> vector<16xf32>
        %reshape3A_913 = vector.shape_cast %broadcast_in_dim3A_909 : vector<16xi32> to vector<16x1xi32>
        %gather3A_914 = vector.shape_cast %reshape3A_913 : vector<16x1xi32> to vector<16xi32>
        %gather3A_915 = tpu.dynamic_gather %mul3A_209[%gather3A_914] in [0] : vector<16xf32>, vector<16xi32> -> vector<16xf32>
        %reshape3A_916 = vector.shape_cast %broadcast_in_dim3A_909 : vector<16xi32> to vector<16x1xi32>
        %gather3A_917 = vector.shape_cast %reshape3A_916 : vector<16x1xi32> to vector<16xi32>
        %gather3A_918 = tpu.dynamic_gather %mul3A_213[%gather3A_917] in [0] : vector<16xf32>, vector<16xi32> -> vector<16xf32>
        %reshape3A_919 = vector.shape_cast %broadcast_in_dim3A_909 : vector<16xi32> to vector<16x1xi32>
        %gather3A_920 = vector.shape_cast %reshape3A_919 : vector<16x1xi32> to vector<16xi32>
        %gather3A_921 = tpu.dynamic_gather %mul3A_217[%gather3A_920] in [0] : vector<16xf32>, vector<16xi32> -> vector<16xf32>
        %reshape3A_922 = vector.shape_cast %broadcast_in_dim3A_909 : vector<16xi32> to vector<16x1xi32>
        %gather3A_923 = vector.shape_cast %reshape3A_922 : vector<16x1xi32> to vector<16xi32>
        %gather3A_924 = tpu.dynamic_gather %mul3A_221[%gather3A_923] in [0] : vector<16xf32>, vector<16xi32> -> vector<16xf32>
        %reshape3A_925 = vector.shape_cast %broadcast_in_dim3A_909 : vector<16xi32> to vector<16x1xi32>
        %gather3A_926 = vector.shape_cast %reshape3A_925 : vector<16x1xi32> to vector<16xi32>
        %gather3A_927 = tpu.dynamic_gather %mul3A_225[%gather3A_926] in [0] : vector<16xf32>, vector<16xi32> -> vector<16xf32>
        %mul3A_928 = arith.constant 16 : i32
        %mul3A_929 = arith.muli %scan3A_151, %mul3A_928 : i32
        %add3A_930 = arith.constant 12 : i32
        %add3A_931 = arith.addi %mul3A_929, %add3A_930 : i32
        %get3A_932 = arith.index_cast %add3A_931 : i32 to index
        %get3A_933 = arith.constant 0 : index
        %get3A_934 = tpu.vector_load %arg40[%get3A_932, %get3A_933] {strides = array<i32>} : memref<128x16xf32, #tpu.memory_space<vmem>>, vector<16xf32>,
        %get3A_935 = arith.index_cast %add3A_931 : i32 to index
        %get3A_936 = arith.constant 0 : index
        %get3A_937 = tpu.vector_load %arg41[%get3A_935, %get3A_936] {strides = array<i32>} : memref<128x16xf32, #tpu.memory_space<vmem>>, vector<16xf32>,
        %get3A_938 = arith.index_cast %add3A_931 : i32 to index
        %get3A_939 = arith.constant 0 : index
        %get3A_940 = tpu.vector_load %arg42[%get3A_938, %get3A_939] {strides = array<i32>} : memref<128x16xf32, #tpu.memory_space<vmem>>, vector<16xf32>,
        %mul3A_941 = arith.mulf %gather3A_912, %get3A_934 : vector<16xf32>
        %mul3A_942 = arith.mulf %gather3A_915, %get3A_937 : vector<16xf32>
        %add3A_943 = arith.addf %mul3A_941, %mul3A_942 : vector<16xf32>
        %mul3A_944 = arith.mulf %gather3A_918, %get3A_940 : vector<16xf32>
        %add3A_945 = arith.addf %add3A_943, %mul3A_944 : vector<16xf32>
        %swap3A_946 = arith.index_cast %add3A_931 : i32 to index
        %swap3A_947 = arith.constant 0 : index
        %swap3A_948 = tpu.vector_load %arg40[%swap3A_946, %swap3A_947] {strides = array<i32>} : memref<128x16xf32, #tpu.memory_space<vmem>>, vector<16xf32>,
        tpu.vector_store %arg40[%swap3A_946, %swap3A_947], %add3A_945 {strides = array<i32>} : memref<128x16xf32, #tpu.memory_space<vmem>>, vector<16xf32>,
        %mul3A_949 = arith.mulf %gather3A_915, %get3A_934 : vector<16xf32>
        %mul3A_950 = arith.mulf %gather3A_921, %get3A_937 : vector<16xf32>
        %add3A_951 = arith.addf %mul3A_949, %mul3A_950 : vector<16xf32>
        %mul3A_952 = arith.mulf %gather3A_924, %get3A_940 : vector<16xf32>
        %add3A_953 = arith.addf %add3A_951, %mul3A_952 : vector<16xf32>
        %swap3A_954 = arith.index_cast %add3A_931 : i32 to index
        %swap3A_955 = arith.constant 0 : index
        %swap3A_956 = tpu.vector_load %arg41[%swap3A_954, %swap3A_955] {strides = array<i32>} : memref<128x16xf32, #tpu.memory_space<vmem>>, vector<16xf32>,
        tpu.vector_store %arg41[%swap3A_954, %swap3A_955], %add3A_953 {strides = array<i32>} : memref<128x16xf32, #tpu.memory_space<vmem>>, vector<16xf32>,
        %mul3A_957 = arith.mulf %gather3A_918, %get3A_934 : vector<16xf32>
        %mul3A_958 = arith.mulf %gather3A_924, %get3A_937 : vector<16xf32>
        %add3A_959 = arith.addf %mul3A_957, %mul3A_958 : vector<16xf32>
        %mul3A_960 = arith.mulf %gather3A_927, %get3A_940 : vector<16xf32>
        %add3A_961 = arith.addf %add3A_959, %mul3A_960 : vector<16xf32>
        %swap3A_962 = arith.index_cast %add3A_931 : i32 to index
        %swap3A_963 = arith.constant 0 : index
        %swap3A_964 = tpu.vector_load %arg42[%swap3A_962, %swap3A_963] {strides = array<i32>} : memref<128x16xf32, #tpu.memory_space<vmem>>, vector<16xf32>,
        tpu.vector_store %arg42[%swap3A_962, %swap3A_963], %add3A_961 {strides = array<i32>} : memref<128x16xf32, #tpu.memory_space<vmem>>, vector<16xf32>,
        %broadcast_in_dim3A_965 = arith.constant 13 : i32
        %broadcast_in_dim3A_966 = vector.broadcast %broadcast_in_dim3A_965 : i32 to vector<16xi32>
        %reshape3A_967 = vector.shape_cast %broadcast_in_dim3A_966 : vector<16xi32> to vector<16x1xi32>
        %gather3A_968 = vector.shape_cast %reshape3A_967 : vector<16x1xi32> to vector<16xi32>
        %gather3A_969 = tpu.dynamic_gather %mul3A_205[%gather3A_968] in [0] : vector<16xf32>, vector<16xi32> -> vector<16xf32>
        %reshape3A_970 = vector.shape_cast %broadcast_in_dim3A_966 : vector<16xi32> to vector<16x1xi32>
        %gather3A_971 = vector.shape_cast %reshape3A_970 : vector<16x1xi32> to vector<16xi32>
        %gather3A_972 = tpu.dynamic_gather %mul3A_209[%gather3A_971] in [0] : vector<16xf32>, vector<16xi32> -> vector<16xf32>
        %reshape3A_973 = vector.shape_cast %broadcast_in_dim3A_966 : vector<16xi32> to vector<16x1xi32>
        %gather3A_974 = vector.shape_cast %reshape3A_973 : vector<16x1xi32> to vector<16xi32>
        %gather3A_975 = tpu.dynamic_gather %mul3A_213[%gather3A_974] in [0] : vector<16xf32>, vector<16xi32> -> vector<16xf32>
        %reshape3A_976 = vector.shape_cast %broadcast_in_dim3A_966 : vector<16xi32> to vector<16x1xi32>
        %gather3A_977 = vector.shape_cast %reshape3A_976 : vector<16x1xi32> to vector<16xi32>
        %gather3A_978 = tpu.dynamic_gather %mul3A_217[%gather3A_977] in [0] : vector<16xf32>, vector<16xi32> -> vector<16xf32>
        %reshape3A_979 = vector.shape_cast %broadcast_in_dim3A_966 : vector<16xi32> to vector<16x1xi32>
        %gather3A_980 = vector.shape_cast %reshape3A_979 : vector<16x1xi32> to vector<16xi32>
        %gather3A_981 = tpu.dynamic_gather %mul3A_221[%gather3A_980] in [0] : vector<16xf32>, vector<16xi32> -> vector<16xf32>
        %reshape3A_982 = vector.shape_cast %broadcast_in_dim3A_966 : vector<16xi32> to vector<16x1xi32>
        %gather3A_983 = vector.shape_cast %reshape3A_982 : vector<16x1xi32> to vector<16xi32>
        %gather3A_984 = tpu.dynamic_gather %mul3A_225[%gather3A_983] in [0] : vector<16xf32>, vector<16xi32> -> vector<16xf32>
        %mul3A_985 = arith.constant 16 : i32
        %mul3A_986 = arith.muli %scan3A_151, %mul3A_985 : i32
        %add3A_987 = arith.constant 13 : i32
        %add3A_988 = arith.addi %mul3A_986, %add3A_987 : i32
        %get3A_989 = arith.index_cast %add3A_988 : i32 to index
        %get3A_990 = arith.constant 0 : index
        %get3A_991 = tpu.vector_load %arg40[%get3A_989, %get3A_990] {strides = array<i32>} : memref<128x16xf32, #tpu.memory_space<vmem>>, vector<16xf32>,
        %get3A_992 = arith.index_cast %add3A_988 : i32 to index
        %get3A_993 = arith.constant 0 : index
        %get3A_994 = tpu.vector_load %arg41[%get3A_992, %get3A_993] {strides = array<i32>} : memref<128x16xf32, #tpu.memory_space<vmem>>, vector<16xf32>,
        %get3A_995 = arith.index_cast %add3A_988 : i32 to index
        %get3A_996 = arith.constant 0 : index
        %get3A_997 = tpu.vector_load %arg42[%get3A_995, %get3A_996] {strides = array<i32>} : memref<128x16xf32, #tpu.memory_space<vmem>>, vector<16xf32>,
        %mul3A_998 = arith.mulf %gather3A_969, %get3A_991 : vector<16xf32>
        %mul3A_999 = arith.mulf %gather3A_972, %get3A_994 : vector<16xf32>
        %add3A_1000 = arith.addf %mul3A_998, %mul3A_999 : vector<16xf32>
        %mul3A_1001 = arith.mulf %gather3A_975, %get3A_997 : vector<16xf32>
        %add3A_1002 = arith.addf %add3A_1000, %mul3A_1001 : vector<16xf32>
        %swap3A_1003 = arith.index_cast %add3A_988 : i32 to index
        %swap3A_1004 = arith.constant 0 : index
        %swap3A_1005 = tpu.vector_load %arg40[%swap3A_1003, %swap3A_1004] {strides = array<i32>} : memref<128x16xf32, #tpu.memory_space<vmem>>, vector<16xf32>,
        tpu.vector_store %arg40[%swap3A_1003, %swap3A_1004], %add3A_1002 {strides = array<i32>} : memref<128x16xf32, #tpu.memory_space<vmem>>, vector<16xf32>,
        %mul3A_1006 = arith.mulf %gather3A_972, %get3A_991 : vector<16xf32>
        %mul3A_1007 = arith.mulf %gather3A_978, %get3A_994 : vector<16xf32>
        %add3A_1008 = arith.addf %mul3A_1006, %mul3A_1007 : vector<16xf32>
        %mul3A_1009 = arith.mulf %gather3A_981, %get3A_997 : vector<16xf32>
        %add3A_1010 = arith.addf %add3A_1008, %mul3A_1009 : vector<16xf32>
        %swap3A_1011 = arith.index_cast %add3A_988 : i32 to index
        %swap3A_1012 = arith.constant 0 : index
        %swap3A_1013 = tpu.vector_load %arg41[%swap3A_1011, %swap3A_1012] {strides = array<i32>} : memref<128x16xf32, #tpu.memory_space<vmem>>, vector<16xf32>,
        tpu.vector_store %arg41[%swap3A_1011, %swap3A_1012], %add3A_1010 {strides = array<i32>} : memref<128x16xf32, #tpu.memory_space<vmem>>, vector<16xf32>,
        %mul3A_1014 = arith.mulf %gather3A_975, %get3A_991 : vector<16xf32>
        %mul3A_1015 = arith.mulf %gather3A_981, %get3A_994 : vector<16xf32>
        %add3A_1016 = arith.addf %mul3A_1014, %mul3A_1015 : vector<16xf32>
        %mul3A_1017 = arith.mulf %gather3A_984, %get3A_997 : vector<16xf32>
        %add3A_1018 = arith.addf %add3A_1016, %mul3A_1017 : vector<16xf32>
        %swap3A_1019 = arith.index_cast %add3A_988 : i32 to index
        %swap3A_1020 = arith.constant 0 : index
        %swap3A_1021 = tpu.vector_load %arg42[%swap3A_1019, %swap3A_1020] {strides = array<i32>} : memref<128x16xf32, #tpu.memory_space<vmem>>, vector<16xf32>,
        tpu.vector_store %arg42[%swap3A_1019, %swap3A_1020], %add3A_1018 {strides = array<i32>} : memref<128x16xf32, #tpu.memory_space<vmem>>, vector<16xf32>,
        %broadcast_in_dim3A_1022 = arith.constant 14 : i32
        %broadcast_in_dim3A_1023 = vector.broadcast %broadcast_in_dim3A_1022 : i32 to vector<16xi32>
        %reshape3A_1024 = vector.shape_cast %broadcast_in_dim3A_1023 : vector<16xi32> to vector<16x1xi32>
        %gather3A_1025 = vector.shape_cast %reshape3A_1024 : vector<16x1xi32> to vector<16xi32>
        %gather3A_1026 = tpu.dynamic_gather %mul3A_205[%gather3A_1025] in [0] : vector<16xf32>, vector<16xi32> -> vector<16xf32>
        %reshape3A_1027 = vector.shape_cast %broadcast_in_dim3A_1023 : vector<16xi32> to vector<16x1xi32>
        %gather3A_1028 = vector.shape_cast %reshape3A_1027 : vector<16x1xi32> to vector<16xi32>
        %gather3A_1029 = tpu.dynamic_gather %mul3A_209[%gather3A_1028] in [0] : vector<16xf32>, vector<16xi32> -> vector<16xf32>
        %reshape3A_1030 = vector.shape_cast %broadcast_in_dim3A_1023 : vector<16xi32> to vector<16x1xi32>
        %gather3A_1031 = vector.shape_cast %reshape3A_1030 : vector<16x1xi32> to vector<16xi32>
        %gather3A_1032 = tpu.dynamic_gather %mul3A_213[%gather3A_1031] in [0] : vector<16xf32>, vector<16xi32> -> vector<16xf32>
        %reshape3A_1033 = vector.shape_cast %broadcast_in_dim3A_1023 : vector<16xi32> to vector<16x1xi32>
        %gather3A_1034 = vector.shape_cast %reshape3A_1033 : vector<16x1xi32> to vector<16xi32>
        %gather3A_1035 = tpu.dynamic_gather %mul3A_217[%gather3A_1034] in [0] : vector<16xf32>, vector<16xi32> -> vector<16xf32>
        %reshape3A_1036 = vector.shape_cast %broadcast_in_dim3A_1023 : vector<16xi32> to vector<16x1xi32>
        %gather3A_1037 = vector.shape_cast %reshape3A_1036 : vector<16x1xi32> to vector<16xi32>
        %gather3A_1038 = tpu.dynamic_gather %mul3A_221[%gather3A_1037] in [0] : vector<16xf32>, vector<16xi32> -> vector<16xf32>
        %reshape3A_1039 = vector.shape_cast %broadcast_in_dim3A_1023 : vector<16xi32> to vector<16x1xi32>
        %gather3A_1040 = vector.shape_cast %reshape3A_1039 : vector<16x1xi32> to vector<16xi32>
        %gather3A_1041 = tpu.dynamic_gather %mul3A_225[%gather3A_1040] in [0] : vector<16xf32>, vector<16xi32> -> vector<16xf32>
        %mul3A_1042 = arith.constant 16 : i32
        %mul3A_1043 = arith.muli %scan3A_151, %mul3A_1042 : i32
        %add3A_1044 = arith.constant 14 : i32
        %add3A_1045 = arith.addi %mul3A_1043, %add3A_1044 : i32
        %get3A_1046 = arith.index_cast %add3A_1045 : i32 to index
        %get3A_1047 = arith.constant 0 : index
        %get3A_1048 = tpu.vector_load %arg40[%get3A_1046, %get3A_1047] {strides = array<i32>} : memref<128x16xf32, #tpu.memory_space<vmem>>, vector<16xf32>,
        %get3A_1049 = arith.index_cast %add3A_1045 : i32 to index
        %get3A_1050 = arith.constant 0 : index
        %get3A_1051 = tpu.vector_load %arg41[%get3A_1049, %get3A_1050] {strides = array<i32>} : memref<128x16xf32, #tpu.memory_space<vmem>>, vector<16xf32>,
        %get3A_1052 = arith.index_cast %add3A_1045 : i32 to index
        %get3A_1053 = arith.constant 0 : index
        %get3A_1054 = tpu.vector_load %arg42[%get3A_1052, %get3A_1053] {strides = array<i32>} : memref<128x16xf32, #tpu.memory_space<vmem>>, vector<16xf32>,
        %mul3A_1055 = arith.mulf %gather3A_1026, %get3A_1048 : vector<16xf32>
        %mul3A_1056 = arith.mulf %gather3A_1029, %get3A_1051 : vector<16xf32>
        %add3A_1057 = arith.addf %mul3A_1055, %mul3A_1056 : vector<16xf32>
        %mul3A_1058 = arith.mulf %gather3A_1032, %get3A_1054 : vector<16xf32>
        %add3A_1059 = arith.addf %add3A_1057, %mul3A_1058 : vector<16xf32>
        %swap3A_1060 = arith.index_cast %add3A_1045 : i32 to index
        %swap3A_1061 = arith.constant 0 : index
        %swap3A_1062 = tpu.vector_load %arg40[%swap3A_1060, %swap3A_1061] {strides = array<i32>} : memref<128x16xf32, #tpu.memory_space<vmem>>, vector<16xf32>,
        tpu.vector_store %arg40[%swap3A_1060, %swap3A_1061], %add3A_1059 {strides = array<i32>} : memref<128x16xf32, #tpu.memory_space<vmem>>, vector<16xf32>,
        %mul3A_1063 = arith.mulf %gather3A_1029, %get3A_1048 : vector<16xf32>
        %mul3A_1064 = arith.mulf %gather3A_1035, %get3A_1051 : vector<16xf32>
        %add3A_1065 = arith.addf %mul3A_1063, %mul3A_1064 : vector<16xf32>
        %mul3A_1066 = arith.mulf %gather3A_1038, %get3A_1054 : vector<16xf32>
        %add3A_1067 = arith.addf %add3A_1065, %mul3A_1066 : vector<16xf32>
        %swap3A_1068 = arith.index_cast %add3A_1045 : i32 to index
        %swap3A_1069 = arith.constant 0 : index
        %swap3A_1070 = tpu.vector_load %arg41[%swap3A_1068, %swap3A_1069] {strides = array<i32>} : memref<128x16xf32, #tpu.memory_space<vmem>>, vector<16xf32>,
        tpu.vector_store %arg41[%swap3A_1068, %swap3A_1069], %add3A_1067 {strides = array<i32>} : memref<128x16xf32, #tpu.memory_space<vmem>>, vector<16xf32>,
        %mul3A_1071 = arith.mulf %gather3A_1032, %get3A_1048 : vector<16xf32>
        %mul3A_1072 = arith.mulf %gather3A_1038, %get3A_1051 : vector<16xf32>
        %add3A_1073 = arith.addf %mul3A_1071, %mul3A_1072 : vector<16xf32>
        %mul3A_1074 = arith.mulf %gather3A_1041, %get3A_1054 : vector<16xf32>
        %add3A_1075 = arith.addf %add3A_1073, %mul3A_1074 : vector<16xf32>
        %swap3A_1076 = arith.index_cast %add3A_1045 : i32 to index
        %swap3A_1077 = arith.constant 0 : index
        %swap3A_1078 = tpu.vector_load %arg42[%swap3A_1076, %swap3A_1077] {strides = array<i32>} : memref<128x16xf32, #tpu.memory_space<vmem>>, vector<16xf32>,
        tpu.vector_store %arg42[%swap3A_1076, %swap3A_1077], %add3A_1075 {strides = array<i32>} : memref<128x16xf32, #tpu.memory_space<vmem>>, vector<16xf32>,
        %broadcast_in_dim3A_1079 = arith.constant 15 : i32
        %broadcast_in_dim3A_1080 = vector.broadcast %broadcast_in_dim3A_1079 : i32 to vector<16xi32>
        %reshape3A_1081 = vector.shape_cast %broadcast_in_dim3A_1080 : vector<16xi32> to vector<16x1xi32>
        %gather3A_1082 = vector.shape_cast %reshape3A_1081 : vector<16x1xi32> to vector<16xi32>
        %gather3A_1083 = tpu.dynamic_gather %mul3A_205[%gather3A_1082] in [0] : vector<16xf32>, vector<16xi32> -> vector<16xf32>
        %reshape3A_1084 = vector.shape_cast %broadcast_in_dim3A_1080 : vector<16xi32> to vector<16x1xi32>
        %gather3A_1085 = vector.shape_cast %reshape3A_1084 : vector<16x1xi32> to vector<16xi32>
        %gather3A_1086 = tpu.dynamic_gather %mul3A_209[%gather3A_1085] in [0] : vector<16xf32>, vector<16xi32> -> vector<16xf32>
        %reshape3A_1087 = vector.shape_cast %broadcast_in_dim3A_1080 : vector<16xi32> to vector<16x1xi32>
        %gather3A_1088 = vector.shape_cast %reshape3A_1087 : vector<16x1xi32> to vector<16xi32>
        %gather3A_1089 = tpu.dynamic_gather %mul3A_213[%gather3A_1088] in [0] : vector<16xf32>, vector<16xi32> -> vector<16xf32>
        %reshape3A_1090 = vector.shape_cast %broadcast_in_dim3A_1080 : vector<16xi32> to vector<16x1xi32>
        %gather3A_1091 = vector.shape_cast %reshape3A_1090 : vector<16x1xi32> to vector<16xi32>
        %gather3A_1092 = tpu.dynamic_gather %mul3A_217[%gather3A_1091] in [0] : vector<16xf32>, vector<16xi32> -> vector<16xf32>
        %reshape3A_1093 = vector.shape_cast %broadcast_in_dim3A_1080 : vector<16xi32> to vector<16x1xi32>
        %gather3A_1094 = vector.shape_cast %reshape3A_1093 : vector<16x1xi32> to vector<16xi32>
        %gather3A_1095 = tpu.dynamic_gather %mul3A_221[%gather3A_1094] in [0] : vector<16xf32>, vector<16xi32> -> vector<16xf32>
        %reshape3A_1096 = vector.shape_cast %broadcast_in_dim3A_1080 : vector<16xi32> to vector<16x1xi32>
        %gather3A_1097 = vector.shape_cast %reshape3A_1096 : vector<16x1xi32> to vector<16xi32>
        %gather3A_1098 = tpu.dynamic_gather %mul3A_225[%gather3A_1097] in [0] : vector<16xf32>, vector<16xi32> -> vector<16xf32>
        %mul3A_1099 = arith.constant 16 : i32
        %mul3A_1100 = arith.muli %scan3A_151, %mul3A_1099 : i32
        %add3A_1101 = arith.constant 15 : i32
        %add3A_1102 = arith.addi %mul3A_1100, %add3A_1101 : i32
        %get3A_1103 = arith.index_cast %add3A_1102 : i32 to index
        %get3A_1104 = arith.constant 0 : index
        %get3A_1105 = tpu.vector_load %arg40[%get3A_1103, %get3A_1104] {strides = array<i32>} : memref<128x16xf32, #tpu.memory_space<vmem>>, vector<16xf32>,
        %get3A_1106 = arith.index_cast %add3A_1102 : i32 to index
        %get3A_1107 = arith.constant 0 : index
        %get3A_1108 = tpu.vector_load %arg41[%get3A_1106, %get3A_1107] {strides = array<i32>} : memref<128x16xf32, #tpu.memory_space<vmem>>, vector<16xf32>,
        %get3A_1109 = arith.index_cast %add3A_1102 : i32 to index
        %get3A_1110 = arith.constant 0 : index
        %get3A_1111 = tpu.vector_load %arg42[%get3A_1109, %get3A_1110] {strides = array<i32>} : memref<128x16xf32, #tpu.memory_space<vmem>>, vector<16xf32>,
        %mul3A_1112 = arith.mulf %gather3A_1083, %get3A_1105 : vector<16xf32>
        %mul3A_1113 = arith.mulf %gather3A_1086, %get3A_1108 : vector<16xf32>
        %add3A_1114 = arith.addf %mul3A_1112, %mul3A_1113 : vector<16xf32>
        %mul3A_1115 = arith.mulf %gather3A_1089, %get3A_1111 : vector<16xf32>
        %add3A_1116 = arith.addf %add3A_1114, %mul3A_1115 : vector<16xf32>
        %swap3A_1117 = arith.index_cast %add3A_1102 : i32 to index
        %swap3A_1118 = arith.constant 0 : index
        %swap3A_1119 = tpu.vector_load %arg40[%swap3A_1117, %swap3A_1118] {strides = array<i32>} : memref<128x16xf32, #tpu.memory_space<vmem>>, vector<16xf32>,
        tpu.vector_store %arg40[%swap3A_1117, %swap3A_1118], %add3A_1116 {strides = array<i32>} : memref<128x16xf32, #tpu.memory_space<vmem>>, vector<16xf32>,
        %mul3A_1120 = arith.mulf %gather3A_1086, %get3A_1105 : vector<16xf32>
        %mul3A_1121 = arith.mulf %gather3A_1092, %get3A_1108 : vector<16xf32>
        %add3A_1122 = arith.addf %mul3A_1120, %mul3A_1121 : vector<16xf32>
        %mul3A_1123 = arith.mulf %gather3A_1095, %get3A_1111 : vector<16xf32>
        %add3A_1124 = arith.addf %add3A_1122, %mul3A_1123 : vector<16xf32>
        %swap3A_1125 = arith.index_cast %add3A_1102 : i32 to index
        %swap3A_1126 = arith.constant 0 : index
        %swap3A_1127 = tpu.vector_load %arg41[%swap3A_1125, %swap3A_1126] {strides = array<i32>} : memref<128x16xf32, #tpu.memory_space<vmem>>, vector<16xf32>,
        tpu.vector_store %arg41[%swap3A_1125, %swap3A_1126], %add3A_1124 {strides = array<i32>} : memref<128x16xf32, #tpu.memory_space<vmem>>, vector<16xf32>,
        %mul3A_1128 = arith.mulf %gather3A_1089, %get3A_1105 : vector<16xf32>
        %mul3A_1129 = arith.mulf %gather3A_1095, %get3A_1108 : vector<16xf32>
        %add3A_1130 = arith.addf %mul3A_1128, %mul3A_1129 : vector<16xf32>
        %mul3A_1131 = arith.mulf %gather3A_1098, %get3A_1111 : vector<16xf32>
        %add3A_1132 = arith.addf %add3A_1130, %mul3A_1131 : vector<16xf32>
        %swap3A_1133 = arith.index_cast %add3A_1102 : i32 to index
        %swap3A_1134 = arith.constant 0 : index
        %swap3A_1135 = tpu.vector_load %arg42[%swap3A_1133, %swap3A_1134] {strides = array<i32>} : memref<128x16xf32, #tpu.memory_space<vmem>>, vector<16xf32>,
        tpu.vector_store %arg42[%swap3A_1133, %swap3A_1134], %add3A_1132 {strides = array<i32>} : memref<128x16xf32, #tpu.memory_space<vmem>>, vector<16xf32>,
        %scan3A_1136 = arith.constant 0 : i32
        scf.yield %scan3A_1136 : i32
      }
      %scan3A_149 = arith.constant 8 : i32
      "tpu.region"() ({
        %run_scoped3A = tpu.sem_alloc : memref<!tpu.dma_semaphore, #tpu.memory_space<semaphore_mem>>
        %dma_start3A_151 = arith.constant 0 : i32
        %dma_start3A_152 = arith.constant 0 : i32
        %dma_start3A_153 = tpu.memref_slice %arg43[%dma_start3A_151, %dma_start3A_152] : memref<100352x16xf32, #tpu.memory_space<vmem_shared>> -> memref<100352x16xf32, #tpu.memory_space<vmem_shared>>
        tpu.enqueue_indirect_dma source(%arg37 : memref<128x16xf32, #tpu.memory_space<vmem>>) target(%dma_start3A_153 : memref<100352x16xf32, #tpu.memory_space<vmem_shared>>) offsets(%arg25 : memref<128xi32, #tpu.memory_space<vmem>>) semaphore(%run_scoped3A : memref<!tpu.dma_semaphore, #tpu.memory_space<semaphore_mem>>) {add = true}
        %dma_wait3A_154 = arith.constant 0 : i32
        %dma_wait3A_155 = arith.constant 0 : i32
        %dma_wait3A_156 = tpu.memref_slice %arg43[%dma_wait3A_154, %dma_wait3A_155] : memref<100352x16xf32, #tpu.memory_space<vmem_shared>> -> memref<100352x16xf32, #tpu.memory_space<vmem_shared>>
        tpu.wait_indirect_dma semaphore(%run_scoped3A : memref<!tpu.dma_semaphore, #tpu.memory_space<semaphore_mem>>) src(%arg37 : memref<128x16xf32, #tpu.memory_space<vmem>>) dst(%dma_wait3A_156 : memref<100352x16xf32, #tpu.memory_space<vmem_shared>>)
        tpu.yield
      }) : () -> ()
      "tpu.region"() ({
        %run_scoped3A = tpu.sem_alloc : memref<!tpu.dma_semaphore, #tpu.memory_space<semaphore_mem>>
        %dma_start3A_151 = arith.constant 0 : i32
        %dma_start3A_152 = arith.constant 0 : i32
        %dma_start3A_153 = tpu.memref_slice %arg43[%dma_start3A_151, %dma_start3A_152] : memref<100352x16xf32, #tpu.memory_space<vmem_shared>> -> memref<100352x16xf32, #tpu.memory_space<vmem_shared>>
        tpu.enqueue_indirect_dma source(%arg38 : memref<128x16xf32, #tpu.memory_space<vmem>>) target(%dma_start3A_153 : memref<100352x16xf32, #tpu.memory_space<vmem_shared>>) offsets(%arg26 : memref<128xi32, #tpu.memory_space<vmem>>) semaphore(%run_scoped3A : memref<!tpu.dma_semaphore, #tpu.memory_space<semaphore_mem>>) {add = true}
        %dma_wait3A_154 = arith.constant 0 : i32
        %dma_wait3A_155 = arith.constant 0 : i32
        %dma_wait3A_156 = tpu.memref_slice %arg43[%dma_wait3A_154, %dma_wait3A_155] : memref<100352x16xf32, #tpu.memory_space<vmem_shared>> -> memref<100352x16xf32, #tpu.memory_space<vmem_shared>>
        tpu.wait_indirect_dma semaphore(%run_scoped3A : memref<!tpu.dma_semaphore, #tpu.memory_space<semaphore_mem>>) src(%arg38 : memref<128x16xf32, #tpu.memory_space<vmem>>) dst(%dma_wait3A_156 : memref<100352x16xf32, #tpu.memory_space<vmem_shared>>)
        tpu.yield
      }) : () -> ()
      "tpu.region"() ({
        %run_scoped3A = tpu.sem_alloc : memref<!tpu.dma_semaphore, #tpu.memory_space<semaphore_mem>>
        %dma_start3A_151 = arith.constant 0 : i32
        %dma_start3A_152 = arith.constant 0 : i32
        %dma_start3A_153 = tpu.memref_slice %arg43[%dma_start3A_151, %dma_start3A_152] : memref<100352x16xf32, #tpu.memory_space<vmem_shared>> -> memref<100352x16xf32, #tpu.memory_space<vmem_shared>>
        tpu.enqueue_indirect_dma source(%arg39 : memref<128x16xf32, #tpu.memory_space<vmem>>) target(%dma_start3A_153 : memref<100352x16xf32, #tpu.memory_space<vmem_shared>>) offsets(%arg27 : memref<128xi32, #tpu.memory_space<vmem>>) semaphore(%run_scoped3A : memref<!tpu.dma_semaphore, #tpu.memory_space<semaphore_mem>>) {add = true}
        %dma_wait3A_154 = arith.constant 0 : i32
        %dma_wait3A_155 = arith.constant 0 : i32
        %dma_wait3A_156 = tpu.memref_slice %arg43[%dma_wait3A_154, %dma_wait3A_155] : memref<100352x16xf32, #tpu.memory_space<vmem_shared>> -> memref<100352x16xf32, #tpu.memory_space<vmem_shared>>
        tpu.wait_indirect_dma semaphore(%run_scoped3A : memref<!tpu.dma_semaphore, #tpu.memory_space<semaphore_mem>>) src(%arg39 : memref<128x16xf32, #tpu.memory_space<vmem>>) dst(%dma_wait3A_156 : memref<100352x16xf32, #tpu.memory_space<vmem_shared>>)
        tpu.yield
      }) : () -> ()
      "tpu.region"() ({
        %run_scoped3A = tpu.sem_alloc : memref<!tpu.dma_semaphore, #tpu.memory_space<semaphore_mem>>
        %dma_start3A_151 = arith.constant 0 : i32
        %dma_start3A_152 = arith.constant 0 : i32
        %dma_start3A_153 = tpu.memref_slice %arg43[%dma_start3A_151, %dma_start3A_152] : memref<100352x16xf32, #tpu.memory_space<vmem_shared>> -> memref<100352x16xf32, #tpu.memory_space<vmem_shared>>
        tpu.enqueue_indirect_dma source(%arg40 : memref<128x16xf32, #tpu.memory_space<vmem>>) target(%dma_start3A_153 : memref<100352x16xf32, #tpu.memory_space<vmem_shared>>) offsets(%arg28 : memref<128xi32, #tpu.memory_space<vmem>>) semaphore(%run_scoped3A : memref<!tpu.dma_semaphore, #tpu.memory_space<semaphore_mem>>) {add = true}
        %dma_wait3A_154 = arith.constant 0 : i32
        %dma_wait3A_155 = arith.constant 0 : i32
        %dma_wait3A_156 = tpu.memref_slice %arg43[%dma_wait3A_154, %dma_wait3A_155] : memref<100352x16xf32, #tpu.memory_space<vmem_shared>> -> memref<100352x16xf32, #tpu.memory_space<vmem_shared>>
        tpu.wait_indirect_dma semaphore(%run_scoped3A : memref<!tpu.dma_semaphore, #tpu.memory_space<semaphore_mem>>) src(%arg40 : memref<128x16xf32, #tpu.memory_space<vmem>>) dst(%dma_wait3A_156 : memref<100352x16xf32, #tpu.memory_space<vmem_shared>>)
        tpu.yield
      }) : () -> ()
      "tpu.region"() ({
        %run_scoped3A = tpu.sem_alloc : memref<!tpu.dma_semaphore, #tpu.memory_space<semaphore_mem>>
        %dma_start3A_151 = arith.constant 0 : i32
        %dma_start3A_152 = arith.constant 0 : i32
        %dma_start3A_153 = tpu.memref_slice %arg43[%dma_start3A_151, %dma_start3A_152] : memref<100352x16xf32, #tpu.memory_space<vmem_shared>> -> memref<100352x16xf32, #tpu.memory_space<vmem_shared>>
        tpu.enqueue_indirect_dma source(%arg41 : memref<128x16xf32, #tpu.memory_space<vmem>>) target(%dma_start3A_153 : memref<100352x16xf32, #tpu.memory_space<vmem_shared>>) offsets(%arg29 : memref<128xi32, #tpu.memory_space<vmem>>) semaphore(%run_scoped3A : memref<!tpu.dma_semaphore, #tpu.memory_space<semaphore_mem>>) {add = true}
        %dma_wait3A_154 = arith.constant 0 : i32
        %dma_wait3A_155 = arith.constant 0 : i32
        %dma_wait3A_156 = tpu.memref_slice %arg43[%dma_wait3A_154, %dma_wait3A_155] : memref<100352x16xf32, #tpu.memory_space<vmem_shared>> -> memref<100352x16xf32, #tpu.memory_space<vmem_shared>>
        tpu.wait_indirect_dma semaphore(%run_scoped3A : memref<!tpu.dma_semaphore, #tpu.memory_space<semaphore_mem>>) src(%arg41 : memref<128x16xf32, #tpu.memory_space<vmem>>) dst(%dma_wait3A_156 : memref<100352x16xf32, #tpu.memory_space<vmem_shared>>)
        tpu.yield
      }) : () -> ()
      "tpu.region"() ({
        %run_scoped3A = tpu.sem_alloc : memref<!tpu.dma_semaphore, #tpu.memory_space<semaphore_mem>>
        %dma_start3A_151 = arith.constant 0 : i32
        %dma_start3A_152 = arith.constant 0 : i32
        %dma_start3A_153 = tpu.memref_slice %arg43[%dma_start3A_151, %dma_start3A_152] : memref<100352x16xf32, #tpu.memory_space<vmem_shared>> -> memref<100352x16xf32, #tpu.memory_space<vmem_shared>>
        tpu.enqueue_indirect_dma source(%arg42 : memref<128x16xf32, #tpu.memory_space<vmem>>) target(%dma_start3A_153 : memref<100352x16xf32, #tpu.memory_space<vmem_shared>>) offsets(%arg30 : memref<128xi32, #tpu.memory_space<vmem>>) semaphore(%run_scoped3A : memref<!tpu.dma_semaphore, #tpu.memory_space<semaphore_mem>>) {add = true}
        %dma_wait3A_154 = arith.constant 0 : i32
        %dma_wait3A_155 = arith.constant 0 : i32
        %dma_wait3A_156 = tpu.memref_slice %arg43[%dma_wait3A_154, %dma_wait3A_155] : memref<100352x16xf32, #tpu.memory_space<vmem_shared>> -> memref<100352x16xf32, #tpu.memory_space<vmem_shared>>
        tpu.wait_indirect_dma semaphore(%run_scoped3A : memref<!tpu.dma_semaphore, #tpu.memory_space<semaphore_mem>>) src(%arg42 : memref<128x16xf32, #tpu.memory_space<vmem>>) dst(%dma_wait3A_156 : memref<100352x16xf32, #tpu.memory_space<vmem_shared>>)
        tpu.yield
      }) : () -> ()
      %scan3A_150 = arith.constant 0 : i32
      scf.yield %scan3A_150 : i32
    }
    %scan3A_31 = arith.constant 25 : i32
    %barrier3A_32 = arith.constant 0 : index
    tpu.barrier barrier_id(%barrier3A_32)
    %mul3A_33 = arith.constant 6256 : i32
    %mul3A_34 = arith.muli %arg1, %mul3A_33 : i32
    %scan3A_35 = arith.constant 0 : i32
    %scan3A_36 = arith.constant 0 : i32
    %scan3A_37 = arith.constant 48 : i32
    %scan3A_38 = arith.addi %scan3A_36, %scan3A_37 : i32
    %scan3A_39 = arith.constant 1 : i32
    %scan3A_40 = scf.for %scan3A_44 = %scan3A_36 to %scan3A_38 step %scan3A_39 iter_args(%scan3A_45 = %scan3A_35) -> (i32)  : i32 {
      %mul3A_46 = arith.constant 128 : i32
      %mul3A_47 = arith.muli %scan3A_44, %mul3A_46 : i32
      %add3A_48 = arith.addi %mul3A_34, %mul3A_47 : i32
      "tpu.region"() ({
        %run_scoped3A = tpu.sem_alloc : memref<!tpu.dma_semaphore, #tpu.memory_space<semaphore_mem>>
        %dma_start3A = arith.constant 0 : i32
        %dma_start3A_53 = tpu.memref_slice %arg43[%add3A_48, %dma_start3A] : memref<100352x16xf32, #tpu.memory_space<vmem_shared>> -> memref<128x16xf32, #tpu.memory_space<vmem_shared>>
        %dma_start3A_54 = arith.constant 0 : i32
        %dma_start3A_55 = tpu.memref_slice %arg43[%add3A_48, %dma_start3A_54] : memref<100352x16xf32, #tpu.memory_space<vmem_shared>> -> memref<128x16xf32, #tpu.memory_space<vmem_shared>>
        tpu.enqueue_dma source(%dma_start3A_55 : memref<128x16xf32, #tpu.memory_space<vmem_shared>>) target(%arg37 : memref<128x16xf32, #tpu.memory_space<vmem>>) target_semaphore(%run_scoped3A : memref<!tpu.dma_semaphore, #tpu.memory_space<semaphore_mem>>)
        %dma_wait3A = arith.constant 0 : i32
        %dma_wait3A_56 = tpu.memref_slice %arg43[%add3A_48, %dma_wait3A] : memref<100352x16xf32, #tpu.memory_space<vmem_shared>> -> memref<128x16xf32, #tpu.memory_space<vmem_shared>>
        %dma_wait3A_57 = arith.constant 0 : i32
        %dma_wait3A_58 = tpu.memref_slice %arg43[%add3A_48, %dma_wait3A_57] : memref<100352x16xf32, #tpu.memory_space<vmem_shared>> -> memref<128x16xf32, #tpu.memory_space<vmem_shared>>
        tpu.wait_dma2 semaphore(%run_scoped3A : memref<!tpu.dma_semaphore, #tpu.memory_space<semaphore_mem>>) src(%dma_wait3A_58 : memref<128x16xf32, #tpu.memory_space<vmem_shared>>) dst(%arg37 : memref<128x16xf32, #tpu.memory_space<vmem>>)
        tpu.yield
      }) : () -> ()
      %mul3A_49 = arith.constant 128 : i32
      %mul3A_50 = arith.muli %scan3A_44, %mul3A_49 : i32
      %add3A_51 = arith.addi %mul3A_34, %mul3A_50 : i32
      "tpu.region"() ({
        %run_scoped3A = tpu.sem_alloc : memref<!tpu.dma_semaphore, #tpu.memory_space<semaphore_mem>>
        %dma_start3A = arith.constant 0 : i32
        %dma_start3A_53 = tpu.memref_slice %arg5[%arg0, %add3A_51, %dma_start3A] : memref<2x100096x16xf32, #tpu.memory_space<hbm>> -> memref<1x128x16xf32, #tpu.memory_space<hbm>>
        %dma_start3A_54 = tpu.memref_squeeze %dma_start3A_53 : memref<1x128x16xf32, #tpu.memory_space<hbm>> -> memref<128x16xf32, #tpu.memory_space<hbm>>
        %dma_start3A_55 = arith.constant 0 : i32
        %dma_start3A_56 = tpu.memref_slice %arg5[%arg0, %add3A_51, %dma_start3A_55] : memref<2x100096x16xf32, #tpu.memory_space<hbm>> -> memref<1x128x16xf32, #tpu.memory_space<hbm>>
        %dma_start3A_57 = tpu.memref_squeeze %dma_start3A_56 : memref<1x128x16xf32, #tpu.memory_space<hbm>> -> memref<128x16xf32, #tpu.memory_space<hbm>>
        tpu.enqueue_dma source(%arg37 : memref<128x16xf32, #tpu.memory_space<vmem>>) target(%dma_start3A_57 : memref<128x16xf32, #tpu.memory_space<hbm>>) target_semaphore(%run_scoped3A : memref<!tpu.dma_semaphore, #tpu.memory_space<semaphore_mem>>)
        %dma_wait3A = arith.constant 0 : i32
        %dma_wait3A_58 = tpu.memref_slice %arg5[%arg0, %add3A_51, %dma_wait3A] : memref<2x100096x16xf32, #tpu.memory_space<hbm>> -> memref<1x128x16xf32, #tpu.memory_space<hbm>>
        %dma_wait3A_59 = tpu.memref_squeeze %dma_wait3A_58 : memref<1x128x16xf32, #tpu.memory_space<hbm>> -> memref<128x16xf32, #tpu.memory_space<hbm>>
        %dma_wait3A_60 = arith.constant 0 : i32
        %dma_wait3A_61 = tpu.memref_slice %arg5[%arg0, %add3A_51, %dma_wait3A_60] : memref<2x100096x16xf32, #tpu.memory_space<hbm>> -> memref<1x128x16xf32, #tpu.memory_space<hbm>>
        %dma_wait3A_62 = tpu.memref_squeeze %dma_wait3A_61 : memref<1x128x16xf32, #tpu.memory_space<hbm>> -> memref<128x16xf32, #tpu.memory_space<hbm>>
        tpu.wait_dma2 semaphore(%run_scoped3A : memref<!tpu.dma_semaphore, #tpu.memory_space<semaphore_mem>>) src(%arg37 : memref<128x16xf32, #tpu.memory_space<vmem>>) dst(%dma_wait3A_62 : memref<128x16xf32, #tpu.memory_space<hbm>>)
        tpu.yield
      }) : () -> ()
      %scan3A_52 = arith.constant 0 : i32
      scf.yield %scan3A_52 : i32
    }
    %scan3A_41 = arith.constant 48 : i32
    %add3A_42 = arith.constant 6144 : i32
    %add3A_43 = arith.addi %mul3A_34, %add3A_42 : i32
    "tpu.region"() ({
      %run_scoped3A = tpu.sem_alloc : memref<!tpu.dma_semaphore, #tpu.memory_space<semaphore_mem>>
      %dma_start3A = arith.constant 0 : i32
      %dma_start3A_44 = arith.constant 0 : i32
      %dma_start3A_45 = tpu.memref_slice %arg37[%dma_start3A, %dma_start3A_44] : memref<128x16xf32, #tpu.memory_space<vmem>> -> memref<112x16xf32, #tpu.memory_space<vmem>>
      %dma_start3A_46 = arith.constant 0 : i32
      %dma_start3A_47 = tpu.memref_slice %arg43[%add3A_43, %dma_start3A_46] : memref<100352x16xf32, #tpu.memory_space<vmem_shared>> -> memref<112x16xf32, #tpu.memory_space<vmem_shared>>
      %dma_start3A_48 = arith.constant 0 : i32
      %dma_start3A_49 = arith.constant 0 : i32
      %dma_start3A_50 = tpu.memref_slice %arg37[%dma_start3A_48, %dma_start3A_49] : memref<128x16xf32, #tpu.memory_space<vmem>> -> memref<112x16xf32, #tpu.memory_space<vmem>>
      %dma_start3A_51 = arith.constant 0 : i32
      %dma_start3A_52 = tpu.memref_slice %arg43[%add3A_43, %dma_start3A_51] : memref<100352x16xf32, #tpu.memory_space<vmem_shared>> -> memref<112x16xf32, #tpu.memory_space<vmem_shared>>
      tpu.enqueue_dma source(%dma_start3A_52 : memref<112x16xf32, #tpu.memory_space<vmem_shared>>) target(%dma_start3A_50 : memref<112x16xf32, #tpu.memory_space<vmem>>) target_semaphore(%run_scoped3A : memref<!tpu.dma_semaphore, #tpu.memory_space<semaphore_mem>>)
      %dma_wait3A = arith.constant 0 : i32
      %dma_wait3A_53 = arith.constant 0 : i32
      %dma_wait3A_54 = tpu.memref_slice %arg37[%dma_wait3A, %dma_wait3A_53] : memref<128x16xf32, #tpu.memory_space<vmem>> -> memref<112x16xf32, #tpu.memory_space<vmem>>
      %dma_wait3A_55 = arith.constant 0 : i32
      %dma_wait3A_56 = tpu.memref_slice %arg43[%add3A_43, %dma_wait3A_55] : memref<100352x16xf32, #tpu.memory_space<vmem_shared>> -> memref<112x16xf32, #tpu.memory_space<vmem_shared>>
      %dma_wait3A_57 = arith.constant 0 : i32
      %dma_wait3A_58 = arith.constant 0 : i32
      %dma_wait3A_59 = tpu.memref_slice %arg37[%dma_wait3A_57, %dma_wait3A_58] : memref<128x16xf32, #tpu.memory_space<vmem>> -> memref<112x16xf32, #tpu.memory_space<vmem>>
      %dma_wait3A_60 = arith.constant 0 : i32
      %dma_wait3A_61 = tpu.memref_slice %arg43[%add3A_43, %dma_wait3A_60] : memref<100352x16xf32, #tpu.memory_space<vmem_shared>> -> memref<112x16xf32, #tpu.memory_space<vmem_shared>>
      tpu.wait_dma2 semaphore(%run_scoped3A : memref<!tpu.dma_semaphore, #tpu.memory_space<semaphore_mem>>) src(%dma_wait3A_61 : memref<112x16xf32, #tpu.memory_space<vmem_shared>>) dst(%dma_wait3A_59 : memref<112x16xf32, #tpu.memory_space<vmem>>)
      tpu.yield
    }) : () -> ()
    "tpu.region"() ({
      %run_scoped3A = tpu.sem_alloc : memref<!tpu.dma_semaphore, #tpu.memory_space<semaphore_mem>>
      %dma_start3A = arith.constant 0 : i32
      %dma_start3A_44 = arith.constant 0 : i32
      %dma_start3A_45 = tpu.memref_slice %arg37[%dma_start3A, %dma_start3A_44] : memref<128x16xf32, #tpu.memory_space<vmem>> -> memref<112x16xf32, #tpu.memory_space<vmem>>
      %dma_start3A_46 = arith.constant 0 : i32
      %dma_start3A_47 = tpu.memref_slice %arg5[%arg0, %add3A_43, %dma_start3A_46] : memref<2x100096x16xf32, #tpu.memory_space<hbm>> -> memref<1x112x16xf32, #tpu.memory_space<hbm>>
      %dma_start3A_48 = tpu.memref_squeeze %dma_start3A_47 : memref<1x112x16xf32, #tpu.memory_space<hbm>> -> memref<112x16xf32, #tpu.memory_space<hbm>>
      %dma_start3A_49 = arith.constant 0 : i32
      %dma_start3A_50 = tpu.memref_slice %arg5[%arg0, %add3A_43, %dma_start3A_49] : memref<2x100096x16xf32, #tpu.memory_space<hbm>> -> memref<1x112x16xf32, #tpu.memory_space<hbm>>
      %dma_start3A_51 = tpu.memref_squeeze %dma_start3A_50 : memref<1x112x16xf32, #tpu.memory_space<hbm>> -> memref<112x16xf32, #tpu.memory_space<hbm>>
      %dma_start3A_52 = arith.constant 0 : i32
      %dma_start3A_53 = arith.constant 0 : i32
      %dma_start3A_54 = tpu.memref_slice %arg37[%dma_start3A_52, %dma_start3A_53] : memref<128x16xf32, #tpu.memory_space<vmem>> -> memref<112x16xf32, #tpu.memory_space<vmem>>
      tpu.enqueue_dma source(%dma_start3A_54 : memref<112x16xf32, #tpu.memory_space<vmem>>) target(%dma_start3A_51 : memref<112x16xf32, #tpu.memory_space<hbm>>) target_semaphore(%run_scoped3A : memref<!tpu.dma_semaphore, #tpu.memory_space<semaphore_mem>>)
      %dma_wait3A = arith.constant 0 : i32
      %dma_wait3A_55 = arith.constant 0 : i32
      %dma_wait3A_56 = tpu.memref_slice %arg37[%dma_wait3A, %dma_wait3A_55] : memref<128x16xf32, #tpu.memory_space<vmem>> -> memref<112x16xf32, #tpu.memory_space<vmem>>
      %dma_wait3A_57 = arith.constant 0 : i32
      %dma_wait3A_58 = tpu.memref_slice %arg5[%arg0, %add3A_43, %dma_wait3A_57] : memref<2x100096x16xf32, #tpu.memory_space<hbm>> -> memref<1x112x16xf32, #tpu.memory_space<hbm>>
      %dma_wait3A_59 = tpu.memref_squeeze %dma_wait3A_58 : memref<1x112x16xf32, #tpu.memory_space<hbm>> -> memref<112x16xf32, #tpu.memory_space<hbm>>
      %dma_wait3A_60 = arith.constant 0 : i32
      %dma_wait3A_61 = tpu.memref_slice %arg5[%arg0, %add3A_43, %dma_wait3A_60] : memref<2x100096x16xf32, #tpu.memory_space<hbm>> -> memref<1x112x16xf32, #tpu.memory_space<hbm>>
      %dma_wait3A_62 = tpu.memref_squeeze %dma_wait3A_61 : memref<1x112x16xf32, #tpu.memory_space<hbm>> -> memref<112x16xf32, #tpu.memory_space<hbm>>
      %dma_wait3A_63 = arith.constant 0 : i32
      %dma_wait3A_64 = arith.constant 0 : i32
      %dma_wait3A_65 = tpu.memref_slice %arg37[%dma_wait3A_63, %dma_wait3A_64] : memref<128x16xf32, #tpu.memory_space<vmem>> -> memref<112x16xf32, #tpu.memory_space<vmem>>
      tpu.wait_dma2 semaphore(%run_scoped3A : memref<!tpu.dma_semaphore, #tpu.memory_space<semaphore_mem>>) src(%dma_wait3A_65 : memref<112x16xf32, #tpu.memory_space<vmem>>) dst(%dma_wait3A_62 : memref<112x16xf32, #tpu.memory_space<hbm>>)
      tpu.yield
    }) : () -> ()
    return
  }
}

module attributes {stable_mosaic.version = 14 : i64} {
  func.func @_add_body(%arg0: i32, %arg1: memref<1x4000x16xf32, #tpu.memory_space<vmem>>, %arg2: memref<1x4000x16xf32, #tpu.memory_space<vmem>>, %arg3: memref<4000x16xf32, #tpu.memory_space<vmem>>) attributes {dimension_semantics = [#tpu.dimension_semantics<arbitrary>], iteration_bounds = array<i64: 25>, scalar_prefetch = 0 : i64, scratch_operands = 0 : i64, tpu.core_type = #tpu.core_type<tc>, window_params = [{transform_indices = @transform_0, window_bounds = array<i64: 1, 4000, 16>}, {transform_indices = @transform_1, window_bounds = array<i64: 1, 4000, 16>}, {transform_indices = @transform_2, window_bounds = array<i64: 4000, 16>}]} {
    %get3A = arith.constant 0 : index
    %get3A_0 = arith.constant 0 : index
    %get3A_1 = arith.constant 0 : index
    %get3A_2 = vector.load %arg1[%get3A, %get3A_0, %get3A_1] : memref<1x4000x16xf32, #tpu.memory_space<vmem>>, vector<1x4000x16xf32>
    %get3A_3 = vector.shape_cast %get3A_2 : vector<1x4000x16xf32> to vector<4000x16xf32>
    %get3A_4 = arith.constant 0 : index
    %get3A_5 = arith.constant 0 : index
    %get3A_6 = arith.constant 0 : index
    %get3A_7 = vector.load %arg2[%get3A_4, %get3A_5, %get3A_6] : memref<1x4000x16xf32, #tpu.memory_space<vmem>>, vector<1x4000x16xf32>
    %get3A_8 = vector.shape_cast %get3A_7 : vector<1x4000x16xf32> to vector<4000x16xf32>
    %add3A = arith.addf %get3A_3, %get3A_8 : vector<4000x16xf32>
    %swap3A = arith.constant 0 : index
    %swap3A_9 = arith.constant 0 : index
    %swap3A_10 = vector.load %arg3[%swap3A, %swap3A_9] : memref<4000x16xf32, #tpu.memory_space<vmem>>, vector<4000x16xf32>
    tpu.vector_store %arg3[%swap3A, %swap3A_9], %add3A {strides = array<i32>} : memref<4000x16xf32, #tpu.memory_space<vmem>>, vector<4000x16xf32>,
    return
  }
  func.func @transform_0(%arg0: i32) -> (i32, i32, i32) {
    %c0_i32 = arith.constant 0 : i32
    %c0_i32_0 = arith.constant 0 : i32
    %c0_i32_1 = arith.constant 0 : i32
    return %c0_i32, %arg0, %c0_i32_0 : i32, i32, i32
  }
  func.func @transform_1(%arg0: i32) -> (i32, i32, i32) {
    %c1_i32 = arith.constant 1 : i32
    %c0_i32 = arith.constant 0 : i32
    %c0_i32_0 = arith.constant 0 : i32
    return %c1_i32, %arg0, %c0_i32 : i32, i32, i32
  }
  func.func @transform_2(%arg0: i32) -> (i32, i32) {
    %c0_i32 = arith.constant 0 : i32
    %c0_i32_0 = arith.constant 0 : i32
    return %arg0, %c0_i32 : i32, i32
  }
}

</mosaic_0001>

<sc_bundles>
// kernel: kernel.4.cloned.1.call-start
scs
__scs_entry_jumppad:
0x0: {  	(pc) =	sbr.rel $0x88, $3  }
0x1: {  	(tag) =	ssettag $0x0;
	lr =	simm.s32 $0x1  }
0x2: {  	[smem:$0x3F9E] =	sst lr;
	_ =	strace $0xD0000000  }
0x3: {  	_ = 	snop  }
0x4: {  	_ = 	snop  }
0x5: {  	_ = 	snop  }
0x6: {  	_ = 	snop  }
0x7: {  	_ = 	snop  }
__scs_overlays_trampoline_lowered:
0x8: {  	[smem:$0x3FAD] =	sst s0  }
0x9: {  	[smem:$0x3FAE] =	sst s1  }
0xa: {  	[smem:$0x3FAF] =	sst s2  }
0xb: {  	[smem:$0x3FB0] =	sst s3  }
0xc: {  	[smem:$0x3FB1] =	sst s4  }
0xd: {  	[smem:$0x3FB2] =	sst s5  }
0xe: {  	[smem:$0x3FB3] =	sst s6  }
0xf: {  	[smem:$0x3FB4] =	sst s7  }
0x10: {  	[smem:$0x3FB5] =	sst s8  }
0x11: {  	[smem:$0x3FB6] =	sst s9;
	s0 =	simm.s32 @!p0 $0x0  }
0x12: {  	s1 =	sld [smem:$0x3F9C];
	s0 =	simm.s32 @p0 $0x1  }
0x13: {  	[smem:$0x3FB7] =	sst s0;
	s0 =	simm.s32 @!p1 $0x0  }
0x14: {  	s2 =	sld [smem:$0x3F9B];
	s0 =	simm.s32 @p1 $0x1  }
0x15: {  	[smem:$0x3FB8] =	sst s0;
	s0 =	simm.s32 @!p2 $0x0  }
0x16: {  	s3 =	sld [smem:$0x3FDB];
	s0 =	simm.s32 @p2 $0x1  }
0x17: {  	s4 =	simm.s32 $0x1BF5;
	[smem:$0x3FBA] =	sst s0  }
0x18: {  	s0 =	sld [smem:$0x3F9D];
	_ =	swait.ge [sflag:s4], $0x0  }
0x19: {  	s7 =	sld [smem:$0x3F9E]  }
0x1a: {  	s8 =	sadd.s32 $0xFFFFE003, lr  }
0x1b: {  	s9 =	sadd.s32 $0xFFFFFEF7, lr;
	s5 =	simm.s32 $0xFFFFFFFF;
	p2 =	slt.u32 s8, $0xFFFFF086  }
0x1c: {  	p1 =	slt.u32 s9, $0xF7A;
	s5 =	simm.s32 @!p2 $0x0  }
0x1d: {  	s5 =	simm.s32 @p1 $0x1;
	p0 =	seq.s32 s7, s2  }
0x1e: {  	s7 =	smul.u32 @!p0 $0xF7A, s2;
	p2 =	seq.s32 @!p0 s5, $0x0  }
0x1f: {  	s9 =	smul.u32 $0xF7A, s1;
	s8 =	simm.s32 @!p0 $0x1BF5;
	p2 =	por !p2, p0  }
0x20: {  	[sflag:s8] =	ssyncset.s32 @!p0 $0xFFFFF086;
	s6 =	sadd.s32 @!p0 s3, s7;
	s7 =	simm.s32 @!p0 $0x108  }
0x21: {  	s3 =	sadd.s32 s3, s9;
	s6 =	sadd.s32 @!p0 $0x88, s6;
	s7 =	simm.s32 @p2 $0x1082  }
0x22: {  	[simem:s7], [sflag:s8] =	dma.local @!p0 [hbm:s6], $0xF7A  }
0x23: {  	s9 =	sor.u32 $0xD0000000, s2;
	s6 =	simm.s32 $0x108;
	_ =	swait.ge @!p0 [sflag:s8], $0x0  }
0x24: {  	s3 =	sadd.s32 $0x88, s3;
	s6 =	simm.s32 @!p1 $0x1082;
	[sflag:s4] =	ssyncset.s32 $0xFFFFF086  }
0x25: {  	[simem:s6], [sflag:s4] =	dma.local [hbm:s3], $0xF7A  }
0x26: {  	[smem:$0x3F9E] =	sst s1;
	(tag) =	ssettag s2;
	_ =	strace s9  }
0x27: {  	s1 =	sld [smem:$0x3FAE]  }
0x28: {  	s2 =	sld [smem:$0x3FAF]  }
0x29: {  	s4 =	sld [smem:$0x3FB1]  }
0x2a: {  	p0 =	seq.s32 s5, $0x0;
	s5 =	sld [smem:$0x3FB2]  }
0x2b: {  	s6 =	sld [smem:$0x3FB3]  }
0x2c: {  	s7 =	sld [smem:$0x3FB4]  }
0x2d: {  	s3 =	simm.s32 $0x108;
	s8 =	sld [smem:$0x3FB5]  }
0x2e: {  	s3 =	simm.s32 @!p0 $0x1082;
	s9 =	sld [smem:$0x3FB6]  }
0x2f: {  	lr =	sadd.s32 s0, s3;
	s0 =	sld [smem:$0x3FAD]  }
0x30: {  	s3 =	sld [smem:$0x3FB0]  }
0x31: {  	[smem:$0x3FB9] =	sst s10  }
0x32: {  	s10 =	sld [smem:$0x3FB7];
	_ =	sdelay $0x3  }
0x33: {  	p0 =	seq.s32 s10, $0x1;
	s10 =	sld [smem:$0x3FB9];
	_ =	sdelay $0x3  }
0x34: {  	[smem:$0x3FB9] =	sst s10  }
0x35: {  	s10 =	sld [smem:$0x3FB8];
	_ =	sdelay $0x3  }
0x36: {  	p1 =	seq.s32 s10, $0x1;
	s10 =	sld [smem:$0x3FB9];
	_ =	sdelay $0x3  }
0x37: {  	[smem:$0x3FB9] =	sst s10  }
0x38: {  	s10 =	sld [smem:$0x3FBA]  }
0x39: {  	_ = 	snop;
	(pc) =	sbr.ind lr, $3  }
0x3a: {  	_ = 	snop  }
0x3b: {  	_ = 	snop  }
0x3c: {  	p2 =	seq.s32 s10, $0x1;
	s10 =	sld [smem:$0x3FB9]  }
0x3d: {  	_ =	shalt  }
0x3e: {  	_ =	shalt  }
0x3f: {  	_ =	shalt  }
0x40: {  	_ =	shalt  }
0x41: {  	_ =	shalt  }
0x42: {  	_ =	shalt  }
0x43: {  	_ =	shalt  }
0x44: {  	_ =	shalt  }
0x45: {  	_ =	shalt  }
0x46: {  	_ =	shalt  }
0x47: {  	_ =	shalt  }
0x48: {  	_ =	shalt  }
0x49: {  	_ =	shalt  }
0x4a: {  	_ =	shalt  }
0x4b: {  	_ =	shalt  }
0x4c: {  	_ =	shalt  }
0x4d: {  	_ =	shalt  }
0x4e: {  	_ =	shalt  }
0x4f: {  	_ =	shalt  }
0x50: {  	_ =	shalt  }
0x51: {  	_ =	shalt  }
0x52: {  	_ =	shalt  }
0x53: {  	_ =	shalt  }
0x54: {  	_ =	shalt  }
0x55: {  	_ =	shalt  }
0x56: {  	_ =	shalt  }
0x57: {  	_ =	shalt  }
0x58: {  	_ =	shalt  }
0x59: {  	_ =	shalt  }
0x5a: {  	_ =	shalt  }
0x5b: {  	_ =	shalt  }
0x5c: {  	_ =	shalt  }
0x5d: {  	_ =	shalt  }
0x5e: {  	_ =	shalt  }
0x5f: {  	_ =	shalt  }
0x60: {  	_ =	shalt  }
0x61: {  	_ =	shalt  }
0x62: {  	_ =	shalt  }
0x63: {  	_ =	shalt  }
0x64: {  	_ =	shalt  }
0x65: {  	_ =	shalt  }
0x66: {  	_ =	shalt  }
0x67: {  	_ =	shalt  }
0x68: {  	_ =	shalt  }
0x69: {  	_ =	shalt  }
0x6a: {  	_ =	shalt  }
0x6b: {  	_ =	shalt  }
0x6c: {  	_ =	shalt  }
0x6d: {  	_ =	shalt  }
0x6e: {  	_ =	shalt  }
0x6f: {  	_ =	shalt  }
0x70: {  	_ =	shalt  }
0x71: {  	_ =	shalt  }
0x72: {  	_ =	shalt  }
0x73: {  	_ =	shalt  }
0x74: {  	_ =	shalt  }
0x75: {  	_ =	shalt  }
0x76: {  	_ =	shalt  }
0x77: {  	_ =	shalt  }
0x78: {  	_ =	shalt  }
0x79: {  	_ =	shalt  }
0x7a: {  	_ =	shalt  }
0x7b: {  	_ =	shalt  }
0x7c: {  	_ =	shalt  }
0x7d: {  	_ =	shalt  }
0x7e: {  	_ =	shalt  }
0x7f: {  	_ =	shalt  }
0x80: {  	_ =	shalt  }
0x81: {  	_ =	shalt  }
0x82: {  	_ =	shalt  }
0x83: {  	_ =	shalt  }
0x84: {  	_ =	shalt  }
0x85: {  	_ =	shalt  }
0x86: {  	_ =	shalt  }
0x87: {  	_ =	shalt  }
.Lfunc_end0:
.L_simem_size_0:
called_computation_lowered:
.L_overlay_start_0:
0x88: {  	s2 =	sld [smem:$0x3FD9]  }
0x89: {  	s3 =	sld [smem:$0x3FFE];
	_ =	sdelay $0x1  }
0x8a: {  	s1 =	srdreg.scid  }
0x8b: {  	s0 =	sand.u32 $0x1, s1  }
0x8c: {  	s17 =	sshll.u32 s0, $0xA;
	s2 =	sadd.s32 s3, s2  }
0x8d: {  	s2 =	sadd.s32 s2, s17  }
0x8e: {  	[smem:$0x3FC5] =	sst s2  }
0x8f: {  	_ = 	snop  }
0x90: {  	s2 =	sld [smem:$0x3FD0];
	(tm) =	ssettm $0x1  }
0x91: {  	s18 =	sld [smem:$0x3FFB];
	_ =	sdelay $0x3  }
0x92: {  	_ =	strace s18  }
0x93: {  	s3 =	sld [smem:$0x3FFC];
	_ =	sdelay $0x3  }
0x94: {  	_ =	strace s3  }
0x95: {  	s3 =	sld [smem:$0x3FFD];
	_ =	sdelay $0x3  }
0x96: {  	_ =	strace s3  }
0x97: {  	_ =	strace $0x8FFFFFFF  }
0x98: {  	s19 =	sld [smem:$0x3FDB];
	_ =	sdelay $0x1  }
0x99: {  	s4 =	simm.s32 $_scs_section_size  }
0x9a: {  	s5 =	simm.s32 $_size__tile_overlayer_lowered;
	s6 =	simm.s32 $_tile_overlayer_lowered  }
0x9b: {  	s22 =	simm.s32 $0x1BFF;
	s21 =	sshll.u32 s6, $0x1;
	s3 =	sadd.s32 s4, s19  }
0x9c: {  	s7 =	simm.s32 $0x0;
	s20 =	sshll.u32 s5, $0x1;
	s5 =	sadd.s32 s21, s3  }
0x9d: {  	[timem:s7], [sflag:s22] =	dma.local [hbm:s5], s20  }
0x9e: {  	_ =	swait.ge [sflag:s22], s20  }
0x9f: {  	s4 =	ssub.s32 $0x0, s20;
	[sflag:s22] =	ssyncset.done $0x0  }
0xa0: {  	[sflag:s22] =	ssyncadd.s32 s4;
	_ =	sdelay $0x1  }
0xa1: {  	s23 =	simm.s32 $0x1B8B  }
0xa2: {  	_ =	swait.ge [sflag:s23], $0x1  }
0xa3: {  	[sflag:s23] =	ssyncset.done $0x0  }
0xa4: {  	s25 =	simm.s32 $0x1B8E;
	s24 =	sld [smem:$0x3FFE];
	[sflag:s23] =	ssyncadd.s32 $0xFFFFFFFF  }
0xa5: {  	s26 =	simm.s32 $execute0_lowered;
	[smem:$0x3FD2] =	sst s25  }
0xa6: {  	s5 =	sshll.u32 s26, $0x1;
	_ =	strace $0x80000046;
	[dreg:$0x1] =	wrdreg $0xFFFFFFFF  }
0xa7: {  	s28 =	simm.s32 $_size_execute0_lowered;
	s3 =	sadd.s32 s3, s5;
	[dreg:$0x0] =	wrdreg $0x0  }
0xa8: {  	s5 =	sshll.u32 s28, $0x1;
	[dreg:$0x2] =	wrdreg s3  }
0xa9: {  	[dreg:$0x3] =	wrdreg s5  }
0xaa: {  	[dreg:$0x4] =	wrdreg $0xC0  }
0xab: {  	_ =	task [dreg:s7], $0x5FFFF  }
0xac: {  	[dreg:$0x1] =	wrdreg $0xFFFFFFFF  }
0xad: {  	[dreg:$0x0] =	wrdreg $0x60  }
0xae: {  	[dreg:$0x2] =	wrdreg s24  }
0xaf: {  	[dreg:$0x3] =	wrdreg s2  }
0xb0: {  	[dreg:$0x4] =	wrdreg $0x74000  }
0xb1: {  	[dreg:$0x5] =	wrdreg $0x9  }
0xb2: {  	_ =	task.clear_ibuf [dreg:s7], $0x6FFFF;
	_ =	strace $0x90000046  }
0xb3: {  	s29 =	simm.s32 $0x9;
	_ =	strace $0x80000048  }
0xb4: {  	_ =	swait.ge [sflag:s29], $0x1  }
0xb5: {  	[sflag:s29] =	ssyncadd.s32 $0xFFFFFFFF  }
0xb6: {  	_ =	strace $0x90000048  }
0xb7: {  	_ =	sfence  }
0xb8: {  	s30 =	sld [smem:$0x0];
	_ =	sdelay $0x2  }
0xb9: {  	s31 =	sshll.u32 s1, $0xD;
	s1 =	sshrl.u32 s1, $0x2  }
0xba: {  	s3 =	sand.u32 $0x4000, s31;
	s1 =	sadd.s32 s1, s30  }
0xbb: {  	s0 =	sor.u32 s3, s0;
	s1 =	sshll.u32 s1, $0x11  }
0xbc: {  	s0 =	sor.u32 s1, s0  }
0xbd: {  	s0 =	sadd.s32 $0x8F2B, s0  }
0xbe: {  	[sflag:s0] =	ssyncadd.remote.s32 $0x1  }
0xbf: {  	_ =	sfence.sel $0xFFFF  }
0xc0: {  	[dreg:$0x0] =	wrdreg $0xFFFFFFFF;
	(pc) =	sbr.abs _section_cstart, $3  }
0xc1: {  	[dreg:$0x1] =	wrdreg $0xFFFFFFFF  }
0xc2: {  	_ =	task.clear_ibuf [dreg:s7], $0x2FFFF;
	_ =	strace $0x9FFFFFFF  }
0xc3: {  	(tm) =	ssettm $0x7FFFFFFF  }
tec
execute0_lowered:
.L_overlay_start_1:
0x0: {  	(tag) =	ssettag $0x1  }
0x1: {  	s0 =	rddreg [dreg:$0x0]  }
0x2: {  	s2 =	rddreg [dreg:$0x2];
	s3 =	simm.s32 $0x0  }
0x3: {  	s1 =	srdreg.scid;
	s12 =	stileid.u32;
	s14 =	simm.s32 $0x4400  }
0x4: {  	s15 =	simm.s32 $0x3;
	s16 =	simm.s32 $0x80;
	s18 =	simm.s32 $0x1400  }
0x5: {  	s20 =	simm.s32 $0x1C00;
	s22 =	simm.s32 $0x2400;
	s29 =	simm.s32 $0x3C00  }
0x6: {  	s28 =	simm.s32 $0x4C00;
	s19 =	simm.s32 $0x6C00;
	s21 =	simm.s32 $0x1  }
0x7: {  	s13 =	simm.s32 $0x0;
	[smem:$0x7FF] =	sst s3;
	s5 =	sadd.s32 $0x1B8600, s0  }
0x8: {  	s1 =	sand.u32 $0x1, s1;
	s6 =	sadd.s32 $0x187800, s0;
	s7 =	smul.u32 $0x62000, s12  }
0x9: {  	s0 =	sadd.s32 $0xE00, s0;
	s9 =	smul.u32 $0x18700, s12;
	s10 =	sshll.u32 s12, $0x9  }
0xa: {  	s25 =	smul.u32 $0x61C00, s12;
	_ =	strace $0x80000047;
	s4 =	ssub.s32 $0x2, s1  }
0xb: {  	s23 =	smul.u32 $0x187000, s1;
	s1 =	sshll.u32 s1, $0x8;
	s8 =	sshrl.u32 s4, $0x1  }
0xc: {  	s7 =	sshrl.u32 s7, $0x2;
	s11 =	sadd.s32 $0x18000, s9;
	s1 =	sor.u32 s1, s10  }
0xd: {  	s31 =	sshrl.u32 s25, $0x2;
	s4 =	ssub.s32 s4, s8;
	s7 =	sadd.s32 s7, s2  }
0xe: {  	v0 =	vlaneseq.u32;
	[dreg:$0x4] =	wrdreg s1;
	s24 =	sadd.s32 s23, s11;
	s8 =	sadd.s32 s9, s23  }
0xf: {  	v1 =	vimm.f32 $0.0e+00;
	v2 =	vimm.s32 $0x7;
	v4 =	vimm.s32 $0x4;
	s26 =	sadd.s32 s11, s2;
	s9 =	simm.s32 $0x5400;
	s11 =	simm.s32 $0x5C00  }
0x10: {  	v5 =	vimm.s32 $0x1;
	v6 =	vimm.s32 $0x0;
	v7 =	vimm.s32 $0x2;
	s23 =	simm.s32 $0x2;
	s1 =	sshrl.u32 s24, $0x3;
	[dreg:$0x5] =	wrdreg s26  }
0x11: {  	v8 =	vimm.s32 $0x3;
	v9 =	vimm.s32 $0x5;
	v10 =	vimm.s32 $0x6;
	s30 =	sshrl.u32 s8, $0x3;
	s4 =	smax.u32 s4, $0x1;
	s24 =	simm.s32 $0x2C00  }
0x12: {  	v11 =	vimm.s32 $0x8;
	v12 =	vimm.s32 $0x9;
	v13 =	vimm.s32 $0xA;
	s26 =	simm.s32 $0x3400;
	s1 =	sadd.s32 s0, s1;
	[dreg:$0x7] =	wrdreg s4  }
0x13: {  	v14 =	vimm.s32 $0xB;
	v15 =	vimm.s32 $0xC;
	v16 =	vimm.s32 $0xD;
	s12 =	sadd.s32 s30, s0;
	s0 =	sadd.s32 s31, s2;
	[dreg:$0x6] =	wrdreg s1  }
0x14: {  	v17 =	vimm.s32 $0xE;
	v18 =	vimm.s32 $0xF;
	v3 =	vmul.u32 $0x10, v0;
	s4 =	simm.s32 $0x0;
	[dreg:$0x8] =	wrdreg s0;
	s1 =	simm.s32 $0x6400  }
.LBB2_1:
0x15: {  	[dreg:$0x9] =	wrdreg s4;
	s0 =	simm.s32 $0x0  }
.LBB2_2:
0x16: {  	p0 =	sne.s32 s0, $0x1FC0  }
.Ltmp0:
0x17: {  	_ = 	snop;
	(pc) =	sbr.rel @p0 .LBB2_2-.Ltmp0, $3  }
0x18: {  	_ =	sdelay $0x1  }
0x19: {  	s4 =	sshra.s32 s0, $0x2  }
0x1a: {  	s0 =	sadd.s32 $0x40, s0;
	[tilespmem:s4+$0x4400] =	vst v1  }
0x1b: {  	s0 =	sadd.s32 $0x0, s7  }
0x1c: {  	[spmem:s0] =	stream.linear.scatter [tilespmem:s14], [sflag:$0x3], $0x800, $0x38;
	[tilespmem:$0x1FC00] =	vst v63  }
0x1d: {  	s0 =	simm.s32 $0x2000;
	_ =	swait.ge [sflag:s15], $0x800  }
.LBB2_4:
0x1e: {  	s4 =	sshra.s32 s0, $0x2;
	[sflag:s15] =	ssyncset.done $0x0;
	p0 =	sne.s32 s0, $0x60000  }
.Ltmp1:
0x1f: {  	s4 =	sadd.s32 s4, s7;
	[sflag:s15] =	ssyncadd.s32 $0xFFFFF800;
	(pc) =	sbr.rel @p0 .LBB2_4-.Ltmp1, $3  }
0x20: {  	[spmem:s4] =	stream.linear.scatter [tilespmem:s14], [sflag:$0x3], $0x800, $0x38;
	[tilespmem:$0x1FC00] =	vst v63  }
0x21: {  	s0 =	sadd.s32 $0x2000, s0;
	_ =	sdelay $0x1  }
0x22: {  	_ =	swait.ge [sflag:s15], $0x800  }
0x23: {  	[sflag:s15] =	ssyncset.done $0x0  }
0x24: {  	[sflag:s15] =	ssyncadd.s32 $0xFFFFF800  }
0x25: {  	s17 =	simm.s32 $0x0;
	[bflag:$0x0] =	sbarrier.arrive $0xFFFF  }
.LBB2_6:
0x26: {  	s0 =	sshll.u32 s17, $0xD;
	s4 =	rddreg [dreg:$0x4]  }
0x27: {  	s0 =	sor.u32 s4, s0  }
0x28: {  	v21 =	vor.u32 s13, v0;
	s8 =	rddreg [dreg:$0x1];
	s4 =	smin.u32 s0, $0x30C40  }
0x29: {  	v19 =	vshll.u32 v21, $0x3;
	s8 =	sadd.s32 s8, s4  }
0x2a: {  	v20 =	vor.u32 $0x1, v19;
	[tilespmem:s13], [sflag:$0x3] =	stream.linear.gather [hbm4b:s8+s13], $0x800, $0x38;
	[tilespmem:$0x1FC00] =	vst v63  }
0x2b: {  	v22 =	vor.u32 $0x2, v19;
	_ =	swait.ge [sflag:s15], $0x800  }
0x2c: {  	[sflag:s15] =	ssyncset.done $0x0  }
0x2d: {  	[sflag:s15] =	ssyncadd.s32 $0xFFFFF800  }
0x2e: {  	v23 =	vld.idx.msk [tilespmem:v19+s13+$0x0], $0xffff  }
0x2f: {  	v26 =	vld.idx.msk [tilespmem:v20+s13+$0x0], $0xffff  }
0x30: {  	s0 =	ssub.s32 s0, s4;
	v20 =	vld.idx.msk [tilespmem:v22+s13+$0x0], $0xffff  }
0x31: {  	v19 =	vmov s0  }
0x32: {  	s4 =	simm.s32 $0x0;
	vm0 =	vlt.u32 v21, v19  }
0x33: {  	v24 =	vshra.s32 v23, $0x3;
	v21 =	vshll.u32 v23, $0x1;
	[tilespmem:s4+$0xE00] =	vst v23;
	v27 =	vsel vm0, $0x186A0, v23  }
0x34: {  	v23 =	vshra.s32 v26, $0x3;
	[tilespmem:s4+$0xE80] =	vst v26;
	v25 =	vand.u32 $0xE, v21;
	v21 =	vshll.u32 v26, $0x1  }
0x35: {  	s8 =	simm.s32 $0x0;
	s0 =	simm.s32 $0x40;
	v22 =	vshra.s32 v20, $0x3;
	[tilespmem:s4+$0x1100] =	vst v27;
	v26 =	vsel vm0, $0x186A0, v26;
	v21 =	vand.u32 $0xE, v21  }
.LBB2_7:
0x36: {  	p0 =	sne.s32 s0, $0x1C0  }
0x37: {  	[tilespmem:s4+$0x800] =	vst v24;
	v24 =	vshll.u32 v20, $0x1;
	v27 =	vsel vm0, $0x186A0, v20;
	s8 =	sadd.s32 $0x10, s8;
	s10 =	smov.u32 s0;
	s0 =	sadd.s32 $0x40, s0  }
0x38: {  	[tilespmem:s4+$0xB00] =	vst v25;
	v24 =	vand.u32 $0xE, v24  }
0x39: {  	[tilespmem:s4+$0x880] =	vst v23  }
0x3a: {  	v23 =	vor.u32 s8, v0;
	[tilespmem:s4+$0xF00] =	vst v20  }
0x3b: {  	v20 =	vshll.u32 v23, $0x3;
	[tilespmem:s4+$0x1180] =	vst v26  }
0x3c: {  	v25 =	vor.u32 $0x1, v20;
	v26 =	vor.u32 $0x2, v20;
	[tilespmem:s4+$0x900] =	vst v22  }
0x3d: {  	[tilespmem:s4+$0xB80] =	vst v21  }
0x3e: {  	[tilespmem:s4+$0xC00] =	vst v24  }
0x3f: {  	s25 =	simm.s32 $0x0;
	[tilespmem:s4+$0x1200] =	vst v27  }
0x40: {  	v21 =	vld.idx.msk [tilespmem:v20+s25+$0x0], $0xffff  }
0x41: {  	v27 =	vld.idx.msk [tilespmem:v25+s25+$0x0], $0xffff  }
0x42: {  	v20 =	vld.idx.msk [tilespmem:v26+s25+$0x0], $0xffff;
	_ =	sdelay $0x1  }
.Ltmp2:
0x43: {  	(pc) =	sbr.rel @p0 .LBB2_7-.Ltmp2, $4  }
0x44: {  	vm0 =	vlt.u32 v23, v19;
	s4 =	sshra.s32 s10, $0x2  }
0x45: {  	v24 =	vshra.s32 v21, $0x3;
	v22 =	vshll.u32 v21, $0x1;
	v26 =	vsel vm0, $0x186A0, v21;
	[tilespmem:s4+$0xE00] =	vst v21  }
0x46: {  	v23 =	vshra.s32 v27, $0x3;
	v25 =	vand.u32 $0xE, v22;
	v21 =	vshll.u32 v27, $0x1;
	[tilespmem:s4+$0xE80] =	vst v27  }
0x47: {  	v22 =	vshra.s32 v20, $0x3;
	v21 =	vand.u32 $0xE, v21;
	[tilespmem:s4+$0x1100] =	vst v26;
	v26 =	vsel vm0, $0x186A0, v27  }
0x48: {  	[tilespmem:s4+$0x800] =	vst v24  }
0x49: {  	[tilespmem:s4+$0xB00] =	vst v25  }
0x4a: {  	[tilespmem:s4+$0x880] =	vst v23;
	s0 =	simm.s32 $0x80  }
0x4b: {  	[tilespmem:s4+$0xF00] =	vst v20;
	v23 =	vor.u32 s0, v0  }
0x4c: {  	[tilespmem:s4+$0x1180] =	vst v26;
	v24 =	vshll.u32 v23, $0x3  }
0x4d: {  	[tilespmem:s4+$0x900] =	vst v22;
	v22 =	vor.u32 $0x1, v24  }
0x4e: {  	v25 =	vshll.u32 v20, $0x1;
	[tilespmem:s4+$0xB80] =	vst v21;
	v20 =	vsel vm0, $0x186A0, v20;
	v21 =	vor.u32 $0x2, v24  }
0x4f: {  	v25 =	vand.u32 $0xE, v25;
	[tilespmem:s4+$0x1200] =	vst v20  }
0x50: {  	[tilespmem:s4+$0xC00] =	vst v25  }
0x51: {  	v25 =	vld.idx.msk [tilespmem:v24+s3+$0x0], $0xffff  }
0x52: {  	v26 =	vld.idx.msk [tilespmem:v22+s3+$0x0], $0xffff  }
0x53: {  	v20 =	vld.idx.msk [tilespmem:v21+s3+$0x0], $0xffff;
	_ =	sdelay $0x1  }
0x54: {  	vm0 =	vlt.u32 v23, v19;
	s4 =	simm.s32 $0x0  }
0x55: {  	v24 =	vshra.s32 v25, $0x3;
	v21 =	vshll.u32 v25, $0x1;
	[tilespmem:s4+$0xF80] =	vst v25;
	v27 =	vsel vm0, $0x186A0, v25  }
0x56: {  	v23 =	vshra.s32 v26, $0x3;
	v25 =	vand.u32 $0xE, v21;
	v21 =	vshll.u32 v26, $0x1;
	[tilespmem:s4+$0x1000] =	vst v26  }
0x57: {  	s8 =	simm.s32 $0x40;
	v22 =	vshra.s32 v20, $0x3;
	[tilespmem:s4+$0x1280] =	vst v27;
	v26 =	vsel vm0, $0x186A0, v26;
	v21 =	vand.u32 $0xE, v21  }
.LBB2_9:
0x58: {  	p0 =	sne.s32 s8, $0x1C0  }
0x59: {  	[tilespmem:s4+$0x980] =	vst v24;
	v24 =	vshll.u32 v20, $0x1;
	v27 =	vsel vm0, $0x186A0, v20;
	s0 =	sadd.s32 $0x10, s0;
	s10 =	smov.u32 s8;
	s8 =	sadd.s32 $0x40, s8  }
0x5a: {  	[tilespmem:s4+$0xC80] =	vst v25;
	v24 =	vand.u32 $0xE, v24  }
0x5b: {  	[tilespmem:s4+$0xA00] =	vst v23  }
0x5c: {  	v23 =	vor.u32 s0, v0;
	[tilespmem:s4+$0x1080] =	vst v20  }
0x5d: {  	v20 =	vshll.u32 v23, $0x3;
	[tilespmem:s4+$0x1300] =	vst v26  }
0x5e: {  	v25 =	vor.u32 $0x1, v20;
	v26 =	vor.u32 $0x2, v20;
	[tilespmem:s4+$0xA80] =	vst v22  }
0x5f: {  	[tilespmem:s4+$0xD00] =	vst v21  }
0x60: {  	[tilespmem:s4+$0xD80] =	vst v24  }
0x61: {  	[tilespmem:s4+$0x1380] =	vst v27  }
0x62: {  	v21 =	vld.idx.msk [tilespmem:v20+s3+$0x0], $0xffff  }
0x63: {  	v27 =	vld.idx.msk [tilespmem:v25+s3+$0x0], $0xffff  }
0x64: {  	v20 =	vld.idx.msk [tilespmem:v26+s3+$0x0], $0xffff;
	_ =	sdelay $0x1  }
.Ltmp3:
0x65: {  	(pc) =	sbr.rel @p0 .LBB2_9-.Ltmp3, $4  }
0x66: {  	vm0 =	vlt.u32 v23, v19;
	s4 =	sshra.s32 s10, $0x2  }
0x67: {  	v24 =	vshra.s32 v21, $0x3;
	v22 =	vshll.u32 v21, $0x1;
	v26 =	vsel vm0, $0x186A0, v21;
	[tilespmem:s4+$0xF80] =	vst v21  }
0x68: {  	v23 =	vshra.s32 v27, $0x3;
	v25 =	vand.u32 $0xE, v22;
	v21 =	vshll.u32 v27, $0x1;
	[tilespmem:s4+$0x1000] =	vst v27  }
0x69: {  	v22 =	vshra.s32 v20, $0x3;
	v21 =	vand.u32 $0xE, v21;
	[tilespmem:s4+$0x1280] =	vst v26;
	v26 =	vsel vm0, $0x186A0, v27  }
0x6a: {  	[tilespmem:s4+$0x980] =	vst v24  }
0x6b: {  	[tilespmem:s4+$0xC80] =	vst v25  }
0x6c: {  	[tilespmem:s4+$0xA00] =	vst v23  }
0x6d: {  	[tilespmem:s4+$0x1080] =	vst v20  }
0x6e: {  	[tilespmem:s4+$0x1300] =	vst v26  }
0x6f: {  	[tilespmem:s4+$0xA80] =	vst v22  }
0x70: {  	v19 =	vshll.u32 v20, $0x1;
	[tilespmem:s4+$0xD00] =	vst v21;
	v20 =	vsel vm0, $0x186A0, v20  }
0x71: {  	v19 =	vand.u32 $0xE, v19;
	[tilespmem:s4+$0x1380] =	vst v20  }
0x72: {  	s0 =	simm.s32 $0x800;
	[tilespmem:s4+$0xD80] =	vst v19  }
0x73: {  	[tilespmem:s18], [sflag:$0x1] =	stream.indirect.gather [hbm4b:s5+s16], $0x10, s0, s16, $0xb8;
	[tilespmem:$0x1FC00] =	vst v63  }
0x74: {  	s8 =	simm.s32 $0x880  }
0x75: {  	[tilespmem:s20], [sflag:$0x1] =	stream.indirect.gather [hbm4b:s5+s16], $0x10, s8, s16, $0xb8;
	[tilespmem:$0x1FC00] =	vst v63  }
0x76: {  	s10 =	simm.s32 $0x900  }
0x77: {  	[tilespmem:s22], [sflag:$0x1] =	stream.indirect.gather [hbm4b:s5+s16], $0x10, s10, s16, $0xb8;
	[tilespmem:$0x1FC00] =	vst v63  }
0x78: {  	s25 =	simm.s32 $0x980  }
0x79: {  	[tilespmem:s24], [sflag:$0x1] =	stream.indirect.gather [hbm4b:s5+s16], $0x10, s25, s16, $0xb8;
	[tilespmem:$0x1FC00] =	vst v63  }
0x7a: {  	s4 =	simm.s32 $0xA00  }
0x7b: {  	[tilespmem:s26], [sflag:$0x1] =	stream.indirect.gather [hbm4b:s5+s16], $0x10, s4, s16, $0xb8;
	[tilespmem:$0x1FC00] =	vst v63  }
0x7c: {  	s8 =	simm.s32 $0xA80  }
0x7d: {  	[tilespmem:s29], [sflag:$0x1] =	stream.indirect.gather [hbm4b:s5+s16], $0x10, s8, s16, $0xb8;
	[tilespmem:$0x1FC00] =	vst v63  }
0x7e: {  	s10 =	simm.s32 $0xE00  }
0x7f: {  	[tilespmem:s14], [sflag:$0x2] =	stream.indirect.gather [hbm4b:s6+s16], $0x10, s10, s16, $0xb8;
	[tilespmem:$0x1FC00] =	vst v63  }
0x80: {  	s25 =	simm.s32 $0xE80  }
0x81: {  	[tilespmem:s28], [sflag:$0x2] =	stream.indirect.gather [hbm4b:s6+s16], $0x10, s25, s16, $0xb8;
	[tilespmem:$0x1FC00] =	vst v63  }
0x82: {  	s4 =	simm.s32 $0xF00  }
0x83: {  	[tilespmem:s9], [sflag:$0x2] =	stream.indirect.gather [hbm4b:s6+s16], $0x10, s4, s16, $0xb8;
	[tilespmem:$0x1FC00] =	vst v63  }
0x84: {  	s8 =	simm.s32 $0xF80  }
0x85: {  	[tilespmem:s11], [sflag:$0x2] =	stream.indirect.gather [hbm4b:s6+s16], $0x10, s8, s16, $0xb8;
	[tilespmem:$0x1FC00] =	vst v63  }
0x86: {  	s10 =	simm.s32 $0x1000  }
0x87: {  	[tilespmem:s1], [sflag:$0x2] =	stream.indirect.gather [hbm4b:s6+s16], $0x10, s10, s16, $0xb8;
	[tilespmem:$0x1FC00] =	vst v63  }
0x88: {  	s25 =	simm.s32 $0x1080  }
0x89: {  	[tilespmem:s19], [sflag:$0x2] =	stream.indirect.gather [hbm4b:s6+s16], $0x10, s25, s16, $0xb8;
	[tilespmem:$0x1FC00] =	vst v63  }
0x8a: {  	_ =	swait.ge [sflag:s21], $0x800  }
0x8b: {  	[sflag:s21] =	ssyncset.done $0x0  }
0x8c: {  	[sflag:s21] =	ssyncadd.s32 $0xFFFFF800  }
0x8d: {  	_ =	swait.ge [sflag:s21], $0x800  }
0x8e: {  	[sflag:s21] =	ssyncset.done $0x0  }
0x8f: {  	[sflag:s21] =	ssyncadd.s32 $0xFFFFF800  }
0x90: {  	_ =	swait.ge [sflag:s21], $0x800  }
0x91: {  	[sflag:s21] =	ssyncset.done $0x0  }
0x92: {  	[sflag:s21] =	ssyncadd.s32 $0xFFFFF800  }
0x93: {  	_ =	swait.ge [sflag:s21], $0x800  }
0x94: {  	[sflag:s21] =	ssyncset.done $0x0  }
0x95: {  	[sflag:s21] =	ssyncadd.s32 $0xFFFFF800  }
0x96: {  	_ =	swait.ge [sflag:s21], $0x800  }
0x97: {  	[sflag:s21] =	ssyncset.done $0x0  }
0x98: {  	[sflag:s21] =	ssyncadd.s32 $0xFFFFF800  }
0x99: {  	_ =	swait.ge [sflag:s21], $0x800  }
0x9a: {  	[sflag:s21] =	ssyncset.done $0x0  }
0x9b: {  	[sflag:s21] =	ssyncadd.s32 $0xFFFFF800  }
0x9c: {  	_ =	swait.ge [sflag:s23], $0x800  }
0x9d: {  	[sflag:s23] =	ssyncset.done $0x0  }
0x9e: {  	[sflag:s23] =	ssyncadd.s32 $0xFFFFF800  }
0x9f: {  	_ =	swait.ge [sflag:s23], $0x800  }
0xa0: {  	[sflag:s23] =	ssyncset.done $0x0  }
0xa1: {  	[sflag:s23] =	ssyncadd.s32 $0xFFFFF800  }
0xa2: {  	_ =	swait.ge [sflag:s23], $0x800  }
0xa3: {  	[sflag:s23] =	ssyncset.done $0x0  }
0xa4: {  	[sflag:s23] =	ssyncadd.s32 $0xFFFFF800  }
0xa5: {  	_ =	swait.ge [sflag:s23], $0x800  }
0xa6: {  	[sflag:s23] =	ssyncset.done $0x0  }
0xa7: {  	[sflag:s23] =	ssyncadd.s32 $0xFFFFF800  }
0xa8: {  	_ =	swait.ge [sflag:s23], $0x800  }
0xa9: {  	[sflag:s23] =	ssyncset.done $0x0  }
0xaa: {  	s30 =	simm.s32 $0xB80;
	s31 =	simm.s32 $0xB00;
	[sflag:s23] =	ssyncadd.s32 $0xFFFFF800  }
0xab: {  	s0 =	simm.s32 $0x0;
	s28 =	simm.s32 $0xC00;
	_ =	swait.ge [sflag:s23], $0x800  }
0xac: {  	s4 =	simm.s32 $0x4480;
	s8 =	simm.s32 $0x5480;
	[sflag:s23] =	ssyncset.done $0x0  }
0xad: {  	s10 =	simm.s32 $0x4C80;
	s25 =	simm.s32 $0x0;
	[sflag:s23] =	ssyncadd.s32 $0xFFFFF800  }
.LBB2_11:
0xae: {  	v19 =	vld [tilespmem:s31+$0x0]  }
0xaf: {  	v21 =	vld [tilespmem:s30+$0x0]  }
0xb0: {  	v22 =	vld [tilespmem:s28+$0x0]  }
0xb1: {  	v20 =	vmov s0  }
0xb2: {  	v20 =	vshll.u32 v20, $0x4  }
0xb3: {  	v20 =	vor.u32 v3, v20;
	v23 =	vand.u32 $0xFFFFFFF8, v19;
	v24 =	vadd.s32 $0x1, v19  }
0xb4: {  	v19 =	vand.u32 $0x7, v19;
	v28 =	vand.u32 $0xFFFFFFF8, v21;
	v29 =	vadd.s32 $0x1, v21  }
0xb5: {  	v21 =	vand.u32 $0x7, v21;
	v27 =	vadd.s32 $0x1, v22;
	v32 =	vand.u32 $0xFFFFFFF8, v22  }
0xb6: {  	v23 =	vadd.s32 v20, v23;
	v25 =	vand.u32 $0xFFFFFFF8, v24;
	v62 =	vand.u32 $0x7, v24  }
0xb7: {  	v24 =	vadd.s32 v20, v28;
	v26 =	vand.u32 $0xFFFFFFF8, v29;
	v19 =	vor.u32 v19, v23  }
0xb8: {  	v31 =	vand.u32 $0xFFFFFFF8, v27;
	v63 =	vadd.s32 v20, v25;
	v21 =	vor.u32 v21, v24  }
0xb9: {  	v25 =	vand.u32 $0x7, v29;
	v26 =	vadd.s32 v20, v26;
	v23 =	vor.u32 v62, v63  }
0xba: {  	v27 =	vand.u32 $0x7, v27;
	v30 =	vor.u32 v25, v26;
	v25 =	vadd.s32 v20, v31  }
0xbb: {  	v22 =	vand.u32 $0x7, v22;
	v20 =	vadd.s32 v20, v32;
	v25 =	vor.u32 v27, v25  }
0xbc: {  	v20 =	vor.u32 v22, v20;
	v19 =	vld.idx.msk [tilespmem:v19+s18+$0x0], $0xffff  }
0xbd: {  	v21 =	vld.idx.msk [tilespmem:v21+s20+$0x0], $0xffff  }
0xbe: {  	v33 =	vld.idx.msk [tilespmem:v23+s18+$0x0], $0xffff  }
0xbf: {  	v34 =	vld.idx.msk [tilespmem:v30+s20+$0x0], $0xffff  }
0xc0: {  	v35 =	vld.idx.msk [tilespmem:v25+s22+$0x0], $0xffff  }
0xc1: {  	v20 =	vld.idx.msk [tilespmem:v20+s22+$0x0], $0xffff;
	_ =	sdelay $0x3  }
0xc2: {  	v36 =	vsub.f32 v21, v19;
	v38 =	vsub.f32 v34, v33  }
0xc3: {  	v37 =	vsub.f32 v35, v33;
	v28 =	vsub.f32 v20, v19;
	_ =	sdelay $0x1  }
0xc4: {  	v25 =	vmul.f32 v37, v36;
	v39 =	vmul.f32 v28, v38;
	_ =	sdelay $0x1  }
0xc5: {  	v25 =	vsub.f32 v25, v39;
	_ =	sdelay $0x1  }
0xc6: {  	v25 =	vand.u32 $0x7FFFFFFF, v25  }
0xc7: {  	(erf) = vrcp.f32 v25;
	_ =	sdelay $0x7  }
0xc8: {  	v23 =	vsub.f32 v35, v34  }
0xc9: {  	v20 =	vsub.f32 v21, v20;
	v22 =	vsub.f32 v33, v35;
	v40 =	vpop (erf)  }
0xca: {  	v25 =	vmul.f32 $5.000000000e-01, v25;
	v23 =	vmul.f32 v40, v23  }
0xcb: {  	v19 =	vsub.f32 v19, v21;
	v20 =	vmul.f32 v40, v20;
	v41 =	vmul.f32 v40, v22  }
0xcc: {  	v42 =	vmul.f32 v40, v28;
	v43 =	vmul.f32 v40, v38  }
0xcd: {  	v19 =	vmul.f32 v40, v19;
	v44 =	vmul.f32 v23, v23  }
0xce: {  	v45 =	vmul.f32 v20, v20;
	v46 =	vmul.f32 v41, v23  }
0xcf: {  	v29 =	vmul.f32 v42, v20;
	v23 =	vmul.f32 v43, v23  }
0xd0: {  	v20 =	vmul.f32 v19, v20;
	v47 =	vmul.f32 v41, v41  }
0xd1: {  	v30 =	vmul.f32 v42, v42;
	v21 =	vmul.f32 v43, v41  }
0xd2: {  	v22 =	vmul.f32 v19, v42;
	v24 =	vmul.f32 v43, v43;
	v26 =	vadd.f32 v45, v44  }
0xd3: {  	v48 =	vmul.f32 v19, v19;
	v28 =	vadd.f32 v29, v46;
	v23 =	vadd.f32 v20, v23  }
0xd4: {  	v51 =	vld [tilespmem:s4+$0xFFFFFF80];
	v49 =	vadd.f32 v30, v47;
	v50 =	vadd.f32 v22, v21;
	v19 =	vmul.f32 v26, v25  }
0xd5: {  	v52 =	vld [tilespmem:s10+$0xFFFFFF80];
	v24 =	vadd.f32 v48, v24;
	v20 =	vmul.f32 v28, v25;
	v21 =	vmul.f32 v23, v25  }
0xd6: {  	v53 =	vld [tilespmem:s8+$0xFFFFFF80];
	v22 =	vmul.f32 v49, v25;
	v23 =	vmul.f32 v50, v25  }
0xd7: {  	v24 =	vmul.f32 v24, v25;
	v54 =	vperm.xlane v19, v6  }
0xd8: {  	v55 =	vperm.xlane v20, v6;
	v56 =	vperm.xlane v21, v6  }
0xd9: {  	v31 =	vperm.xlane v22, v6;
	v32 =	vperm.xlane v23, v6  }
0xda: {  	v33 =	vperm.xlane v24, v6;
	v25 =	vmul.f32 v51, v54  }
0xdb: {  	v34 =	vmul.f32 v52, v55;
	v35 =	vmul.f32 v53, v56  }
0xdc: {  	v27 =	vmul.f32 v51, v55;
	v31 =	vmul.f32 v52, v31  }
0xdd: {  	v29 =	vmul.f32 v51, v56;
	v28 =	vmul.f32 v52, v32;
	v25 =	vadd.f32 v34, v25  }
0xde: {  	v57 =	vmul.f32 v53, v32;
	v27 =	vadd.f32 v31, v27  }
0xdf: {  	v26 =	vmul.f32 v53, v33;
	v28 =	vadd.f32 v28, v29;
	v25 =	vadd.f32 v35, v25  }
0xe0: {  	v27 =	vadd.f32 v57, v27  }
0xe1: {  	v58 =	vadd.f32 v26, v28;
	[tilespmem:s4+$0xFFFFFF80] =	vst v25  }
0xe2: {  	[tilespmem:s10+$0xFFFFFF80] =	vst v27  }
0xe3: {  	[tilespmem:s8+$0xFFFFFF80] =	vst v58;
	v27 =	vld [tilespmem:s8+$0xFFFFFF90]  }
0xe4: {  	v25 =	vld [tilespmem:s4+$0xFFFFFF90]  }
0xe5: {  	v59 =	vld [tilespmem:s10+$0xFFFFFF90]  }
0xe6: {  	v60 =	vperm.xlane v19, v5  }
0xe7: {  	v61 =	vperm.xlane v20, v5;
	v62 =	vperm.xlane v21, v5  }
0xe8: {  	v63 =	vperm.xlane v22, v5;
	v36 =	vperm.xlane v23, v5  }
0xe9: {  	v37 =	vperm.xlane v24, v5;
	v39 =	vmul.f32 v27, v62  }
0xea: {  	v28 =	vmul.f32 v25, v60;
	v38 =	vmul.f32 v59, v61  }
0xeb: {  	v29 =	vmul.f32 v25, v61;
	v31 =	vmul.f32 v59, v63  }
0xec: {  	v25 =	vmul.f32 v25, v62;
	v26 =	vmul.f32 v59, v36;
	v28 =	vadd.f32 v38, v28  }
0xed: {  	v40 =	vmul.f32 v27, v36;
	v29 =	vadd.f32 v31, v29  }
0xee: {  	v41 =	vmul.f32 v27, v37;
	v25 =	vadd.f32 v26, v25;
	v28 =	vadd.f32 v39, v28  }
0xef: {  	v42 =	vadd.f32 v40, v29  }
0xf0: {  	v25 =	vadd.f32 v41, v25;
	[tilespmem:s4+$0xFFFFFF90] =	vst v28  }
0xf1: {  	[tilespmem:s10+$0xFFFFFF90] =	vst v42  }
0xf2: {  	[tilespmem:s8+$0xFFFFFF90] =	vst v25;
	v27 =	vld [tilespmem:s8+$0xFFFFFFA0]  }
0xf3: {  	v25 =	vld [tilespmem:s4+$0xFFFFFFA0]  }
0xf4: {  	v43 =	vld [tilespmem:s10+$0xFFFFFFA0]  }
0xf5: {  	v44 =	vperm.xlane v19, v7  }
0xf6: {  	v45 =	vperm.xlane v20, v7;
	v46 =	vperm.xlane v21, v7  }
0xf7: {  	v47 =	vperm.xlane v22, v7;
	v48 =	vperm.xlane v23, v7  }
0xf8: {  	v49 =	vperm.xlane v24, v7;
	v51 =	vmul.f32 v27, v46  }
0xf9: {  	v28 =	vmul.f32 v25, v44;
	v50 =	vmul.f32 v43, v45  }
0xfa: {  	v29 =	vmul.f32 v25, v45;
	v31 =	vmul.f32 v43, v47  }
0xfb: {  	v25 =	vmul.f32 v25, v46;
	v26 =	vmul.f32 v43, v48;
	v28 =	vadd.f32 v50, v28  }
0xfc: {  	v52 =	vmul.f32 v27, v48;
	v29 =	vadd.f32 v31, v29  }
0xfd: {  	v53 =	vmul.f32 v27, v49;
	v25 =	vadd.f32 v26, v25;
	v28 =	vadd.f32 v51, v28  }
0xfe: {  	v54 =	vadd.f32 v52, v29  }
0xff: {  	v25 =	vadd.f32 v53, v25;
	[tilespmem:s4+$0xFFFFFFA0] =	vst v28  }
0x100: {  	[tilespmem:s10+$0xFFFFFFA0] =	vst v54  }
0x101: {  	[tilespmem:s8+$0xFFFFFFA0] =	vst v25;
	v27 =	vld [tilespmem:s8+$0xFFFFFFB0]  }
0x102: {  	v25 =	vld [tilespmem:s4+$0xFFFFFFB0]  }
0x103: {  	v55 =	vld [tilespmem:s10+$0xFFFFFFB0]  }
0x104: {  	v56 =	vperm.xlane v19, v8  }
0x105: {  	v57 =	vperm.xlane v20, v8;
	v58 =	vperm.xlane v21, v8  }
0x106: {  	v59 =	vperm.xlane v22, v8;
	v60 =	vperm.xlane v23, v8  }
0x107: {  	v61 =	vperm.xlane v24, v8;
	v63 =	vmul.f32 v27, v58  }
0x108: {  	v28 =	vmul.f32 v25, v56;
	v62 =	vmul.f32 v55, v57  }
0x109: {  	v29 =	vmul.f32 v25, v57;
	v31 =	vmul.f32 v55, v59  }
0x10a: {  	v25 =	vmul.f32 v25, v58;
	v26 =	vmul.f32 v55, v60;
	v28 =	vadd.f32 v62, v28  }
0x10b: {  	v36 =	vmul.f32 v27, v60;
	v29 =	vadd.f32 v31, v29  }
0x10c: {  	v37 =	vmul.f32 v27, v61;
	v25 =	vadd.f32 v26, v25;
	v28 =	vadd.f32 v63, v28  }
0x10d: {  	v38 =	vadd.f32 v36, v29  }
0x10e: {  	v25 =	vadd.f32 v37, v25;
	[tilespmem:s4+$0xFFFFFFB0] =	vst v28  }
0x10f: {  	[tilespmem:s10+$0xFFFFFFB0] =	vst v38  }
0x110: {  	[tilespmem:s8+$0xFFFFFFB0] =	vst v25;
	v27 =	vld [tilespmem:s8+$0xFFFFFFC0]  }
0x111: {  	v25 =	vld [tilespmem:s4+$0xFFFFFFC0]  }
0x112: {  	v39 =	vld [tilespmem:s10+$0xFFFFFFC0]  }
0x113: {  	v40 =	vperm.xlane v19, v4  }
0x114: {  	v41 =	vperm.xlane v20, v4;
	v42 =	vperm.xlane v21, v4  }
0x115: {  	v43 =	vperm.xlane v22, v4;
	v44 =	vperm.xlane v23, v4  }
0x116: {  	v45 =	vperm.xlane v24, v4;
	v47 =	vmul.f32 v27, v42  }
0x117: {  	v28 =	vmul.f32 v25, v40;
	v46 =	vmul.f32 v39, v41  }
0x118: {  	v29 =	vmul.f32 v25, v41;
	v31 =	vmul.f32 v39, v43  }
0x119: {  	v25 =	vmul.f32 v25, v42;
	v26 =	vmul.f32 v39, v44;
	v28 =	vadd.f32 v46, v28  }
0x11a: {  	v48 =	vmul.f32 v27, v44;
	v29 =	vadd.f32 v31, v29  }
0x11b: {  	v49 =	vmul.f32 v27, v45;
	v25 =	vadd.f32 v26, v25;
	v28 =	vadd.f32 v47, v28  }
0x11c: {  	v50 =	vadd.f32 v48, v29  }
0x11d: {  	v25 =	vadd.f32 v49, v25;
	[tilespmem:s4+$0xFFFFFFC0] =	vst v28  }
0x11e: {  	[tilespmem:s10+$0xFFFFFFC0] =	vst v50  }
0x11f: {  	[tilespmem:s8+$0xFFFFFFC0] =	vst v25;
	v27 =	vld [tilespmem:s8+$0xFFFFFFD0]  }
0x120: {  	v25 =	vld [tilespmem:s4+$0xFFFFFFD0]  }
0x121: {  	v51 =	vld [tilespmem:s10+$0xFFFFFFD0]  }
0x122: {  	v52 =	vperm.xlane v19, v9  }
0x123: {  	v53 =	vperm.xlane v20, v9;
	v54 =	vperm.xlane v21, v9  }
0x124: {  	v55 =	vperm.xlane v22, v9;
	v56 =	vperm.xlane v23, v9  }
0x125: {  	v57 =	vperm.xlane v24, v9;
	v59 =	vmul.f32 v27, v54  }
0x126: {  	v28 =	vmul.f32 v25, v52;
	v58 =	vmul.f32 v51, v53  }
0x127: {  	v29 =	vmul.f32 v25, v53;
	v31 =	vmul.f32 v51, v55  }
0x128: {  	v25 =	vmul.f32 v25, v54;
	v26 =	vmul.f32 v51, v56;
	v28 =	vadd.f32 v58, v28  }
0x129: {  	v60 =	vmul.f32 v27, v56;
	v29 =	vadd.f32 v31, v29  }
0x12a: {  	v61 =	vmul.f32 v27, v57;
	v25 =	vadd.f32 v26, v25;
	v28 =	vadd.f32 v59, v28  }
0x12b: {  	v62 =	vadd.f32 v60, v29  }
0x12c: {  	v25 =	vadd.f32 v61, v25;
	[tilespmem:s4+$0xFFFFFFD0] =	vst v28  }
0x12d: {  	[tilespmem:s10+$0xFFFFFFD0] =	vst v62  }
0x12e: {  	[tilespmem:s8+$0xFFFFFFD0] =	vst v25;
	v27 =	vld [tilespmem:s8+$0xFFFFFFE0]  }
0x12f: {  	v25 =	vld [tilespmem:s4+$0xFFFFFFE0]  }
0x130: {  	v63 =	vld [tilespmem:s10+$0xFFFFFFE0]  }
0x131: {  	v36 =	vperm.xlane v19, v10  }
0x132: {  	v37 =	vperm.xlane v20, v10;
	v38 =	vperm.xlane v21, v10  }
0x133: {  	v39 =	vperm.xlane v22, v10;
	v40 =	vperm.xlane v23, v10  }
0x134: {  	v41 =	vperm.xlane v24, v10;
	v43 =	vmul.f32 v27, v38  }
0x135: {  	v28 =	vmul.f32 v25, v36;
	v42 =	vmul.f32 v63, v37  }
0x136: {  	v29 =	vmul.f32 v25, v37;
	v31 =	vmul.f32 v63, v39  }
0x137: {  	v25 =	vmul.f32 v25, v38;
	v26 =	vmul.f32 v63, v40;
	v28 =	vadd.f32 v42, v28  }
0x138: {  	v44 =	vmul.f32 v27, v40;
	v29 =	vadd.f32 v31, v29  }
0x139: {  	v45 =	vmul.f32 v27, v41;
	v25 =	vadd.f32 v26, v25;
	v28 =	vadd.f32 v43, v28  }
0x13a: {  	v46 =	vadd.f32 v44, v29  }
0x13b: {  	v25 =	vadd.f32 v45, v25;
	[tilespmem:s4+$0xFFFFFFE0] =	vst v28  }
0x13c: {  	[tilespmem:s10+$0xFFFFFFE0] =	vst v46  }
0x13d: {  	[tilespmem:s8+$0xFFFFFFE0] =	vst v25;
	v27 =	vld [tilespmem:s8+$0xFFFFFFF0]  }
0x13e: {  	v25 =	vld [tilespmem:s4+$0xFFFFFFF0]  }
0x13f: {  	v47 =	vld [tilespmem:s10+$0xFFFFFFF0]  }
0x140: {  	v48 =	vperm.xlane v19, v2  }
0x141: {  	v49 =	vperm.xlane v20, v2;
	v50 =	vperm.xlane v21, v2  }
0x142: {  	v51 =	vperm.xlane v22, v2;
	v52 =	vperm.xlane v23, v2  }
0x143: {  	v53 =	vperm.xlane v24, v2;
	v55 =	vmul.f32 v27, v50  }
0x144: {  	v28 =	vmul.f32 v25, v48;
	v54 =	vmul.f32 v47, v49  }
0x145: {  	v29 =	vmul.f32 v25, v49;
	v31 =	vmul.f32 v47, v51  }
0x146: {  	v25 =	vmul.f32 v25, v50;
	v26 =	vmul.f32 v47, v52;
	v28 =	vadd.f32 v54, v28  }
0x147: {  	v56 =	vmul.f32 v27, v52;
	v29 =	vadd.f32 v31, v29  }
0x148: {  	v57 =	vmul.f32 v27, v53;
	v25 =	vadd.f32 v26, v25;
	v28 =	vadd.f32 v55, v28  }
0x149: {  	v58 =	vadd.f32 v56, v29  }
0x14a: {  	v25 =	vadd.f32 v57, v25;
	[tilespmem:s4+$0xFFFFFFF0] =	vst v28  }
0x14b: {  	[tilespmem:s10+$0xFFFFFFF0] =	vst v58  }
0x14c: {  	[tilespmem:s8+$0xFFFFFFF0] =	vst v25;
	v27 =	vld [tilespmem:s8+$0x0]  }
0x14d: {  	v25 =	vld [tilespmem:s4+$0x0]  }
0x14e: {  	v59 =	vld [tilespmem:s10+$0x0]  }
0x14f: {  	v60 =	vperm.xlane v19, v11  }
0x150: {  	v61 =	vperm.xlane v20, v11;
	v62 =	vperm.xlane v21, v11  }
0x151: {  	v63 =	vperm.xlane v22, v11;
	v36 =	vperm.xlane v23, v11  }
0x152: {  	v37 =	vperm.xlane v24, v11;
	v39 =	vmul.f32 v27, v62  }
0x153: {  	v28 =	vmul.f32 v25, v60;
	v38 =	vmul.f32 v59, v61  }
0x154: {  	v29 =	vmul.f32 v25, v61;
	v31 =	vmul.f32 v59, v63  }
0x155: {  	v25 =	vmul.f32 v25, v62;
	v26 =	vmul.f32 v59, v36;
	v28 =	vadd.f32 v38, v28  }
0x156: {  	v40 =	vmul.f32 v27, v36;
	v29 =	vadd.f32 v31, v29  }
0x157: {  	v41 =	vmul.f32 v27, v37;
	v25 =	vadd.f32 v26, v25;
	v28 =	vadd.f32 v39, v28  }
0x158: {  	v42 =	vadd.f32 v40, v29  }
0x159: {  	v25 =	vadd.f32 v41, v25;
	[tilespmem:s4+$0x0] =	vst v28  }
0x15a: {  	[tilespmem:s10+$0x0] =	vst v42  }
0x15b: {  	[tilespmem:s8+$0x0] =	vst v25;
	v27 =	vld [tilespmem:s8+$0x10]  }
0x15c: {  	v25 =	vld [tilespmem:s4+$0x10]  }
0x15d: {  	v43 =	vld [tilespmem:s10+$0x10]  }
0x15e: {  	v44 =	vperm.xlane v19, v12  }
0x15f: {  	v45 =	vperm.xlane v20, v12;
	v46 =	vperm.xlane v21, v12  }
0x160: {  	v47 =	vperm.xlane v22, v12;
	v48 =	vperm.xlane v23, v12  }
0x161: {  	v49 =	vperm.xlane v24, v12;
	v51 =	vmul.f32 v27, v46  }
0x162: {  	v28 =	vmul.f32 v25, v44;
	v50 =	vmul.f32 v43, v45  }
0x163: {  	v29 =	vmul.f32 v25, v45;
	v31 =	vmul.f32 v43, v47  }
0x164: {  	v25 =	vmul.f32 v25, v46;
	v26 =	vmul.f32 v43, v48;
	v28 =	vadd.f32 v50, v28  }
0x165: {  	v52 =	vmul.f32 v27, v48;
	v29 =	vadd.f32 v31, v29  }
0x166: {  	v53 =	vmul.f32 v27, v49;
	v25 =	vadd.f32 v26, v25;
	v28 =	vadd.f32 v51, v28  }
0x167: {  	v54 =	vadd.f32 v52, v29  }
0x168: {  	v25 =	vadd.f32 v53, v25;
	[tilespmem:s4+$0x10] =	vst v28  }
0x169: {  	[tilespmem:s10+$0x10] =	vst v54  }
0x16a: {  	[tilespmem:s8+$0x10] =	vst v25;
	v27 =	vld [tilespmem:s8+$0x20]  }
0x16b: {  	v25 =	vld [tilespmem:s4+$0x20]  }
0x16c: {  	v55 =	vld [tilespmem:s10+$0x20]  }
0x16d: {  	v56 =	vperm.xlane v19, v13  }
0x16e: {  	v57 =	vperm.xlane v20, v13;
	v58 =	vperm.xlane v21, v13  }
0x16f: {  	v59 =	vperm.xlane v22, v13;
	v60 =	vperm.xlane v23, v13  }
0x170: {  	v61 =	vperm.xlane v24, v13;
	v63 =	vmul.f32 v27, v58  }
0x171: {  	v28 =	vmul.f32 v25, v56;
	v62 =	vmul.f32 v55, v57  }
0x172: {  	v29 =	vmul.f32 v25, v57;
	v31 =	vmul.f32 v55, v59  }
0x173: {  	v25 =	vmul.f32 v25, v58;
	v26 =	vmul.f32 v55, v60;
	v28 =	vadd.f32 v62, v28  }
0x174: {  	v34 =	vmul.f32 v27, v60;
	v29 =	vadd.f32 v31, v29  }
0x175: {  	v36 =	vmul.f32 v27, v61;
	v25 =	vadd.f32 v26, v25;
	v28 =	vadd.f32 v63, v28  }
0x176: {  	v37 =	vadd.f32 v34, v29  }
0x177: {  	v25 =	vadd.f32 v36, v25;
	[tilespmem:s4+$0x20] =	vst v28  }
0x178: {  	[tilespmem:s10+$0x20] =	vst v37  }
0x179: {  	[tilespmem:s8+$0x20] =	vst v25;
	v27 =	vld [tilespmem:s8+$0x30]  }
0x17a: {  	v25 =	vld [tilespmem:s4+$0x30]  }
0x17b: {  	v38 =	vld [tilespmem:s10+$0x30]  }
0x17c: {  	v39 =	vperm.xlane v19, v14  }
0x17d: {  	v40 =	vperm.xlane v20, v14;
	v41 =	vperm.xlane v21, v14  }
0x17e: {  	v42 =	vperm.xlane v22, v14;
	v43 =	vperm.xlane v23, v14  }
0x17f: {  	v44 =	vperm.xlane v24, v14;
	v46 =	vmul.f32 v27, v41  }
0x180: {  	v28 =	vmul.f32 v25, v39;
	v45 =	vmul.f32 v38, v40  }
0x181: {  	v29 =	vmul.f32 v25, v40;
	v31 =	vmul.f32 v38, v42  }
0x182: {  	v25 =	vmul.f32 v25, v41;
	v26 =	vmul.f32 v38, v43;
	v28 =	vadd.f32 v45, v28  }
0x183: {  	v47 =	vmul.f32 v27, v43;
	v29 =	vadd.f32 v31, v29  }
0x184: {  	v48 =	vmul.f32 v27, v44;
	v25 =	vadd.f32 v26, v25;
	v28 =	vadd.f32 v46, v28  }
0x185: {  	v49 =	vadd.f32 v47, v29  }
0x186: {  	v25 =	vadd.f32 v48, v25;
	[tilespmem:s4+$0x30] =	vst v28  }
0x187: {  	[tilespmem:s10+$0x30] =	vst v49  }
0x188: {  	[tilespmem:s8+$0x30] =	vst v25;
	v27 =	vld [tilespmem:s8+$0x40]  }
0x189: {  	v25 =	vld [tilespmem:s4+$0x40]  }
0x18a: {  	v50 =	vld [tilespmem:s10+$0x40]  }
0x18b: {  	v51 =	vperm.xlane v19, v15  }
0x18c: {  	v52 =	vperm.xlane v20, v15;
	v53 =	vperm.xlane v21, v15  }
0x18d: {  	v54 =	vperm.xlane v22, v15;
	v55 =	vperm.xlane v23, v15  }
0x18e: {  	v56 =	vperm.xlane v24, v15;
	v58 =	vmul.f32 v27, v53  }
0x18f: {  	v28 =	vmul.f32 v25, v51;
	v57 =	vmul.f32 v50, v52  }
0x190: {  	v29 =	vmul.f32 v25, v52;
	v31 =	vmul.f32 v50, v54  }
0x191: {  	v25 =	vmul.f32 v25, v53;
	v26 =	vmul.f32 v50, v55;
	v28 =	vadd.f32 v57, v28  }
0x192: {  	v59 =	vmul.f32 v27, v55;
	v29 =	vadd.f32 v31, v29  }
0x193: {  	v60 =	vmul.f32 v27, v56;
	v25 =	vadd.f32 v26, v25;
	v28 =	vadd.f32 v58, v28  }
0x194: {  	v61 =	vadd.f32 v59, v29  }
0x195: {  	v25 =	vadd.f32 v60, v25;
	[tilespmem:s4+$0x40] =	vst v28  }
0x196: {  	[tilespmem:s10+$0x40] =	vst v61  }
0x197: {  	[tilespmem:s8+$0x40] =	vst v25;
	v27 =	vld [tilespmem:s8+$0x50]  }
0x198: {  	v25 =	vld [tilespmem:s4+$0x50]  }
0x199: {  	v62 =	vld [tilespmem:s10+$0x50]  }
0x19a: {  	v63 =	vperm.xlane v19, v16  }
0x19b: {  	v36 =	vperm.xlane v20, v16;
	v37 =	vperm.xlane v21, v16  }
0x19c: {  	v38 =	vperm.xlane v22, v16;
	v39 =	vperm.xlane v23, v16  }
0x19d: {  	v40 =	vperm.xlane v24, v16;
	v42 =	vmul.f32 v27, v37  }
0x19e: {  	v28 =	vmul.f32 v25, v63;
	v41 =	vmul.f32 v62, v36  }
0x19f: {  	v29 =	vmul.f32 v25, v36;
	v31 =	vmul.f32 v62, v38  }
0x1a0: {  	v25 =	vmul.f32 v25, v37;
	v26 =	vmul.f32 v62, v39;
	v28 =	vadd.f32 v41, v28  }
0x1a1: {  	v43 =	vmul.f32 v27, v39;
	v29 =	vadd.f32 v31, v29  }
0x1a2: {  	v44 =	vmul.f32 v27, v40;
	v25 =	vadd.f32 v26, v25;
	v28 =	vadd.f32 v42, v28  }
0x1a3: {  	v45 =	vadd.f32 v43, v29  }
0x1a4: {  	v25 =	vadd.f32 v44, v25;
	[tilespmem:s4+$0x50] =	vst v28  }
0x1a5: {  	[tilespmem:s10+$0x50] =	vst v45  }
0x1a6: {  	[tilespmem:s8+$0x50] =	vst v25;
	v27 =	vld [tilespmem:s8+$0x60]  }
0x1a7: {  	v25 =	vld [tilespmem:s4+$0x60]  }
0x1a8: {  	v46 =	vld [tilespmem:s10+$0x60]  }
0x1a9: {  	v47 =	vperm.xlane v19, v17  }
0x1aa: {  	v48 =	vperm.xlane v20, v17;
	v49 =	vperm.xlane v21, v17  }
0x1ab: {  	v50 =	vperm.xlane v22, v17;
	v51 =	vperm.xlane v23, v17  }
0x1ac: {  	v52 =	vperm.xlane v24, v17;
	v54 =	vmul.f32 v27, v49  }
0x1ad: {  	v28 =	vmul.f32 v25, v47;
	v53 =	vmul.f32 v46, v48  }
0x1ae: {  	v29 =	vmul.f32 v25, v48;
	v31 =	vmul.f32 v46, v50  }
0x1af: {  	v25 =	vmul.f32 v25, v49;
	v26 =	vmul.f32 v46, v51;
	v28 =	vadd.f32 v53, v28  }
0x1b0: {  	v55 =	vmul.f32 v27, v51;
	v29 =	vadd.f32 v31, v29  }
0x1b1: {  	v56 =	vmul.f32 v27, v52;
	v25 =	vadd.f32 v26, v25;
	v28 =	vadd.f32 v54, v28  }
0x1b2: {  	v57 =	vadd.f32 v55, v29  }
0x1b3: {  	v25 =	vadd.f32 v56, v25;
	[tilespmem:s4+$0x60] =	vst v28  }
0x1b4: {  	[tilespmem:s10+$0x60] =	vst v57  }
0x1b5: {  	[tilespmem:s8+$0x60] =	vst v25;
	v27 =	vld [tilespmem:s8+$0x70]  }
0x1b6: {  	v25 =	vld [tilespmem:s4+$0x70]  }
0x1b7: {  	v58 =	vld [tilespmem:s10+$0x70]  }
0x1b8: {  	v19 =	vperm.xlane v19, v18  }
0x1b9: {  	v20 =	vperm.xlane v20, v18;
	v21 =	vperm.xlane v21, v18  }
0x1ba: {  	v22 =	vperm.xlane v22, v18;
	v23 =	vperm.xlane v23, v18  }
0x1bb: {  	v24 =	vperm.xlane v24, v18;
	v60 =	vmul.f32 v27, v21  }
0x1bc: {  	v19 =	vmul.f32 v25, v19;
	v59 =	vmul.f32 v58, v20  }
0x1bd: {  	v20 =	vmul.f32 v25, v20;
	v22 =	vmul.f32 v58, v22  }
0x1be: {  	v21 =	vmul.f32 v25, v21;
	v61 =	vmul.f32 v58, v23;
	v19 =	vadd.f32 v59, v19  }
0x1bf: {  	p0 =	sne.s32 s0, $0x70;
	v62 =	vmul.f32 v27, v23;
	v20 =	vadd.f32 v22, v20  }
.Ltmp4:
0x1c0: {  	v63 =	vmul.f32 v27, v24;
	v21 =	vadd.f32 v61, v21;
	v19 =	vadd.f32 v60, v19;
	(pc) =	sbr.rel @p0 .LBB2_11-.Ltmp4, $4  }
0x1c1: {  	v20 =	vadd.f32 v62, v20  }
0x1c2: {  	s28 =	sadd.s32 $0x10, s28;
	[tilespmem:s4+$0x70] =	vst v19;
	v19 =	vadd.f32 v63, v21  }
0x1c3: {  	s30 =	sadd.s32 $0x10, s30;
	s31 =	sadd.s32 $0x10, s31;
	s0 =	sadd.s32 $0x10, s0;
	[tilespmem:s10+$0x70] =	vst v20  }
0x1c4: {  	s4 =	sadd.s32 $0x100, s4;
	s10 =	sadd.s32 $0x100, s10;
	[tilespmem:s8+$0x70] =	vst v19;
	s8 =	sadd.s32 $0x100, s8  }
0x1c5: {  	s28 =	simm.s32 $0xD80;
	s30 =	simm.s32 $0xD00;
	s31 =	simm.s32 $0xC80  }
0x1c6: {  	s4 =	simm.s32 $0x5C80;
	s10 =	simm.s32 $0x6480;
	s8 =	simm.s32 $0x6C80  }
.LBB2_13:
0x1c7: {  	v19 =	vld [tilespmem:s31+$0x0]  }
0x1c8: {  	v21 =	vld [tilespmem:s30+$0x0]  }
0x1c9: {  	v22 =	vld [tilespmem:s28+$0x0]  }
0x1ca: {  	v20 =	vmov s25  }
0x1cb: {  	v20 =	vshll.u32 v20, $0x4  }
0x1cc: {  	v20 =	vor.u32 v3, v20;
	v23 =	vand.u32 $0xFFFFFFF8, v19;
	v24 =	vadd.s32 $0x1, v19  }
0x1cd: {  	v19 =	vand.u32 $0x7, v19;
	v28 =	vand.u32 $0xFFFFFFF8, v21;
	v29 =	vadd.s32 $0x1, v21  }
0x1ce: {  	v21 =	vand.u32 $0x7, v21;
	v27 =	vadd.s32 $0x1, v22;
	v32 =	vand.u32 $0xFFFFFFF8, v22  }
0x1cf: {  	v23 =	vadd.s32 v20, v23;
	v25 =	vand.u32 $0xFFFFFFF8, v24;
	v62 =	vand.u32 $0x7, v24  }
0x1d0: {  	v24 =	vadd.s32 v20, v28;
	v26 =	vand.u32 $0xFFFFFFF8, v29;
	v19 =	vor.u32 v19, v23  }
0x1d1: {  	v31 =	vand.u32 $0xFFFFFFF8, v27;
	v63 =	vadd.s32 v20, v25;
	v21 =	vor.u32 v21, v24  }
0x1d2: {  	v25 =	vand.u32 $0x7, v29;
	v26 =	vadd.s32 v20, v26;
	v23 =	vor.u32 v62, v63  }
0x1d3: {  	v27 =	vand.u32 $0x7, v27;
	v30 =	vor.u32 v25, v26;
	v25 =	vadd.s32 v20, v31  }
0x1d4: {  	v22 =	vand.u32 $0x7, v22;
	v20 =	vadd.s32 v20, v32;
	v25 =	vor.u32 v27, v25  }
0x1d5: {  	v20 =	vor.u32 v22, v20;
	v19 =	vld.idx.msk [tilespmem:v19+s24+$0x0], $0xffff  }
0x1d6: {  	v21 =	vld.idx.msk [tilespmem:v21+s26+$0x0], $0xffff  }
0x1d7: {  	v33 =	vld.idx.msk [tilespmem:v23+s24+$0x0], $0xffff  }
0x1d8: {  	v34 =	vld.idx.msk [tilespmem:v30+s26+$0x0], $0xffff  }
0x1d9: {  	v35 =	vld.idx.msk [tilespmem:v25+s29+$0x0], $0xffff  }
0x1da: {  	v20 =	vld.idx.msk [tilespmem:v20+s29+$0x0], $0xffff;
	_ =	sdelay $0x3  }
0x1db: {  	v36 =	vsub.f32 v21, v19;
	v38 =	vsub.f32 v34, v33  }
0x1dc: {  	v37 =	vsub.f32 v35, v33;
	v28 =	vsub.f32 v20, v19;
	_ =	sdelay $0x1  }
0x1dd: {  	v25 =	vmul.f32 v37, v36;
	v39 =	vmul.f32 v28, v38;
	_ =	sdelay $0x1  }
0x1de: {  	v25 =	vsub.f32 v25, v39;
	_ =	sdelay $0x1  }
0x1df: {  	v25 =	vand.u32 $0x7FFFFFFF, v25  }
0x1e0: {  	(erf) = vrcp.f32 v25;
	_ =	sdelay $0x7  }
0x1e1: {  	v23 =	vsub.f32 v35, v34  }
0x1e2: {  	v20 =	vsub.f32 v21, v20;
	v22 =	vsub.f32 v33, v35;
	v40 =	vpop (erf)  }
0x1e3: {  	v25 =	vmul.f32 $5.000000000e-01, v25;
	v23 =	vmul.f32 v40, v23  }
0x1e4: {  	v19 =	vsub.f32 v19, v21;
	v20 =	vmul.f32 v40, v20;
	v41 =	vmul.f32 v40, v22  }
0x1e5: {  	v42 =	vmul.f32 v40, v28;
	v43 =	vmul.f32 v40, v38  }
0x1e6: {  	v19 =	vmul.f32 v40, v19;
	v44 =	vmul.f32 v23, v23  }
0x1e7: {  	v45 =	vmul.f32 v20, v20;
	v46 =	vmul.f32 v41, v23  }
0x1e8: {  	v29 =	vmul.f32 v42, v20;
	v23 =	vmul.f32 v43, v23  }
0x1e9: {  	v20 =	vmul.f32 v19, v20;
	v47 =	vmul.f32 v41, v41  }
0x1ea: {  	v30 =	vmul.f32 v42, v42;
	v21 =	vmul.f32 v43, v41  }
0x1eb: {  	v22 =	vmul.f32 v19, v42;
	v24 =	vmul.f32 v43, v43;
	v26 =	vadd.f32 v45, v44  }
0x1ec: {  	v48 =	vmul.f32 v19, v19;
	v28 =	vadd.f32 v29, v46;
	v23 =	vadd.f32 v20, v23  }
0x1ed: {  	v51 =	vld [tilespmem:s4+$0xFFFFFF80];
	v49 =	vadd.f32 v30, v47;
	v50 =	vadd.f32 v22, v21;
	v19 =	vmul.f32 v26, v25  }
0x1ee: {  	v52 =	vld [tilespmem:s10+$0xFFFFFF80];
	v24 =	vadd.f32 v48, v24;
	v20 =	vmul.f32 v28, v25;
	v21 =	vmul.f32 v23, v25  }
0x1ef: {  	v53 =	vld [tilespmem:s8+$0xFFFFFF80];
	v22 =	vmul.f32 v49, v25;
	v23 =	vmul.f32 v50, v25  }
0x1f0: {  	v24 =	vmul.f32 v24, v25;
	v54 =	vperm.xlane v19, v6  }
0x1f1: {  	v55 =	vperm.xlane v20, v6;
	v56 =	vperm.xlane v21, v6  }
0x1f2: {  	v31 =	vperm.xlane v22, v6;
	v32 =	vperm.xlane v23, v6  }
0x1f3: {  	v33 =	vperm.xlane v24, v6;
	v25 =	vmul.f32 v51, v54  }
0x1f4: {  	v34 =	vmul.f32 v52, v55;
	v35 =	vmul.f32 v53, v56  }
0x1f5: {  	v27 =	vmul.f32 v51, v55;
	v31 =	vmul.f32 v52, v31  }
0x1f6: {  	v29 =	vmul.f32 v51, v56;
	v28 =	vmul.f32 v52, v32;
	v25 =	vadd.f32 v34, v25  }
0x1f7: {  	v57 =	vmul.f32 v53, v32;
	v27 =	vadd.f32 v31, v27  }
0x1f8: {  	v26 =	vmul.f32 v53, v33;
	v28 =	vadd.f32 v28, v29;
	v25 =	vadd.f32 v35, v25  }
0x1f9: {  	v27 =	vadd.f32 v57, v27  }
0x1fa: {  	v58 =	vadd.f32 v26, v28;
	[tilespmem:s4+$0xFFFFFF80] =	vst v25  }
0x1fb: {  	[tilespmem:s10+$0xFFFFFF80] =	vst v27  }
0x1fc: {  	[tilespmem:s8+$0xFFFFFF80] =	vst v58;
	v27 =	vld [tilespmem:s8+$0xFFFFFF90]  }
0x1fd: {  	v25 =	vld [tilespmem:s4+$0xFFFFFF90]  }
0x1fe: {  	v59 =	vld [tilespmem:s10+$0xFFFFFF90]  }
0x1ff: {  	v60 =	vperm.xlane v19, v5  }
0x200: {  	v61 =	vperm.xlane v20, v5;
	v62 =	vperm.xlane v21, v5  }
0x201: {  	v63 =	vperm.xlane v22, v5;
	v36 =	vperm.xlane v23, v5  }
0x202: {  	v37 =	vperm.xlane v24, v5;
	v39 =	vmul.f32 v27, v62  }
0x203: {  	v28 =	vmul.f32 v25, v60;
	v38 =	vmul.f32 v59, v61  }
0x204: {  	v29 =	vmul.f32 v25, v61;
	v31 =	vmul.f32 v59, v63  }
0x205: {  	v25 =	vmul.f32 v25, v62;
	v26 =	vmul.f32 v59, v36;
	v28 =	vadd.f32 v38, v28  }
0x206: {  	v40 =	vmul.f32 v27, v36;
	v29 =	vadd.f32 v31, v29  }
0x207: {  	v41 =	vmul.f32 v27, v37;
	v25 =	vadd.f32 v26, v25;
	v28 =	vadd.f32 v39, v28  }
0x208: {  	v42 =	vadd.f32 v40, v29  }
0x209: {  	v25 =	vadd.f32 v41, v25;
	[tilespmem:s4+$0xFFFFFF90] =	vst v28  }
0x20a: {  	[tilespmem:s10+$0xFFFFFF90] =	vst v42  }
0x20b: {  	[tilespmem:s8+$0xFFFFFF90] =	vst v25;
	v27 =	vld [tilespmem:s8+$0xFFFFFFA0]  }
0x20c: {  	v25 =	vld [tilespmem:s4+$0xFFFFFFA0]  }
0x20d: {  	v43 =	vld [tilespmem:s10+$0xFFFFFFA0]  }
0x20e: {  	v44 =	vperm.xlane v19, v7  }
0x20f: {  	v45 =	vperm.xlane v20, v7;
	v46 =	vperm.xlane v21, v7  }
0x210: {  	v47 =	vperm.xlane v22, v7;
	v48 =	vperm.xlane v23, v7  }
0x211: {  	v49 =	vperm.xlane v24, v7;
	v51 =	vmul.f32 v27, v46  }
0x212: {  	v28 =	vmul.f32 v25, v44;
	v50 =	vmul.f32 v43, v45  }
0x213: {  	v29 =	vmul.f32 v25, v45;
	v31 =	vmul.f32 v43, v47  }
0x214: {  	v25 =	vmul.f32 v25, v46;
	v26 =	vmul.f32 v43, v48;
	v28 =	vadd.f32 v50, v28  }
0x215: {  	v52 =	vmul.f32 v27, v48;
	v29 =	vadd.f32 v31, v29  }
0x216: {  	v53 =	vmul.f32 v27, v49;
	v25 =	vadd.f32 v26, v25;
	v28 =	vadd.f32 v51, v28  }
0x217: {  	v54 =	vadd.f32 v52, v29  }
0x218: {  	v25 =	vadd.f32 v53, v25;
	[tilespmem:s4+$0xFFFFFFA0] =	vst v28  }
0x219: {  	[tilespmem:s10+$0xFFFFFFA0] =	vst v54  }
0x21a: {  	[tilespmem:s8+$0xFFFFFFA0] =	vst v25;
	v27 =	vld [tilespmem:s8+$0xFFFFFFB0]  }
0x21b: {  	v25 =	vld [tilespmem:s4+$0xFFFFFFB0]  }
0x21c: {  	v55 =	vld [tilespmem:s10+$0xFFFFFFB0]  }
0x21d: {  	v56 =	vperm.xlane v19, v8  }
0x21e: {  	v57 =	vperm.xlane v20, v8;
	v58 =	vperm.xlane v21, v8  }
0x21f: {  	v59 =	vperm.xlane v22, v8;
	v60 =	vperm.xlane v23, v8  }
0x220: {  	v61 =	vperm.xlane v24, v8;
	v63 =	vmul.f32 v27, v58  }
0x221: {  	v28 =	vmul.f32 v25, v56;
	v62 =	vmul.f32 v55, v57  }
0x222: {  	v29 =	vmul.f32 v25, v57;
	v31 =	vmul.f32 v55, v59  }
0x223: {  	v25 =	vmul.f32 v25, v58;
	v26 =	vmul.f32 v55, v60;
	v28 =	vadd.f32 v62, v28  }
0x224: {  	v36 =	vmul.f32 v27, v60;
	v29 =	vadd.f32 v31, v29  }
0x225: {  	v37 =	vmul.f32 v27, v61;
	v25 =	vadd.f32 v26, v25;
	v28 =	vadd.f32 v63, v28  }
0x226: {  	v38 =	vadd.f32 v36, v29  }
0x227: {  	v25 =	vadd.f32 v37, v25;
	[tilespmem:s4+$0xFFFFFFB0] =	vst v28  }
0x228: {  	[tilespmem:s10+$0xFFFFFFB0] =	vst v38  }
0x229: {  	[tilespmem:s8+$0xFFFFFFB0] =	vst v25;
	v27 =	vld [tilespmem:s8+$0xFFFFFFC0]  }
0x22a: {  	v25 =	vld [tilespmem:s4+$0xFFFFFFC0]  }
0x22b: {  	v39 =	vld [tilespmem:s10+$0xFFFFFFC0]  }
0x22c: {  	v40 =	vperm.xlane v19, v4  }
0x22d: {  	v41 =	vperm.xlane v20, v4;
	v42 =	vperm.xlane v21, v4  }
0x22e: {  	v43 =	vperm.xlane v22, v4;
	v44 =	vperm.xlane v23, v4  }
0x22f: {  	v45 =	vperm.xlane v24, v4;
	v47 =	vmul.f32 v27, v42  }
0x230: {  	v28 =	vmul.f32 v25, v40;
	v46 =	vmul.f32 v39, v41  }
0x231: {  	v29 =	vmul.f32 v25, v41;
	v31 =	vmul.f32 v39, v43  }
0x232: {  	v25 =	vmul.f32 v25, v42;
	v26 =	vmul.f32 v39, v44;
	v28 =	vadd.f32 v46, v28  }
0x233: {  	v48 =	vmul.f32 v27, v44;
	v29 =	vadd.f32 v31, v29  }
0x234: {  	v49 =	vmul.f32 v27, v45;
	v25 =	vadd.f32 v26, v25;
	v28 =	vadd.f32 v47, v28  }
0x235: {  	v50 =	vadd.f32 v48, v29  }
0x236: {  	v25 =	vadd.f32 v49, v25;
	[tilespmem:s4+$0xFFFFFFC0] =	vst v28  }
0x237: {  	[tilespmem:s10+$0xFFFFFFC0] =	vst v50  }
0x238: {  	[tilespmem:s8+$0xFFFFFFC0] =	vst v25;
	v27 =	vld [tilespmem:s8+$0xFFFFFFD0]  }
0x239: {  	v25 =	vld [tilespmem:s4+$0xFFFFFFD0]  }
0x23a: {  	v51 =	vld [tilespmem:s10+$0xFFFFFFD0]  }
0x23b: {  	v52 =	vperm.xlane v19, v9  }
0x23c: {  	v53 =	vperm.xlane v20, v9;
	v54 =	vperm.xlane v21, v9  }
0x23d: {  	v55 =	vperm.xlane v22, v9;
	v56 =	vperm.xlane v23, v9  }
0x23e: {  	v57 =	vperm.xlane v24, v9;
	v59 =	vmul.f32 v27, v54  }
0x23f: {  	v28 =	vmul.f32 v25, v52;
	v58 =	vmul.f32 v51, v53  }
0x240: {  	v29 =	vmul.f32 v25, v53;
	v31 =	vmul.f32 v51, v55  }
0x241: {  	v25 =	vmul.f32 v25, v54;
	v26 =	vmul.f32 v51, v56;
	v28 =	vadd.f32 v58, v28  }
0x242: {  	v60 =	vmul.f32 v27, v56;
	v29 =	vadd.f32 v31, v29  }
0x243: {  	v61 =	vmul.f32 v27, v57;
	v25 =	vadd.f32 v26, v25;
	v28 =	vadd.f32 v59, v28  }
0x244: {  	v62 =	vadd.f32 v60, v29  }
0x245: {  	v25 =	vadd.f32 v61, v25;
	[tilespmem:s4+$0xFFFFFFD0] =	vst v28  }
0x246: {  	[tilespmem:s10+$0xFFFFFFD0] =	vst v62  }
0x247: {  	[tilespmem:s8+$0xFFFFFFD0] =	vst v25;
	v27 =	vld [tilespmem:s8+$0xFFFFFFE0]  }
0x248: {  	v25 =	vld [tilespmem:s4+$0xFFFFFFE0]  }
0x249: {  	v63 =	vld [tilespmem:s10+$0xFFFFFFE0]  }
0x24a: {  	v36 =	vperm.xlane v19, v10  }
0x24b: {  	v37 =	vperm.xlane v20, v10;
	v38 =	vperm.xlane v21, v10  }
0x24c: {  	v39 =	vperm.xlane v22, v10;
	v40 =	vperm.xlane v23, v10  }
0x24d: {  	v41 =	vperm.xlane v24, v10;
	v43 =	vmul.f32 v27, v38  }
0x24e: {  	v28 =	vmul.f32 v25, v36;
	v42 =	vmul.f32 v63, v37  }
0x24f: {  	v29 =	vmul.f32 v25, v37;
	v31 =	vmul.f32 v63, v39  }
0x250: {  	v25 =	vmul.f32 v25, v38;
	v26 =	vmul.f32 v63, v40;
	v28 =	vadd.f32 v42, v28  }
0x251: {  	v44 =	vmul.f32 v27, v40;
	v29 =	vadd.f32 v31, v29  }
0x252: {  	v45 =	vmul.f32 v27, v41;
	v25 =	vadd.f32 v26, v25;
	v28 =	vadd.f32 v43, v28  }
0x253: {  	v46 =	vadd.f32 v44, v29  }
0x254: {  	v25 =	vadd.f32 v45, v25;
	[tilespmem:s4+$0xFFFFFFE0] =	vst v28  }
0x255: {  	[tilespmem:s10+$0xFFFFFFE0] =	vst v46  }
0x256: {  	[tilespmem:s8+$0xFFFFFFE0] =	vst v25;
	v27 =	vld [tilespmem:s8+$0xFFFFFFF0]  }
0x257: {  	v25 =	vld [tilespmem:s4+$0xFFFFFFF0]  }
0x258: {  	v47 =	vld [tilespmem:s10+$0xFFFFFFF0]  }
0x259: {  	v48 =	vperm.xlane v19, v2  }
0x25a: {  	v49 =	vperm.xlane v20, v2;
	v50 =	vperm.xlane v21, v2  }
0x25b: {  	v51 =	vperm.xlane v22, v2;
	v52 =	vperm.xlane v23, v2  }
0x25c: {  	v53 =	vperm.xlane v24, v2;
	v55 =	vmul.f32 v27, v50  }
0x25d: {  	v28 =	vmul.f32 v25, v48;
	v54 =	vmul.f32 v47, v49  }
0x25e: {  	v29 =	vmul.f32 v25, v49;
	v31 =	vmul.f32 v47, v51  }
0x25f: {  	v25 =	vmul.f32 v25, v50;
	v26 =	vmul.f32 v47, v52;
	v28 =	vadd.f32 v54, v28  }
0x260: {  	v56 =	vmul.f32 v27, v52;
	v29 =	vadd.f32 v31, v29  }
0x261: {  	v57 =	vmul.f32 v27, v53;
	v25 =	vadd.f32 v26, v25;
	v28 =	vadd.f32 v55, v28  }
0x262: {  	v58 =	vadd.f32 v56, v29  }
0x263: {  	v25 =	vadd.f32 v57, v25;
	[tilespmem:s4+$0xFFFFFFF0] =	vst v28  }
0x264: {  	[tilespmem:s10+$0xFFFFFFF0] =	vst v58  }
0x265: {  	[tilespmem:s8+$0xFFFFFFF0] =	vst v25;
	v27 =	vld [tilespmem:s8+$0x0]  }
0x266: {  	v25 =	vld [tilespmem:s4+$0x0]  }
0x267: {  	v59 =	vld [tilespmem:s10+$0x0]  }
0x268: {  	v60 =	vperm.xlane v19, v11  }
0x269: {  	v61 =	vperm.xlane v20, v11;
	v62 =	vperm.xlane v21, v11  }
0x26a: {  	v63 =	vperm.xlane v22, v11;
	v36 =	vperm.xlane v23, v11  }
0x26b: {  	v37 =	vperm.xlane v24, v11;
	v39 =	vmul.f32 v27, v62  }
0x26c: {  	v28 =	vmul.f32 v25, v60;
	v38 =	vmul.f32 v59, v61  }
0x26d: {  	v29 =	vmul.f32 v25, v61;
	v31 =	vmul.f32 v59, v63  }
0x26e: {  	v25 =	vmul.f32 v25, v62;
	v26 =	vmul.f32 v59, v36;
	v28 =	vadd.f32 v38, v28  }
0x26f: {  	v40 =	vmul.f32 v27, v36;
	v29 =	vadd.f32 v31, v29  }
0x270: {  	v41 =	vmul.f32 v27, v37;
	v25 =	vadd.f32 v26, v25;
	v28 =	vadd.f32 v39, v28  }
0x271: {  	v42 =	vadd.f32 v40, v29  }
0x272: {  	v25 =	vadd.f32 v41, v25;
	[tilespmem:s4+$0x0] =	vst v28  }
0x273: {  	[tilespmem:s10+$0x0] =	vst v42  }
0x274: {  	[tilespmem:s8+$0x0] =	vst v25;
	v27 =	vld [tilespmem:s8+$0x10]  }
0x275: {  	v25 =	vld [tilespmem:s4+$0x10]  }
0x276: {  	v43 =	vld [tilespmem:s10+$0x10]  }
0x277: {  	v44 =	vperm.xlane v19, v12  }
0x278: {  	v45 =	vperm.xlane v20, v12;
	v46 =	vperm.xlane v21, v12  }
0x279: {  	v47 =	vperm.xlane v22, v12;
	v48 =	vperm.xlane v23, v12  }
0x27a: {  	v49 =	vperm.xlane v24, v12;
	v51 =	vmul.f32 v27, v46  }
0x27b: {  	v28 =	vmul.f32 v25, v44;
	v50 =	vmul.f32 v43, v45  }
0x27c: {  	v29 =	vmul.f32 v25, v45;
	v31 =	vmul.f32 v43, v47  }
0x27d: {  	v25 =	vmul.f32 v25, v46;
	v26 =	vmul.f32 v43, v48;
	v28 =	vadd.f32 v50, v28  }
0x27e: {  	v52 =	vmul.f32 v27, v48;
	v29 =	vadd.f32 v31, v29  }
0x27f: {  	v53 =	vmul.f32 v27, v49;
	v25 =	vadd.f32 v26, v25;
	v28 =	vadd.f32 v51, v28  }
0x280: {  	v54 =	vadd.f32 v52, v29  }
0x281: {  	v25 =	vadd.f32 v53, v25;
	[tilespmem:s4+$0x10] =	vst v28  }
0x282: {  	[tilespmem:s10+$0x10] =	vst v54  }
0x283: {  	[tilespmem:s8+$0x10] =	vst v25;
	v27 =	vld [tilespmem:s8+$0x20]  }
0x284: {  	v25 =	vld [tilespmem:s4+$0x20]  }
0x285: {  	v55 =	vld [tilespmem:s10+$0x20]  }
0x286: {  	v56 =	vperm.xlane v19, v13  }
0x287: {  	v57 =	vperm.xlane v20, v13;
	v58 =	vperm.xlane v21, v13  }
0x288: {  	v59 =	vperm.xlane v22, v13;
	v60 =	vperm.xlane v23, v13  }
0x289: {  	v61 =	vperm.xlane v24, v13;
	v63 =	vmul.f32 v27, v58  }
0x28a: {  	v28 =	vmul.f32 v25, v56;
	v62 =	vmul.f32 v55, v57  }
0x28b: {  	v29 =	vmul.f32 v25, v57;
	v31 =	vmul.f32 v55, v59  }
0x28c: {  	v25 =	vmul.f32 v25, v58;
	v26 =	vmul.f32 v55, v60;
	v28 =	vadd.f32 v62, v28  }
0x28d: {  	v34 =	vmul.f32 v27, v60;
	v29 =	vadd.f32 v31, v29  }
0x28e: {  	v36 =	vmul.f32 v27, v61;
	v25 =	vadd.f32 v26, v25;
	v28 =	vadd.f32 v63, v28  }
0x28f: {  	v37 =	vadd.f32 v34, v29  }
0x290: {  	v25 =	vadd.f32 v36, v25;
	[tilespmem:s4+$0x20] =	vst v28  }
0x291: {  	[tilespmem:s10+$0x20] =	vst v37  }
0x292: {  	[tilespmem:s8+$0x20] =	vst v25;
	v27 =	vld [tilespmem:s8+$0x30]  }
0x293: {  	v25 =	vld [tilespmem:s4+$0x30]  }
0x294: {  	v38 =	vld [tilespmem:s10+$0x30]  }
0x295: {  	v39 =	vperm.xlane v19, v14  }
0x296: {  	v40 =	vperm.xlane v20, v14;
	v41 =	vperm.xlane v21, v14  }
0x297: {  	v42 =	vperm.xlane v22, v14;
	v43 =	vperm.xlane v23, v14  }
0x298: {  	v44 =	vperm.xlane v24, v14;
	v46 =	vmul.f32 v27, v41  }
0x299: {  	v28 =	vmul.f32 v25, v39;
	v45 =	vmul.f32 v38, v40  }
0x29a: {  	v29 =	vmul.f32 v25, v40;
	v31 =	vmul.f32 v38, v42  }
0x29b: {  	v25 =	vmul.f32 v25, v41;
	v26 =	vmul.f32 v38, v43;
	v28 =	vadd.f32 v45, v28  }
0x29c: {  	v47 =	vmul.f32 v27, v43;
	v29 =	vadd.f32 v31, v29  }
0x29d: {  	v48 =	vmul.f32 v27, v44;
	v25 =	vadd.f32 v26, v25;
	v28 =	vadd.f32 v46, v28  }
0x29e: {  	v49 =	vadd.f32 v47, v29  }
0x29f: {  	v25 =	vadd.f32 v48, v25;
	[tilespmem:s4+$0x30] =	vst v28  }
0x2a0: {  	[tilespmem:s10+$0x30] =	vst v49  }
0x2a1: {  	[tilespmem:s8+$0x30] =	vst v25;
	v27 =	vld [tilespmem:s8+$0x40]  }
0x2a2: {  	v25 =	vld [tilespmem:s4+$0x40]  }
0x2a3: {  	v50 =	vld [tilespmem:s10+$0x40]  }
0x2a4: {  	v51 =	vperm.xlane v19, v15  }
0x2a5: {  	v52 =	vperm.xlane v20, v15;
	v53 =	vperm.xlane v21, v15  }
0x2a6: {  	v54 =	vperm.xlane v22, v15;
	v55 =	vperm.xlane v23, v15  }
0x2a7: {  	v56 =	vperm.xlane v24, v15;
	v58 =	vmul.f32 v27, v53  }
0x2a8: {  	v28 =	vmul.f32 v25, v51;
	v57 =	vmul.f32 v50, v52  }
0x2a9: {  	v29 =	vmul.f32 v25, v52;
	v31 =	vmul.f32 v50, v54  }
0x2aa: {  	v25 =	vmul.f32 v25, v53;
	v26 =	vmul.f32 v50, v55;
	v28 =	vadd.f32 v57, v28  }
0x2ab: {  	v59 =	vmul.f32 v27, v55;
	v29 =	vadd.f32 v31, v29  }
0x2ac: {  	v60 =	vmul.f32 v27, v56;
	v25 =	vadd.f32 v26, v25;
	v28 =	vadd.f32 v58, v28  }
0x2ad: {  	v61 =	vadd.f32 v59, v29  }
0x2ae: {  	v25 =	vadd.f32 v60, v25;
	[tilespmem:s4+$0x40] =	vst v28  }
0x2af: {  	[tilespmem:s10+$0x40] =	vst v61  }
0x2b0: {  	[tilespmem:s8+$0x40] =	vst v25;
	v27 =	vld [tilespmem:s8+$0x50]  }
0x2b1: {  	v25 =	vld [tilespmem:s4+$0x50]  }
0x2b2: {  	v62 =	vld [tilespmem:s10+$0x50]  }
0x2b3: {  	v63 =	vperm.xlane v19, v16  }
0x2b4: {  	v36 =	vperm.xlane v20, v16;
	v37 =	vperm.xlane v21, v16  }
0x2b5: {  	v38 =	vperm.xlane v22, v16;
	v39 =	vperm.xlane v23, v16  }
0x2b6: {  	v40 =	vperm.xlane v24, v16;
	v42 =	vmul.f32 v27, v37  }
0x2b7: {  	v28 =	vmul.f32 v25, v63;
	v41 =	vmul.f32 v62, v36  }
0x2b8: {  	v29 =	vmul.f32 v25, v36;
	v31 =	vmul.f32 v62, v38  }
0x2b9: {  	v25 =	vmul.f32 v25, v37;
	v26 =	vmul.f32 v62, v39;
	v28 =	vadd.f32 v41, v28  }
0x2ba: {  	v43 =	vmul.f32 v27, v39;
	v29 =	vadd.f32 v31, v29  }
0x2bb: {  	v44 =	vmul.f32 v27, v40;
	v25 =	vadd.f32 v26, v25;
	v28 =	vadd.f32 v42, v28  }
0x2bc: {  	v45 =	vadd.f32 v43, v29  }
0x2bd: {  	v25 =	vadd.f32 v44, v25;
	[tilespmem:s4+$0x50] =	vst v28  }
0x2be: {  	[tilespmem:s10+$0x50] =	vst v45  }
0x2bf: {  	[tilespmem:s8+$0x50] =	vst v25;
	v27 =	vld [tilespmem:s8+$0x60]  }
0x2c0: {  	v25 =	vld [tilespmem:s4+$0x60]  }
0x2c1: {  	v46 =	vld [tilespmem:s10+$0x60]  }
0x2c2: {  	v47 =	vperm.xlane v19, v17  }
0x2c3: {  	v48 =	vperm.xlane v20, v17;
	v49 =	vperm.xlane v21, v17  }
0x2c4: {  	v50 =	vperm.xlane v22, v17;
	v51 =	vperm.xlane v23, v17  }
0x2c5: {  	v52 =	vperm.xlane v24, v17;
	v54 =	vmul.f32 v27, v49  }
0x2c6: {  	v28 =	vmul.f32 v25, v47;
	v53 =	vmul.f32 v46, v48  }
0x2c7: {  	v29 =	vmul.f32 v25, v48;
	v31 =	vmul.f32 v46, v50  }
0x2c8: {  	v25 =	vmul.f32 v25, v49;
	v26 =	vmul.f32 v46, v51;
	v28 =	vadd.f32 v53, v28  }
0x2c9: {  	v55 =	vmul.f32 v27, v51;
	v29 =	vadd.f32 v31, v29  }
0x2ca: {  	v56 =	vmul.f32 v27, v52;
	v25 =	vadd.f32 v26, v25;
	v28 =	vadd.f32 v54, v28  }
0x2cb: {  	v57 =	vadd.f32 v55, v29  }
0x2cc: {  	v25 =	vadd.f32 v56, v25;
	[tilespmem:s4+$0x60] =	vst v28  }
0x2cd: {  	[tilespmem:s10+$0x60] =	vst v57  }
0x2ce: {  	[tilespmem:s8+$0x60] =	vst v25;
	v27 =	vld [tilespmem:s8+$0x70]  }
0x2cf: {  	v25 =	vld [tilespmem:s4+$0x70]  }
0x2d0: {  	v58 =	vld [tilespmem:s10+$0x70]  }
0x2d1: {  	v19 =	vperm.xlane v19, v18  }
0x2d2: {  	v20 =	vperm.xlane v20, v18;
	v21 =	vperm.xlane v21, v18  }
0x2d3: {  	v22 =	vperm.xlane v22, v18;
	v23 =	vperm.xlane v23, v18  }
0x2d4: {  	v24 =	vperm.xlane v24, v18;
	v60 =	vmul.f32 v27, v21  }
0x2d5: {  	v19 =	vmul.f32 v25, v19;
	v59 =	vmul.f32 v58, v20  }
0x2d6: {  	v20 =	vmul.f32 v25, v20;
	v22 =	vmul.f32 v58, v22  }
0x2d7: {  	v21 =	vmul.f32 v25, v21;
	v61 =	vmul.f32 v58, v23;
	v19 =	vadd.f32 v59, v19  }
0x2d8: {  	p0 =	sne.s32 s25, $0x70;
	v62 =	vmul.f32 v27, v23;
	v20 =	vadd.f32 v22, v20  }
.Ltmp5:
0x2d9: {  	v63 =	vmul.f32 v27, v24;
	v21 =	vadd.f32 v61, v21;
	v19 =	vadd.f32 v60, v19;
	(pc) =	sbr.rel @p0 .LBB2_13-.Ltmp5, $4  }
0x2da: {  	v20 =	vadd.f32 v62, v20  }
0x2db: {  	s28 =	sadd.s32 $0x10, s28;
	[tilespmem:s4+$0x70] =	vst v19;
	v19 =	vadd.f32 v63, v21  }
0x2dc: {  	s30 =	sadd.s32 $0x10, s30;
	s31 =	sadd.s32 $0x10, s31;
	s25 =	sadd.s32 $0x10, s25;
	[tilespmem:s10+$0x70] =	vst v20  }
0x2dd: {  	s4 =	sadd.s32 $0x100, s4;
	s10 =	sadd.s32 $0x100, s10;
	[tilespmem:s8+$0x70] =	vst v19;
	s8 =	sadd.s32 $0x100, s8  }
0x2de: {  	s0 =	simm.s32 $0x1100  }
0x2df: {  	[spmem:s2] =	stream.indirect.scatter.add.f32 [tilespmem:s14], [sflag:$0x3], $0x10, s0, s16, $0xb8;
	[tilespmem:$0x1FC00] =	vst v63  }
0x2e0: {  	_ =	swait.ge [sflag:s15], $0x800  }
0x2e1: {  	[sflag:s15] =	ssyncset.done $0x0  }
0x2e2: {  	s28 =	simm.s32 $0x4C00;
	s8 =	simm.s32 $0x1180;
	[sflag:s15] =	ssyncadd.s32 $0xFFFFF800  }
0x2e3: {  	[spmem:s2] =	stream.indirect.scatter.add.f32 [tilespmem:s28], [sflag:$0x3], $0x10, s8, s16, $0xb8;
	[tilespmem:$0x1FC00] =	vst v63  }
0x2e4: {  	_ =	swait.ge [sflag:s15], $0x800  }
0x2e5: {  	[sflag:s15] =	ssyncset.done $0x0  }
0x2e6: {  	s10 =	simm.s32 $0x1200;
	[sflag:s15] =	ssyncadd.s32 $0xFFFFF800  }
0x2e7: {  	[spmem:s2] =	stream.indirect.scatter.add.f32 [tilespmem:s9], [sflag:$0x3], $0x10, s10, s16, $0xb8;
	[tilespmem:$0x1FC00] =	vst v63  }
0x2e8: {  	_ =	swait.ge [sflag:s15], $0x800  }
0x2e9: {  	[sflag:s15] =	ssyncset.done $0x0  }
0x2ea: {  	s25 =	simm.s32 $0x1280;
	[sflag:s15] =	ssyncadd.s32 $0xFFFFF800  }
0x2eb: {  	[spmem:s2] =	stream.indirect.scatter.add.f32 [tilespmem:s11], [sflag:$0x3], $0x10, s25, s16, $0xb8;
	[tilespmem:$0x1FC00] =	vst v63  }
0x2ec: {  	_ =	swait.ge [sflag:s15], $0x800  }
0x2ed: {  	[sflag:s15] =	ssyncset.done $0x0  }
0x2ee: {  	s30 =	simm.s32 $0x1300;
	[sflag:s15] =	ssyncadd.s32 $0xFFFFF800  }
0x2ef: {  	[spmem:s2] =	stream.indirect.scatter.add.f32 [tilespmem:s1], [sflag:$0x3], $0x10, s30, s16, $0xb8;
	[tilespmem:$0x1FC00] =	vst v63  }
0x2f0: {  	s17 =	sadd.s32 $0x1, s17;
	_ =	swait.ge [sflag:s15], $0x800  }
0x2f1: {  	p0 =	sne.s32 s17, $0x19;
	[sflag:s15] =	ssyncset.done $0x0  }
.Ltmp6:
0x2f2: {  	s31 =	simm.s32 $0x1380;
	[sflag:s15] =	ssyncadd.s32 $0xFFFFF800;
	(pc) =	sbr.rel @p0 .LBB2_6-.Ltmp6, $4  }
0x2f3: {  	[spmem:s2] =	stream.indirect.scatter.add.f32 [tilespmem:s19], [sflag:$0x3], $0x10, s31, s16, $0xb8;
	[tilespmem:$0x1FC00] =	vst v63  }
0x2f4: {  	_ =	swait.ge [sflag:s15], $0x800  }
0x2f5: {  	[sflag:s15] =	ssyncset.done $0x0  }
0x2f6: {  	[sflag:s15] =	ssyncadd.s32 $0xFFFFF800  }
0x2f7: {  	[bflag:$0x0] =	sbarrier.arrive $0xFFFF  }
0x2f8: {  	s4 =	rddreg [dreg:$0x8]  }
0x2f9: {  	[tilespmem:s14], [sflag:$0x3] =	stream.linear.gather [spmem:s4], $0x800, $0x38;
	[tilespmem:$0x1FC00] =	vst v63  }
0x2fa: {  	_ =	swait.ge [sflag:s15], $0x800  }
0x2fb: {  	[sflag:s15] =	ssyncset.done $0x0  }
0x2fc: {  	s0 =	sadd.s32 $0x0, s12;
	[sflag:s15] =	ssyncadd.s32 $0xFFFFF800  }
0x2fd: {  	[hbm4b:s0+s3] =	stream.linear.scatter [tilespmem:s14], [sflag:$0x3], $0x800, $0x38;
	[tilespmem:$0x1FC00] =	vst v63  }
0x2fe: {  	_ =	swait.ge [sflag:s15], $0x800  }
0x2ff: {  	s0 =	simm.s32 $0x100;
	[sflag:s15] =	ssyncset.done $0x0  }
.LBB2_16:
0x300: {  	p0 =	sne.s32 s0, $0x2F00;
	[sflag:s15] =	ssyncadd.s32 $0xFFFFF800;
	s4 =	sadd.s32 $0x800, s4  }
0x301: {  	[tilespmem:s14], [sflag:$0x3] =	stream.linear.gather [spmem:s4], $0x800, $0x38;
	[tilespmem:$0x1FC00] =	vst v63  }
0x302: {  	s8 =	smov.u32 s0;
	s0 =	sadd.s32 $0x100, s0;
	_ =	swait.ge [sflag:s15], $0x800  }
.Ltmp7:
0x303: {  	[sflag:s15] =	ssyncset.done $0x0;
	(pc) =	sbr.rel @p0 .LBB2_16-.Ltmp7, $4  }
0x304: {  	s8 =	sadd.s32 s8, s12;
	[sflag:s15] =	ssyncadd.s32 $0xFFFFF800  }
0x305: {  	[hbm4b:s8+s3] =	stream.linear.scatter [tilespmem:s14], [sflag:$0x3], $0x800, $0x38;
	[tilespmem:$0x1FC00] =	vst v63  }
0x306: {  	_ =	swait.ge [sflag:s15], $0x800  }
0x307: {  	[sflag:s15] =	ssyncset.done $0x0  }
0x308: {  	[sflag:s15] =	ssyncadd.s32 $0xFFFFF800;
	s0 =	rddreg [dreg:$0x5]  }
0x309: {  	[tilespmem:s14], [sflag:$0x3] =	stream.linear.gather [spmem:s0], $0x700, $0x38;
	[tilespmem:$0x1FC00] =	vst v63  }
0x30a: {  	_ =	swait.ge [sflag:s15], $0x700  }
0x30b: {  	[sflag:s15] =	ssyncset.done $0x0  }
0x30c: {  	s30 =	rddreg [dreg:$0x6];
	[sflag:s15] =	ssyncadd.s32 $0xFFFFF900  }
0x30d: {  	[hbm4b:s30+s3] =	stream.linear.scatter [tilespmem:s14], [sflag:$0x3], $0x700, $0x38;
	[tilespmem:$0x1FC00] =	vst v63  }
0x30e: {  	_ =	swait.ge [sflag:s15], $0x700  }
0x30f: {  	s4 =	rddreg [dreg:$0x9]  }
0x310: {  	s31 =	rddreg [dreg:$0x7];
	s4 =	sadd.s32 $0x1, s4  }
0x311: {  	p0 =	sne.s32 s4, s31  }
.Ltmp8:
0x312: {  	_ = 	snop;
	(pc) =	sbr.rel @p0 .LBB2_1-.Ltmp8, $3  }
0x313: {  	_ =	sdelay $0x1  }
0x314: {  	[sflag:s15] =	ssyncset.done $0x0  }
0x315: {  	[sflag:s15] =	ssyncadd.s32 $0xFFFFF900  }
0x316: {  	_ =	sfence.sel $0x180000  }
0x317: {  	[bflag:$0x0] =	sbarrier.arrive $0xFFFF  }
0x318: {  	_ =	strace $0x90000047  }
0x319: {  	s0 =	stileid.u32;
	[bflag:$0x2] =	sbarrier.arrive $0xFFFF  }
0x31a: {  	p0 =	sne.s32 s0, $0x0;
	s0 =	rddreg [dreg:$0x3]  }
0x31b: {  	s0 =	sadd.s32 @!p0 $0x100000, s0  }
0x31c: {  	[sflag:s0] =	ssyncadd.tile.s32 @!p0 $0x1;
	_ =	shalt  }
.Lfunc_end2:
_tile_overlayer_lowered:
.L_overlay_start_2:
0x31d: {  	(tag) =	ssettag $0x2  }
0x31e: {  	s0 =	rddreg [dreg:$0x0];
	s2 =	stileid.u32  }
0x31f: {  	s1 =	rddreg [dreg:$0x1];
	p0 =	sne.s32 s2, $0x0  }
0x320: {  	s3 =	rddreg [dreg:$0x2];
	[bflag:$0x3] =	sbarrier.arrive $0xFFFF;
	s2 =	simm.s32 @!p0 $0x1C03  }
0x321: {  	[timem:s3], [sflag:s2] =	dma.local @!p0 [hbm:s0], s1  }
0x322: {  	s0 =	simm.s32 @!p0 $0x3  }
0x323: {  	_ =	swait.ge @!p0 [sflag:s0], s1  }
0x324: {  	s1 =	ssub.s32 @!p0 $0x0, s1;
	[sflag:s0] =	ssyncset.done @!p0 $0x0  }
0x325: {  	[sflag:s0] =	ssyncadd.s32 @!p0 s1  }
0x326: {  	[bflag:$0x3] =	sbarrier.arrive $0xFFFF  }
0x327: {  	_ =	shalt  }

</sc_bundles>
